<compile_context>
chip_gen: v7x
topology: tpu7x:2x2x1
jax: 0.10.2.dev20260603
libtpu: 0.0.44.dev20260713+nightly
codegen_flags: <defaults>
</compile_context>

<pallas_src>
import functools

import jax
import jax.numpy as jnp
from jax import lax
from jax.experimental import pallas as pl
from jax.experimental.pallas import tpu as pltpu
from jax.experimental.pallas import tpu_sc as plsc

N = 10000
E = 320000
IN_CH = 128
D = 33
OUT_CH = 16
T = 4
STEP = 0.1
VTH = 1.0

DW = 64
NP = 10240
NH = NP // 2
EP = 327680
IDX_ROWS = EP // 128
NW = 32
ROWS_PER_W = IDX_ROWS // NW
UROWS = 4
UNITS = ROWS_PER_W // UROWS
ZROWS = NP // 16
BR = 512


def _sc_agg_body(table, src3, dst3, out, srcb, dstb, rowsa, rowsb, acc,
                 gsema, gsemb, ssema, ssemb):
    c = lax.axis_index("c")
    s = lax.axis_index("s")

    def _z(i, _):
        zero16 = jnp.zeros((16,), jnp.float32)
        for k in range(DW // 16):
            rowsa[i, pl.ds(k * 16, 16)] = zero16
        return _
    lax.fori_loop(0, 128, _z, None)
    for k in range(ZROWS // 128):
        pltpu.sync_copy(rowsa.at[pl.ds(0, 128)],
                        acc.at[pl.ds(s * ZROWS + k * 128, 128)])
    plsc.subcore_barrier()

    ubase = (c * 16 + s) * UNITS
    pltpu.sync_copy(src3.at[pl.ds(ubase, UNITS)], srcb)
    pltpu.sync_copy(dst3.at[pl.ds(ubase, UNITS)], dstb)
    dg = {}
    dsc = {}
    dg[0] = pltpu.async_copy(table.at[srcb.at[0]], rowsa, gsema)
    for k in range(UNITS):
        even = (k % 2 == 0)
        rows_k = rowsa if even else rowsb
        ssem_k = ssema if even else ssemb
        dg[k].wait()
        dsc[k] = pltpu.async_copy(rows_k, acc.at[dstb.at[k]], ssem_k,
                                  add=True)
        if k < UNITS - 1:
            rows_n = rowsb if even else rowsa
            gsem_n = gsemb if even else gsema
            if k >= 1:
                dsc[k - 1].wait()
            dg[k + 1] = pltpu.async_copy(
                table.at[srcb.at[k + 1]], rows_n, gsem_n)
    dsc[UNITS - 2].wait()
    dsc[UNITS - 1].wait()

    plsc.subcore_barrier()
    pltpu.sync_copy(acc.at[pl.ds(s * ZROWS, ZROWS)],
                    out.at[c].at[pl.ds(s * ZROWS, ZROWS)])


@functools.lru_cache(maxsize=1)
def _sc_agg_fn():
    mesh = plsc.VectorSubcoreMesh(
        core_axis_name="c", subcore_axis_name="s", num_cores=2,
        num_subcores=16)
    return pl.kernel(
        _sc_agg_body,
        out_type=jax.ShapeDtypeStruct((2, NP, DW), jnp.float32),
        mesh=mesh,
        compiler_params=pltpu.CompilerParams(use_tc_tiling_on_sc=False),
        scratch_types=[
            pltpu.VMEM((UNITS, UROWS * 128), jnp.int32),
            pltpu.VMEM((UNITS, UROWS * 128), jnp.int32),
            pltpu.VMEM((UROWS * 128, DW), jnp.float32),
            pltpu.VMEM((UROWS * 128, DW), jnp.float32),
            pltpu.VMEM_SHARED((NP, DW), jnp.float32),
            pltpu.SemaphoreType.DMA,
            pltpu.SemaphoreType.DMA,
            pltpu.SemaphoreType.DMA,
            pltpu.SemaphoreType.DMA,
        ],
    )


def _sc_agg(table_pair, src3, dst3):
    return _sc_agg_fn()(table_pair.reshape(NP, DW), src3, dst3)


def _enc_body(x_ref, w_ref, o_ref):
    xp = x_ref[...].reshape(BR, 2, IN_CH)
    h0 = jnp.dot(xp[:, 0, :], w_ref[...], preferred_element_type=jnp.float32)
    h1 = jnp.dot(xp[:, 1, :], w_ref[...], preferred_element_type=jnp.float32)
    h = jnp.concatenate([h0, h1], axis=1)
    col = lax.broadcasted_iota(jnp.int32, (BR, 2 * DW), 1)
    o_ref[...] = jnp.where((col & (DW - 1)) == D, 1.0, h)


def _tc_encode(x_pad, W_encp):
    return pl.pallas_call(
        _enc_body,
        grid=(NH // BR,),
        in_specs=[
            pl.BlockSpec((2 * BR, IN_CH), lambda i: (i, 0)),
            pl.BlockSpec((IN_CH, DW), lambda i: (0, 0)),
        ],
        out_specs=pl.BlockSpec((BR, 2 * DW), lambda i: (i, 0)),
        out_shape=jax.ShapeDtypeStruct((NH, 2 * DW), jnp.float32),
    )(x_pad, W_encp)


def _step_body(raw_ref, u_ref, w_ref, hh_ref, un_ref):
    r = raw_ref[0] + raw_ref[1]
    col = lax.broadcasted_iota(jnp.int32, (BR, 2 * DW), 1)
    cm = col & (DW - 1)
    left = col < DW
    deg = jnp.where(left, r[:, D:D + 1], r[:, DW + D:DW + D + 1])
    deg = jnp.maximum(deg, 1.0)
    agg = jnp.where(cm < D, r / deg, 0.0)
    v = agg
    s = (v >= VTH).astype(jnp.float32)
    ssum = s
    for _ in range(T - 1):
        v = v - s + agg
        s = (v >= VTH).astype(jnp.float32)
        ssum = ssum + s
    rate = ssum * (1.0 / T)
    t = u_ref[...] + STEP * rate
    t = jnp.where((cm >= 1) & (cm < D), t, 0.0)
    tt = t * t
    lm = left.astype(jnp.float32)
    n2l = jnp.sum(tt * lm, axis=1, keepdims=True)
    n2r = jnp.sum(tt * (1.0 - lm), axis=1, keepdims=True)
    n = jnp.sqrt(jnp.maximum(jnp.where(left, n2l, n2r), 1e-12))
    en = jnp.exp(n)
    ien = 1.0 / en
    ch = 0.5 * (en + ien)
    sh = 0.5 * (en - ien)
    zs = sh / n * t
    x0 = jnp.maximum(ch, 1.0 + 1e-7)
    zz = zs * zs
    m2l = jnp.sum(zz * lm, axis=1, keepdims=True)
    m2r = jnp.sum(zz * (1.0 - lm), axis=1, keepdims=True)
    nn = jnp.sqrt(jnp.maximum(jnp.where(left, m2l, m2r), 1e-12))
    d = jnp.log(x0 + jnp.sqrt((x0 - 1.0) * (x0 + 1.0)))
    un = d * zs / nn
    hh = jnp.dot(un, w_ref[...], preferred_element_type=jnp.float32)
    hh_ref[...] = jnp.where(cm == D, 1.0, hh)
    un_ref[...] = un


def _tc_step(raw, u_prev, W2p):
    return pl.pallas_call(
        _step_body,
        grid=(NH // BR,),
        in_specs=[
            pl.BlockSpec((2, BR, 2 * DW), lambda i: (0, i, 0)),
            pl.BlockSpec((BR, 2 * DW), lambda i: (i, 0)),
            pl.BlockSpec((2 * DW, 2 * DW), lambda i: (0, 0)),
        ],
        out_specs=[
            pl.BlockSpec((BR, 2 * DW), lambda i: (i, 0)),
            pl.BlockSpec((BR, 2 * DW), lambda i: (i, 0)),
        ],
        out_shape=[
            jax.ShapeDtypeStruct((NH, 2 * DW), jnp.float32),
            jax.ShapeDtypeStruct((NH, 2 * DW), jnp.float32),
        ],
    )(raw, u_prev, W2p)


def _blockdiag2(Wp):
    z = jnp.zeros((DW, DW), jnp.float32)
    return jnp.concatenate([
        jnp.concatenate([Wp, z], axis=1),
        jnp.concatenate([z, Wp], axis=1),
    ], axis=0)


def kernel(x, edge_index, W_enc, W_l0, W_l1, W_fc):
    src = edge_index[0]
    dst = edge_index[1]
    npad = EP - E
    pad_src = jnp.arange(npad, dtype=jnp.int32) % N
    pad_dst = N + jnp.arange(npad, dtype=jnp.int32) % (NP - N)
    src3 = jnp.concatenate([src, pad_src]).reshape(IDX_ROWS // UROWS,
                                                   UROWS * 128)
    dst3 = jnp.concatenate([dst, pad_dst]).reshape(IDX_ROWS // UROWS,
                                                   UROWS * 128)

    x_pad = jnp.pad(x, ((0, NP - N), (0, 0)))
    W_encp = jnp.pad(W_enc, ((0, 0), (0, DW - D)))
    W0p = jnp.pad(W_l0, ((0, DW - D), (0, DW - D)))
    W1p = jnp.pad(W_l1, ((0, DW - D), (0, DW - D)))
    Wfcp = jnp.pad(W_fc, ((0, DW - D), (0, DW - OUT_CH)))

    h = _tc_encode(x_pad, W_encp)
    raw = _sc_agg(h, src3, dst3).reshape(2, NH, 2 * DW)
    u = jnp.zeros((NH, 2 * DW), jnp.float32)
    hh, u = _tc_step(raw, u, _blockdiag2(W0p))
    raw = _sc_agg(hh, src3, dst3).reshape(2, NH, 2 * DW)
    hh, u = _tc_step(raw, u, _blockdiag2(W1p))
    raw = _sc_agg(hh, src3, dst3).reshape(2, NH, 2 * DW)
    outp, _ = _tc_step(raw, u, _blockdiag2(Wfcp))
    return outp.reshape(NP, DW)[:N, :OUT_CH]

# --- scband reference (transcript-rebuilt; emitter-appended) ---
"""Pipeline reference for scband-riemannian-spike-gnn-89687507076362 (READ-ONLY COPY).

The authoritative reference and input builder live on the scoring server;
editing this copy changes nothing except your own understanding.
"""

import jax, jax.numpy as jnp
import numpy as np

N = 10000
E = 320000
IN_CHANNELS = 128
EMBED_DIM = 33  # 32 + 1 for Lorentz time dimension
OUT_CHANNELS = 16
T = 4
NUM_LAYERS = 2
STEP_SIZE = 0.1
V_THRESHOLD = 1.0
DELTA = 0.05


def _proju0(u):
    # project tangent vector to tangent space at Lorentz origin: zero time component
    return jnp.concatenate([jnp.zeros_like(u[..., :1]), u[..., 1:]], axis=-1)


def _expmap0(u):
    # exponential map at Lorentz origin; u has zero time component
    us = u[..., 1:]
    n = jnp.sqrt(jnp.clip(jnp.sum(us * us, axis=-1, keepdims=True), 1e-12, None))
    return jnp.concatenate([jnp.cosh(n), jnp.sinh(n) / n * us], axis=-1)


def _logmap0(xp):
    # logarithmic map at Lorentz origin
    x0 = jnp.clip(xp[..., :1], 1.0 + 1e-7, None)
    xs = xp[..., 1:]
    n = jnp.sqrt(jnp.clip(jnp.sum(xs * xs, axis=-1, keepdims=True), 1e-12, None))
    d = jnp.arccosh(x0)
    return jnp.concatenate([jnp.zeros_like(x0), d * xs / n], axis=-1)


def _spike(v):
    # IF neuron firing with straight-through surrogate gradient (sigmoid, width delta)
    soft = jax.nn.sigmoid((v - V_THRESHOLD) / DELTA)
    hard = (v >= V_THRESHOLD).astype(v.dtype)
    return soft + jax.lax.stop_gradient(hard - soft)


def _mean_agg(h, src, dst):
    # mean neighborhood aggregation: gather h at src, scatter-add into dst, degree-normalize
    deg = jax.ops.segment_sum(jnp.ones((src.shape[0],), h.dtype), dst, num_segments=N)
    deg = jnp.clip(deg, 1.0, None)
    msg = jax.ops.segment_sum(jnp.take(h, src, axis=0), dst, num_segments=N)
    return msg / deg[:, None]


def _if_neuron(agg):
    # integrate-and-fire over T timesteps with soft reset; returns spike counts
    v = jnp.zeros_like(agg)
    s_sum = jnp.zeros_like(agg)
    for _ in range(T):
        v = v + agg
        s = _spike(v)
        v = v - s * V_THRESHOLD
        s_sum = s_sum + s
    return s_sum


def setup_inputs(seed: int = 0):
    key = jax.random.key(seed)
    ks = jax.random.split(key, 6)
    x = jax.random.normal(ks[0], (N, IN_CHANNELS), dtype=jnp.float32)
    edge_index = jax.random.randint(ks[1], (2, E), 0, N, dtype=jnp.int32)
    W_enc = jax.random.normal(ks[2], (IN_CHANNELS, EMBED_DIM), dtype=jnp.float32) / np.sqrt(IN_CHANNELS)
    W_l0 = jax.random.normal(ks[3], (EMBED_DIM, EMBED_DIM), dtype=jnp.float32) / np.sqrt(EMBED_DIM)
    W_l1 = jax.random.normal(ks[4], (EMBED_DIM, EMBED_DIM), dtype=jnp.float32) / np.sqrt(EMBED_DIM)
    W_fc = jax.random.normal(ks[5], (EMBED_DIM, OUT_CHANNELS), dtype=jnp.float32) / np.sqrt(EMBED_DIM)
    return {"x": x, "edge_index": edge_index, "W_enc": W_enc, "W_l0": W_l0, "W_l1": W_l1, "W_fc": W_fc}


def reference(x, edge_index, W_enc, W_l0, W_l1, W_fc):
    src = edge_index[0]
    dst = edge_index[1]
    # RSEncoderConv: linear -> mean aggregation -> IF spiking -> map firing rate to manifold
    h = x @ W_enc
    agg = _mean_agg(h, src, dst)
    y = _if_neuron(agg)
    rate = y / T
    z = _expmap0(_proju0(rate * STEP_SIZE))
    v = y
    # RiemannianSGNNConv layers
    for W in (W_l0, W_l1):
        u = _proju0(_logmap0(z))
        hh = u @ W
        agg = _mean_agg(hh, src, dst)
        y = _if_neuron(agg)
        rate = y / T
        z = _expmap0(_proju0(u + STEP_SIZE * rate))
        v = v + y
    # training branch: z1 = fc(proju0(logmap0(z)))
    z1 = _proju0(_logmap0(z))
    return z1 @ W_fc

if __name__ == "__main__":
    import jax
    _d = setup_inputs()
    print(jax.jit(kernel)(*tuple(_d.values())))

</pallas_src>

<mosaic_0001>
#map = affine_map<(d0, d1) -> (0, 0)>
#map1 = affine_map<(d0, d1) -> (0, 0, 0)>
module attributes {stable_mosaic.version = 14 : i64} {
  func.func @_sc_agg_body(%arg0: i32, %arg1: i32, %arg2: memref<10240x64xf32, #tpu.memory_space<hbm>>, %arg3: memref<640x512xi32, #tpu.memory_space<hbm>>, %arg4: memref<640x512xi32, #tpu.memory_space<hbm>>, %arg5: memref<2x10240x64xf32, #tpu.memory_space<hbm>>, %arg6: memref<20x512xi32, #tpu.memory_space<vmem>>, %arg7: memref<20x512xi32, #tpu.memory_space<vmem>>, %arg8: memref<512x64xf32, #tpu.memory_space<vmem>>, %arg9: memref<512x64xf32, #tpu.memory_space<vmem>>, %arg10: memref<10240x64xf32, #tpu.memory_space<vmem_shared>>, %arg11: memref<!tpu.dma_semaphore, #tpu.memory_space<semaphore_mem>>, %arg12: memref<!tpu.dma_semaphore, #tpu.memory_space<semaphore_mem>>, %arg13: memref<!tpu.dma_semaphore, #tpu.memory_space<semaphore_mem>>, %arg14: memref<!tpu.dma_semaphore, #tpu.memory_space<semaphore_mem>>) attributes {dimension_semantics = [#tpu.dimension_semantics<core_parallel>, #tpu.dimension_semantics<subcore_parallel>], iteration_bounds = array<i64: 2, 16>, scalar_prefetch = 0 : i64, scratch_operands = 9 : i64, tpu.core_type = #tpu.core_type<sc_vector_subcore>, window_params = [{transform_indices = #map}, {transform_indices = #map}, {transform_indices = #map}, {transform_indices = #map1}]} {
    %scan3A = arith.constant 0 : i32
    %scan3A_0 = arith.constant 128 : i32
    %scan3A_1 = arith.addi %scan3A, %scan3A_0 : i32
    %scan3A_2 = arith.constant 1 : i32
    scf.for %scan3A_590 = %scan3A to %scan3A_1 step %scan3A_2  : i32 {
      %broadcast_in_dim3A = arith.constant 0.000000e+00 : f32
      %broadcast_in_dim3A_591 = vector.broadcast %broadcast_in_dim3A : f32 to vector<16xf32>
      %swap3A = arith.index_cast %scan3A_590 : i32 to index
      %swap3A_592 = arith.constant 0 : index
      %swap3A_593 = tpu.vector_load %arg8[%swap3A, %swap3A_592] {strides = array<i32>} : memref<512x64xf32, #tpu.memory_space<vmem>>, vector<1x16xf32>,
      %swap3A_594 = vector.shape_cast %swap3A_593 : vector<1x16xf32> to vector<16xf32>
      %swap3A_595 = vector.shape_cast %broadcast_in_dim3A_591 : vector<16xf32> to vector<1x16xf32>
      tpu.vector_store %arg8[%swap3A, %swap3A_592], %swap3A_595 {strides = array<i32>} : memref<512x64xf32, #tpu.memory_space<vmem>>, vector<1x16xf32>,
      %swap3A_596 = arith.index_cast %scan3A_590 : i32 to index
      %swap3A_597 = arith.constant 16 : index
      %swap3A_598 = tpu.vector_load %arg8[%swap3A_596, %swap3A_597] {strides = array<i32>} : memref<512x64xf32, #tpu.memory_space<vmem>>, vector<1x16xf32>,
      %swap3A_599 = vector.shape_cast %swap3A_598 : vector<1x16xf32> to vector<16xf32>
      %swap3A_600 = vector.shape_cast %broadcast_in_dim3A_591 : vector<16xf32> to vector<1x16xf32>
      tpu.vector_store %arg8[%swap3A_596, %swap3A_597], %swap3A_600 {strides = array<i32>} : memref<512x64xf32, #tpu.memory_space<vmem>>, vector<1x16xf32>,
      %swap3A_601 = arith.index_cast %scan3A_590 : i32 to index
      %swap3A_602 = arith.constant 32 : index
      %swap3A_603 = tpu.vector_load %arg8[%swap3A_601, %swap3A_602] {strides = array<i32>} : memref<512x64xf32, #tpu.memory_space<vmem>>, vector<1x16xf32>,
      %swap3A_604 = vector.shape_cast %swap3A_603 : vector<1x16xf32> to vector<16xf32>
      %swap3A_605 = vector.shape_cast %broadcast_in_dim3A_591 : vector<16xf32> to vector<1x16xf32>
      tpu.vector_store %arg8[%swap3A_601, %swap3A_602], %swap3A_605 {strides = array<i32>} : memref<512x64xf32, #tpu.memory_space<vmem>>, vector<1x16xf32>,
      %swap3A_606 = arith.index_cast %scan3A_590 : i32 to index
      %swap3A_607 = arith.constant 48 : index
      %swap3A_608 = tpu.vector_load %arg8[%swap3A_606, %swap3A_607] {strides = array<i32>} : memref<512x64xf32, #tpu.memory_space<vmem>>, vector<1x16xf32>,
      %swap3A_609 = vector.shape_cast %swap3A_608 : vector<1x16xf32> to vector<16xf32>
      %swap3A_610 = vector.shape_cast %broadcast_in_dim3A_591 : vector<16xf32> to vector<1x16xf32>
      tpu.vector_store %arg8[%swap3A_606, %swap3A_607], %swap3A_610 {strides = array<i32>} : memref<512x64xf32, #tpu.memory_space<vmem>>, vector<1x16xf32>,
    }
    %scan3A_3 = arith.constant 128 : i32
    %mul3A = arith.constant 640 : i32
    %mul3A_4 = arith.muli %arg1, %mul3A : i32
    %add3A = arith.constant 0 : i32
    %add3A_5 = arith.addi %mul3A_4, %add3A : i32
    "tpu.region"() ({
      %run_scoped3A = tpu.sem_alloc : memref<!tpu.dma_semaphore, #tpu.memory_space<semaphore_mem>>
      %dma_start3A_590 = arith.constant 0 : i32
      %dma_start3A_591 = arith.constant 0 : i32
      %dma_start3A_592 = tpu.memref_slice %arg8[%dma_start3A_590, %dma_start3A_591] : memref<512x64xf32, #tpu.memory_space<vmem>> -> memref<128x64xf32, #tpu.memory_space<vmem>>
      %dma_start3A_593 = arith.constant 0 : i32
      %dma_start3A_594 = tpu.memref_slice %arg10[%add3A_5, %dma_start3A_593] : memref<10240x64xf32, #tpu.memory_space<vmem_shared>> -> memref<128x64xf32, #tpu.memory_space<vmem_shared>>
      %dma_start3A_595 = arith.constant 0 : i32
      %dma_start3A_596 = tpu.memref_slice %arg10[%add3A_5, %dma_start3A_595] : memref<10240x64xf32, #tpu.memory_space<vmem_shared>> -> memref<128x64xf32, #tpu.memory_space<vmem_shared>>
      %dma_start3A_597 = arith.constant 0 : i32
      %dma_start3A_598 = arith.constant 0 : i32
      %dma_start3A_599 = tpu.memref_slice %arg8[%dma_start3A_597, %dma_start3A_598] : memref<512x64xf32, #tpu.memory_space<vmem>> -> memref<128x64xf32, #tpu.memory_space<vmem>>
      tpu.enqueue_dma source(%dma_start3A_599 : memref<128x64xf32, #tpu.memory_space<vmem>>) target(%dma_start3A_596 : memref<128x64xf32, #tpu.memory_space<vmem_shared>>) target_semaphore(%run_scoped3A : memref<!tpu.dma_semaphore, #tpu.memory_space<semaphore_mem>>)
      %dma_wait3A_600 = arith.constant 0 : i32
      %dma_wait3A_601 = arith.constant 0 : i32
      %dma_wait3A_602 = tpu.memref_slice %arg8[%dma_wait3A_600, %dma_wait3A_601] : memref<512x64xf32, #tpu.memory_space<vmem>> -> memref<128x64xf32, #tpu.memory_space<vmem>>
      %dma_wait3A_603 = arith.constant 0 : i32
      %dma_wait3A_604 = tpu.memref_slice %arg10[%add3A_5, %dma_wait3A_603] : memref<10240x64xf32, #tpu.memory_space<vmem_shared>> -> memref<128x64xf32, #tpu.memory_space<vmem_shared>>
      %dma_wait3A_605 = arith.constant 0 : i32
      %dma_wait3A_606 = tpu.memref_slice %arg10[%add3A_5, %dma_wait3A_605] : memref<10240x64xf32, #tpu.memory_space<vmem_shared>> -> memref<128x64xf32, #tpu.memory_space<vmem_shared>>
      %dma_wait3A_607 = arith.constant 0 : i32
      %dma_wait3A_608 = arith.constant 0 : i32
      %dma_wait3A_609 = tpu.memref_slice %arg8[%dma_wait3A_607, %dma_wait3A_608] : memref<512x64xf32, #tpu.memory_space<vmem>> -> memref<128x64xf32, #tpu.memory_space<vmem>>
      tpu.wait_dma2 semaphore(%run_scoped3A : memref<!tpu.dma_semaphore, #tpu.memory_space<semaphore_mem>>) src(%dma_wait3A_609 : memref<128x64xf32, #tpu.memory_space<vmem>>) dst(%dma_wait3A_606 : memref<128x64xf32, #tpu.memory_space<vmem_shared>>)
      tpu.yield
    }) : () -> ()
    %mul3A_6 = arith.constant 640 : i32
    %mul3A_7 = arith.muli %arg1, %mul3A_6 : i32
    %add3A_8 = arith.constant 128 : i32
    %add3A_9 = arith.addi %mul3A_7, %add3A_8 : i32
    "tpu.region"() ({
      %run_scoped3A = tpu.sem_alloc : memref<!tpu.dma_semaphore, #tpu.memory_space<semaphore_mem>>
      %dma_start3A_590 = arith.constant 0 : i32
      %dma_start3A_591 = arith.constant 0 : i32
      %dma_start3A_592 = tpu.memref_slice %arg8[%dma_start3A_590, %dma_start3A_591] : memref<512x64xf32, #tpu.memory_space<vmem>> -> memref<128x64xf32, #tpu.memory_space<vmem>>
      %dma_start3A_593 = arith.constant 0 : i32
      %dma_start3A_594 = tpu.memref_slice %arg10[%add3A_9, %dma_start3A_593] : memref<10240x64xf32, #tpu.memory_space<vmem_shared>> -> memref<128x64xf32, #tpu.memory_space<vmem_shared>>
      %dma_start3A_595 = arith.constant 0 : i32
      %dma_start3A_596 = tpu.memref_slice %arg10[%add3A_9, %dma_start3A_595] : memref<10240x64xf32, #tpu.memory_space<vmem_shared>> -> memref<128x64xf32, #tpu.memory_space<vmem_shared>>
      %dma_start3A_597 = arith.constant 0 : i32
      %dma_start3A_598 = arith.constant 0 : i32
      %dma_start3A_599 = tpu.memref_slice %arg8[%dma_start3A_597, %dma_start3A_598] : memref<512x64xf32, #tpu.memory_space<vmem>> -> memref<128x64xf32, #tpu.memory_space<vmem>>
      tpu.enqueue_dma source(%dma_start3A_599 : memref<128x64xf32, #tpu.memory_space<vmem>>) target(%dma_start3A_596 : memref<128x64xf32, #tpu.memory_space<vmem_shared>>) target_semaphore(%run_scoped3A : memref<!tpu.dma_semaphore, #tpu.memory_space<semaphore_mem>>)
      %dma_wait3A_600 = arith.constant 0 : i32
      %dma_wait3A_601 = arith.constant 0 : i32
      %dma_wait3A_602 = tpu.memref_slice %arg8[%dma_wait3A_600, %dma_wait3A_601] : memref<512x64xf32, #tpu.memory_space<vmem>> -> memref<128x64xf32, #tpu.memory_space<vmem>>
      %dma_wait3A_603 = arith.constant 0 : i32
      %dma_wait3A_604 = tpu.memref_slice %arg10[%add3A_9, %dma_wait3A_603] : memref<10240x64xf32, #tpu.memory_space<vmem_shared>> -> memref<128x64xf32, #tpu.memory_space<vmem_shared>>
      %dma_wait3A_605 = arith.constant 0 : i32
      %dma_wait3A_606 = tpu.memref_slice %arg10[%add3A_9, %dma_wait3A_605] : memref<10240x64xf32, #tpu.memory_space<vmem_shared>> -> memref<128x64xf32, #tpu.memory_space<vmem_shared>>
      %dma_wait3A_607 = arith.constant 0 : i32
      %dma_wait3A_608 = arith.constant 0 : i32
      %dma_wait3A_609 = tpu.memref_slice %arg8[%dma_wait3A_607, %dma_wait3A_608] : memref<512x64xf32, #tpu.memory_space<vmem>> -> memref<128x64xf32, #tpu.memory_space<vmem>>
      tpu.wait_dma2 semaphore(%run_scoped3A : memref<!tpu.dma_semaphore, #tpu.memory_space<semaphore_mem>>) src(%dma_wait3A_609 : memref<128x64xf32, #tpu.memory_space<vmem>>) dst(%dma_wait3A_606 : memref<128x64xf32, #tpu.memory_space<vmem_shared>>)
      tpu.yield
    }) : () -> ()
    %mul3A_10 = arith.constant 640 : i32
    %mul3A_11 = arith.muli %arg1, %mul3A_10 : i32
    %add3A_12 = arith.constant 256 : i32
    %add3A_13 = arith.addi %mul3A_11, %add3A_12 : i32
    "tpu.region"() ({
      %run_scoped3A = tpu.sem_alloc : memref<!tpu.dma_semaphore, #tpu.memory_space<semaphore_mem>>
      %dma_start3A_590 = arith.constant 0 : i32
      %dma_start3A_591 = arith.constant 0 : i32
      %dma_start3A_592 = tpu.memref_slice %arg8[%dma_start3A_590, %dma_start3A_591] : memref<512x64xf32, #tpu.memory_space<vmem>> -> memref<128x64xf32, #tpu.memory_space<vmem>>
      %dma_start3A_593 = arith.constant 0 : i32
      %dma_start3A_594 = tpu.memref_slice %arg10[%add3A_13, %dma_start3A_593] : memref<10240x64xf32, #tpu.memory_space<vmem_shared>> -> memref<128x64xf32, #tpu.memory_space<vmem_shared>>
      %dma_start3A_595 = arith.constant 0 : i32
      %dma_start3A_596 = tpu.memref_slice %arg10[%add3A_13, %dma_start3A_595] : memref<10240x64xf32, #tpu.memory_space<vmem_shared>> -> memref<128x64xf32, #tpu.memory_space<vmem_shared>>
      %dma_start3A_597 = arith.constant 0 : i32
      %dma_start3A_598 = arith.constant 0 : i32
      %dma_start3A_599 = tpu.memref_slice %arg8[%dma_start3A_597, %dma_start3A_598] : memref<512x64xf32, #tpu.memory_space<vmem>> -> memref<128x64xf32, #tpu.memory_space<vmem>>
      tpu.enqueue_dma source(%dma_start3A_599 : memref<128x64xf32, #tpu.memory_space<vmem>>) target(%dma_start3A_596 : memref<128x64xf32, #tpu.memory_space<vmem_shared>>) target_semaphore(%run_scoped3A : memref<!tpu.dma_semaphore, #tpu.memory_space<semaphore_mem>>)
      %dma_wait3A_600 = arith.constant 0 : i32
      %dma_wait3A_601 = arith.constant 0 : i32
      %dma_wait3A_602 = tpu.memref_slice %arg8[%dma_wait3A_600, %dma_wait3A_601] : memref<512x64xf32, #tpu.memory_space<vmem>> -> memref<128x64xf32, #tpu.memory_space<vmem>>
      %dma_wait3A_603 = arith.constant 0 : i32
      %dma_wait3A_604 = tpu.memref_slice %arg10[%add3A_13, %dma_wait3A_603] : memref<10240x64xf32, #tpu.memory_space<vmem_shared>> -> memref<128x64xf32, #tpu.memory_space<vmem_shared>>
      %dma_wait3A_605 = arith.constant 0 : i32
      %dma_wait3A_606 = tpu.memref_slice %arg10[%add3A_13, %dma_wait3A_605] : memref<10240x64xf32, #tpu.memory_space<vmem_shared>> -> memref<128x64xf32, #tpu.memory_space<vmem_shared>>
      %dma_wait3A_607 = arith.constant 0 : i32
      %dma_wait3A_608 = arith.constant 0 : i32
      %dma_wait3A_609 = tpu.memref_slice %arg8[%dma_wait3A_607, %dma_wait3A_608] : memref<512x64xf32, #tpu.memory_space<vmem>> -> memref<128x64xf32, #tpu.memory_space<vmem>>
      tpu.wait_dma2 semaphore(%run_scoped3A : memref<!tpu.dma_semaphore, #tpu.memory_space<semaphore_mem>>) src(%dma_wait3A_609 : memref<128x64xf32, #tpu.memory_space<vmem>>) dst(%dma_wait3A_606 : memref<128x64xf32, #tpu.memory_space<vmem_shared>>)
      tpu.yield
    }) : () -> ()
    %mul3A_14 = arith.constant 640 : i32
    %mul3A_15 = arith.muli %arg1, %mul3A_14 : i32
    %add3A_16 = arith.constant 384 : i32
    %add3A_17 = arith.addi %mul3A_15, %add3A_16 : i32
    "tpu.region"() ({
      %run_scoped3A = tpu.sem_alloc : memref<!tpu.dma_semaphore, #tpu.memory_space<semaphore_mem>>
      %dma_start3A_590 = arith.constant 0 : i32
      %dma_start3A_591 = arith.constant 0 : i32
      %dma_start3A_592 = tpu.memref_slice %arg8[%dma_start3A_590, %dma_start3A_591] : memref<512x64xf32, #tpu.memory_space<vmem>> -> memref<128x64xf32, #tpu.memory_space<vmem>>
      %dma_start3A_593 = arith.constant 0 : i32
      %dma_start3A_594 = tpu.memref_slice %arg10[%add3A_17, %dma_start3A_593] : memref<10240x64xf32, #tpu.memory_space<vmem_shared>> -> memref<128x64xf32, #tpu.memory_space<vmem_shared>>
      %dma_start3A_595 = arith.constant 0 : i32
      %dma_start3A_596 = tpu.memref_slice %arg10[%add3A_17, %dma_start3A_595] : memref<10240x64xf32, #tpu.memory_space<vmem_shared>> -> memref<128x64xf32, #tpu.memory_space<vmem_shared>>
      %dma_start3A_597 = arith.constant 0 : i32
      %dma_start3A_598 = arith.constant 0 : i32
      %dma_start3A_599 = tpu.memref_slice %arg8[%dma_start3A_597, %dma_start3A_598] : memref<512x64xf32, #tpu.memory_space<vmem>> -> memref<128x64xf32, #tpu.memory_space<vmem>>
      tpu.enqueue_dma source(%dma_start3A_599 : memref<128x64xf32, #tpu.memory_space<vmem>>) target(%dma_start3A_596 : memref<128x64xf32, #tpu.memory_space<vmem_shared>>) target_semaphore(%run_scoped3A : memref<!tpu.dma_semaphore, #tpu.memory_space<semaphore_mem>>)
      %dma_wait3A_600 = arith.constant 0 : i32
      %dma_wait3A_601 = arith.constant 0 : i32
      %dma_wait3A_602 = tpu.memref_slice %arg8[%dma_wait3A_600, %dma_wait3A_601] : memref<512x64xf32, #tpu.memory_space<vmem>> -> memref<128x64xf32, #tpu.memory_space<vmem>>
      %dma_wait3A_603 = arith.constant 0 : i32
      %dma_wait3A_604 = tpu.memref_slice %arg10[%add3A_17, %dma_wait3A_603] : memref<10240x64xf32, #tpu.memory_space<vmem_shared>> -> memref<128x64xf32, #tpu.memory_space<vmem_shared>>
      %dma_wait3A_605 = arith.constant 0 : i32
      %dma_wait3A_606 = tpu.memref_slice %arg10[%add3A_17, %dma_wait3A_605] : memref<10240x64xf32, #tpu.memory_space<vmem_shared>> -> memref<128x64xf32, #tpu.memory_space<vmem_shared>>
      %dma_wait3A_607 = arith.constant 0 : i32
      %dma_wait3A_608 = arith.constant 0 : i32
      %dma_wait3A_609 = tpu.memref_slice %arg8[%dma_wait3A_607, %dma_wait3A_608] : memref<512x64xf32, #tpu.memory_space<vmem>> -> memref<128x64xf32, #tpu.memory_space<vmem>>
      tpu.wait_dma2 semaphore(%run_scoped3A : memref<!tpu.dma_semaphore, #tpu.memory_space<semaphore_mem>>) src(%dma_wait3A_609 : memref<128x64xf32, #tpu.memory_space<vmem>>) dst(%dma_wait3A_606 : memref<128x64xf32, #tpu.memory_space<vmem_shared>>)
      tpu.yield
    }) : () -> ()
    %mul3A_18 = arith.constant 640 : i32
    %mul3A_19 = arith.muli %arg1, %mul3A_18 : i32
    %add3A_20 = arith.constant 512 : i32
    %add3A_21 = arith.addi %mul3A_19, %add3A_20 : i32
    "tpu.region"() ({
      %run_scoped3A = tpu.sem_alloc : memref<!tpu.dma_semaphore, #tpu.memory_space<semaphore_mem>>
      %dma_start3A_590 = arith.constant 0 : i32
      %dma_start3A_591 = arith.constant 0 : i32
      %dma_start3A_592 = tpu.memref_slice %arg8[%dma_start3A_590, %dma_start3A_591] : memref<512x64xf32, #tpu.memory_space<vmem>> -> memref<128x64xf32, #tpu.memory_space<vmem>>
      %dma_start3A_593 = arith.constant 0 : i32
      %dma_start3A_594 = tpu.memref_slice %arg10[%add3A_21, %dma_start3A_593] : memref<10240x64xf32, #tpu.memory_space<vmem_shared>> -> memref<128x64xf32, #tpu.memory_space<vmem_shared>>
      %dma_start3A_595 = arith.constant 0 : i32
      %dma_start3A_596 = tpu.memref_slice %arg10[%add3A_21, %dma_start3A_595] : memref<10240x64xf32, #tpu.memory_space<vmem_shared>> -> memref<128x64xf32, #tpu.memory_space<vmem_shared>>
      %dma_start3A_597 = arith.constant 0 : i32
      %dma_start3A_598 = arith.constant 0 : i32
      %dma_start3A_599 = tpu.memref_slice %arg8[%dma_start3A_597, %dma_start3A_598] : memref<512x64xf32, #tpu.memory_space<vmem>> -> memref<128x64xf32, #tpu.memory_space<vmem>>
      tpu.enqueue_dma source(%dma_start3A_599 : memref<128x64xf32, #tpu.memory_space<vmem>>) target(%dma_start3A_596 : memref<128x64xf32, #tpu.memory_space<vmem_shared>>) target_semaphore(%run_scoped3A : memref<!tpu.dma_semaphore, #tpu.memory_space<semaphore_mem>>)
      %dma_wait3A_600 = arith.constant 0 : i32
      %dma_wait3A_601 = arith.constant 0 : i32
      %dma_wait3A_602 = tpu.memref_slice %arg8[%dma_wait3A_600, %dma_wait3A_601] : memref<512x64xf32, #tpu.memory_space<vmem>> -> memref<128x64xf32, #tpu.memory_space<vmem>>
      %dma_wait3A_603 = arith.constant 0 : i32
      %dma_wait3A_604 = tpu.memref_slice %arg10[%add3A_21, %dma_wait3A_603] : memref<10240x64xf32, #tpu.memory_space<vmem_shared>> -> memref<128x64xf32, #tpu.memory_space<vmem_shared>>
      %dma_wait3A_605 = arith.constant 0 : i32
      %dma_wait3A_606 = tpu.memref_slice %arg10[%add3A_21, %dma_wait3A_605] : memref<10240x64xf32, #tpu.memory_space<vmem_shared>> -> memref<128x64xf32, #tpu.memory_space<vmem_shared>>
      %dma_wait3A_607 = arith.constant 0 : i32
      %dma_wait3A_608 = arith.constant 0 : i32
      %dma_wait3A_609 = tpu.memref_slice %arg8[%dma_wait3A_607, %dma_wait3A_608] : memref<512x64xf32, #tpu.memory_space<vmem>> -> memref<128x64xf32, #tpu.memory_space<vmem>>
      tpu.wait_dma2 semaphore(%run_scoped3A : memref<!tpu.dma_semaphore, #tpu.memory_space<semaphore_mem>>) src(%dma_wait3A_609 : memref<128x64xf32, #tpu.memory_space<vmem>>) dst(%dma_wait3A_606 : memref<128x64xf32, #tpu.memory_space<vmem_shared>>)
      tpu.yield
    }) : () -> ()
    %barrier3A = arith.constant 0 : index
    tpu.barrier barrier_id(%barrier3A)
    %mul3A_22 = arith.constant 16 : i32
    %mul3A_23 = arith.muli %arg0, %mul3A_22 : i32
    %add3A_24 = arith.addi %mul3A_23, %arg1 : i32
    %mul3A_25 = arith.constant 20 : i32
    %mul3A_26 = arith.muli %add3A_24, %mul3A_25 : i32
    "tpu.region"() ({
      %run_scoped3A = tpu.sem_alloc : memref<!tpu.dma_semaphore, #tpu.memory_space<semaphore_mem>>
      %dma_start3A_590 = arith.constant 0 : i32
      %dma_start3A_591 = tpu.memref_slice %arg3[%mul3A_26, %dma_start3A_590] : memref<640x512xi32, #tpu.memory_space<hbm>> -> memref<20x512xi32, #tpu.memory_space<hbm>>
      %dma_start3A_592 = arith.constant 0 : i32
      %dma_start3A_593 = tpu.memref_slice %arg3[%mul3A_26, %dma_start3A_592] : memref<640x512xi32, #tpu.memory_space<hbm>> -> memref<20x512xi32, #tpu.memory_space<hbm>>
      tpu.enqueue_dma source(%dma_start3A_593 : memref<20x512xi32, #tpu.memory_space<hbm>>) target(%arg6 : memref<20x512xi32, #tpu.memory_space<vmem>>) target_semaphore(%run_scoped3A : memref<!tpu.dma_semaphore, #tpu.memory_space<semaphore_mem>>)
      %dma_wait3A_594 = arith.constant 0 : i32
      %dma_wait3A_595 = tpu.memref_slice %arg3[%mul3A_26, %dma_wait3A_594] : memref<640x512xi32, #tpu.memory_space<hbm>> -> memref<20x512xi32, #tpu.memory_space<hbm>>
      %dma_wait3A_596 = arith.constant 0 : i32
      %dma_wait3A_597 = tpu.memref_slice %arg3[%mul3A_26, %dma_wait3A_596] : memref<640x512xi32, #tpu.memory_space<hbm>> -> memref<20x512xi32, #tpu.memory_space<hbm>>
      tpu.wait_dma2 semaphore(%run_scoped3A : memref<!tpu.dma_semaphore, #tpu.memory_space<semaphore_mem>>) src(%dma_wait3A_597 : memref<20x512xi32, #tpu.memory_space<hbm>>) dst(%arg6 : memref<20x512xi32, #tpu.memory_space<vmem>>)
      tpu.yield
    }) : () -> ()
    "tpu.region"() ({
      %run_scoped3A = tpu.sem_alloc : memref<!tpu.dma_semaphore, #tpu.memory_space<semaphore_mem>>
      %dma_start3A_590 = arith.constant 0 : i32
      %dma_start3A_591 = tpu.memref_slice %arg4[%mul3A_26, %dma_start3A_590] : memref<640x512xi32, #tpu.memory_space<hbm>> -> memref<20x512xi32, #tpu.memory_space<hbm>>
      %dma_start3A_592 = arith.constant 0 : i32
      %dma_start3A_593 = tpu.memref_slice %arg4[%mul3A_26, %dma_start3A_592] : memref<640x512xi32, #tpu.memory_space<hbm>> -> memref<20x512xi32, #tpu.memory_space<hbm>>
      tpu.enqueue_dma source(%dma_start3A_593 : memref<20x512xi32, #tpu.memory_space<hbm>>) target(%arg7 : memref<20x512xi32, #tpu.memory_space<vmem>>) target_semaphore(%run_scoped3A : memref<!tpu.dma_semaphore, #tpu.memory_space<semaphore_mem>>)
      %dma_wait3A_594 = arith.constant 0 : i32
      %dma_wait3A_595 = tpu.memref_slice %arg4[%mul3A_26, %dma_wait3A_594] : memref<640x512xi32, #tpu.memory_space<hbm>> -> memref<20x512xi32, #tpu.memory_space<hbm>>
      %dma_wait3A_596 = arith.constant 0 : i32
      %dma_wait3A_597 = tpu.memref_slice %arg4[%mul3A_26, %dma_wait3A_596] : memref<640x512xi32, #tpu.memory_space<hbm>> -> memref<20x512xi32, #tpu.memory_space<hbm>>
      tpu.wait_dma2 semaphore(%run_scoped3A : memref<!tpu.dma_semaphore, #tpu.memory_space<semaphore_mem>>) src(%dma_wait3A_597 : memref<20x512xi32, #tpu.memory_space<hbm>>) dst(%arg7 : memref<20x512xi32, #tpu.memory_space<vmem>>)
      tpu.yield
    }) : () -> ()
    %dma_start3A = arith.constant 0 : i32
    %dma_start3A_27 = arith.constant 0 : i32
    %dma_start3A_28 = tpu.memref_slice %arg6[%dma_start3A, %dma_start3A_27] : memref<20x512xi32, #tpu.memory_space<vmem>> -> memref<1x512xi32, #tpu.memory_space<vmem>>
    %dma_start3A_29 = tpu.memref_squeeze %dma_start3A_28 : memref<1x512xi32, #tpu.memory_space<vmem>> -> memref<512xi32, #tpu.memory_space<vmem>>
    %dma_start3A_30 = arith.constant 0 : i32
    %dma_start3A_31 = arith.constant 0 : i32
    %dma_start3A_32 = tpu.memref_slice %arg2[%dma_start3A_30, %dma_start3A_31] : memref<10240x64xf32, #tpu.memory_space<hbm>> -> memref<10240x64xf32, #tpu.memory_space<hbm>>
    tpu.enqueue_indirect_dma source(%dma_start3A_32 : memref<10240x64xf32, #tpu.memory_space<hbm>>) target(%arg8 : memref<512x64xf32, #tpu.memory_space<vmem>>) offsets(%dma_start3A_29 : memref<512xi32, #tpu.memory_space<vmem>>) semaphore(%arg11 : memref<!tpu.dma_semaphore, #tpu.memory_space<semaphore_mem>>)
    %dma_wait3A = arith.constant 0 : i32
    %dma_wait3A_33 = arith.constant 0 : i32
    %dma_wait3A_34 = tpu.memref_slice %arg6[%dma_wait3A, %dma_wait3A_33] : memref<20x512xi32, #tpu.memory_space<vmem>> -> memref<1x512xi32, #tpu.memory_space<vmem>>
    %dma_wait3A_35 = tpu.memref_squeeze %dma_wait3A_34 : memref<1x512xi32, #tpu.memory_space<vmem>> -> memref<512xi32, #tpu.memory_space<vmem>>
    %dma_wait3A_36 = arith.constant 0 : i32
    %dma_wait3A_37 = arith.constant 0 : i32
    %dma_wait3A_38 = tpu.memref_slice %arg2[%dma_wait3A_36, %dma_wait3A_37] : memref<10240x64xf32, #tpu.memory_space<hbm>> -> memref<10240x64xf32, #tpu.memory_space<hbm>>
    tpu.wait_indirect_dma semaphore(%arg11 : memref<!tpu.dma_semaphore, #tpu.memory_space<semaphore_mem>>) src(%dma_wait3A_38 : memref<10240x64xf32, #tpu.memory_space<hbm>>) dst(%arg8 : memref<512x64xf32, #tpu.memory_space<vmem>>)
    %dma_start3A_39 = arith.constant 0 : i32
    %dma_start3A_40 = arith.constant 0 : i32
    %dma_start3A_41 = tpu.memref_slice %arg7[%dma_start3A_39, %dma_start3A_40] : memref<20x512xi32, #tpu.memory_space<vmem>> -> memref<1x512xi32, #tpu.memory_space<vmem>>
    %dma_start3A_42 = tpu.memref_squeeze %dma_start3A_41 : memref<1x512xi32, #tpu.memory_space<vmem>> -> memref<512xi32, #tpu.memory_space<vmem>>
    %dma_start3A_43 = arith.constant 0 : i32
    %dma_start3A_44 = arith.constant 0 : i32
    %dma_start3A_45 = tpu.memref_slice %arg10[%dma_start3A_43, %dma_start3A_44] : memref<10240x64xf32, #tpu.memory_space<vmem_shared>> -> memref<10240x64xf32, #tpu.memory_space<vmem_shared>>
    tpu.enqueue_indirect_dma source(%arg8 : memref<512x64xf32, #tpu.memory_space<vmem>>) target(%dma_start3A_45 : memref<10240x64xf32, #tpu.memory_space<vmem_shared>>) offsets(%dma_start3A_42 : memref<512xi32, #tpu.memory_space<vmem>>) semaphore(%arg13 : memref<!tpu.dma_semaphore, #tpu.memory_space<semaphore_mem>>) {add = true}
    %dma_start3A_46 = arith.constant 1 : i32
    %dma_start3A_47 = arith.constant 0 : i32
    %dma_start3A_48 = tpu.memref_slice %arg6[%dma_start3A_46, %dma_start3A_47] : memref<20x512xi32, #tpu.memory_space<vmem>> -> memref<1x512xi32, #tpu.memory_space<vmem>>
    %dma_start3A_49 = tpu.memref_squeeze %dma_start3A_48 : memref<1x512xi32, #tpu.memory_space<vmem>> -> memref<512xi32, #tpu.memory_space<vmem>>
    %dma_start3A_50 = arith.constant 0 : i32
    %dma_start3A_51 = arith.constant 0 : i32
    %dma_start3A_52 = tpu.memref_slice %arg2[%dma_start3A_50, %dma_start3A_51] : memref<10240x64xf32, #tpu.memory_space<hbm>> -> memref<10240x64xf32, #tpu.memory_space<hbm>>
    tpu.enqueue_indirect_dma source(%dma_start3A_52 : memref<10240x64xf32, #tpu.memory_space<hbm>>) target(%arg9 : memref<512x64xf32, #tpu.memory_space<vmem>>) offsets(%dma_start3A_49 : memref<512xi32, #tpu.memory_space<vmem>>) semaphore(%arg12 : memref<!tpu.dma_semaphore, #tpu.memory_space<semaphore_mem>>)
    %dma_wait3A_53 = arith.constant 1 : i32
    %dma_wait3A_54 = arith.constant 0 : i32
    %dma_wait3A_55 = tpu.memref_slice %arg6[%dma_wait3A_53, %dma_wait3A_54] : memref<20x512xi32, #tpu.memory_space<vmem>> -> memref<1x512xi32, #tpu.memory_space<vmem>>
    %dma_wait3A_56 = tpu.memref_squeeze %dma_wait3A_55 : memref<1x512xi32, #tpu.memory_space<vmem>> -> memref<512xi32, #tpu.memory_space<vmem>>
    %dma_wait3A_57 = arith.constant 0 : i32
    %dma_wait3A_58 = arith.constant 0 : i32
    %dma_wait3A_59 = tpu.memref_slice %arg2[%dma_wait3A_57, %dma_wait3A_58] : memref<10240x64xf32, #tpu.memory_space<hbm>> -> memref<10240x64xf32, #tpu.memory_space<hbm>>
    tpu.wait_indirect_dma semaphore(%arg12 : memref<!tpu.dma_semaphore, #tpu.memory_space<semaphore_mem>>) src(%dma_wait3A_59 : memref<10240x64xf32, #tpu.memory_space<hbm>>) dst(%arg9 : memref<512x64xf32, #tpu.memory_space<vmem>>)
    %dma_start3A_60 = arith.constant 1 : i32
    %dma_start3A_61 = arith.constant 0 : i32
    %dma_start3A_62 = tpu.memref_slice %arg7[%dma_start3A_60, %dma_start3A_61] : memref<20x512xi32, #tpu.memory_space<vmem>> -> memref<1x512xi32, #tpu.memory_space<vmem>>
    %dma_start3A_63 = tpu.memref_squeeze %dma_start3A_62 : memref<1x512xi32, #tpu.memory_space<vmem>> -> memref<512xi32, #tpu.memory_space<vmem>>
    %dma_start3A_64 = arith.constant 0 : i32
    %dma_start3A_65 = arith.constant 0 : i32
    %dma_start3A_66 = tpu.memref_slice %arg10[%dma_start3A_64, %dma_start3A_65] : memref<10240x64xf32, #tpu.memory_space<vmem_shared>> -> memref<10240x64xf32, #tpu.memory_space<vmem_shared>>
    tpu.enqueue_indirect_dma source(%arg9 : memref<512x64xf32, #tpu.memory_space<vmem>>) target(%dma_start3A_66 : memref<10240x64xf32, #tpu.memory_space<vmem_shared>>) offsets(%dma_start3A_63 : memref<512xi32, #tpu.memory_space<vmem>>) semaphore(%arg14 : memref<!tpu.dma_semaphore, #tpu.memory_space<semaphore_mem>>) {add = true}
    %dma_wait3A_67 = arith.constant 0 : i32
    %dma_wait3A_68 = arith.constant 0 : i32
    %dma_wait3A_69 = tpu.memref_slice %arg7[%dma_wait3A_67, %dma_wait3A_68] : memref<20x512xi32, #tpu.memory_space<vmem>> -> memref<1x512xi32, #tpu.memory_space<vmem>>
    %dma_wait3A_70 = tpu.memref_squeeze %dma_wait3A_69 : memref<1x512xi32, #tpu.memory_space<vmem>> -> memref<512xi32, #tpu.memory_space<vmem>>
    %dma_wait3A_71 = arith.constant 0 : i32
    %dma_wait3A_72 = arith.constant 0 : i32
    %dma_wait3A_73 = tpu.memref_slice %arg10[%dma_wait3A_71, %dma_wait3A_72] : memref<10240x64xf32, #tpu.memory_space<vmem_shared>> -> memref<10240x64xf32, #tpu.memory_space<vmem_shared>>
    tpu.wait_indirect_dma semaphore(%arg13 : memref<!tpu.dma_semaphore, #tpu.memory_space<semaphore_mem>>) src(%arg8 : memref<512x64xf32, #tpu.memory_space<vmem>>) dst(%dma_wait3A_73 : memref<10240x64xf32, #tpu.memory_space<vmem_shared>>)
    %dma_start3A_74 = arith.constant 2 : i32
    %dma_start3A_75 = arith.constant 0 : i32
    %dma_start3A_76 = tpu.memref_slice %arg6[%dma_start3A_74, %dma_start3A_75] : memref<20x512xi32, #tpu.memory_space<vmem>> -> memref<1x512xi32, #tpu.memory_space<vmem>>
    %dma_start3A_77 = tpu.memref_squeeze %dma_start3A_76 : memref<1x512xi32, #tpu.memory_space<vmem>> -> memref<512xi32, #tpu.memory_space<vmem>>
    %dma_start3A_78 = arith.constant 0 : i32
    %dma_start3A_79 = arith.constant 0 : i32
    %dma_start3A_80 = tpu.memref_slice %arg2[%dma_start3A_78, %dma_start3A_79] : memref<10240x64xf32, #tpu.memory_space<hbm>> -> memref<10240x64xf32, #tpu.memory_space<hbm>>
    tpu.enqueue_indirect_dma source(%dma_start3A_80 : memref<10240x64xf32, #tpu.memory_space<hbm>>) target(%arg8 : memref<512x64xf32, #tpu.memory_space<vmem>>) offsets(%dma_start3A_77 : memref<512xi32, #tpu.memory_space<vmem>>) semaphore(%arg11 : memref<!tpu.dma_semaphore, #tpu.memory_space<semaphore_mem>>)
    %dma_wait3A_81 = arith.constant 2 : i32
    %dma_wait3A_82 = arith.constant 0 : i32
    %dma_wait3A_83 = tpu.memref_slice %arg6[%dma_wait3A_81, %dma_wait3A_82] : memref<20x512xi32, #tpu.memory_space<vmem>> -> memref<1x512xi32, #tpu.memory_space<vmem>>
    %dma_wait3A_84 = tpu.memref_squeeze %dma_wait3A_83 : memref<1x512xi32, #tpu.memory_space<vmem>> -> memref<512xi32, #tpu.memory_space<vmem>>
    %dma_wait3A_85 = arith.constant 0 : i32
    %dma_wait3A_86 = arith.constant 0 : i32
    %dma_wait3A_87 = tpu.memref_slice %arg2[%dma_wait3A_85, %dma_wait3A_86] : memref<10240x64xf32, #tpu.memory_space<hbm>> -> memref<10240x64xf32, #tpu.memory_space<hbm>>
    tpu.wait_indirect_dma semaphore(%arg11 : memref<!tpu.dma_semaphore, #tpu.memory_space<semaphore_mem>>) src(%dma_wait3A_87 : memref<10240x64xf32, #tpu.memory_space<hbm>>) dst(%arg8 : memref<512x64xf32, #tpu.memory_space<vmem>>)
    %dma_start3A_88 = arith.constant 2 : i32
    %dma_start3A_89 = arith.constant 0 : i32
    %dma_start3A_90 = tpu.memref_slice %arg7[%dma_start3A_88, %dma_start3A_89] : memref<20x512xi32, #tpu.memory_space<vmem>> -> memref<1x512xi32, #tpu.memory_space<vmem>>
    %dma_start3A_91 = tpu.memref_squeeze %dma_start3A_90 : memref<1x512xi32, #tpu.memory_space<vmem>> -> memref<512xi32, #tpu.memory_space<vmem>>
    %dma_start3A_92 = arith.constant 0 : i32
    %dma_start3A_93 = arith.constant 0 : i32
    %dma_start3A_94 = tpu.memref_slice %arg10[%dma_start3A_92, %dma_start3A_93] : memref<10240x64xf32, #tpu.memory_space<vmem_shared>> -> memref<10240x64xf32, #tpu.memory_space<vmem_shared>>
    tpu.enqueue_indirect_dma source(%arg8 : memref<512x64xf32, #tpu.memory_space<vmem>>) target(%dma_start3A_94 : memref<10240x64xf32, #tpu.memory_space<vmem_shared>>) offsets(%dma_start3A_91 : memref<512xi32, #tpu.memory_space<vmem>>) semaphore(%arg13 : memref<!tpu.dma_semaphore, #tpu.memory_space<semaphore_mem>>) {add = true}
    %dma_wait3A_95 = arith.constant 1 : i32
    %dma_wait3A_96 = arith.constant 0 : i32
    %dma_wait3A_97 = tpu.memref_slice %arg7[%dma_wait3A_95, %dma_wait3A_96] : memref<20x512xi32, #tpu.memory_space<vmem>> -> memref<1x512xi32, #tpu.memory_space<vmem>>
    %dma_wait3A_98 = tpu.memref_squeeze %dma_wait3A_97 : memref<1x512xi32, #tpu.memory_space<vmem>> -> memref<512xi32, #tpu.memory_space<vmem>>
    %dma_wait3A_99 = arith.constant 0 : i32
    %dma_wait3A_100 = arith.constant 0 : i32
    %dma_wait3A_101 = tpu.memref_slice %arg10[%dma_wait3A_99, %dma_wait3A_100] : memref<10240x64xf32, #tpu.memory_space<vmem_shared>> -> memref<10240x64xf32, #tpu.memory_space<vmem_shared>>
    tpu.wait_indirect_dma semaphore(%arg14 : memref<!tpu.dma_semaphore, #tpu.memory_space<semaphore_mem>>) src(%arg9 : memref<512x64xf32, #tpu.memory_space<vmem>>) dst(%dma_wait3A_101 : memref<10240x64xf32, #tpu.memory_space<vmem_shared>>)
    %dma_start3A_102 = arith.constant 3 : i32
    %dma_start3A_103 = arith.constant 0 : i32
    %dma_start3A_104 = tpu.memref_slice %arg6[%dma_start3A_102, %dma_start3A_103] : memref<20x512xi32, #tpu.memory_space<vmem>> -> memref<1x512xi32, #tpu.memory_space<vmem>>
    %dma_start3A_105 = tpu.memref_squeeze %dma_start3A_104 : memref<1x512xi32, #tpu.memory_space<vmem>> -> memref<512xi32, #tpu.memory_space<vmem>>
    %dma_start3A_106 = arith.constant 0 : i32
    %dma_start3A_107 = arith.constant 0 : i32
    %dma_start3A_108 = tpu.memref_slice %arg2[%dma_start3A_106, %dma_start3A_107] : memref<10240x64xf32, #tpu.memory_space<hbm>> -> memref<10240x64xf32, #tpu.memory_space<hbm>>
    tpu.enqueue_indirect_dma source(%dma_start3A_108 : memref<10240x64xf32, #tpu.memory_space<hbm>>) target(%arg9 : memref<512x64xf32, #tpu.memory_space<vmem>>) offsets(%dma_start3A_105 : memref<512xi32, #tpu.memory_space<vmem>>) semaphore(%arg12 : memref<!tpu.dma_semaphore, #tpu.memory_space<semaphore_mem>>)
    %dma_wait3A_109 = arith.constant 3 : i32
    %dma_wait3A_110 = arith.constant 0 : i32
    %dma_wait3A_111 = tpu.memref_slice %arg6[%dma_wait3A_109, %dma_wait3A_110] : memref<20x512xi32, #tpu.memory_space<vmem>> -> memref<1x512xi32, #tpu.memory_space<vmem>>
    %dma_wait3A_112 = tpu.memref_squeeze %dma_wait3A_111 : memref<1x512xi32, #tpu.memory_space<vmem>> -> memref<512xi32, #tpu.memory_space<vmem>>
    %dma_wait3A_113 = arith.constant 0 : i32
    %dma_wait3A_114 = arith.constant 0 : i32
    %dma_wait3A_115 = tpu.memref_slice %arg2[%dma_wait3A_113, %dma_wait3A_114] : memref<10240x64xf32, #tpu.memory_space<hbm>> -> memref<10240x64xf32, #tpu.memory_space<hbm>>
    tpu.wait_indirect_dma semaphore(%arg12 : memref<!tpu.dma_semaphore, #tpu.memory_space<semaphore_mem>>) src(%dma_wait3A_115 : memref<10240x64xf32, #tpu.memory_space<hbm>>) dst(%arg9 : memref<512x64xf32, #tpu.memory_space<vmem>>)
    %dma_start3A_116 = arith.constant 3 : i32
    %dma_start3A_117 = arith.constant 0 : i32
    %dma_start3A_118 = tpu.memref_slice %arg7[%dma_start3A_116, %dma_start3A_117] : memref<20x512xi32, #tpu.memory_space<vmem>> -> memref<1x512xi32, #tpu.memory_space<vmem>>
    %dma_start3A_119 = tpu.memref_squeeze %dma_start3A_118 : memref<1x512xi32, #tpu.memory_space<vmem>> -> memref<512xi32, #tpu.memory_space<vmem>>
    %dma_start3A_120 = arith.constant 0 : i32
    %dma_start3A_121 = arith.constant 0 : i32
    %dma_start3A_122 = tpu.memref_slice %arg10[%dma_start3A_120, %dma_start3A_121] : memref<10240x64xf32, #tpu.memory_space<vmem_shared>> -> memref<10240x64xf32, #tpu.memory_space<vmem_shared>>
    tpu.enqueue_indirect_dma source(%arg9 : memref<512x64xf32, #tpu.memory_space<vmem>>) target(%dma_start3A_122 : memref<10240x64xf32, #tpu.memory_space<vmem_shared>>) offsets(%dma_start3A_119 : memref<512xi32, #tpu.memory_space<vmem>>) semaphore(%arg14 : memref<!tpu.dma_semaphore, #tpu.memory_space<semaphore_mem>>) {add = true}
    %dma_wait3A_123 = arith.constant 2 : i32
    %dma_wait3A_124 = arith.constant 0 : i32
    %dma_wait3A_125 = tpu.memref_slice %arg7[%dma_wait3A_123, %dma_wait3A_124] : memref<20x512xi32, #tpu.memory_space<vmem>> -> memref<1x512xi32, #tpu.memory_space<vmem>>
    %dma_wait3A_126 = tpu.memref_squeeze %dma_wait3A_125 : memref<1x512xi32, #tpu.memory_space<vmem>> -> memref<512xi32, #tpu.memory_space<vmem>>
    %dma_wait3A_127 = arith.constant 0 : i32
    %dma_wait3A_128 = arith.constant 0 : i32
    %dma_wait3A_129 = tpu.memref_slice %arg10[%dma_wait3A_127, %dma_wait3A_128] : memref<10240x64xf32, #tpu.memory_space<vmem_shared>> -> memref<10240x64xf32, #tpu.memory_space<vmem_shared>>
    tpu.wait_indirect_dma semaphore(%arg13 : memref<!tpu.dma_semaphore, #tpu.memory_space<semaphore_mem>>) src(%arg8 : memref<512x64xf32, #tpu.memory_space<vmem>>) dst(%dma_wait3A_129 : memref<10240x64xf32, #tpu.memory_space<vmem_shared>>)
    %dma_start3A_130 = arith.constant 4 : i32
    %dma_start3A_131 = arith.constant 0 : i32
    %dma_start3A_132 = tpu.memref_slice %arg6[%dma_start3A_130, %dma_start3A_131] : memref<20x512xi32, #tpu.memory_space<vmem>> -> memref<1x512xi32, #tpu.memory_space<vmem>>
    %dma_start3A_133 = tpu.memref_squeeze %dma_start3A_132 : memref<1x512xi32, #tpu.memory_space<vmem>> -> memref<512xi32, #tpu.memory_space<vmem>>
    %dma_start3A_134 = arith.constant 0 : i32
    %dma_start3A_135 = arith.constant 0 : i32
    %dma_start3A_136 = tpu.memref_slice %arg2[%dma_start3A_134, %dma_start3A_135] : memref<10240x64xf32, #tpu.memory_space<hbm>> -> memref<10240x64xf32, #tpu.memory_space<hbm>>
    tpu.enqueue_indirect_dma source(%dma_start3A_136 : memref<10240x64xf32, #tpu.memory_space<hbm>>) target(%arg8 : memref<512x64xf32, #tpu.memory_space<vmem>>) offsets(%dma_start3A_133 : memref<512xi32, #tpu.memory_space<vmem>>) semaphore(%arg11 : memref<!tpu.dma_semaphore, #tpu.memory_space<semaphore_mem>>)
    %dma_wait3A_137 = arith.constant 4 : i32
    %dma_wait3A_138 = arith.constant 0 : i32
    %dma_wait3A_139 = tpu.memref_slice %arg6[%dma_wait3A_137, %dma_wait3A_138] : memref<20x512xi32, #tpu.memory_space<vmem>> -> memref<1x512xi32, #tpu.memory_space<vmem>>
    %dma_wait3A_140 = tpu.memref_squeeze %dma_wait3A_139 : memref<1x512xi32, #tpu.memory_space<vmem>> -> memref<512xi32, #tpu.memory_space<vmem>>
    %dma_wait3A_141 = arith.constant 0 : i32
    %dma_wait3A_142 = arith.constant 0 : i32
    %dma_wait3A_143 = tpu.memref_slice %arg2[%dma_wait3A_141, %dma_wait3A_142] : memref<10240x64xf32, #tpu.memory_space<hbm>> -> memref<10240x64xf32, #tpu.memory_space<hbm>>
    tpu.wait_indirect_dma semaphore(%arg11 : memref<!tpu.dma_semaphore, #tpu.memory_space<semaphore_mem>>) src(%dma_wait3A_143 : memref<10240x64xf32, #tpu.memory_space<hbm>>) dst(%arg8 : memref<512x64xf32, #tpu.memory_space<vmem>>)
    %dma_start3A_144 = arith.constant 4 : i32
    %dma_start3A_145 = arith.constant 0 : i32
    %dma_start3A_146 = tpu.memref_slice %arg7[%dma_start3A_144, %dma_start3A_145] : memref<20x512xi32, #tpu.memory_space<vmem>> -> memref<1x512xi32, #tpu.memory_space<vmem>>
    %dma_start3A_147 = tpu.memref_squeeze %dma_start3A_146 : memref<1x512xi32, #tpu.memory_space<vmem>> -> memref<512xi32, #tpu.memory_space<vmem>>
    %dma_start3A_148 = arith.constant 0 : i32
    %dma_start3A_149 = arith.constant 0 : i32
    %dma_start3A_150 = tpu.memref_slice %arg10[%dma_start3A_148, %dma_start3A_149] : memref<10240x64xf32, #tpu.memory_space<vmem_shared>> -> memref<10240x64xf32, #tpu.memory_space<vmem_shared>>
    tpu.enqueue_indirect_dma source(%arg8 : memref<512x64xf32, #tpu.memory_space<vmem>>) target(%dma_start3A_150 : memref<10240x64xf32, #tpu.memory_space<vmem_shared>>) offsets(%dma_start3A_147 : memref<512xi32, #tpu.memory_space<vmem>>) semaphore(%arg13 : memref<!tpu.dma_semaphore, #tpu.memory_space<semaphore_mem>>) {add = true}
    %dma_wait3A_151 = arith.constant 3 : i32
    %dma_wait3A_152 = arith.constant 0 : i32
    %dma_wait3A_153 = tpu.memref_slice %arg7[%dma_wait3A_151, %dma_wait3A_152] : memref<20x512xi32, #tpu.memory_space<vmem>> -> memref<1x512xi32, #tpu.memory_space<vmem>>
    %dma_wait3A_154 = tpu.memref_squeeze %dma_wait3A_153 : memref<1x512xi32, #tpu.memory_space<vmem>> -> memref<512xi32, #tpu.memory_space<vmem>>
    %dma_wait3A_155 = arith.constant 0 : i32
    %dma_wait3A_156 = arith.constant 0 : i32
    %dma_wait3A_157 = tpu.memref_slice %arg10[%dma_wait3A_155, %dma_wait3A_156] : memref<10240x64xf32, #tpu.memory_space<vmem_shared>> -> memref<10240x64xf32, #tpu.memory_space<vmem_shared>>
    tpu.wait_indirect_dma semaphore(%arg14 : memref<!tpu.dma_semaphore, #tpu.memory_space<semaphore_mem>>) src(%arg9 : memref<512x64xf32, #tpu.memory_space<vmem>>) dst(%dma_wait3A_157 : memref<10240x64xf32, #tpu.memory_space<vmem_shared>>)
    %dma_start3A_158 = arith.constant 5 : i32
    %dma_start3A_159 = arith.constant 0 : i32
    %dma_start3A_160 = tpu.memref_slice %arg6[%dma_start3A_158, %dma_start3A_159] : memref<20x512xi32, #tpu.memory_space<vmem>> -> memref<1x512xi32, #tpu.memory_space<vmem>>
    %dma_start3A_161 = tpu.memref_squeeze %dma_start3A_160 : memref<1x512xi32, #tpu.memory_space<vmem>> -> memref<512xi32, #tpu.memory_space<vmem>>
    %dma_start3A_162 = arith.constant 0 : i32
    %dma_start3A_163 = arith.constant 0 : i32
    %dma_start3A_164 = tpu.memref_slice %arg2[%dma_start3A_162, %dma_start3A_163] : memref<10240x64xf32, #tpu.memory_space<hbm>> -> memref<10240x64xf32, #tpu.memory_space<hbm>>
    tpu.enqueue_indirect_dma source(%dma_start3A_164 : memref<10240x64xf32, #tpu.memory_space<hbm>>) target(%arg9 : memref<512x64xf32, #tpu.memory_space<vmem>>) offsets(%dma_start3A_161 : memref<512xi32, #tpu.memory_space<vmem>>) semaphore(%arg12 : memref<!tpu.dma_semaphore, #tpu.memory_space<semaphore_mem>>)
    %dma_wait3A_165 = arith.constant 5 : i32
    %dma_wait3A_166 = arith.constant 0 : i32
    %dma_wait3A_167 = tpu.memref_slice %arg6[%dma_wait3A_165, %dma_wait3A_166] : memref<20x512xi32, #tpu.memory_space<vmem>> -> memref<1x512xi32, #tpu.memory_space<vmem>>
    %dma_wait3A_168 = tpu.memref_squeeze %dma_wait3A_167 : memref<1x512xi32, #tpu.memory_space<vmem>> -> memref<512xi32, #tpu.memory_space<vmem>>
    %dma_wait3A_169 = arith.constant 0 : i32
    %dma_wait3A_170 = arith.constant 0 : i32
    %dma_wait3A_171 = tpu.memref_slice %arg2[%dma_wait3A_169, %dma_wait3A_170] : memref<10240x64xf32, #tpu.memory_space<hbm>> -> memref<10240x64xf32, #tpu.memory_space<hbm>>
    tpu.wait_indirect_dma semaphore(%arg12 : memref<!tpu.dma_semaphore, #tpu.memory_space<semaphore_mem>>) src(%dma_wait3A_171 : memref<10240x64xf32, #tpu.memory_space<hbm>>) dst(%arg9 : memref<512x64xf32, #tpu.memory_space<vmem>>)
    %dma_start3A_172 = arith.constant 5 : i32
    %dma_start3A_173 = arith.constant 0 : i32
    %dma_start3A_174 = tpu.memref_slice %arg7[%dma_start3A_172, %dma_start3A_173] : memref<20x512xi32, #tpu.memory_space<vmem>> -> memref<1x512xi32, #tpu.memory_space<vmem>>
    %dma_start3A_175 = tpu.memref_squeeze %dma_start3A_174 : memref<1x512xi32, #tpu.memory_space<vmem>> -> memref<512xi32, #tpu.memory_space<vmem>>
    %dma_start3A_176 = arith.constant 0 : i32
    %dma_start3A_177 = arith.constant 0 : i32
    %dma_start3A_178 = tpu.memref_slice %arg10[%dma_start3A_176, %dma_start3A_177] : memref<10240x64xf32, #tpu.memory_space<vmem_shared>> -> memref<10240x64xf32, #tpu.memory_space<vmem_shared>>
    tpu.enqueue_indirect_dma source(%arg9 : memref<512x64xf32, #tpu.memory_space<vmem>>) target(%dma_start3A_178 : memref<10240x64xf32, #tpu.memory_space<vmem_shared>>) offsets(%dma_start3A_175 : memref<512xi32, #tpu.memory_space<vmem>>) semaphore(%arg14 : memref<!tpu.dma_semaphore, #tpu.memory_space<semaphore_mem>>) {add = true}
    %dma_wait3A_179 = arith.constant 4 : i32
    %dma_wait3A_180 = arith.constant 0 : i32
    %dma_wait3A_181 = tpu.memref_slice %arg7[%dma_wait3A_179, %dma_wait3A_180] : memref<20x512xi32, #tpu.memory_space<vmem>> -> memref<1x512xi32, #tpu.memory_space<vmem>>
    %dma_wait3A_182 = tpu.memref_squeeze %dma_wait3A_181 : memref<1x512xi32, #tpu.memory_space<vmem>> -> memref<512xi32, #tpu.memory_space<vmem>>
    %dma_wait3A_183 = arith.constant 0 : i32
    %dma_wait3A_184 = arith.constant 0 : i32
    %dma_wait3A_185 = tpu.memref_slice %arg10[%dma_wait3A_183, %dma_wait3A_184] : memref<10240x64xf32, #tpu.memory_space<vmem_shared>> -> memref<10240x64xf32, #tpu.memory_space<vmem_shared>>
    tpu.wait_indirect_dma semaphore(%arg13 : memref<!tpu.dma_semaphore, #tpu.memory_space<semaphore_mem>>) src(%arg8 : memref<512x64xf32, #tpu.memory_space<vmem>>) dst(%dma_wait3A_185 : memref<10240x64xf32, #tpu.memory_space<vmem_shared>>)
    %dma_start3A_186 = arith.constant 6 : i32
    %dma_start3A_187 = arith.constant 0 : i32
    %dma_start3A_188 = tpu.memref_slice %arg6[%dma_start3A_186, %dma_start3A_187] : memref<20x512xi32, #tpu.memory_space<vmem>> -> memref<1x512xi32, #tpu.memory_space<vmem>>
    %dma_start3A_189 = tpu.memref_squeeze %dma_start3A_188 : memref<1x512xi32, #tpu.memory_space<vmem>> -> memref<512xi32, #tpu.memory_space<vmem>>
    %dma_start3A_190 = arith.constant 0 : i32
    %dma_start3A_191 = arith.constant 0 : i32
    %dma_start3A_192 = tpu.memref_slice %arg2[%dma_start3A_190, %dma_start3A_191] : memref<10240x64xf32, #tpu.memory_space<hbm>> -> memref<10240x64xf32, #tpu.memory_space<hbm>>
    tpu.enqueue_indirect_dma source(%dma_start3A_192 : memref<10240x64xf32, #tpu.memory_space<hbm>>) target(%arg8 : memref<512x64xf32, #tpu.memory_space<vmem>>) offsets(%dma_start3A_189 : memref<512xi32, #tpu.memory_space<vmem>>) semaphore(%arg11 : memref<!tpu.dma_semaphore, #tpu.memory_space<semaphore_mem>>)
    %dma_wait3A_193 = arith.constant 6 : i32
    %dma_wait3A_194 = arith.constant 0 : i32
    %dma_wait3A_195 = tpu.memref_slice %arg6[%dma_wait3A_193, %dma_wait3A_194] : memref<20x512xi32, #tpu.memory_space<vmem>> -> memref<1x512xi32, #tpu.memory_space<vmem>>
    %dma_wait3A_196 = tpu.memref_squeeze %dma_wait3A_195 : memref<1x512xi32, #tpu.memory_space<vmem>> -> memref<512xi32, #tpu.memory_space<vmem>>
    %dma_wait3A_197 = arith.constant 0 : i32
    %dma_wait3A_198 = arith.constant 0 : i32
    %dma_wait3A_199 = tpu.memref_slice %arg2[%dma_wait3A_197, %dma_wait3A_198] : memref<10240x64xf32, #tpu.memory_space<hbm>> -> memref<10240x64xf32, #tpu.memory_space<hbm>>
    tpu.wait_indirect_dma semaphore(%arg11 : memref<!tpu.dma_semaphore, #tpu.memory_space<semaphore_mem>>) src(%dma_wait3A_199 : memref<10240x64xf32, #tpu.memory_space<hbm>>) dst(%arg8 : memref<512x64xf32, #tpu.memory_space<vmem>>)
    %dma_start3A_200 = arith.constant 6 : i32
    %dma_start3A_201 = arith.constant 0 : i32
    %dma_start3A_202 = tpu.memref_slice %arg7[%dma_start3A_200, %dma_start3A_201] : memref<20x512xi32, #tpu.memory_space<vmem>> -> memref<1x512xi32, #tpu.memory_space<vmem>>
    %dma_start3A_203 = tpu.memref_squeeze %dma_start3A_202 : memref<1x512xi32, #tpu.memory_space<vmem>> -> memref<512xi32, #tpu.memory_space<vmem>>
    %dma_start3A_204 = arith.constant 0 : i32
    %dma_start3A_205 = arith.constant 0 : i32
    %dma_start3A_206 = tpu.memref_slice %arg10[%dma_start3A_204, %dma_start3A_205] : memref<10240x64xf32, #tpu.memory_space<vmem_shared>> -> memref<10240x64xf32, #tpu.memory_space<vmem_shared>>
    tpu.enqueue_indirect_dma source(%arg8 : memref<512x64xf32, #tpu.memory_space<vmem>>) target(%dma_start3A_206 : memref<10240x64xf32, #tpu.memory_space<vmem_shared>>) offsets(%dma_start3A_203 : memref<512xi32, #tpu.memory_space<vmem>>) semaphore(%arg13 : memref<!tpu.dma_semaphore, #tpu.memory_space<semaphore_mem>>) {add = true}
    %dma_wait3A_207 = arith.constant 5 : i32
    %dma_wait3A_208 = arith.constant 0 : i32
    %dma_wait3A_209 = tpu.memref_slice %arg7[%dma_wait3A_207, %dma_wait3A_208] : memref<20x512xi32, #tpu.memory_space<vmem>> -> memref<1x512xi32, #tpu.memory_space<vmem>>
    %dma_wait3A_210 = tpu.memref_squeeze %dma_wait3A_209 : memref<1x512xi32, #tpu.memory_space<vmem>> -> memref<512xi32, #tpu.memory_space<vmem>>
    %dma_wait3A_211 = arith.constant 0 : i32
    %dma_wait3A_212 = arith.constant 0 : i32
    %dma_wait3A_213 = tpu.memref_slice %arg10[%dma_wait3A_211, %dma_wait3A_212] : memref<10240x64xf32, #tpu.memory_space<vmem_shared>> -> memref<10240x64xf32, #tpu.memory_space<vmem_shared>>
    tpu.wait_indirect_dma semaphore(%arg14 : memref<!tpu.dma_semaphore, #tpu.memory_space<semaphore_mem>>) src(%arg9 : memref<512x64xf32, #tpu.memory_space<vmem>>) dst(%dma_wait3A_213 : memref<10240x64xf32, #tpu.memory_space<vmem_shared>>)
    %dma_start3A_214 = arith.constant 7 : i32
    %dma_start3A_215 = arith.constant 0 : i32
    %dma_start3A_216 = tpu.memref_slice %arg6[%dma_start3A_214, %dma_start3A_215] : memref<20x512xi32, #tpu.memory_space<vmem>> -> memref<1x512xi32, #tpu.memory_space<vmem>>
    %dma_start3A_217 = tpu.memref_squeeze %dma_start3A_216 : memref<1x512xi32, #tpu.memory_space<vmem>> -> memref<512xi32, #tpu.memory_space<vmem>>
    %dma_start3A_218 = arith.constant 0 : i32
    %dma_start3A_219 = arith.constant 0 : i32
    %dma_start3A_220 = tpu.memref_slice %arg2[%dma_start3A_218, %dma_start3A_219] : memref<10240x64xf32, #tpu.memory_space<hbm>> -> memref<10240x64xf32, #tpu.memory_space<hbm>>
    tpu.enqueue_indirect_dma source(%dma_start3A_220 : memref<10240x64xf32, #tpu.memory_space<hbm>>) target(%arg9 : memref<512x64xf32, #tpu.memory_space<vmem>>) offsets(%dma_start3A_217 : memref<512xi32, #tpu.memory_space<vmem>>) semaphore(%arg12 : memref<!tpu.dma_semaphore, #tpu.memory_space<semaphore_mem>>)
    %dma_wait3A_221 = arith.constant 7 : i32
    %dma_wait3A_222 = arith.constant 0 : i32
    %dma_wait3A_223 = tpu.memref_slice %arg6[%dma_wait3A_221, %dma_wait3A_222] : memref<20x512xi32, #tpu.memory_space<vmem>> -> memref<1x512xi32, #tpu.memory_space<vmem>>
    %dma_wait3A_224 = tpu.memref_squeeze %dma_wait3A_223 : memref<1x512xi32, #tpu.memory_space<vmem>> -> memref<512xi32, #tpu.memory_space<vmem>>
    %dma_wait3A_225 = arith.constant 0 : i32
    %dma_wait3A_226 = arith.constant 0 : i32
    %dma_wait3A_227 = tpu.memref_slice %arg2[%dma_wait3A_225, %dma_wait3A_226] : memref<10240x64xf32, #tpu.memory_space<hbm>> -> memref<10240x64xf32, #tpu.memory_space<hbm>>
    tpu.wait_indirect_dma semaphore(%arg12 : memref<!tpu.dma_semaphore, #tpu.memory_space<semaphore_mem>>) src(%dma_wait3A_227 : memref<10240x64xf32, #tpu.memory_space<hbm>>) dst(%arg9 : memref<512x64xf32, #tpu.memory_space<vmem>>)
    %dma_start3A_228 = arith.constant 7 : i32
    %dma_start3A_229 = arith.constant 0 : i32
    %dma_start3A_230 = tpu.memref_slice %arg7[%dma_start3A_228, %dma_start3A_229] : memref<20x512xi32, #tpu.memory_space<vmem>> -> memref<1x512xi32, #tpu.memory_space<vmem>>
    %dma_start3A_231 = tpu.memref_squeeze %dma_start3A_230 : memref<1x512xi32, #tpu.memory_space<vmem>> -> memref<512xi32, #tpu.memory_space<vmem>>
    %dma_start3A_232 = arith.constant 0 : i32
    %dma_start3A_233 = arith.constant 0 : i32
    %dma_start3A_234 = tpu.memref_slice %arg10[%dma_start3A_232, %dma_start3A_233] : memref<10240x64xf32, #tpu.memory_space<vmem_shared>> -> memref<10240x64xf32, #tpu.memory_space<vmem_shared>>
    tpu.enqueue_indirect_dma source(%arg9 : memref<512x64xf32, #tpu.memory_space<vmem>>) target(%dma_start3A_234 : memref<10240x64xf32, #tpu.memory_space<vmem_shared>>) offsets(%dma_start3A_231 : memref<512xi32, #tpu.memory_space<vmem>>) semaphore(%arg14 : memref<!tpu.dma_semaphore, #tpu.memory_space<semaphore_mem>>) {add = true}
    %dma_wait3A_235 = arith.constant 6 : i32
    %dma_wait3A_236 = arith.constant 0 : i32
    %dma_wait3A_237 = tpu.memref_slice %arg7[%dma_wait3A_235, %dma_wait3A_236] : memref<20x512xi32, #tpu.memory_space<vmem>> -> memref<1x512xi32, #tpu.memory_space<vmem>>
    %dma_wait3A_238 = tpu.memref_squeeze %dma_wait3A_237 : memref<1x512xi32, #tpu.memory_space<vmem>> -> memref<512xi32, #tpu.memory_space<vmem>>
    %dma_wait3A_239 = arith.constant 0 : i32
    %dma_wait3A_240 = arith.constant 0 : i32
    %dma_wait3A_241 = tpu.memref_slice %arg10[%dma_wait3A_239, %dma_wait3A_240] : memref<10240x64xf32, #tpu.memory_space<vmem_shared>> -> memref<10240x64xf32, #tpu.memory_space<vmem_shared>>
    tpu.wait_indirect_dma semaphore(%arg13 : memref<!tpu.dma_semaphore, #tpu.memory_space<semaphore_mem>>) src(%arg8 : memref<512x64xf32, #tpu.memory_space<vmem>>) dst(%dma_wait3A_241 : memref<10240x64xf32, #tpu.memory_space<vmem_shared>>)
    %dma_start3A_242 = arith.constant 8 : i32
    %dma_start3A_243 = arith.constant 0 : i32
    %dma_start3A_244 = tpu.memref_slice %arg6[%dma_start3A_242, %dma_start3A_243] : memref<20x512xi32, #tpu.memory_space<vmem>> -> memref<1x512xi32, #tpu.memory_space<vmem>>
    %dma_start3A_245 = tpu.memref_squeeze %dma_start3A_244 : memref<1x512xi32, #tpu.memory_space<vmem>> -> memref<512xi32, #tpu.memory_space<vmem>>
    %dma_start3A_246 = arith.constant 0 : i32
    %dma_start3A_247 = arith.constant 0 : i32
    %dma_start3A_248 = tpu.memref_slice %arg2[%dma_start3A_246, %dma_start3A_247] : memref<10240x64xf32, #tpu.memory_space<hbm>> -> memref<10240x64xf32, #tpu.memory_space<hbm>>
    tpu.enqueue_indirect_dma source(%dma_start3A_248 : memref<10240x64xf32, #tpu.memory_space<hbm>>) target(%arg8 : memref<512x64xf32, #tpu.memory_space<vmem>>) offsets(%dma_start3A_245 : memref<512xi32, #tpu.memory_space<vmem>>) semaphore(%arg11 : memref<!tpu.dma_semaphore, #tpu.memory_space<semaphore_mem>>)
    %dma_wait3A_249 = arith.constant 8 : i32
    %dma_wait3A_250 = arith.constant 0 : i32
    %dma_wait3A_251 = tpu.memref_slice %arg6[%dma_wait3A_249, %dma_wait3A_250] : memref<20x512xi32, #tpu.memory_space<vmem>> -> memref<1x512xi32, #tpu.memory_space<vmem>>
    %dma_wait3A_252 = tpu.memref_squeeze %dma_wait3A_251 : memref<1x512xi32, #tpu.memory_space<vmem>> -> memref<512xi32, #tpu.memory_space<vmem>>
    %dma_wait3A_253 = arith.constant 0 : i32
    %dma_wait3A_254 = arith.constant 0 : i32
    %dma_wait3A_255 = tpu.memref_slice %arg2[%dma_wait3A_253, %dma_wait3A_254] : memref<10240x64xf32, #tpu.memory_space<hbm>> -> memref<10240x64xf32, #tpu.memory_space<hbm>>
    tpu.wait_indirect_dma semaphore(%arg11 : memref<!tpu.dma_semaphore, #tpu.memory_space<semaphore_mem>>) src(%dma_wait3A_255 : memref<10240x64xf32, #tpu.memory_space<hbm>>) dst(%arg8 : memref<512x64xf32, #tpu.memory_space<vmem>>)
    %dma_start3A_256 = arith.constant 8 : i32
    %dma_start3A_257 = arith.constant 0 : i32
    %dma_start3A_258 = tpu.memref_slice %arg7[%dma_start3A_256, %dma_start3A_257] : memref<20x512xi32, #tpu.memory_space<vmem>> -> memref<1x512xi32, #tpu.memory_space<vmem>>
    %dma_start3A_259 = tpu.memref_squeeze %dma_start3A_258 : memref<1x512xi32, #tpu.memory_space<vmem>> -> memref<512xi32, #tpu.memory_space<vmem>>
    %dma_start3A_260 = arith.constant 0 : i32
    %dma_start3A_261 = arith.constant 0 : i32
    %dma_start3A_262 = tpu.memref_slice %arg10[%dma_start3A_260, %dma_start3A_261] : memref<10240x64xf32, #tpu.memory_space<vmem_shared>> -> memref<10240x64xf32, #tpu.memory_space<vmem_shared>>
    tpu.enqueue_indirect_dma source(%arg8 : memref<512x64xf32, #tpu.memory_space<vmem>>) target(%dma_start3A_262 : memref<10240x64xf32, #tpu.memory_space<vmem_shared>>) offsets(%dma_start3A_259 : memref<512xi32, #tpu.memory_space<vmem>>) semaphore(%arg13 : memref<!tpu.dma_semaphore, #tpu.memory_space<semaphore_mem>>) {add = true}
    %dma_wait3A_263 = arith.constant 7 : i32
    %dma_wait3A_264 = arith.constant 0 : i32
    %dma_wait3A_265 = tpu.memref_slice %arg7[%dma_wait3A_263, %dma_wait3A_264] : memref<20x512xi32, #tpu.memory_space<vmem>> -> memref<1x512xi32, #tpu.memory_space<vmem>>
    %dma_wait3A_266 = tpu.memref_squeeze %dma_wait3A_265 : memref<1x512xi32, #tpu.memory_space<vmem>> -> memref<512xi32, #tpu.memory_space<vmem>>
    %dma_wait3A_267 = arith.constant 0 : i32
    %dma_wait3A_268 = arith.constant 0 : i32
    %dma_wait3A_269 = tpu.memref_slice %arg10[%dma_wait3A_267, %dma_wait3A_268] : memref<10240x64xf32, #tpu.memory_space<vmem_shared>> -> memref<10240x64xf32, #tpu.memory_space<vmem_shared>>
    tpu.wait_indirect_dma semaphore(%arg14 : memref<!tpu.dma_semaphore, #tpu.memory_space<semaphore_mem>>) src(%arg9 : memref<512x64xf32, #tpu.memory_space<vmem>>) dst(%dma_wait3A_269 : memref<10240x64xf32, #tpu.memory_space<vmem_shared>>)
    %dma_start3A_270 = arith.constant 9 : i32
    %dma_start3A_271 = arith.constant 0 : i32
    %dma_start3A_272 = tpu.memref_slice %arg6[%dma_start3A_270, %dma_start3A_271] : memref<20x512xi32, #tpu.memory_space<vmem>> -> memref<1x512xi32, #tpu.memory_space<vmem>>
    %dma_start3A_273 = tpu.memref_squeeze %dma_start3A_272 : memref<1x512xi32, #tpu.memory_space<vmem>> -> memref<512xi32, #tpu.memory_space<vmem>>
    %dma_start3A_274 = arith.constant 0 : i32
    %dma_start3A_275 = arith.constant 0 : i32
    %dma_start3A_276 = tpu.memref_slice %arg2[%dma_start3A_274, %dma_start3A_275] : memref<10240x64xf32, #tpu.memory_space<hbm>> -> memref<10240x64xf32, #tpu.memory_space<hbm>>
    tpu.enqueue_indirect_dma source(%dma_start3A_276 : memref<10240x64xf32, #tpu.memory_space<hbm>>) target(%arg9 : memref<512x64xf32, #tpu.memory_space<vmem>>) offsets(%dma_start3A_273 : memref<512xi32, #tpu.memory_space<vmem>>) semaphore(%arg12 : memref<!tpu.dma_semaphore, #tpu.memory_space<semaphore_mem>>)
    %dma_wait3A_277 = arith.constant 9 : i32
    %dma_wait3A_278 = arith.constant 0 : i32
    %dma_wait3A_279 = tpu.memref_slice %arg6[%dma_wait3A_277, %dma_wait3A_278] : memref<20x512xi32, #tpu.memory_space<vmem>> -> memref<1x512xi32, #tpu.memory_space<vmem>>
    %dma_wait3A_280 = tpu.memref_squeeze %dma_wait3A_279 : memref<1x512xi32, #tpu.memory_space<vmem>> -> memref<512xi32, #tpu.memory_space<vmem>>
    %dma_wait3A_281 = arith.constant 0 : i32
    %dma_wait3A_282 = arith.constant 0 : i32
    %dma_wait3A_283 = tpu.memref_slice %arg2[%dma_wait3A_281, %dma_wait3A_282] : memref<10240x64xf32, #tpu.memory_space<hbm>> -> memref<10240x64xf32, #tpu.memory_space<hbm>>
    tpu.wait_indirect_dma semaphore(%arg12 : memref<!tpu.dma_semaphore, #tpu.memory_space<semaphore_mem>>) src(%dma_wait3A_283 : memref<10240x64xf32, #tpu.memory_space<hbm>>) dst(%arg9 : memref<512x64xf32, #tpu.memory_space<vmem>>)
    %dma_start3A_284 = arith.constant 9 : i32
    %dma_start3A_285 = arith.constant 0 : i32
    %dma_start3A_286 = tpu.memref_slice %arg7[%dma_start3A_284, %dma_start3A_285] : memref<20x512xi32, #tpu.memory_space<vmem>> -> memref<1x512xi32, #tpu.memory_space<vmem>>
    %dma_start3A_287 = tpu.memref_squeeze %dma_start3A_286 : memref<1x512xi32, #tpu.memory_space<vmem>> -> memref<512xi32, #tpu.memory_space<vmem>>
    %dma_start3A_288 = arith.constant 0 : i32
    %dma_start3A_289 = arith.constant 0 : i32
    %dma_start3A_290 = tpu.memref_slice %arg10[%dma_start3A_288, %dma_start3A_289] : memref<10240x64xf32, #tpu.memory_space<vmem_shared>> -> memref<10240x64xf32, #tpu.memory_space<vmem_shared>>
    tpu.enqueue_indirect_dma source(%arg9 : memref<512x64xf32, #tpu.memory_space<vmem>>) target(%dma_start3A_290 : memref<10240x64xf32, #tpu.memory_space<vmem_shared>>) offsets(%dma_start3A_287 : memref<512xi32, #tpu.memory_space<vmem>>) semaphore(%arg14 : memref<!tpu.dma_semaphore, #tpu.memory_space<semaphore_mem>>) {add = true}
    %dma_wait3A_291 = arith.constant 8 : i32
    %dma_wait3A_292 = arith.constant 0 : i32
    %dma_wait3A_293 = tpu.memref_slice %arg7[%dma_wait3A_291, %dma_wait3A_292] : memref<20x512xi32, #tpu.memory_space<vmem>> -> memref<1x512xi32, #tpu.memory_space<vmem>>
    %dma_wait3A_294 = tpu.memref_squeeze %dma_wait3A_293 : memref<1x512xi32, #tpu.memory_space<vmem>> -> memref<512xi32, #tpu.memory_space<vmem>>
    %dma_wait3A_295 = arith.constant 0 : i32
    %dma_wait3A_296 = arith.constant 0 : i32
    %dma_wait3A_297 = tpu.memref_slice %arg10[%dma_wait3A_295, %dma_wait3A_296] : memref<10240x64xf32, #tpu.memory_space<vmem_shared>> -> memref<10240x64xf32, #tpu.memory_space<vmem_shared>>
    tpu.wait_indirect_dma semaphore(%arg13 : memref<!tpu.dma_semaphore, #tpu.memory_space<semaphore_mem>>) src(%arg8 : memref<512x64xf32, #tpu.memory_space<vmem>>) dst(%dma_wait3A_297 : memref<10240x64xf32, #tpu.memory_space<vmem_shared>>)
    %dma_start3A_298 = arith.constant 10 : i32
    %dma_start3A_299 = arith.constant 0 : i32
    %dma_start3A_300 = tpu.memref_slice %arg6[%dma_start3A_298, %dma_start3A_299] : memref<20x512xi32, #tpu.memory_space<vmem>> -> memref<1x512xi32, #tpu.memory_space<vmem>>
    %dma_start3A_301 = tpu.memref_squeeze %dma_start3A_300 : memref<1x512xi32, #tpu.memory_space<vmem>> -> memref<512xi32, #tpu.memory_space<vmem>>
    %dma_start3A_302 = arith.constant 0 : i32
    %dma_start3A_303 = arith.constant 0 : i32
    %dma_start3A_304 = tpu.memref_slice %arg2[%dma_start3A_302, %dma_start3A_303] : memref<10240x64xf32, #tpu.memory_space<hbm>> -> memref<10240x64xf32, #tpu.memory_space<hbm>>
    tpu.enqueue_indirect_dma source(%dma_start3A_304 : memref<10240x64xf32, #tpu.memory_space<hbm>>) target(%arg8 : memref<512x64xf32, #tpu.memory_space<vmem>>) offsets(%dma_start3A_301 : memref<512xi32, #tpu.memory_space<vmem>>) semaphore(%arg11 : memref<!tpu.dma_semaphore, #tpu.memory_space<semaphore_mem>>)
    %dma_wait3A_305 = arith.constant 10 : i32
    %dma_wait3A_306 = arith.constant 0 : i32
    %dma_wait3A_307 = tpu.memref_slice %arg6[%dma_wait3A_305, %dma_wait3A_306] : memref<20x512xi32, #tpu.memory_space<vmem>> -> memref<1x512xi32, #tpu.memory_space<vmem>>
    %dma_wait3A_308 = tpu.memref_squeeze %dma_wait3A_307 : memref<1x512xi32, #tpu.memory_space<vmem>> -> memref<512xi32, #tpu.memory_space<vmem>>
    %dma_wait3A_309 = arith.constant 0 : i32
    %dma_wait3A_310 = arith.constant 0 : i32
    %dma_wait3A_311 = tpu.memref_slice %arg2[%dma_wait3A_309, %dma_wait3A_310] : memref<10240x64xf32, #tpu.memory_space<hbm>> -> memref<10240x64xf32, #tpu.memory_space<hbm>>
    tpu.wait_indirect_dma semaphore(%arg11 : memref<!tpu.dma_semaphore, #tpu.memory_space<semaphore_mem>>) src(%dma_wait3A_311 : memref<10240x64xf32, #tpu.memory_space<hbm>>) dst(%arg8 : memref<512x64xf32, #tpu.memory_space<vmem>>)
    %dma_start3A_312 = arith.constant 10 : i32
    %dma_start3A_313 = arith.constant 0 : i32
    %dma_start3A_314 = tpu.memref_slice %arg7[%dma_start3A_312, %dma_start3A_313] : memref<20x512xi32, #tpu.memory_space<vmem>> -> memref<1x512xi32, #tpu.memory_space<vmem>>
    %dma_start3A_315 = tpu.memref_squeeze %dma_start3A_314 : memref<1x512xi32, #tpu.memory_space<vmem>> -> memref<512xi32, #tpu.memory_space<vmem>>
    %dma_start3A_316 = arith.constant 0 : i32
    %dma_start3A_317 = arith.constant 0 : i32
    %dma_start3A_318 = tpu.memref_slice %arg10[%dma_start3A_316, %dma_start3A_317] : memref<10240x64xf32, #tpu.memory_space<vmem_shared>> -> memref<10240x64xf32, #tpu.memory_space<vmem_shared>>
    tpu.enqueue_indirect_dma source(%arg8 : memref<512x64xf32, #tpu.memory_space<vmem>>) target(%dma_start3A_318 : memref<10240x64xf32, #tpu.memory_space<vmem_shared>>) offsets(%dma_start3A_315 : memref<512xi32, #tpu.memory_space<vmem>>) semaphore(%arg13 : memref<!tpu.dma_semaphore, #tpu.memory_space<semaphore_mem>>) {add = true}
    %dma_wait3A_319 = arith.constant 9 : i32
    %dma_wait3A_320 = arith.constant 0 : i32
    %dma_wait3A_321 = tpu.memref_slice %arg7[%dma_wait3A_319, %dma_wait3A_320] : memref<20x512xi32, #tpu.memory_space<vmem>> -> memref<1x512xi32, #tpu.memory_space<vmem>>
    %dma_wait3A_322 = tpu.memref_squeeze %dma_wait3A_321 : memref<1x512xi32, #tpu.memory_space<vmem>> -> memref<512xi32, #tpu.memory_space<vmem>>
    %dma_wait3A_323 = arith.constant 0 : i32
    %dma_wait3A_324 = arith.constant 0 : i32
    %dma_wait3A_325 = tpu.memref_slice %arg10[%dma_wait3A_323, %dma_wait3A_324] : memref<10240x64xf32, #tpu.memory_space<vmem_shared>> -> memref<10240x64xf32, #tpu.memory_space<vmem_shared>>
    tpu.wait_indirect_dma semaphore(%arg14 : memref<!tpu.dma_semaphore, #tpu.memory_space<semaphore_mem>>) src(%arg9 : memref<512x64xf32, #tpu.memory_space<vmem>>) dst(%dma_wait3A_325 : memref<10240x64xf32, #tpu.memory_space<vmem_shared>>)
    %dma_start3A_326 = arith.constant 11 : i32
    %dma_start3A_327 = arith.constant 0 : i32
    %dma_start3A_328 = tpu.memref_slice %arg6[%dma_start3A_326, %dma_start3A_327] : memref<20x512xi32, #tpu.memory_space<vmem>> -> memref<1x512xi32, #tpu.memory_space<vmem>>
    %dma_start3A_329 = tpu.memref_squeeze %dma_start3A_328 : memref<1x512xi32, #tpu.memory_space<vmem>> -> memref<512xi32, #tpu.memory_space<vmem>>
    %dma_start3A_330 = arith.constant 0 : i32
    %dma_start3A_331 = arith.constant 0 : i32
    %dma_start3A_332 = tpu.memref_slice %arg2[%dma_start3A_330, %dma_start3A_331] : memref<10240x64xf32, #tpu.memory_space<hbm>> -> memref<10240x64xf32, #tpu.memory_space<hbm>>
    tpu.enqueue_indirect_dma source(%dma_start3A_332 : memref<10240x64xf32, #tpu.memory_space<hbm>>) target(%arg9 : memref<512x64xf32, #tpu.memory_space<vmem>>) offsets(%dma_start3A_329 : memref<512xi32, #tpu.memory_space<vmem>>) semaphore(%arg12 : memref<!tpu.dma_semaphore, #tpu.memory_space<semaphore_mem>>)
    %dma_wait3A_333 = arith.constant 11 : i32
    %dma_wait3A_334 = arith.constant 0 : i32
    %dma_wait3A_335 = tpu.memref_slice %arg6[%dma_wait3A_333, %dma_wait3A_334] : memref<20x512xi32, #tpu.memory_space<vmem>> -> memref<1x512xi32, #tpu.memory_space<vmem>>
    %dma_wait3A_336 = tpu.memref_squeeze %dma_wait3A_335 : memref<1x512xi32, #tpu.memory_space<vmem>> -> memref<512xi32, #tpu.memory_space<vmem>>
    %dma_wait3A_337 = arith.constant 0 : i32
    %dma_wait3A_338 = arith.constant 0 : i32
    %dma_wait3A_339 = tpu.memref_slice %arg2[%dma_wait3A_337, %dma_wait3A_338] : memref<10240x64xf32, #tpu.memory_space<hbm>> -> memref<10240x64xf32, #tpu.memory_space<hbm>>
    tpu.wait_indirect_dma semaphore(%arg12 : memref<!tpu.dma_semaphore, #tpu.memory_space<semaphore_mem>>) src(%dma_wait3A_339 : memref<10240x64xf32, #tpu.memory_space<hbm>>) dst(%arg9 : memref<512x64xf32, #tpu.memory_space<vmem>>)
    %dma_start3A_340 = arith.constant 11 : i32
    %dma_start3A_341 = arith.constant 0 : i32
    %dma_start3A_342 = tpu.memref_slice %arg7[%dma_start3A_340, %dma_start3A_341] : memref<20x512xi32, #tpu.memory_space<vmem>> -> memref<1x512xi32, #tpu.memory_space<vmem>>
    %dma_start3A_343 = tpu.memref_squeeze %dma_start3A_342 : memref<1x512xi32, #tpu.memory_space<vmem>> -> memref<512xi32, #tpu.memory_space<vmem>>
    %dma_start3A_344 = arith.constant 0 : i32
    %dma_start3A_345 = arith.constant 0 : i32
    %dma_start3A_346 = tpu.memref_slice %arg10[%dma_start3A_344, %dma_start3A_345] : memref<10240x64xf32, #tpu.memory_space<vmem_shared>> -> memref<10240x64xf32, #tpu.memory_space<vmem_shared>>
    tpu.enqueue_indirect_dma source(%arg9 : memref<512x64xf32, #tpu.memory_space<vmem>>) target(%dma_start3A_346 : memref<10240x64xf32, #tpu.memory_space<vmem_shared>>) offsets(%dma_start3A_343 : memref<512xi32, #tpu.memory_space<vmem>>) semaphore(%arg14 : memref<!tpu.dma_semaphore, #tpu.memory_space<semaphore_mem>>) {add = true}
    %dma_wait3A_347 = arith.constant 10 : i32
    %dma_wait3A_348 = arith.constant 0 : i32
    %dma_wait3A_349 = tpu.memref_slice %arg7[%dma_wait3A_347, %dma_wait3A_348] : memref<20x512xi32, #tpu.memory_space<vmem>> -> memref<1x512xi32, #tpu.memory_space<vmem>>
    %dma_wait3A_350 = tpu.memref_squeeze %dma_wait3A_349 : memref<1x512xi32, #tpu.memory_space<vmem>> -> memref<512xi32, #tpu.memory_space<vmem>>
    %dma_wait3A_351 = arith.constant 0 : i32
    %dma_wait3A_352 = arith.constant 0 : i32
    %dma_wait3A_353 = tpu.memref_slice %arg10[%dma_wait3A_351, %dma_wait3A_352] : memref<10240x64xf32, #tpu.memory_space<vmem_shared>> -> memref<10240x64xf32, #tpu.memory_space<vmem_shared>>
    tpu.wait_indirect_dma semaphore(%arg13 : memref<!tpu.dma_semaphore, #tpu.memory_space<semaphore_mem>>) src(%arg8 : memref<512x64xf32, #tpu.memory_space<vmem>>) dst(%dma_wait3A_353 : memref<10240x64xf32, #tpu.memory_space<vmem_shared>>)
    %dma_start3A_354 = arith.constant 12 : i32
    %dma_start3A_355 = arith.constant 0 : i32
    %dma_start3A_356 = tpu.memref_slice %arg6[%dma_start3A_354, %dma_start3A_355] : memref<20x512xi32, #tpu.memory_space<vmem>> -> memref<1x512xi32, #tpu.memory_space<vmem>>
    %dma_start3A_357 = tpu.memref_squeeze %dma_start3A_356 : memref<1x512xi32, #tpu.memory_space<vmem>> -> memref<512xi32, #tpu.memory_space<vmem>>
    %dma_start3A_358 = arith.constant 0 : i32
    %dma_start3A_359 = arith.constant 0 : i32
    %dma_start3A_360 = tpu.memref_slice %arg2[%dma_start3A_358, %dma_start3A_359] : memref<10240x64xf32, #tpu.memory_space<hbm>> -> memref<10240x64xf32, #tpu.memory_space<hbm>>
    tpu.enqueue_indirect_dma source(%dma_start3A_360 : memref<10240x64xf32, #tpu.memory_space<hbm>>) target(%arg8 : memref<512x64xf32, #tpu.memory_space<vmem>>) offsets(%dma_start3A_357 : memref<512xi32, #tpu.memory_space<vmem>>) semaphore(%arg11 : memref<!tpu.dma_semaphore, #tpu.memory_space<semaphore_mem>>)
    %dma_wait3A_361 = arith.constant 12 : i32
    %dma_wait3A_362 = arith.constant 0 : i32
    %dma_wait3A_363 = tpu.memref_slice %arg6[%dma_wait3A_361, %dma_wait3A_362] : memref<20x512xi32, #tpu.memory_space<vmem>> -> memref<1x512xi32, #tpu.memory_space<vmem>>
    %dma_wait3A_364 = tpu.memref_squeeze %dma_wait3A_363 : memref<1x512xi32, #tpu.memory_space<vmem>> -> memref<512xi32, #tpu.memory_space<vmem>>
    %dma_wait3A_365 = arith.constant 0 : i32
    %dma_wait3A_366 = arith.constant 0 : i32
    %dma_wait3A_367 = tpu.memref_slice %arg2[%dma_wait3A_365, %dma_wait3A_366] : memref<10240x64xf32, #tpu.memory_space<hbm>> -> memref<10240x64xf32, #tpu.memory_space<hbm>>
    tpu.wait_indirect_dma semaphore(%arg11 : memref<!tpu.dma_semaphore, #tpu.memory_space<semaphore_mem>>) src(%dma_wait3A_367 : memref<10240x64xf32, #tpu.memory_space<hbm>>) dst(%arg8 : memref<512x64xf32, #tpu.memory_space<vmem>>)
    %dma_start3A_368 = arith.constant 12 : i32
    %dma_start3A_369 = arith.constant 0 : i32
    %dma_start3A_370 = tpu.memref_slice %arg7[%dma_start3A_368, %dma_start3A_369] : memref<20x512xi32, #tpu.memory_space<vmem>> -> memref<1x512xi32, #tpu.memory_space<vmem>>
    %dma_start3A_371 = tpu.memref_squeeze %dma_start3A_370 : memref<1x512xi32, #tpu.memory_space<vmem>> -> memref<512xi32, #tpu.memory_space<vmem>>
    %dma_start3A_372 = arith.constant 0 : i32
    %dma_start3A_373 = arith.constant 0 : i32
    %dma_start3A_374 = tpu.memref_slice %arg10[%dma_start3A_372, %dma_start3A_373] : memref<10240x64xf32, #tpu.memory_space<vmem_shared>> -> memref<10240x64xf32, #tpu.memory_space<vmem_shared>>
    tpu.enqueue_indirect_dma source(%arg8 : memref<512x64xf32, #tpu.memory_space<vmem>>) target(%dma_start3A_374 : memref<10240x64xf32, #tpu.memory_space<vmem_shared>>) offsets(%dma_start3A_371 : memref<512xi32, #tpu.memory_space<vmem>>) semaphore(%arg13 : memref<!tpu.dma_semaphore, #tpu.memory_space<semaphore_mem>>) {add = true}
    %dma_wait3A_375 = arith.constant 11 : i32
    %dma_wait3A_376 = arith.constant 0 : i32
    %dma_wait3A_377 = tpu.memref_slice %arg7[%dma_wait3A_375, %dma_wait3A_376] : memref<20x512xi32, #tpu.memory_space<vmem>> -> memref<1x512xi32, #tpu.memory_space<vmem>>
    %dma_wait3A_378 = tpu.memref_squeeze %dma_wait3A_377 : memref<1x512xi32, #tpu.memory_space<vmem>> -> memref<512xi32, #tpu.memory_space<vmem>>
    %dma_wait3A_379 = arith.constant 0 : i32
    %dma_wait3A_380 = arith.constant 0 : i32
    %dma_wait3A_381 = tpu.memref_slice %arg10[%dma_wait3A_379, %dma_wait3A_380] : memref<10240x64xf32, #tpu.memory_space<vmem_shared>> -> memref<10240x64xf32, #tpu.memory_space<vmem_shared>>
    tpu.wait_indirect_dma semaphore(%arg14 : memref<!tpu.dma_semaphore, #tpu.memory_space<semaphore_mem>>) src(%arg9 : memref<512x64xf32, #tpu.memory_space<vmem>>) dst(%dma_wait3A_381 : memref<10240x64xf32, #tpu.memory_space<vmem_shared>>)
    %dma_start3A_382 = arith.constant 13 : i32
    %dma_start3A_383 = arith.constant 0 : i32
    %dma_start3A_384 = tpu.memref_slice %arg6[%dma_start3A_382, %dma_start3A_383] : memref<20x512xi32, #tpu.memory_space<vmem>> -> memref<1x512xi32, #tpu.memory_space<vmem>>
    %dma_start3A_385 = tpu.memref_squeeze %dma_start3A_384 : memref<1x512xi32, #tpu.memory_space<vmem>> -> memref<512xi32, #tpu.memory_space<vmem>>
    %dma_start3A_386 = arith.constant 0 : i32
    %dma_start3A_387 = arith.constant 0 : i32
    %dma_start3A_388 = tpu.memref_slice %arg2[%dma_start3A_386, %dma_start3A_387] : memref<10240x64xf32, #tpu.memory_space<hbm>> -> memref<10240x64xf32, #tpu.memory_space<hbm>>
    tpu.enqueue_indirect_dma source(%dma_start3A_388 : memref<10240x64xf32, #tpu.memory_space<hbm>>) target(%arg9 : memref<512x64xf32, #tpu.memory_space<vmem>>) offsets(%dma_start3A_385 : memref<512xi32, #tpu.memory_space<vmem>>) semaphore(%arg12 : memref<!tpu.dma_semaphore, #tpu.memory_space<semaphore_mem>>)
    %dma_wait3A_389 = arith.constant 13 : i32
    %dma_wait3A_390 = arith.constant 0 : i32
    %dma_wait3A_391 = tpu.memref_slice %arg6[%dma_wait3A_389, %dma_wait3A_390] : memref<20x512xi32, #tpu.memory_space<vmem>> -> memref<1x512xi32, #tpu.memory_space<vmem>>
    %dma_wait3A_392 = tpu.memref_squeeze %dma_wait3A_391 : memref<1x512xi32, #tpu.memory_space<vmem>> -> memref<512xi32, #tpu.memory_space<vmem>>
    %dma_wait3A_393 = arith.constant 0 : i32
    %dma_wait3A_394 = arith.constant 0 : i32
    %dma_wait3A_395 = tpu.memref_slice %arg2[%dma_wait3A_393, %dma_wait3A_394] : memref<10240x64xf32, #tpu.memory_space<hbm>> -> memref<10240x64xf32, #tpu.memory_space<hbm>>
    tpu.wait_indirect_dma semaphore(%arg12 : memref<!tpu.dma_semaphore, #tpu.memory_space<semaphore_mem>>) src(%dma_wait3A_395 : memref<10240x64xf32, #tpu.memory_space<hbm>>) dst(%arg9 : memref<512x64xf32, #tpu.memory_space<vmem>>)
    %dma_start3A_396 = arith.constant 13 : i32
    %dma_start3A_397 = arith.constant 0 : i32
    %dma_start3A_398 = tpu.memref_slice %arg7[%dma_start3A_396, %dma_start3A_397] : memref<20x512xi32, #tpu.memory_space<vmem>> -> memref<1x512xi32, #tpu.memory_space<vmem>>
    %dma_start3A_399 = tpu.memref_squeeze %dma_start3A_398 : memref<1x512xi32, #tpu.memory_space<vmem>> -> memref<512xi32, #tpu.memory_space<vmem>>
    %dma_start3A_400 = arith.constant 0 : i32
    %dma_start3A_401 = arith.constant 0 : i32
    %dma_start3A_402 = tpu.memref_slice %arg10[%dma_start3A_400, %dma_start3A_401] : memref<10240x64xf32, #tpu.memory_space<vmem_shared>> -> memref<10240x64xf32, #tpu.memory_space<vmem_shared>>
    tpu.enqueue_indirect_dma source(%arg9 : memref<512x64xf32, #tpu.memory_space<vmem>>) target(%dma_start3A_402 : memref<10240x64xf32, #tpu.memory_space<vmem_shared>>) offsets(%dma_start3A_399 : memref<512xi32, #tpu.memory_space<vmem>>) semaphore(%arg14 : memref<!tpu.dma_semaphore, #tpu.memory_space<semaphore_mem>>) {add = true}
    %dma_wait3A_403 = arith.constant 12 : i32
    %dma_wait3A_404 = arith.constant 0 : i32
    %dma_wait3A_405 = tpu.memref_slice %arg7[%dma_wait3A_403, %dma_wait3A_404] : memref<20x512xi32, #tpu.memory_space<vmem>> -> memref<1x512xi32, #tpu.memory_space<vmem>>
    %dma_wait3A_406 = tpu.memref_squeeze %dma_wait3A_405 : memref<1x512xi32, #tpu.memory_space<vmem>> -> memref<512xi32, #tpu.memory_space<vmem>>
    %dma_wait3A_407 = arith.constant 0 : i32
    %dma_wait3A_408 = arith.constant 0 : i32
    %dma_wait3A_409 = tpu.memref_slice %arg10[%dma_wait3A_407, %dma_wait3A_408] : memref<10240x64xf32, #tpu.memory_space<vmem_shared>> -> memref<10240x64xf32, #tpu.memory_space<vmem_shared>>
    tpu.wait_indirect_dma semaphore(%arg13 : memref<!tpu.dma_semaphore, #tpu.memory_space<semaphore_mem>>) src(%arg8 : memref<512x64xf32, #tpu.memory_space<vmem>>) dst(%dma_wait3A_409 : memref<10240x64xf32, #tpu.memory_space<vmem_shared>>)
    %dma_start3A_410 = arith.constant 14 : i32
    %dma_start3A_411 = arith.constant 0 : i32
    %dma_start3A_412 = tpu.memref_slice %arg6[%dma_start3A_410, %dma_start3A_411] : memref<20x512xi32, #tpu.memory_space<vmem>> -> memref<1x512xi32, #tpu.memory_space<vmem>>
    %dma_start3A_413 = tpu.memref_squeeze %dma_start3A_412 : memref<1x512xi32, #tpu.memory_space<vmem>> -> memref<512xi32, #tpu.memory_space<vmem>>
    %dma_start3A_414 = arith.constant 0 : i32
    %dma_start3A_415 = arith.constant 0 : i32
    %dma_start3A_416 = tpu.memref_slice %arg2[%dma_start3A_414, %dma_start3A_415] : memref<10240x64xf32, #tpu.memory_space<hbm>> -> memref<10240x64xf32, #tpu.memory_space<hbm>>
    tpu.enqueue_indirect_dma source(%dma_start3A_416 : memref<10240x64xf32, #tpu.memory_space<hbm>>) target(%arg8 : memref<512x64xf32, #tpu.memory_space<vmem>>) offsets(%dma_start3A_413 : memref<512xi32, #tpu.memory_space<vmem>>) semaphore(%arg11 : memref<!tpu.dma_semaphore, #tpu.memory_space<semaphore_mem>>)
    %dma_wait3A_417 = arith.constant 14 : i32
    %dma_wait3A_418 = arith.constant 0 : i32
    %dma_wait3A_419 = tpu.memref_slice %arg6[%dma_wait3A_417, %dma_wait3A_418] : memref<20x512xi32, #tpu.memory_space<vmem>> -> memref<1x512xi32, #tpu.memory_space<vmem>>
    %dma_wait3A_420 = tpu.memref_squeeze %dma_wait3A_419 : memref<1x512xi32, #tpu.memory_space<vmem>> -> memref<512xi32, #tpu.memory_space<vmem>>
    %dma_wait3A_421 = arith.constant 0 : i32
    %dma_wait3A_422 = arith.constant 0 : i32
    %dma_wait3A_423 = tpu.memref_slice %arg2[%dma_wait3A_421, %dma_wait3A_422] : memref<10240x64xf32, #tpu.memory_space<hbm>> -> memref<10240x64xf32, #tpu.memory_space<hbm>>
    tpu.wait_indirect_dma semaphore(%arg11 : memref<!tpu.dma_semaphore, #tpu.memory_space<semaphore_mem>>) src(%dma_wait3A_423 : memref<10240x64xf32, #tpu.memory_space<hbm>>) dst(%arg8 : memref<512x64xf32, #tpu.memory_space<vmem>>)
    %dma_start3A_424 = arith.constant 14 : i32
    %dma_start3A_425 = arith.constant 0 : i32
    %dma_start3A_426 = tpu.memref_slice %arg7[%dma_start3A_424, %dma_start3A_425] : memref<20x512xi32, #tpu.memory_space<vmem>> -> memref<1x512xi32, #tpu.memory_space<vmem>>
    %dma_start3A_427 = tpu.memref_squeeze %dma_start3A_426 : memref<1x512xi32, #tpu.memory_space<vmem>> -> memref<512xi32, #tpu.memory_space<vmem>>
    %dma_start3A_428 = arith.constant 0 : i32
    %dma_start3A_429 = arith.constant 0 : i32
    %dma_start3A_430 = tpu.memref_slice %arg10[%dma_start3A_428, %dma_start3A_429] : memref<10240x64xf32, #tpu.memory_space<vmem_shared>> -> memref<10240x64xf32, #tpu.memory_space<vmem_shared>>
    tpu.enqueue_indirect_dma source(%arg8 : memref<512x64xf32, #tpu.memory_space<vmem>>) target(%dma_start3A_430 : memref<10240x64xf32, #tpu.memory_space<vmem_shared>>) offsets(%dma_start3A_427 : memref<512xi32, #tpu.memory_space<vmem>>) semaphore(%arg13 : memref<!tpu.dma_semaphore, #tpu.memory_space<semaphore_mem>>) {add = true}
    %dma_wait3A_431 = arith.constant 13 : i32
    %dma_wait3A_432 = arith.constant 0 : i32
    %dma_wait3A_433 = tpu.memref_slice %arg7[%dma_wait3A_431, %dma_wait3A_432] : memref<20x512xi32, #tpu.memory_space<vmem>> -> memref<1x512xi32, #tpu.memory_space<vmem>>
    %dma_wait3A_434 = tpu.memref_squeeze %dma_wait3A_433 : memref<1x512xi32, #tpu.memory_space<vmem>> -> memref<512xi32, #tpu.memory_space<vmem>>
    %dma_wait3A_435 = arith.constant 0 : i32
    %dma_wait3A_436 = arith.constant 0 : i32
    %dma_wait3A_437 = tpu.memref_slice %arg10[%dma_wait3A_435, %dma_wait3A_436] : memref<10240x64xf32, #tpu.memory_space<vmem_shared>> -> memref<10240x64xf32, #tpu.memory_space<vmem_shared>>
    tpu.wait_indirect_dma semaphore(%arg14 : memref<!tpu.dma_semaphore, #tpu.memory_space<semaphore_mem>>) src(%arg9 : memref<512x64xf32, #tpu.memory_space<vmem>>) dst(%dma_wait3A_437 : memref<10240x64xf32, #tpu.memory_space<vmem_shared>>)
    %dma_start3A_438 = arith.constant 15 : i32
    %dma_start3A_439 = arith.constant 0 : i32
    %dma_start3A_440 = tpu.memref_slice %arg6[%dma_start3A_438, %dma_start3A_439] : memref<20x512xi32, #tpu.memory_space<vmem>> -> memref<1x512xi32, #tpu.memory_space<vmem>>
    %dma_start3A_441 = tpu.memref_squeeze %dma_start3A_440 : memref<1x512xi32, #tpu.memory_space<vmem>> -> memref<512xi32, #tpu.memory_space<vmem>>
    %dma_start3A_442 = arith.constant 0 : i32
    %dma_start3A_443 = arith.constant 0 : i32
    %dma_start3A_444 = tpu.memref_slice %arg2[%dma_start3A_442, %dma_start3A_443] : memref<10240x64xf32, #tpu.memory_space<hbm>> -> memref<10240x64xf32, #tpu.memory_space<hbm>>
    tpu.enqueue_indirect_dma source(%dma_start3A_444 : memref<10240x64xf32, #tpu.memory_space<hbm>>) target(%arg9 : memref<512x64xf32, #tpu.memory_space<vmem>>) offsets(%dma_start3A_441 : memref<512xi32, #tpu.memory_space<vmem>>) semaphore(%arg12 : memref<!tpu.dma_semaphore, #tpu.memory_space<semaphore_mem>>)
    %dma_wait3A_445 = arith.constant 15 : i32
    %dma_wait3A_446 = arith.constant 0 : i32
    %dma_wait3A_447 = tpu.memref_slice %arg6[%dma_wait3A_445, %dma_wait3A_446] : memref<20x512xi32, #tpu.memory_space<vmem>> -> memref<1x512xi32, #tpu.memory_space<vmem>>
    %dma_wait3A_448 = tpu.memref_squeeze %dma_wait3A_447 : memref<1x512xi32, #tpu.memory_space<vmem>> -> memref<512xi32, #tpu.memory_space<vmem>>
    %dma_wait3A_449 = arith.constant 0 : i32
    %dma_wait3A_450 = arith.constant 0 : i32
    %dma_wait3A_451 = tpu.memref_slice %arg2[%dma_wait3A_449, %dma_wait3A_450] : memref<10240x64xf32, #tpu.memory_space<hbm>> -> memref<10240x64xf32, #tpu.memory_space<hbm>>
    tpu.wait_indirect_dma semaphore(%arg12 : memref<!tpu.dma_semaphore, #tpu.memory_space<semaphore_mem>>) src(%dma_wait3A_451 : memref<10240x64xf32, #tpu.memory_space<hbm>>) dst(%arg9 : memref<512x64xf32, #tpu.memory_space<vmem>>)
    %dma_start3A_452 = arith.constant 15 : i32
    %dma_start3A_453 = arith.constant 0 : i32
    %dma_start3A_454 = tpu.memref_slice %arg7[%dma_start3A_452, %dma_start3A_453] : memref<20x512xi32, #tpu.memory_space<vmem>> -> memref<1x512xi32, #tpu.memory_space<vmem>>
    %dma_start3A_455 = tpu.memref_squeeze %dma_start3A_454 : memref<1x512xi32, #tpu.memory_space<vmem>> -> memref<512xi32, #tpu.memory_space<vmem>>
    %dma_start3A_456 = arith.constant 0 : i32
    %dma_start3A_457 = arith.constant 0 : i32
    %dma_start3A_458 = tpu.memref_slice %arg10[%dma_start3A_456, %dma_start3A_457] : memref<10240x64xf32, #tpu.memory_space<vmem_shared>> -> memref<10240x64xf32, #tpu.memory_space<vmem_shared>>
    tpu.enqueue_indirect_dma source(%arg9 : memref<512x64xf32, #tpu.memory_space<vmem>>) target(%dma_start3A_458 : memref<10240x64xf32, #tpu.memory_space<vmem_shared>>) offsets(%dma_start3A_455 : memref<512xi32, #tpu.memory_space<vmem>>) semaphore(%arg14 : memref<!tpu.dma_semaphore, #tpu.memory_space<semaphore_mem>>) {add = true}
    %dma_wait3A_459 = arith.constant 14 : i32
    %dma_wait3A_460 = arith.constant 0 : i32
    %dma_wait3A_461 = tpu.memref_slice %arg7[%dma_wait3A_459, %dma_wait3A_460] : memref<20x512xi32, #tpu.memory_space<vmem>> -> memref<1x512xi32, #tpu.memory_space<vmem>>
    %dma_wait3A_462 = tpu.memref_squeeze %dma_wait3A_461 : memref<1x512xi32, #tpu.memory_space<vmem>> -> memref<512xi32, #tpu.memory_space<vmem>>
    %dma_wait3A_463 = arith.constant 0 : i32
    %dma_wait3A_464 = arith.constant 0 : i32
    %dma_wait3A_465 = tpu.memref_slice %arg10[%dma_wait3A_463, %dma_wait3A_464] : memref<10240x64xf32, #tpu.memory_space<vmem_shared>> -> memref<10240x64xf32, #tpu.memory_space<vmem_shared>>
    tpu.wait_indirect_dma semaphore(%arg13 : memref<!tpu.dma_semaphore, #tpu.memory_space<semaphore_mem>>) src(%arg8 : memref<512x64xf32, #tpu.memory_space<vmem>>) dst(%dma_wait3A_465 : memref<10240x64xf32, #tpu.memory_space<vmem_shared>>)
    %dma_start3A_466 = arith.constant 16 : i32
    %dma_start3A_467 = arith.constant 0 : i32
    %dma_start3A_468 = tpu.memref_slice %arg6[%dma_start3A_466, %dma_start3A_467] : memref<20x512xi32, #tpu.memory_space<vmem>> -> memref<1x512xi32, #tpu.memory_space<vmem>>
    %dma_start3A_469 = tpu.memref_squeeze %dma_start3A_468 : memref<1x512xi32, #tpu.memory_space<vmem>> -> memref<512xi32, #tpu.memory_space<vmem>>
    %dma_start3A_470 = arith.constant 0 : i32
    %dma_start3A_471 = arith.constant 0 : i32
    %dma_start3A_472 = tpu.memref_slice %arg2[%dma_start3A_470, %dma_start3A_471] : memref<10240x64xf32, #tpu.memory_space<hbm>> -> memref<10240x64xf32, #tpu.memory_space<hbm>>
    tpu.enqueue_indirect_dma source(%dma_start3A_472 : memref<10240x64xf32, #tpu.memory_space<hbm>>) target(%arg8 : memref<512x64xf32, #tpu.memory_space<vmem>>) offsets(%dma_start3A_469 : memref<512xi32, #tpu.memory_space<vmem>>) semaphore(%arg11 : memref<!tpu.dma_semaphore, #tpu.memory_space<semaphore_mem>>)
    %dma_wait3A_473 = arith.constant 16 : i32
    %dma_wait3A_474 = arith.constant 0 : i32
    %dma_wait3A_475 = tpu.memref_slice %arg6[%dma_wait3A_473, %dma_wait3A_474] : memref<20x512xi32, #tpu.memory_space<vmem>> -> memref<1x512xi32, #tpu.memory_space<vmem>>
    %dma_wait3A_476 = tpu.memref_squeeze %dma_wait3A_475 : memref<1x512xi32, #tpu.memory_space<vmem>> -> memref<512xi32, #tpu.memory_space<vmem>>
    %dma_wait3A_477 = arith.constant 0 : i32
    %dma_wait3A_478 = arith.constant 0 : i32
    %dma_wait3A_479 = tpu.memref_slice %arg2[%dma_wait3A_477, %dma_wait3A_478] : memref<10240x64xf32, #tpu.memory_space<hbm>> -> memref<10240x64xf32, #tpu.memory_space<hbm>>
    tpu.wait_indirect_dma semaphore(%arg11 : memref<!tpu.dma_semaphore, #tpu.memory_space<semaphore_mem>>) src(%dma_wait3A_479 : memref<10240x64xf32, #tpu.memory_space<hbm>>) dst(%arg8 : memref<512x64xf32, #tpu.memory_space<vmem>>)
    %dma_start3A_480 = arith.constant 16 : i32
    %dma_start3A_481 = arith.constant 0 : i32
    %dma_start3A_482 = tpu.memref_slice %arg7[%dma_start3A_480, %dma_start3A_481] : memref<20x512xi32, #tpu.memory_space<vmem>> -> memref<1x512xi32, #tpu.memory_space<vmem>>
    %dma_start3A_483 = tpu.memref_squeeze %dma_start3A_482 : memref<1x512xi32, #tpu.memory_space<vmem>> -> memref<512xi32, #tpu.memory_space<vmem>>
    %dma_start3A_484 = arith.constant 0 : i32
    %dma_start3A_485 = arith.constant 0 : i32
    %dma_start3A_486 = tpu.memref_slice %arg10[%dma_start3A_484, %dma_start3A_485] : memref<10240x64xf32, #tpu.memory_space<vmem_shared>> -> memref<10240x64xf32, #tpu.memory_space<vmem_shared>>
    tpu.enqueue_indirect_dma source(%arg8 : memref<512x64xf32, #tpu.memory_space<vmem>>) target(%dma_start3A_486 : memref<10240x64xf32, #tpu.memory_space<vmem_shared>>) offsets(%dma_start3A_483 : memref<512xi32, #tpu.memory_space<vmem>>) semaphore(%arg13 : memref<!tpu.dma_semaphore, #tpu.memory_space<semaphore_mem>>) {add = true}
    %dma_wait3A_487 = arith.constant 15 : i32
    %dma_wait3A_488 = arith.constant 0 : i32
    %dma_wait3A_489 = tpu.memref_slice %arg7[%dma_wait3A_487, %dma_wait3A_488] : memref<20x512xi32, #tpu.memory_space<vmem>> -> memref<1x512xi32, #tpu.memory_space<vmem>>
    %dma_wait3A_490 = tpu.memref_squeeze %dma_wait3A_489 : memref<1x512xi32, #tpu.memory_space<vmem>> -> memref<512xi32, #tpu.memory_space<vmem>>
    %dma_wait3A_491 = arith.constant 0 : i32
    %dma_wait3A_492 = arith.constant 0 : i32
    %dma_wait3A_493 = tpu.memref_slice %arg10[%dma_wait3A_491, %dma_wait3A_492] : memref<10240x64xf32, #tpu.memory_space<vmem_shared>> -> memref<10240x64xf32, #tpu.memory_space<vmem_shared>>
    tpu.wait_indirect_dma semaphore(%arg14 : memref<!tpu.dma_semaphore, #tpu.memory_space<semaphore_mem>>) src(%arg9 : memref<512x64xf32, #tpu.memory_space<vmem>>) dst(%dma_wait3A_493 : memref<10240x64xf32, #tpu.memory_space<vmem_shared>>)
    %dma_start3A_494 = arith.constant 17 : i32
    %dma_start3A_495 = arith.constant 0 : i32
    %dma_start3A_496 = tpu.memref_slice %arg6[%dma_start3A_494, %dma_start3A_495] : memref<20x512xi32, #tpu.memory_space<vmem>> -> memref<1x512xi32, #tpu.memory_space<vmem>>
    %dma_start3A_497 = tpu.memref_squeeze %dma_start3A_496 : memref<1x512xi32, #tpu.memory_space<vmem>> -> memref<512xi32, #tpu.memory_space<vmem>>
    %dma_start3A_498 = arith.constant 0 : i32
    %dma_start3A_499 = arith.constant 0 : i32
    %dma_start3A_500 = tpu.memref_slice %arg2[%dma_start3A_498, %dma_start3A_499] : memref<10240x64xf32, #tpu.memory_space<hbm>> -> memref<10240x64xf32, #tpu.memory_space<hbm>>
    tpu.enqueue_indirect_dma source(%dma_start3A_500 : memref<10240x64xf32, #tpu.memory_space<hbm>>) target(%arg9 : memref<512x64xf32, #tpu.memory_space<vmem>>) offsets(%dma_start3A_497 : memref<512xi32, #tpu.memory_space<vmem>>) semaphore(%arg12 : memref<!tpu.dma_semaphore, #tpu.memory_space<semaphore_mem>>)
    %dma_wait3A_501 = arith.constant 17 : i32
    %dma_wait3A_502 = arith.constant 0 : i32
    %dma_wait3A_503 = tpu.memref_slice %arg6[%dma_wait3A_501, %dma_wait3A_502] : memref<20x512xi32, #tpu.memory_space<vmem>> -> memref<1x512xi32, #tpu.memory_space<vmem>>
    %dma_wait3A_504 = tpu.memref_squeeze %dma_wait3A_503 : memref<1x512xi32, #tpu.memory_space<vmem>> -> memref<512xi32, #tpu.memory_space<vmem>>
    %dma_wait3A_505 = arith.constant 0 : i32
    %dma_wait3A_506 = arith.constant 0 : i32
    %dma_wait3A_507 = tpu.memref_slice %arg2[%dma_wait3A_505, %dma_wait3A_506] : memref<10240x64xf32, #tpu.memory_space<hbm>> -> memref<10240x64xf32, #tpu.memory_space<hbm>>
    tpu.wait_indirect_dma semaphore(%arg12 : memref<!tpu.dma_semaphore, #tpu.memory_space<semaphore_mem>>) src(%dma_wait3A_507 : memref<10240x64xf32, #tpu.memory_space<hbm>>) dst(%arg9 : memref<512x64xf32, #tpu.memory_space<vmem>>)
    %dma_start3A_508 = arith.constant 17 : i32
    %dma_start3A_509 = arith.constant 0 : i32
    %dma_start3A_510 = tpu.memref_slice %arg7[%dma_start3A_508, %dma_start3A_509] : memref<20x512xi32, #tpu.memory_space<vmem>> -> memref<1x512xi32, #tpu.memory_space<vmem>>
    %dma_start3A_511 = tpu.memref_squeeze %dma_start3A_510 : memref<1x512xi32, #tpu.memory_space<vmem>> -> memref<512xi32, #tpu.memory_space<vmem>>
    %dma_start3A_512 = arith.constant 0 : i32
    %dma_start3A_513 = arith.constant 0 : i32
    %dma_start3A_514 = tpu.memref_slice %arg10[%dma_start3A_512, %dma_start3A_513] : memref<10240x64xf32, #tpu.memory_space<vmem_shared>> -> memref<10240x64xf32, #tpu.memory_space<vmem_shared>>
    tpu.enqueue_indirect_dma source(%arg9 : memref<512x64xf32, #tpu.memory_space<vmem>>) target(%dma_start3A_514 : memref<10240x64xf32, #tpu.memory_space<vmem_shared>>) offsets(%dma_start3A_511 : memref<512xi32, #tpu.memory_space<vmem>>) semaphore(%arg14 : memref<!tpu.dma_semaphore, #tpu.memory_space<semaphore_mem>>) {add = true}
    %dma_wait3A_515 = arith.constant 16 : i32
    %dma_wait3A_516 = arith.constant 0 : i32
    %dma_wait3A_517 = tpu.memref_slice %arg7[%dma_wait3A_515, %dma_wait3A_516] : memref<20x512xi32, #tpu.memory_space<vmem>> -> memref<1x512xi32, #tpu.memory_space<vmem>>
    %dma_wait3A_518 = tpu.memref_squeeze %dma_wait3A_517 : memref<1x512xi32, #tpu.memory_space<vmem>> -> memref<512xi32, #tpu.memory_space<vmem>>
    %dma_wait3A_519 = arith.constant 0 : i32
    %dma_wait3A_520 = arith.constant 0 : i32
    %dma_wait3A_521 = tpu.memref_slice %arg10[%dma_wait3A_519, %dma_wait3A_520] : memref<10240x64xf32, #tpu.memory_space<vmem_shared>> -> memref<10240x64xf32, #tpu.memory_space<vmem_shared>>
    tpu.wait_indirect_dma semaphore(%arg13 : memref<!tpu.dma_semaphore, #tpu.memory_space<semaphore_mem>>) src(%arg8 : memref<512x64xf32, #tpu.memory_space<vmem>>) dst(%dma_wait3A_521 : memref<10240x64xf32, #tpu.memory_space<vmem_shared>>)
    %dma_start3A_522 = arith.constant 18 : i32
    %dma_start3A_523 = arith.constant 0 : i32
    %dma_start3A_524 = tpu.memref_slice %arg6[%dma_start3A_522, %dma_start3A_523] : memref<20x512xi32, #tpu.memory_space<vmem>> -> memref<1x512xi32, #tpu.memory_space<vmem>>
    %dma_start3A_525 = tpu.memref_squeeze %dma_start3A_524 : memref<1x512xi32, #tpu.memory_space<vmem>> -> memref<512xi32, #tpu.memory_space<vmem>>
    %dma_start3A_526 = arith.constant 0 : i32
    %dma_start3A_527 = arith.constant 0 : i32
    %dma_start3A_528 = tpu.memref_slice %arg2[%dma_start3A_526, %dma_start3A_527] : memref<10240x64xf32, #tpu.memory_space<hbm>> -> memref<10240x64xf32, #tpu.memory_space<hbm>>
    tpu.enqueue_indirect_dma source(%dma_start3A_528 : memref<10240x64xf32, #tpu.memory_space<hbm>>) target(%arg8 : memref<512x64xf32, #tpu.memory_space<vmem>>) offsets(%dma_start3A_525 : memref<512xi32, #tpu.memory_space<vmem>>) semaphore(%arg11 : memref<!tpu.dma_semaphore, #tpu.memory_space<semaphore_mem>>)
    %dma_wait3A_529 = arith.constant 18 : i32
    %dma_wait3A_530 = arith.constant 0 : i32
    %dma_wait3A_531 = tpu.memref_slice %arg6[%dma_wait3A_529, %dma_wait3A_530] : memref<20x512xi32, #tpu.memory_space<vmem>> -> memref<1x512xi32, #tpu.memory_space<vmem>>
    %dma_wait3A_532 = tpu.memref_squeeze %dma_wait3A_531 : memref<1x512xi32, #tpu.memory_space<vmem>> -> memref<512xi32, #tpu.memory_space<vmem>>
    %dma_wait3A_533 = arith.constant 0 : i32
    %dma_wait3A_534 = arith.constant 0 : i32
    %dma_wait3A_535 = tpu.memref_slice %arg2[%dma_wait3A_533, %dma_wait3A_534] : memref<10240x64xf32, #tpu.memory_space<hbm>> -> memref<10240x64xf32, #tpu.memory_space<hbm>>
    tpu.wait_indirect_dma semaphore(%arg11 : memref<!tpu.dma_semaphore, #tpu.memory_space<semaphore_mem>>) src(%dma_wait3A_535 : memref<10240x64xf32, #tpu.memory_space<hbm>>) dst(%arg8 : memref<512x64xf32, #tpu.memory_space<vmem>>)
    %dma_start3A_536 = arith.constant 18 : i32
    %dma_start3A_537 = arith.constant 0 : i32
    %dma_start3A_538 = tpu.memref_slice %arg7[%dma_start3A_536, %dma_start3A_537] : memref<20x512xi32, #tpu.memory_space<vmem>> -> memref<1x512xi32, #tpu.memory_space<vmem>>
    %dma_start3A_539 = tpu.memref_squeeze %dma_start3A_538 : memref<1x512xi32, #tpu.memory_space<vmem>> -> memref<512xi32, #tpu.memory_space<vmem>>
    %dma_start3A_540 = arith.constant 0 : i32
    %dma_start3A_541 = arith.constant 0 : i32
    %dma_start3A_542 = tpu.memref_slice %arg10[%dma_start3A_540, %dma_start3A_541] : memref<10240x64xf32, #tpu.memory_space<vmem_shared>> -> memref<10240x64xf32, #tpu.memory_space<vmem_shared>>
    tpu.enqueue_indirect_dma source(%arg8 : memref<512x64xf32, #tpu.memory_space<vmem>>) target(%dma_start3A_542 : memref<10240x64xf32, #tpu.memory_space<vmem_shared>>) offsets(%dma_start3A_539 : memref<512xi32, #tpu.memory_space<vmem>>) semaphore(%arg13 : memref<!tpu.dma_semaphore, #tpu.memory_space<semaphore_mem>>) {add = true}
    %dma_wait3A_543 = arith.constant 17 : i32
    %dma_wait3A_544 = arith.constant 0 : i32
    %dma_wait3A_545 = tpu.memref_slice %arg7[%dma_wait3A_543, %dma_wait3A_544] : memref<20x512xi32, #tpu.memory_space<vmem>> -> memref<1x512xi32, #tpu.memory_space<vmem>>
    %dma_wait3A_546 = tpu.memref_squeeze %dma_wait3A_545 : memref<1x512xi32, #tpu.memory_space<vmem>> -> memref<512xi32, #tpu.memory_space<vmem>>
    %dma_wait3A_547 = arith.constant 0 : i32
    %dma_wait3A_548 = arith.constant 0 : i32
    %dma_wait3A_549 = tpu.memref_slice %arg10[%dma_wait3A_547, %dma_wait3A_548] : memref<10240x64xf32, #tpu.memory_space<vmem_shared>> -> memref<10240x64xf32, #tpu.memory_space<vmem_shared>>
    tpu.wait_indirect_dma semaphore(%arg14 : memref<!tpu.dma_semaphore, #tpu.memory_space<semaphore_mem>>) src(%arg9 : memref<512x64xf32, #tpu.memory_space<vmem>>) dst(%dma_wait3A_549 : memref<10240x64xf32, #tpu.memory_space<vmem_shared>>)
    %dma_start3A_550 = arith.constant 19 : i32
    %dma_start3A_551 = arith.constant 0 : i32
    %dma_start3A_552 = tpu.memref_slice %arg6[%dma_start3A_550, %dma_start3A_551] : memref<20x512xi32, #tpu.memory_space<vmem>> -> memref<1x512xi32, #tpu.memory_space<vmem>>
    %dma_start3A_553 = tpu.memref_squeeze %dma_start3A_552 : memref<1x512xi32, #tpu.memory_space<vmem>> -> memref<512xi32, #tpu.memory_space<vmem>>
    %dma_start3A_554 = arith.constant 0 : i32
    %dma_start3A_555 = arith.constant 0 : i32
    %dma_start3A_556 = tpu.memref_slice %arg2[%dma_start3A_554, %dma_start3A_555] : memref<10240x64xf32, #tpu.memory_space<hbm>> -> memref<10240x64xf32, #tpu.memory_space<hbm>>
    tpu.enqueue_indirect_dma source(%dma_start3A_556 : memref<10240x64xf32, #tpu.memory_space<hbm>>) target(%arg9 : memref<512x64xf32, #tpu.memory_space<vmem>>) offsets(%dma_start3A_553 : memref<512xi32, #tpu.memory_space<vmem>>) semaphore(%arg12 : memref<!tpu.dma_semaphore, #tpu.memory_space<semaphore_mem>>)
    %dma_wait3A_557 = arith.constant 19 : i32
    %dma_wait3A_558 = arith.constant 0 : i32
    %dma_wait3A_559 = tpu.memref_slice %arg6[%dma_wait3A_557, %dma_wait3A_558] : memref<20x512xi32, #tpu.memory_space<vmem>> -> memref<1x512xi32, #tpu.memory_space<vmem>>
    %dma_wait3A_560 = tpu.memref_squeeze %dma_wait3A_559 : memref<1x512xi32, #tpu.memory_space<vmem>> -> memref<512xi32, #tpu.memory_space<vmem>>
    %dma_wait3A_561 = arith.constant 0 : i32
    %dma_wait3A_562 = arith.constant 0 : i32
    %dma_wait3A_563 = tpu.memref_slice %arg2[%dma_wait3A_561, %dma_wait3A_562] : memref<10240x64xf32, #tpu.memory_space<hbm>> -> memref<10240x64xf32, #tpu.memory_space<hbm>>
    tpu.wait_indirect_dma semaphore(%arg12 : memref<!tpu.dma_semaphore, #tpu.memory_space<semaphore_mem>>) src(%dma_wait3A_563 : memref<10240x64xf32, #tpu.memory_space<hbm>>) dst(%arg9 : memref<512x64xf32, #tpu.memory_space<vmem>>)
    %dma_start3A_564 = arith.constant 19 : i32
    %dma_start3A_565 = arith.constant 0 : i32
    %dma_start3A_566 = tpu.memref_slice %arg7[%dma_start3A_564, %dma_start3A_565] : memref<20x512xi32, #tpu.memory_space<vmem>> -> memref<1x512xi32, #tpu.memory_space<vmem>>
    %dma_start3A_567 = tpu.memref_squeeze %dma_start3A_566 : memref<1x512xi32, #tpu.memory_space<vmem>> -> memref<512xi32, #tpu.memory_space<vmem>>
    %dma_start3A_568 = arith.constant 0 : i32
    %dma_start3A_569 = arith.constant 0 : i32
    %dma_start3A_570 = tpu.memref_slice %arg10[%dma_start3A_568, %dma_start3A_569] : memref<10240x64xf32, #tpu.memory_space<vmem_shared>> -> memref<10240x64xf32, #tpu.memory_space<vmem_shared>>
    tpu.enqueue_indirect_dma source(%arg9 : memref<512x64xf32, #tpu.memory_space<vmem>>) target(%dma_start3A_570 : memref<10240x64xf32, #tpu.memory_space<vmem_shared>>) offsets(%dma_start3A_567 : memref<512xi32, #tpu.memory_space<vmem>>) semaphore(%arg14 : memref<!tpu.dma_semaphore, #tpu.memory_space<semaphore_mem>>) {add = true}
    %dma_wait3A_571 = arith.constant 18 : i32
    %dma_wait3A_572 = arith.constant 0 : i32
    %dma_wait3A_573 = tpu.memref_slice %arg7[%dma_wait3A_571, %dma_wait3A_572] : memref<20x512xi32, #tpu.memory_space<vmem>> -> memref<1x512xi32, #tpu.memory_space<vmem>>
    %dma_wait3A_574 = tpu.memref_squeeze %dma_wait3A_573 : memref<1x512xi32, #tpu.memory_space<vmem>> -> memref<512xi32, #tpu.memory_space<vmem>>
    %dma_wait3A_575 = arith.constant 0 : i32
    %dma_wait3A_576 = arith.constant 0 : i32
    %dma_wait3A_577 = tpu.memref_slice %arg10[%dma_wait3A_575, %dma_wait3A_576] : memref<10240x64xf32, #tpu.memory_space<vmem_shared>> -> memref<10240x64xf32, #tpu.memory_space<vmem_shared>>
    tpu.wait_indirect_dma semaphore(%arg13 : memref<!tpu.dma_semaphore, #tpu.memory_space<semaphore_mem>>) src(%arg8 : memref<512x64xf32, #tpu.memory_space<vmem>>) dst(%dma_wait3A_577 : memref<10240x64xf32, #tpu.memory_space<vmem_shared>>)
    %dma_wait3A_578 = arith.constant 19 : i32
    %dma_wait3A_579 = arith.constant 0 : i32
    %dma_wait3A_580 = tpu.memref_slice %arg7[%dma_wait3A_578, %dma_wait3A_579] : memref<20x512xi32, #tpu.memory_space<vmem>> -> memref<1x512xi32, #tpu.memory_space<vmem>>
    %dma_wait3A_581 = tpu.memref_squeeze %dma_wait3A_580 : memref<1x512xi32, #tpu.memory_space<vmem>> -> memref<512xi32, #tpu.memory_space<vmem>>
    %dma_wait3A_582 = arith.constant 0 : i32
    %dma_wait3A_583 = arith.constant 0 : i32
    %dma_wait3A_584 = tpu.memref_slice %arg10[%dma_wait3A_582, %dma_wait3A_583] : memref<10240x64xf32, #tpu.memory_space<vmem_shared>> -> memref<10240x64xf32, #tpu.memory_space<vmem_shared>>
    tpu.wait_indirect_dma semaphore(%arg14 : memref<!tpu.dma_semaphore, #tpu.memory_space<semaphore_mem>>) src(%arg9 : memref<512x64xf32, #tpu.memory_space<vmem>>) dst(%dma_wait3A_584 : memref<10240x64xf32, #tpu.memory_space<vmem_shared>>)
    %barrier3A_585 = arith.constant 0 : index
    tpu.barrier barrier_id(%barrier3A_585)
    %mul3A_586 = arith.constant 640 : i32
    %mul3A_587 = arith.muli %arg1, %mul3A_586 : i32
    %mul3A_588 = arith.constant 640 : i32
    %mul3A_589 = arith.muli %arg1, %mul3A_588 : i32
    "tpu.region"() ({
      %run_scoped3A = tpu.sem_alloc : memref<!tpu.dma_semaphore, #tpu.memory_space<semaphore_mem>>
      %dma_start3A_590 = arith.constant 0 : i32
      %dma_start3A_591 = arith.constant 0 : i32
      %dma_start3A_592 = tpu.memref_slice %arg5[%arg0, %dma_start3A_590, %dma_start3A_591] : memref<2x10240x64xf32, #tpu.memory_space<hbm>> -> memref<1x10240x64xf32, #tpu.memory_space<hbm>>
      %dma_start3A_593 = tpu.memref_squeeze %dma_start3A_592 : memref<1x10240x64xf32, #tpu.memory_space<hbm>> -> memref<10240x64xf32, #tpu.memory_space<hbm>>
      %dma_start3A_594 = arith.constant 0 : i32
      %dma_start3A_595 = tpu.memref_slice %dma_start3A_593[%mul3A_589, %dma_start3A_594] : memref<10240x64xf32, #tpu.memory_space<hbm>> -> memref<640x64xf32, #tpu.memory_space<hbm>>
      %dma_start3A_596 = arith.constant 0 : i32
      %dma_start3A_597 = tpu.memref_slice %arg10[%mul3A_587, %dma_start3A_596] : memref<10240x64xf32, #tpu.memory_space<vmem_shared>> -> memref<640x64xf32, #tpu.memory_space<vmem_shared>>
      tpu.enqueue_dma source(%dma_start3A_597 : memref<640x64xf32, #tpu.memory_space<vmem_shared>>) target(%dma_start3A_595 : memref<640x64xf32, #tpu.memory_space<hbm>>) target_semaphore(%run_scoped3A : memref<!tpu.dma_semaphore, #tpu.memory_space<semaphore_mem>>)
      %dma_wait3A_598 = arith.constant 0 : i32
      %dma_wait3A_599 = arith.constant 0 : i32
      %dma_wait3A_600 = tpu.memref_slice %arg5[%arg0, %dma_wait3A_598, %dma_wait3A_599] : memref<2x10240x64xf32, #tpu.memory_space<hbm>> -> memref<1x10240x64xf32, #tpu.memory_space<hbm>>
      %dma_wait3A_601 = tpu.memref_squeeze %dma_wait3A_600 : memref<1x10240x64xf32, #tpu.memory_space<hbm>> -> memref<10240x64xf32, #tpu.memory_space<hbm>>
      %dma_wait3A_602 = arith.constant 0 : i32
      %dma_wait3A_603 = tpu.memref_slice %dma_wait3A_601[%mul3A_589, %dma_wait3A_602] : memref<10240x64xf32, #tpu.memory_space<hbm>> -> memref<640x64xf32, #tpu.memory_space<hbm>>
      %dma_wait3A_604 = arith.constant 0 : i32
      %dma_wait3A_605 = tpu.memref_slice %arg10[%mul3A_587, %dma_wait3A_604] : memref<10240x64xf32, #tpu.memory_space<vmem_shared>> -> memref<640x64xf32, #tpu.memory_space<vmem_shared>>
      tpu.wait_dma2 semaphore(%run_scoped3A : memref<!tpu.dma_semaphore, #tpu.memory_space<semaphore_mem>>) src(%dma_wait3A_605 : memref<640x64xf32, #tpu.memory_space<vmem_shared>>) dst(%dma_wait3A_603 : memref<640x64xf32, #tpu.memory_space<hbm>>)
      tpu.yield
    }) : () -> ()
    return
  }
}

#map = affine_map<(d0, d1) -> (0, 0)>
#map1 = affine_map<(d0, d1) -> (0, 0, 0)>
module attributes {stable_mosaic.version = 14 : i64} {
  func.func @_sc_agg_body(%arg0: i32, %arg1: i32, %arg2: memref<10240x64xf32, #tpu.memory_space<hbm>>, %arg3: memref<640x512xi32, #tpu.memory_space<hbm>>, %arg4: memref<640x512xi32, #tpu.memory_space<hbm>>, %arg5: memref<2x10240x64xf32, #tpu.memory_space<hbm>>, %arg6: memref<20x512xi32, #tpu.memory_space<vmem>>, %arg7: memref<20x512xi32, #tpu.memory_space<vmem>>, %arg8: memref<512x64xf32, #tpu.memory_space<vmem>>, %arg9: memref<512x64xf32, #tpu.memory_space<vmem>>, %arg10: memref<10240x64xf32, #tpu.memory_space<vmem_shared>>, %arg11: memref<!tpu.dma_semaphore, #tpu.memory_space<semaphore_mem>>, %arg12: memref<!tpu.dma_semaphore, #tpu.memory_space<semaphore_mem>>, %arg13: memref<!tpu.dma_semaphore, #tpu.memory_space<semaphore_mem>>, %arg14: memref<!tpu.dma_semaphore, #tpu.memory_space<semaphore_mem>>) attributes {dimension_semantics = [#tpu.dimension_semantics<core_parallel>, #tpu.dimension_semantics<subcore_parallel>], iteration_bounds = array<i64: 2, 16>, scalar_prefetch = 0 : i64, scratch_operands = 9 : i64, tpu.core_type = #tpu.core_type<sc_vector_subcore>, window_params = [{transform_indices = #map}, {transform_indices = #map}, {transform_indices = #map}, {transform_indices = #map1}]} {
    %scan3A = arith.constant 0 : i32
    %scan3A_0 = arith.constant 128 : i32
    %scan3A_1 = arith.addi %scan3A, %scan3A_0 : i32
    %scan3A_2 = arith.constant 1 : i32
    scf.for %scan3A_590 = %scan3A to %scan3A_1 step %scan3A_2  : i32 {
      %broadcast_in_dim3A = arith.constant 0.000000e+00 : f32
      %broadcast_in_dim3A_591 = vector.broadcast %broadcast_in_dim3A : f32 to vector<16xf32>
      %swap3A = arith.index_cast %scan3A_590 : i32 to index
      %swap3A_592 = arith.constant 0 : index
      %swap3A_593 = tpu.vector_load %arg8[%swap3A, %swap3A_592] {strides = array<i32>} : memref<512x64xf32, #tpu.memory_space<vmem>>, vector<1x16xf32>,
      %swap3A_594 = vector.shape_cast %swap3A_593 : vector<1x16xf32> to vector<16xf32>
      %swap3A_595 = vector.shape_cast %broadcast_in_dim3A_591 : vector<16xf32> to vector<1x16xf32>
      tpu.vector_store %arg8[%swap3A, %swap3A_592], %swap3A_595 {strides = array<i32>} : memref<512x64xf32, #tpu.memory_space<vmem>>, vector<1x16xf32>,
      %swap3A_596 = arith.index_cast %scan3A_590 : i32 to index
      %swap3A_597 = arith.constant 16 : index
      %swap3A_598 = tpu.vector_load %arg8[%swap3A_596, %swap3A_597] {strides = array<i32>} : memref<512x64xf32, #tpu.memory_space<vmem>>, vector<1x16xf32>,
      %swap3A_599 = vector.shape_cast %swap3A_598 : vector<1x16xf32> to vector<16xf32>
      %swap3A_600 = vector.shape_cast %broadcast_in_dim3A_591 : vector<16xf32> to vector<1x16xf32>
      tpu.vector_store %arg8[%swap3A_596, %swap3A_597], %swap3A_600 {strides = array<i32>} : memref<512x64xf32, #tpu.memory_space<vmem>>, vector<1x16xf32>,
      %swap3A_601 = arith.index_cast %scan3A_590 : i32 to index
      %swap3A_602 = arith.constant 32 : index
      %swap3A_603 = tpu.vector_load %arg8[%swap3A_601, %swap3A_602] {strides = array<i32>} : memref<512x64xf32, #tpu.memory_space<vmem>>, vector<1x16xf32>,
      %swap3A_604 = vector.shape_cast %swap3A_603 : vector<1x16xf32> to vector<16xf32>
      %swap3A_605 = vector.shape_cast %broadcast_in_dim3A_591 : vector<16xf32> to vector<1x16xf32>
      tpu.vector_store %arg8[%swap3A_601, %swap3A_602], %swap3A_605 {strides = array<i32>} : memref<512x64xf32, #tpu.memory_space<vmem>>, vector<1x16xf32>,
      %swap3A_606 = arith.index_cast %scan3A_590 : i32 to index
      %swap3A_607 = arith.constant 48 : index
      %swap3A_608 = tpu.vector_load %arg8[%swap3A_606, %swap3A_607] {strides = array<i32>} : memref<512x64xf32, #tpu.memory_space<vmem>>, vector<1x16xf32>,
      %swap3A_609 = vector.shape_cast %swap3A_608 : vector<1x16xf32> to vector<16xf32>
      %swap3A_610 = vector.shape_cast %broadcast_in_dim3A_591 : vector<16xf32> to vector<1x16xf32>
      tpu.vector_store %arg8[%swap3A_606, %swap3A_607], %swap3A_610 {strides = array<i32>} : memref<512x64xf32, #tpu.memory_space<vmem>>, vector<1x16xf32>,
    }
    %scan3A_3 = arith.constant 128 : i32
    %mul3A = arith.constant 640 : i32
    %mul3A_4 = arith.muli %arg1, %mul3A : i32
    %add3A = arith.constant 0 : i32
    %add3A_5 = arith.addi %mul3A_4, %add3A : i32
    "tpu.region"() ({
      %run_scoped3A = tpu.sem_alloc : memref<!tpu.dma_semaphore, #tpu.memory_space<semaphore_mem>>
      %dma_start3A_590 = arith.constant 0 : i32
      %dma_start3A_591 = arith.constant 0 : i32
      %dma_start3A_592 = tpu.memref_slice %arg8[%dma_start3A_590, %dma_start3A_591] : memref<512x64xf32, #tpu.memory_space<vmem>> -> memref<128x64xf32, #tpu.memory_space<vmem>>
      %dma_start3A_593 = arith.constant 0 : i32
      %dma_start3A_594 = tpu.memref_slice %arg10[%add3A_5, %dma_start3A_593] : memref<10240x64xf32, #tpu.memory_space<vmem_shared>> -> memref<128x64xf32, #tpu.memory_space<vmem_shared>>
      %dma_start3A_595 = arith.constant 0 : i32
      %dma_start3A_596 = tpu.memref_slice %arg10[%add3A_5, %dma_start3A_595] : memref<10240x64xf32, #tpu.memory_space<vmem_shared>> -> memref<128x64xf32, #tpu.memory_space<vmem_shared>>
      %dma_start3A_597 = arith.constant 0 : i32
      %dma_start3A_598 = arith.constant 0 : i32
      %dma_start3A_599 = tpu.memref_slice %arg8[%dma_start3A_597, %dma_start3A_598] : memref<512x64xf32, #tpu.memory_space<vmem>> -> memref<128x64xf32, #tpu.memory_space<vmem>>
      tpu.enqueue_dma source(%dma_start3A_599 : memref<128x64xf32, #tpu.memory_space<vmem>>) target(%dma_start3A_596 : memref<128x64xf32, #tpu.memory_space<vmem_shared>>) target_semaphore(%run_scoped3A : memref<!tpu.dma_semaphore, #tpu.memory_space<semaphore_mem>>)
      %dma_wait3A_600 = arith.constant 0 : i32
      %dma_wait3A_601 = arith.constant 0 : i32
      %dma_wait3A_602 = tpu.memref_slice %arg8[%dma_wait3A_600, %dma_wait3A_601] : memref<512x64xf32, #tpu.memory_space<vmem>> -> memref<128x64xf32, #tpu.memory_space<vmem>>
      %dma_wait3A_603 = arith.constant 0 : i32
      %dma_wait3A_604 = tpu.memref_slice %arg10[%add3A_5, %dma_wait3A_603] : memref<10240x64xf32, #tpu.memory_space<vmem_shared>> -> memref<128x64xf32, #tpu.memory_space<vmem_shared>>
      %dma_wait3A_605 = arith.constant 0 : i32
      %dma_wait3A_606 = tpu.memref_slice %arg10[%add3A_5, %dma_wait3A_605] : memref<10240x64xf32, #tpu.memory_space<vmem_shared>> -> memref<128x64xf32, #tpu.memory_space<vmem_shared>>
      %dma_wait3A_607 = arith.constant 0 : i32
      %dma_wait3A_608 = arith.constant 0 : i32
      %dma_wait3A_609 = tpu.memref_slice %arg8[%dma_wait3A_607, %dma_wait3A_608] : memref<512x64xf32, #tpu.memory_space<vmem>> -> memref<128x64xf32, #tpu.memory_space<vmem>>
      tpu.wait_dma2 semaphore(%run_scoped3A : memref<!tpu.dma_semaphore, #tpu.memory_space<semaphore_mem>>) src(%dma_wait3A_609 : memref<128x64xf32, #tpu.memory_space<vmem>>) dst(%dma_wait3A_606 : memref<128x64xf32, #tpu.memory_space<vmem_shared>>)
      tpu.yield
    }) : () -> ()
    %mul3A_6 = arith.constant 640 : i32
    %mul3A_7 = arith.muli %arg1, %mul3A_6 : i32
    %add3A_8 = arith.constant 128 : i32
    %add3A_9 = arith.addi %mul3A_7, %add3A_8 : i32
    "tpu.region"() ({
      %run_scoped3A = tpu.sem_alloc : memref<!tpu.dma_semaphore, #tpu.memory_space<semaphore_mem>>
      %dma_start3A_590 = arith.constant 0 : i32
      %dma_start3A_591 = arith.constant 0 : i32
      %dma_start3A_592 = tpu.memref_slice %arg8[%dma_start3A_590, %dma_start3A_591] : memref<512x64xf32, #tpu.memory_space<vmem>> -> memref<128x64xf32, #tpu.memory_space<vmem>>
      %dma_start3A_593 = arith.constant 0 : i32
      %dma_start3A_594 = tpu.memref_slice %arg10[%add3A_9, %dma_start3A_593] : memref<10240x64xf32, #tpu.memory_space<vmem_shared>> -> memref<128x64xf32, #tpu.memory_space<vmem_shared>>
      %dma_start3A_595 = arith.constant 0 : i32
      %dma_start3A_596 = tpu.memref_slice %arg10[%add3A_9, %dma_start3A_595] : memref<10240x64xf32, #tpu.memory_space<vmem_shared>> -> memref<128x64xf32, #tpu.memory_space<vmem_shared>>
      %dma_start3A_597 = arith.constant 0 : i32
      %dma_start3A_598 = arith.constant 0 : i32
      %dma_start3A_599 = tpu.memref_slice %arg8[%dma_start3A_597, %dma_start3A_598] : memref<512x64xf32, #tpu.memory_space<vmem>> -> memref<128x64xf32, #tpu.memory_space<vmem>>
      tpu.enqueue_dma source(%dma_start3A_599 : memref<128x64xf32, #tpu.memory_space<vmem>>) target(%dma_start3A_596 : memref<128x64xf32, #tpu.memory_space<vmem_shared>>) target_semaphore(%run_scoped3A : memref<!tpu.dma_semaphore, #tpu.memory_space<semaphore_mem>>)
      %dma_wait3A_600 = arith.constant 0 : i32
      %dma_wait3A_601 = arith.constant 0 : i32
      %dma_wait3A_602 = tpu.memref_slice %arg8[%dma_wait3A_600, %dma_wait3A_601] : memref<512x64xf32, #tpu.memory_space<vmem>> -> memref<128x64xf32, #tpu.memory_space<vmem>>
      %dma_wait3A_603 = arith.constant 0 : i32
      %dma_wait3A_604 = tpu.memref_slice %arg10[%add3A_9, %dma_wait3A_603] : memref<10240x64xf32, #tpu.memory_space<vmem_shared>> -> memref<128x64xf32, #tpu.memory_space<vmem_shared>>
      %dma_wait3A_605 = arith.constant 0 : i32
      %dma_wait3A_606 = tpu.memref_slice %arg10[%add3A_9, %dma_wait3A_605] : memref<10240x64xf32, #tpu.memory_space<vmem_shared>> -> memref<128x64xf32, #tpu.memory_space<vmem_shared>>
      %dma_wait3A_607 = arith.constant 0 : i32
      %dma_wait3A_608 = arith.constant 0 : i32
      %dma_wait3A_609 = tpu.memref_slice %arg8[%dma_wait3A_607, %dma_wait3A_608] : memref<512x64xf32, #tpu.memory_space<vmem>> -> memref<128x64xf32, #tpu.memory_space<vmem>>
      tpu.wait_dma2 semaphore(%run_scoped3A : memref<!tpu.dma_semaphore, #tpu.memory_space<semaphore_mem>>) src(%dma_wait3A_609 : memref<128x64xf32, #tpu.memory_space<vmem>>) dst(%dma_wait3A_606 : memref<128x64xf32, #tpu.memory_space<vmem_shared>>)
      tpu.yield
    }) : () -> ()
    %mul3A_10 = arith.constant 640 : i32
    %mul3A_11 = arith.muli %arg1, %mul3A_10 : i32
    %add3A_12 = arith.constant 256 : i32
    %add3A_13 = arith.addi %mul3A_11, %add3A_12 : i32
    "tpu.region"() ({
      %run_scoped3A = tpu.sem_alloc : memref<!tpu.dma_semaphore, #tpu.memory_space<semaphore_mem>>
      %dma_start3A_590 = arith.constant 0 : i32
      %dma_start3A_591 = arith.constant 0 : i32
      %dma_start3A_592 = tpu.memref_slice %arg8[%dma_start3A_590, %dma_start3A_591] : memref<512x64xf32, #tpu.memory_space<vmem>> -> memref<128x64xf32, #tpu.memory_space<vmem>>
      %dma_start3A_593 = arith.constant 0 : i32
      %dma_start3A_594 = tpu.memref_slice %arg10[%add3A_13, %dma_start3A_593] : memref<10240x64xf32, #tpu.memory_space<vmem_shared>> -> memref<128x64xf32, #tpu.memory_space<vmem_shared>>
      %dma_start3A_595 = arith.constant 0 : i32
      %dma_start3A_596 = tpu.memref_slice %arg10[%add3A_13, %dma_start3A_595] : memref<10240x64xf32, #tpu.memory_space<vmem_shared>> -> memref<128x64xf32, #tpu.memory_space<vmem_shared>>
      %dma_start3A_597 = arith.constant 0 : i32
      %dma_start3A_598 = arith.constant 0 : i32
      %dma_start3A_599 = tpu.memref_slice %arg8[%dma_start3A_597, %dma_start3A_598] : memref<512x64xf32, #tpu.memory_space<vmem>> -> memref<128x64xf32, #tpu.memory_space<vmem>>
      tpu.enqueue_dma source(%dma_start3A_599 : memref<128x64xf32, #tpu.memory_space<vmem>>) target(%dma_start3A_596 : memref<128x64xf32, #tpu.memory_space<vmem_shared>>) target_semaphore(%run_scoped3A : memref<!tpu.dma_semaphore, #tpu.memory_space<semaphore_mem>>)
      %dma_wait3A_600 = arith.constant 0 : i32
      %dma_wait3A_601 = arith.constant 0 : i32
      %dma_wait3A_602 = tpu.memref_slice %arg8[%dma_wait3A_600, %dma_wait3A_601] : memref<512x64xf32, #tpu.memory_space<vmem>> -> memref<128x64xf32, #tpu.memory_space<vmem>>
      %dma_wait3A_603 = arith.constant 0 : i32
      %dma_wait3A_604 = tpu.memref_slice %arg10[%add3A_13, %dma_wait3A_603] : memref<10240x64xf32, #tpu.memory_space<vmem_shared>> -> memref<128x64xf32, #tpu.memory_space<vmem_shared>>
      %dma_wait3A_605 = arith.constant 0 : i32
      %dma_wait3A_606 = tpu.memref_slice %arg10[%add3A_13, %dma_wait3A_605] : memref<10240x64xf32, #tpu.memory_space<vmem_shared>> -> memref<128x64xf32, #tpu.memory_space<vmem_shared>>
      %dma_wait3A_607 = arith.constant 0 : i32
      %dma_wait3A_608 = arith.constant 0 : i32
      %dma_wait3A_609 = tpu.memref_slice %arg8[%dma_wait3A_607, %dma_wait3A_608] : memref<512x64xf32, #tpu.memory_space<vmem>> -> memref<128x64xf32, #tpu.memory_space<vmem>>
      tpu.wait_dma2 semaphore(%run_scoped3A : memref<!tpu.dma_semaphore, #tpu.memory_space<semaphore_mem>>) src(%dma_wait3A_609 : memref<128x64xf32, #tpu.memory_space<vmem>>) dst(%dma_wait3A_606 : memref<128x64xf32, #tpu.memory_space<vmem_shared>>)
      tpu.yield
    }) : () -> ()
    %mul3A_14 = arith.constant 640 : i32
    %mul3A_15 = arith.muli %arg1, %mul3A_14 : i32
    %add3A_16 = arith.constant 384 : i32
    %add3A_17 = arith.addi %mul3A_15, %add3A_16 : i32
    "tpu.region"() ({
      %run_scoped3A = tpu.sem_alloc : memref<!tpu.dma_semaphore, #tpu.memory_space<semaphore_mem>>
      %dma_start3A_590 = arith.constant 0 : i32
      %dma_start3A_591 = arith.constant 0 : i32
      %dma_start3A_592 = tpu.memref_slice %arg8[%dma_start3A_590, %dma_start3A_591] : memref<512x64xf32, #tpu.memory_space<vmem>> -> memref<128x64xf32, #tpu.memory_space<vmem>>
      %dma_start3A_593 = arith.constant 0 : i32
      %dma_start3A_594 = tpu.memref_slice %arg10[%add3A_17, %dma_start3A_593] : memref<10240x64xf32, #tpu.memory_space<vmem_shared>> -> memref<128x64xf32, #tpu.memory_space<vmem_shared>>
      %dma_start3A_595 = arith.constant 0 : i32
      %dma_start3A_596 = tpu.memref_slice %arg10[%add3A_17, %dma_start3A_595] : memref<10240x64xf32, #tpu.memory_space<vmem_shared>> -> memref<128x64xf32, #tpu.memory_space<vmem_shared>>
      %dma_start3A_597 = arith.constant 0 : i32
      %dma_start3A_598 = arith.constant 0 : i32
      %dma_start3A_599 = tpu.memref_slice %arg8[%dma_start3A_597, %dma_start3A_598] : memref<512x64xf32, #tpu.memory_space<vmem>> -> memref<128x64xf32, #tpu.memory_space<vmem>>
      tpu.enqueue_dma source(%dma_start3A_599 : memref<128x64xf32, #tpu.memory_space<vmem>>) target(%dma_start3A_596 : memref<128x64xf32, #tpu.memory_space<vmem_shared>>) target_semaphore(%run_scoped3A : memref<!tpu.dma_semaphore, #tpu.memory_space<semaphore_mem>>)
      %dma_wait3A_600 = arith.constant 0 : i32
      %dma_wait3A_601 = arith.constant 0 : i32
      %dma_wait3A_602 = tpu.memref_slice %arg8[%dma_wait3A_600, %dma_wait3A_601] : memref<512x64xf32, #tpu.memory_space<vmem>> -> memref<128x64xf32, #tpu.memory_space<vmem>>
      %dma_wait3A_603 = arith.constant 0 : i32
      %dma_wait3A_604 = tpu.memref_slice %arg10[%add3A_17, %dma_wait3A_603] : memref<10240x64xf32, #tpu.memory_space<vmem_shared>> -> memref<128x64xf32, #tpu.memory_space<vmem_shared>>
      %dma_wait3A_605 = arith.constant 0 : i32
      %dma_wait3A_606 = tpu.memref_slice %arg10[%add3A_17, %dma_wait3A_605] : memref<10240x64xf32, #tpu.memory_space<vmem_shared>> -> memref<128x64xf32, #tpu.memory_space<vmem_shared>>
      %dma_wait3A_607 = arith.constant 0 : i32
      %dma_wait3A_608 = arith.constant 0 : i32
      %dma_wait3A_609 = tpu.memref_slice %arg8[%dma_wait3A_607, %dma_wait3A_608] : memref<512x64xf32, #tpu.memory_space<vmem>> -> memref<128x64xf32, #tpu.memory_space<vmem>>
      tpu.wait_dma2 semaphore(%run_scoped3A : memref<!tpu.dma_semaphore, #tpu.memory_space<semaphore_mem>>) src(%dma_wait3A_609 : memref<128x64xf32, #tpu.memory_space<vmem>>) dst(%dma_wait3A_606 : memref<128x64xf32, #tpu.memory_space<vmem_shared>>)
      tpu.yield
    }) : () -> ()
    %mul3A_18 = arith.constant 640 : i32
    %mul3A_19 = arith.muli %arg1, %mul3A_18 : i32
    %add3A_20 = arith.constant 512 : i32
    %add3A_21 = arith.addi %mul3A_19, %add3A_20 : i32
    "tpu.region"() ({
      %run_scoped3A = tpu.sem_alloc : memref<!tpu.dma_semaphore, #tpu.memory_space<semaphore_mem>>
      %dma_start3A_590 = arith.constant 0 : i32
      %dma_start3A_591 = arith.constant 0 : i32
      %dma_start3A_592 = tpu.memref_slice %arg8[%dma_start3A_590, %dma_start3A_591] : memref<512x64xf32, #tpu.memory_space<vmem>> -> memref<128x64xf32, #tpu.memory_space<vmem>>
      %dma_start3A_593 = arith.constant 0 : i32
      %dma_start3A_594 = tpu.memref_slice %arg10[%add3A_21, %dma_start3A_593] : memref<10240x64xf32, #tpu.memory_space<vmem_shared>> -> memref<128x64xf32, #tpu.memory_space<vmem_shared>>
      %dma_start3A_595 = arith.constant 0 : i32
      %dma_start3A_596 = tpu.memref_slice %arg10[%add3A_21, %dma_start3A_595] : memref<10240x64xf32, #tpu.memory_space<vmem_shared>> -> memref<128x64xf32, #tpu.memory_space<vmem_shared>>
      %dma_start3A_597 = arith.constant 0 : i32
      %dma_start3A_598 = arith.constant 0 : i32
      %dma_start3A_599 = tpu.memref_slice %arg8[%dma_start3A_597, %dma_start3A_598] : memref<512x64xf32, #tpu.memory_space<vmem>> -> memref<128x64xf32, #tpu.memory_space<vmem>>
      tpu.enqueue_dma source(%dma_start3A_599 : memref<128x64xf32, #tpu.memory_space<vmem>>) target(%dma_start3A_596 : memref<128x64xf32, #tpu.memory_space<vmem_shared>>) target_semaphore(%run_scoped3A : memref<!tpu.dma_semaphore, #tpu.memory_space<semaphore_mem>>)
      %dma_wait3A_600 = arith.constant 0 : i32
      %dma_wait3A_601 = arith.constant 0 : i32
      %dma_wait3A_602 = tpu.memref_slice %arg8[%dma_wait3A_600, %dma_wait3A_601] : memref<512x64xf32, #tpu.memory_space<vmem>> -> memref<128x64xf32, #tpu.memory_space<vmem>>
      %dma_wait3A_603 = arith.constant 0 : i32
      %dma_wait3A_604 = tpu.memref_slice %arg10[%add3A_21, %dma_wait3A_603] : memref<10240x64xf32, #tpu.memory_space<vmem_shared>> -> memref<128x64xf32, #tpu.memory_space<vmem_shared>>
      %dma_wait3A_605 = arith.constant 0 : i32
      %dma_wait3A_606 = tpu.memref_slice %arg10[%add3A_21, %dma_wait3A_605] : memref<10240x64xf32, #tpu.memory_space<vmem_shared>> -> memref<128x64xf32, #tpu.memory_space<vmem_shared>>
      %dma_wait3A_607 = arith.constant 0 : i32
      %dma_wait3A_608 = arith.constant 0 : i32
      %dma_wait3A_609 = tpu.memref_slice %arg8[%dma_wait3A_607, %dma_wait3A_608] : memref<512x64xf32, #tpu.memory_space<vmem>> -> memref<128x64xf32, #tpu.memory_space<vmem>>
      tpu.wait_dma2 semaphore(%run_scoped3A : memref<!tpu.dma_semaphore, #tpu.memory_space<semaphore_mem>>) src(%dma_wait3A_609 : memref<128x64xf32, #tpu.memory_space<vmem>>) dst(%dma_wait3A_606 : memref<128x64xf32, #tpu.memory_space<vmem_shared>>)
      tpu.yield
    }) : () -> ()
    %barrier3A = arith.constant 0 : index
    tpu.barrier barrier_id(%barrier3A)
    %mul3A_22 = arith.constant 16 : i32
    %mul3A_23 = arith.muli %arg0, %mul3A_22 : i32
    %add3A_24 = arith.addi %mul3A_23, %arg1 : i32
    %mul3A_25 = arith.constant 20 : i32
    %mul3A_26 = arith.muli %add3A_24, %mul3A_25 : i32
    "tpu.region"() ({
      %run_scoped3A = tpu.sem_alloc : memref<!tpu.dma_semaphore, #tpu.memory_space<semaphore_mem>>
      %dma_start3A_590 = arith.constant 0 : i32
      %dma_start3A_591 = tpu.memref_slice %arg3[%mul3A_26, %dma_start3A_590] : memref<640x512xi32, #tpu.memory_space<hbm>> -> memref<20x512xi32, #tpu.memory_space<hbm>>
      %dma_start3A_592 = arith.constant 0 : i32
      %dma_start3A_593 = tpu.memref_slice %arg3[%mul3A_26, %dma_start3A_592] : memref<640x512xi32, #tpu.memory_space<hbm>> -> memref<20x512xi32, #tpu.memory_space<hbm>>
      tpu.enqueue_dma source(%dma_start3A_593 : memref<20x512xi32, #tpu.memory_space<hbm>>) target(%arg6 : memref<20x512xi32, #tpu.memory_space<vmem>>) target_semaphore(%run_scoped3A : memref<!tpu.dma_semaphore, #tpu.memory_space<semaphore_mem>>)
      %dma_wait3A_594 = arith.constant 0 : i32
      %dma_wait3A_595 = tpu.memref_slice %arg3[%mul3A_26, %dma_wait3A_594] : memref<640x512xi32, #tpu.memory_space<hbm>> -> memref<20x512xi32, #tpu.memory_space<hbm>>
      %dma_wait3A_596 = arith.constant 0 : i32
      %dma_wait3A_597 = tpu.memref_slice %arg3[%mul3A_26, %dma_wait3A_596] : memref<640x512xi32, #tpu.memory_space<hbm>> -> memref<20x512xi32, #tpu.memory_space<hbm>>
      tpu.wait_dma2 semaphore(%run_scoped3A : memref<!tpu.dma_semaphore, #tpu.memory_space<semaphore_mem>>) src(%dma_wait3A_597 : memref<20x512xi32, #tpu.memory_space<hbm>>) dst(%arg6 : memref<20x512xi32, #tpu.memory_space<vmem>>)
      tpu.yield
    }) : () -> ()
    "tpu.region"() ({
      %run_scoped3A = tpu.sem_alloc : memref<!tpu.dma_semaphore, #tpu.memory_space<semaphore_mem>>
      %dma_start3A_590 = arith.constant 0 : i32
      %dma_start3A_591 = tpu.memref_slice %arg4[%mul3A_26, %dma_start3A_590] : memref<640x512xi32, #tpu.memory_space<hbm>> -> memref<20x512xi32, #tpu.memory_space<hbm>>
      %dma_start3A_592 = arith.constant 0 : i32
      %dma_start3A_593 = tpu.memref_slice %arg4[%mul3A_26, %dma_start3A_592] : memref<640x512xi32, #tpu.memory_space<hbm>> -> memref<20x512xi32, #tpu.memory_space<hbm>>
      tpu.enqueue_dma source(%dma_start3A_593 : memref<20x512xi32, #tpu.memory_space<hbm>>) target(%arg7 : memref<20x512xi32, #tpu.memory_space<vmem>>) target_semaphore(%run_scoped3A : memref<!tpu.dma_semaphore, #tpu.memory_space<semaphore_mem>>)
      %dma_wait3A_594 = arith.constant 0 : i32
      %dma_wait3A_595 = tpu.memref_slice %arg4[%mul3A_26, %dma_wait3A_594] : memref<640x512xi32, #tpu.memory_space<hbm>> -> memref<20x512xi32, #tpu.memory_space<hbm>>
      %dma_wait3A_596 = arith.constant 0 : i32
      %dma_wait3A_597 = tpu.memref_slice %arg4[%mul3A_26, %dma_wait3A_596] : memref<640x512xi32, #tpu.memory_space<hbm>> -> memref<20x512xi32, #tpu.memory_space<hbm>>
      tpu.wait_dma2 semaphore(%run_scoped3A : memref<!tpu.dma_semaphore, #tpu.memory_space<semaphore_mem>>) src(%dma_wait3A_597 : memref<20x512xi32, #tpu.memory_space<hbm>>) dst(%arg7 : memref<20x512xi32, #tpu.memory_space<vmem>>)
      tpu.yield
    }) : () -> ()
    %dma_start3A = arith.constant 0 : i32
    %dma_start3A_27 = arith.constant 0 : i32
    %dma_start3A_28 = tpu.memref_slice %arg6[%dma_start3A, %dma_start3A_27] : memref<20x512xi32, #tpu.memory_space<vmem>> -> memref<1x512xi32, #tpu.memory_space<vmem>>
    %dma_start3A_29 = tpu.memref_squeeze %dma_start3A_28 : memref<1x512xi32, #tpu.memory_space<vmem>> -> memref<512xi32, #tpu.memory_space<vmem>>
    %dma_start3A_30 = arith.constant 0 : i32
    %dma_start3A_31 = arith.constant 0 : i32
    %dma_start3A_32 = tpu.memref_slice %arg2[%dma_start3A_30, %dma_start3A_31] : memref<10240x64xf32, #tpu.memory_space<hbm>> -> memref<10240x64xf32, #tpu.memory_space<hbm>>
    tpu.enqueue_indirect_dma source(%dma_start3A_32 : memref<10240x64xf32, #tpu.memory_space<hbm>>) target(%arg8 : memref<512x64xf32, #tpu.memory_space<vmem>>) offsets(%dma_start3A_29 : memref<512xi32, #tpu.memory_space<vmem>>) semaphore(%arg11 : memref<!tpu.dma_semaphore, #tpu.memory_space<semaphore_mem>>)
    %dma_wait3A = arith.constant 0 : i32
    %dma_wait3A_33 = arith.constant 0 : i32
    %dma_wait3A_34 = tpu.memref_slice %arg6[%dma_wait3A, %dma_wait3A_33] : memref<20x512xi32, #tpu.memory_space<vmem>> -> memref<1x512xi32, #tpu.memory_space<vmem>>
    %dma_wait3A_35 = tpu.memref_squeeze %dma_wait3A_34 : memref<1x512xi32, #tpu.memory_space<vmem>> -> memref<512xi32, #tpu.memory_space<vmem>>
    %dma_wait3A_36 = arith.constant 0 : i32
    %dma_wait3A_37 = arith.constant 0 : i32
    %dma_wait3A_38 = tpu.memref_slice %arg2[%dma_wait3A_36, %dma_wait3A_37] : memref<10240x64xf32, #tpu.memory_space<hbm>> -> memref<10240x64xf32, #tpu.memory_space<hbm>>
    tpu.wait_indirect_dma semaphore(%arg11 : memref<!tpu.dma_semaphore, #tpu.memory_space<semaphore_mem>>) src(%dma_wait3A_38 : memref<10240x64xf32, #tpu.memory_space<hbm>>) dst(%arg8 : memref<512x64xf32, #tpu.memory_space<vmem>>)
    %dma_start3A_39 = arith.constant 0 : i32
    %dma_start3A_40 = arith.constant 0 : i32
    %dma_start3A_41 = tpu.memref_slice %arg7[%dma_start3A_39, %dma_start3A_40] : memref<20x512xi32, #tpu.memory_space<vmem>> -> memref<1x512xi32, #tpu.memory_space<vmem>>
    %dma_start3A_42 = tpu.memref_squeeze %dma_start3A_41 : memref<1x512xi32, #tpu.memory_space<vmem>> -> memref<512xi32, #tpu.memory_space<vmem>>
    %dma_start3A_43 = arith.constant 0 : i32
    %dma_start3A_44 = arith.constant 0 : i32
    %dma_start3A_45 = tpu.memref_slice %arg10[%dma_start3A_43, %dma_start3A_44] : memref<10240x64xf32, #tpu.memory_space<vmem_shared>> -> memref<10240x64xf32, #tpu.memory_space<vmem_shared>>
    tpu.enqueue_indirect_dma source(%arg8 : memref<512x64xf32, #tpu.memory_space<vmem>>) target(%dma_start3A_45 : memref<10240x64xf32, #tpu.memory_space<vmem_shared>>) offsets(%dma_start3A_42 : memref<512xi32, #tpu.memory_space<vmem>>) semaphore(%arg13 : memref<!tpu.dma_semaphore, #tpu.memory_space<semaphore_mem>>) {add = true}
    %dma_start3A_46 = arith.constant 1 : i32
    %dma_start3A_47 = arith.constant 0 : i32
    %dma_start3A_48 = tpu.memref_slice %arg6[%dma_start3A_46, %dma_start3A_47] : memref<20x512xi32, #tpu.memory_space<vmem>> -> memref<1x512xi32, #tpu.memory_space<vmem>>
    %dma_start3A_49 = tpu.memref_squeeze %dma_start3A_48 : memref<1x512xi32, #tpu.memory_space<vmem>> -> memref<512xi32, #tpu.memory_space<vmem>>
    %dma_start3A_50 = arith.constant 0 : i32
    %dma_start3A_51 = arith.constant 0 : i32
    %dma_start3A_52 = tpu.memref_slice %arg2[%dma_start3A_50, %dma_start3A_51] : memref<10240x64xf32, #tpu.memory_space<hbm>> -> memref<10240x64xf32, #tpu.memory_space<hbm>>
    tpu.enqueue_indirect_dma source(%dma_start3A_52 : memref<10240x64xf32, #tpu.memory_space<hbm>>) target(%arg9 : memref<512x64xf32, #tpu.memory_space<vmem>>) offsets(%dma_start3A_49 : memref<512xi32, #tpu.memory_space<vmem>>) semaphore(%arg12 : memref<!tpu.dma_semaphore, #tpu.memory_space<semaphore_mem>>)
    %dma_wait3A_53 = arith.constant 1 : i32
    %dma_wait3A_54 = arith.constant 0 : i32
    %dma_wait3A_55 = tpu.memref_slice %arg6[%dma_wait3A_53, %dma_wait3A_54] : memref<20x512xi32, #tpu.memory_space<vmem>> -> memref<1x512xi32, #tpu.memory_space<vmem>>
    %dma_wait3A_56 = tpu.memref_squeeze %dma_wait3A_55 : memref<1x512xi32, #tpu.memory_space<vmem>> -> memref<512xi32, #tpu.memory_space<vmem>>
    %dma_wait3A_57 = arith.constant 0 : i32
    %dma_wait3A_58 = arith.constant 0 : i32
    %dma_wait3A_59 = tpu.memref_slice %arg2[%dma_wait3A_57, %dma_wait3A_58] : memref<10240x64xf32, #tpu.memory_space<hbm>> -> memref<10240x64xf32, #tpu.memory_space<hbm>>
    tpu.wait_indirect_dma semaphore(%arg12 : memref<!tpu.dma_semaphore, #tpu.memory_space<semaphore_mem>>) src(%dma_wait3A_59 : memref<10240x64xf32, #tpu.memory_space<hbm>>) dst(%arg9 : memref<512x64xf32, #tpu.memory_space<vmem>>)
    %dma_start3A_60 = arith.constant 1 : i32
    %dma_start3A_61 = arith.constant 0 : i32
    %dma_start3A_62 = tpu.memref_slice %arg7[%dma_start3A_60, %dma_start3A_61] : memref<20x512xi32, #tpu.memory_space<vmem>> -> memref<1x512xi32, #tpu.memory_space<vmem>>
    %dma_start3A_63 = tpu.memref_squeeze %dma_start3A_62 : memref<1x512xi32, #tpu.memory_space<vmem>> -> memref<512xi32, #tpu.memory_space<vmem>>
    %dma_start3A_64 = arith.constant 0 : i32
    %dma_start3A_65 = arith.constant 0 : i32
    %dma_start3A_66 = tpu.memref_slice %arg10[%dma_start3A_64, %dma_start3A_65] : memref<10240x64xf32, #tpu.memory_space<vmem_shared>> -> memref<10240x64xf32, #tpu.memory_space<vmem_shared>>
    tpu.enqueue_indirect_dma source(%arg9 : memref<512x64xf32, #tpu.memory_space<vmem>>) target(%dma_start3A_66 : memref<10240x64xf32, #tpu.memory_space<vmem_shared>>) offsets(%dma_start3A_63 : memref<512xi32, #tpu.memory_space<vmem>>) semaphore(%arg14 : memref<!tpu.dma_semaphore, #tpu.memory_space<semaphore_mem>>) {add = true}
    %dma_wait3A_67 = arith.constant 0 : i32
    %dma_wait3A_68 = arith.constant 0 : i32
    %dma_wait3A_69 = tpu.memref_slice %arg7[%dma_wait3A_67, %dma_wait3A_68] : memref<20x512xi32, #tpu.memory_space<vmem>> -> memref<1x512xi32, #tpu.memory_space<vmem>>
    %dma_wait3A_70 = tpu.memref_squeeze %dma_wait3A_69 : memref<1x512xi32, #tpu.memory_space<vmem>> -> memref<512xi32, #tpu.memory_space<vmem>>
    %dma_wait3A_71 = arith.constant 0 : i32
    %dma_wait3A_72 = arith.constant 0 : i32
    %dma_wait3A_73 = tpu.memref_slice %arg10[%dma_wait3A_71, %dma_wait3A_72] : memref<10240x64xf32, #tpu.memory_space<vmem_shared>> -> memref<10240x64xf32, #tpu.memory_space<vmem_shared>>
    tpu.wait_indirect_dma semaphore(%arg13 : memref<!tpu.dma_semaphore, #tpu.memory_space<semaphore_mem>>) src(%arg8 : memref<512x64xf32, #tpu.memory_space<vmem>>) dst(%dma_wait3A_73 : memref<10240x64xf32, #tpu.memory_space<vmem_shared>>)
    %dma_start3A_74 = arith.constant 2 : i32
    %dma_start3A_75 = arith.constant 0 : i32
    %dma_start3A_76 = tpu.memref_slice %arg6[%dma_start3A_74, %dma_start3A_75] : memref<20x512xi32, #tpu.memory_space<vmem>> -> memref<1x512xi32, #tpu.memory_space<vmem>>
    %dma_start3A_77 = tpu.memref_squeeze %dma_start3A_76 : memref<1x512xi32, #tpu.memory_space<vmem>> -> memref<512xi32, #tpu.memory_space<vmem>>
    %dma_start3A_78 = arith.constant 0 : i32
    %dma_start3A_79 = arith.constant 0 : i32
    %dma_start3A_80 = tpu.memref_slice %arg2[%dma_start3A_78, %dma_start3A_79] : memref<10240x64xf32, #tpu.memory_space<hbm>> -> memref<10240x64xf32, #tpu.memory_space<hbm>>
    tpu.enqueue_indirect_dma source(%dma_start3A_80 : memref<10240x64xf32, #tpu.memory_space<hbm>>) target(%arg8 : memref<512x64xf32, #tpu.memory_space<vmem>>) offsets(%dma_start3A_77 : memref<512xi32, #tpu.memory_space<vmem>>) semaphore(%arg11 : memref<!tpu.dma_semaphore, #tpu.memory_space<semaphore_mem>>)
    %dma_wait3A_81 = arith.constant 2 : i32
    %dma_wait3A_82 = arith.constant 0 : i32
    %dma_wait3A_83 = tpu.memref_slice %arg6[%dma_wait3A_81, %dma_wait3A_82] : memref<20x512xi32, #tpu.memory_space<vmem>> -> memref<1x512xi32, #tpu.memory_space<vmem>>
    %dma_wait3A_84 = tpu.memref_squeeze %dma_wait3A_83 : memref<1x512xi32, #tpu.memory_space<vmem>> -> memref<512xi32, #tpu.memory_space<vmem>>
    %dma_wait3A_85 = arith.constant 0 : i32
    %dma_wait3A_86 = arith.constant 0 : i32
    %dma_wait3A_87 = tpu.memref_slice %arg2[%dma_wait3A_85, %dma_wait3A_86] : memref<10240x64xf32, #tpu.memory_space<hbm>> -> memref<10240x64xf32, #tpu.memory_space<hbm>>
    tpu.wait_indirect_dma semaphore(%arg11 : memref<!tpu.dma_semaphore, #tpu.memory_space<semaphore_mem>>) src(%dma_wait3A_87 : memref<10240x64xf32, #tpu.memory_space<hbm>>) dst(%arg8 : memref<512x64xf32, #tpu.memory_space<vmem>>)
    %dma_start3A_88 = arith.constant 2 : i32
    %dma_start3A_89 = arith.constant 0 : i32
    %dma_start3A_90 = tpu.memref_slice %arg7[%dma_start3A_88, %dma_start3A_89] : memref<20x512xi32, #tpu.memory_space<vmem>> -> memref<1x512xi32, #tpu.memory_space<vmem>>
    %dma_start3A_91 = tpu.memref_squeeze %dma_start3A_90 : memref<1x512xi32, #tpu.memory_space<vmem>> -> memref<512xi32, #tpu.memory_space<vmem>>
    %dma_start3A_92 = arith.constant 0 : i32
    %dma_start3A_93 = arith.constant 0 : i32
    %dma_start3A_94 = tpu.memref_slice %arg10[%dma_start3A_92, %dma_start3A_93] : memref<10240x64xf32, #tpu.memory_space<vmem_shared>> -> memref<10240x64xf32, #tpu.memory_space<vmem_shared>>
    tpu.enqueue_indirect_dma source(%arg8 : memref<512x64xf32, #tpu.memory_space<vmem>>) target(%dma_start3A_94 : memref<10240x64xf32, #tpu.memory_space<vmem_shared>>) offsets(%dma_start3A_91 : memref<512xi32, #tpu.memory_space<vmem>>) semaphore(%arg13 : memref<!tpu.dma_semaphore, #tpu.memory_space<semaphore_mem>>) {add = true}
    %dma_wait3A_95 = arith.constant 1 : i32
    %dma_wait3A_96 = arith.constant 0 : i32
    %dma_wait3A_97 = tpu.memref_slice %arg7[%dma_wait3A_95, %dma_wait3A_96] : memref<20x512xi32, #tpu.memory_space<vmem>> -> memref<1x512xi32, #tpu.memory_space<vmem>>
    %dma_wait3A_98 = tpu.memref_squeeze %dma_wait3A_97 : memref<1x512xi32, #tpu.memory_space<vmem>> -> memref<512xi32, #tpu.memory_space<vmem>>
    %dma_wait3A_99 = arith.constant 0 : i32
    %dma_wait3A_100 = arith.constant 0 : i32
    %dma_wait3A_101 = tpu.memref_slice %arg10[%dma_wait3A_99, %dma_wait3A_100] : memref<10240x64xf32, #tpu.memory_space<vmem_shared>> -> memref<10240x64xf32, #tpu.memory_space<vmem_shared>>
    tpu.wait_indirect_dma semaphore(%arg14 : memref<!tpu.dma_semaphore, #tpu.memory_space<semaphore_mem>>) src(%arg9 : memref<512x64xf32, #tpu.memory_space<vmem>>) dst(%dma_wait3A_101 : memref<10240x64xf32, #tpu.memory_space<vmem_shared>>)
    %dma_start3A_102 = arith.constant 3 : i32
    %dma_start3A_103 = arith.constant 0 : i32
    %dma_start3A_104 = tpu.memref_slice %arg6[%dma_start3A_102, %dma_start3A_103] : memref<20x512xi32, #tpu.memory_space<vmem>> -> memref<1x512xi32, #tpu.memory_space<vmem>>
    %dma_start3A_105 = tpu.memref_squeeze %dma_start3A_104 : memref<1x512xi32, #tpu.memory_space<vmem>> -> memref<512xi32, #tpu.memory_space<vmem>>
    %dma_start3A_106 = arith.constant 0 : i32
    %dma_start3A_107 = arith.constant 0 : i32
    %dma_start3A_108 = tpu.memref_slice %arg2[%dma_start3A_106, %dma_start3A_107] : memref<10240x64xf32, #tpu.memory_space<hbm>> -> memref<10240x64xf32, #tpu.memory_space<hbm>>
    tpu.enqueue_indirect_dma source(%dma_start3A_108 : memref<10240x64xf32, #tpu.memory_space<hbm>>) target(%arg9 : memref<512x64xf32, #tpu.memory_space<vmem>>) offsets(%dma_start3A_105 : memref<512xi32, #tpu.memory_space<vmem>>) semaphore(%arg12 : memref<!tpu.dma_semaphore, #tpu.memory_space<semaphore_mem>>)
    %dma_wait3A_109 = arith.constant 3 : i32
    %dma_wait3A_110 = arith.constant 0 : i32
    %dma_wait3A_111 = tpu.memref_slice %arg6[%dma_wait3A_109, %dma_wait3A_110] : memref<20x512xi32, #tpu.memory_space<vmem>> -> memref<1x512xi32, #tpu.memory_space<vmem>>
    %dma_wait3A_112 = tpu.memref_squeeze %dma_wait3A_111 : memref<1x512xi32, #tpu.memory_space<vmem>> -> memref<512xi32, #tpu.memory_space<vmem>>
    %dma_wait3A_113 = arith.constant 0 : i32
    %dma_wait3A_114 = arith.constant 0 : i32
    %dma_wait3A_115 = tpu.memref_slice %arg2[%dma_wait3A_113, %dma_wait3A_114] : memref<10240x64xf32, #tpu.memory_space<hbm>> -> memref<10240x64xf32, #tpu.memory_space<hbm>>
    tpu.wait_indirect_dma semaphore(%arg12 : memref<!tpu.dma_semaphore, #tpu.memory_space<semaphore_mem>>) src(%dma_wait3A_115 : memref<10240x64xf32, #tpu.memory_space<hbm>>) dst(%arg9 : memref<512x64xf32, #tpu.memory_space<vmem>>)
    %dma_start3A_116 = arith.constant 3 : i32
    %dma_start3A_117 = arith.constant 0 : i32
    %dma_start3A_118 = tpu.memref_slice %arg7[%dma_start3A_116, %dma_start3A_117] : memref<20x512xi32, #tpu.memory_space<vmem>> -> memref<1x512xi32, #tpu.memory_space<vmem>>
    %dma_start3A_119 = tpu.memref_squeeze %dma_start3A_118 : memref<1x512xi32, #tpu.memory_space<vmem>> -> memref<512xi32, #tpu.memory_space<vmem>>
    %dma_start3A_120 = arith.constant 0 : i32
    %dma_start3A_121 = arith.constant 0 : i32
    %dma_start3A_122 = tpu.memref_slice %arg10[%dma_start3A_120, %dma_start3A_121] : memref<10240x64xf32, #tpu.memory_space<vmem_shared>> -> memref<10240x64xf32, #tpu.memory_space<vmem_shared>>
    tpu.enqueue_indirect_dma source(%arg9 : memref<512x64xf32, #tpu.memory_space<vmem>>) target(%dma_start3A_122 : memref<10240x64xf32, #tpu.memory_space<vmem_shared>>) offsets(%dma_start3A_119 : memref<512xi32, #tpu.memory_space<vmem>>) semaphore(%arg14 : memref<!tpu.dma_semaphore, #tpu.memory_space<semaphore_mem>>) {add = true}
    %dma_wait3A_123 = arith.constant 2 : i32
    %dma_wait3A_124 = arith.constant 0 : i32
    %dma_wait3A_125 = tpu.memref_slice %arg7[%dma_wait3A_123, %dma_wait3A_124] : memref<20x512xi32, #tpu.memory_space<vmem>> -> memref<1x512xi32, #tpu.memory_space<vmem>>
    %dma_wait3A_126 = tpu.memref_squeeze %dma_wait3A_125 : memref<1x512xi32, #tpu.memory_space<vmem>> -> memref<512xi32, #tpu.memory_space<vmem>>
    %dma_wait3A_127 = arith.constant 0 : i32
    %dma_wait3A_128 = arith.constant 0 : i32
    %dma_wait3A_129 = tpu.memref_slice %arg10[%dma_wait3A_127, %dma_wait3A_128] : memref<10240x64xf32, #tpu.memory_space<vmem_shared>> -> memref<10240x64xf32, #tpu.memory_space<vmem_shared>>
    tpu.wait_indirect_dma semaphore(%arg13 : memref<!tpu.dma_semaphore, #tpu.memory_space<semaphore_mem>>) src(%arg8 : memref<512x64xf32, #tpu.memory_space<vmem>>) dst(%dma_wait3A_129 : memref<10240x64xf32, #tpu.memory_space<vmem_shared>>)
    %dma_start3A_130 = arith.constant 4 : i32
    %dma_start3A_131 = arith.constant 0 : i32
    %dma_start3A_132 = tpu.memref_slice %arg6[%dma_start3A_130, %dma_start3A_131] : memref<20x512xi32, #tpu.memory_space<vmem>> -> memref<1x512xi32, #tpu.memory_space<vmem>>
    %dma_start3A_133 = tpu.memref_squeeze %dma_start3A_132 : memref<1x512xi32, #tpu.memory_space<vmem>> -> memref<512xi32, #tpu.memory_space<vmem>>
    %dma_start3A_134 = arith.constant 0 : i32
    %dma_start3A_135 = arith.constant 0 : i32
    %dma_start3A_136 = tpu.memref_slice %arg2[%dma_start3A_134, %dma_start3A_135] : memref<10240x64xf32, #tpu.memory_space<hbm>> -> memref<10240x64xf32, #tpu.memory_space<hbm>>
    tpu.enqueue_indirect_dma source(%dma_start3A_136 : memref<10240x64xf32, #tpu.memory_space<hbm>>) target(%arg8 : memref<512x64xf32, #tpu.memory_space<vmem>>) offsets(%dma_start3A_133 : memref<512xi32, #tpu.memory_space<vmem>>) semaphore(%arg11 : memref<!tpu.dma_semaphore, #tpu.memory_space<semaphore_mem>>)
    %dma_wait3A_137 = arith.constant 4 : i32
    %dma_wait3A_138 = arith.constant 0 : i32
    %dma_wait3A_139 = tpu.memref_slice %arg6[%dma_wait3A_137, %dma_wait3A_138] : memref<20x512xi32, #tpu.memory_space<vmem>> -> memref<1x512xi32, #tpu.memory_space<vmem>>
    %dma_wait3A_140 = tpu.memref_squeeze %dma_wait3A_139 : memref<1x512xi32, #tpu.memory_space<vmem>> -> memref<512xi32, #tpu.memory_space<vmem>>
    %dma_wait3A_141 = arith.constant 0 : i32
    %dma_wait3A_142 = arith.constant 0 : i32
    %dma_wait3A_143 = tpu.memref_slice %arg2[%dma_wait3A_141, %dma_wait3A_142] : memref<10240x64xf32, #tpu.memory_space<hbm>> -> memref<10240x64xf32, #tpu.memory_space<hbm>>
    tpu.wait_indirect_dma semaphore(%arg11 : memref<!tpu.dma_semaphore, #tpu.memory_space<semaphore_mem>>) src(%dma_wait3A_143 : memref<10240x64xf32, #tpu.memory_space<hbm>>) dst(%arg8 : memref<512x64xf32, #tpu.memory_space<vmem>>)
    %dma_start3A_144 = arith.constant 4 : i32
    %dma_start3A_145 = arith.constant 0 : i32
    %dma_start3A_146 = tpu.memref_slice %arg7[%dma_start3A_144, %dma_start3A_145] : memref<20x512xi32, #tpu.memory_space<vmem>> -> memref<1x512xi32, #tpu.memory_space<vmem>>
    %dma_start3A_147 = tpu.memref_squeeze %dma_start3A_146 : memref<1x512xi32, #tpu.memory_space<vmem>> -> memref<512xi32, #tpu.memory_space<vmem>>
    %dma_start3A_148 = arith.constant 0 : i32
    %dma_start3A_149 = arith.constant 0 : i32
    %dma_start3A_150 = tpu.memref_slice %arg10[%dma_start3A_148, %dma_start3A_149] : memref<10240x64xf32, #tpu.memory_space<vmem_shared>> -> memref<10240x64xf32, #tpu.memory_space<vmem_shared>>
    tpu.enqueue_indirect_dma source(%arg8 : memref<512x64xf32, #tpu.memory_space<vmem>>) target(%dma_start3A_150 : memref<10240x64xf32, #tpu.memory_space<vmem_shared>>) offsets(%dma_start3A_147 : memref<512xi32, #tpu.memory_space<vmem>>) semaphore(%arg13 : memref<!tpu.dma_semaphore, #tpu.memory_space<semaphore_mem>>) {add = true}
    %dma_wait3A_151 = arith.constant 3 : i32
    %dma_wait3A_152 = arith.constant 0 : i32
    %dma_wait3A_153 = tpu.memref_slice %arg7[%dma_wait3A_151, %dma_wait3A_152] : memref<20x512xi32, #tpu.memory_space<vmem>> -> memref<1x512xi32, #tpu.memory_space<vmem>>
    %dma_wait3A_154 = tpu.memref_squeeze %dma_wait3A_153 : memref<1x512xi32, #tpu.memory_space<vmem>> -> memref<512xi32, #tpu.memory_space<vmem>>
    %dma_wait3A_155 = arith.constant 0 : i32
    %dma_wait3A_156 = arith.constant 0 : i32
    %dma_wait3A_157 = tpu.memref_slice %arg10[%dma_wait3A_155, %dma_wait3A_156] : memref<10240x64xf32, #tpu.memory_space<vmem_shared>> -> memref<10240x64xf32, #tpu.memory_space<vmem_shared>>
    tpu.wait_indirect_dma semaphore(%arg14 : memref<!tpu.dma_semaphore, #tpu.memory_space<semaphore_mem>>) src(%arg9 : memref<512x64xf32, #tpu.memory_space<vmem>>) dst(%dma_wait3A_157 : memref<10240x64xf32, #tpu.memory_space<vmem_shared>>)
    %dma_start3A_158 = arith.constant 5 : i32
    %dma_start3A_159 = arith.constant 0 : i32
    %dma_start3A_160 = tpu.memref_slice %arg6[%dma_start3A_158, %dma_start3A_159] : memref<20x512xi32, #tpu.memory_space<vmem>> -> memref<1x512xi32, #tpu.memory_space<vmem>>
    %dma_start3A_161 = tpu.memref_squeeze %dma_start3A_160 : memref<1x512xi32, #tpu.memory_space<vmem>> -> memref<512xi32, #tpu.memory_space<vmem>>
    %dma_start3A_162 = arith.constant 0 : i32
    %dma_start3A_163 = arith.constant 0 : i32
    %dma_start3A_164 = tpu.memref_slice %arg2[%dma_start3A_162, %dma_start3A_163] : memref<10240x64xf32, #tpu.memory_space<hbm>> -> memref<10240x64xf32, #tpu.memory_space<hbm>>
    tpu.enqueue_indirect_dma source(%dma_start3A_164 : memref<10240x64xf32, #tpu.memory_space<hbm>>) target(%arg9 : memref<512x64xf32, #tpu.memory_space<vmem>>) offsets(%dma_start3A_161 : memref<512xi32, #tpu.memory_space<vmem>>) semaphore(%arg12 : memref<!tpu.dma_semaphore, #tpu.memory_space<semaphore_mem>>)
    %dma_wait3A_165 = arith.constant 5 : i32
    %dma_wait3A_166 = arith.constant 0 : i32
    %dma_wait3A_167 = tpu.memref_slice %arg6[%dma_wait3A_165, %dma_wait3A_166] : memref<20x512xi32, #tpu.memory_space<vmem>> -> memref<1x512xi32, #tpu.memory_space<vmem>>
    %dma_wait3A_168 = tpu.memref_squeeze %dma_wait3A_167 : memref<1x512xi32, #tpu.memory_space<vmem>> -> memref<512xi32, #tpu.memory_space<vmem>>
    %dma_wait3A_169 = arith.constant 0 : i32
    %dma_wait3A_170 = arith.constant 0 : i32
    %dma_wait3A_171 = tpu.memref_slice %arg2[%dma_wait3A_169, %dma_wait3A_170] : memref<10240x64xf32, #tpu.memory_space<hbm>> -> memref<10240x64xf32, #tpu.memory_space<hbm>>
    tpu.wait_indirect_dma semaphore(%arg12 : memref<!tpu.dma_semaphore, #tpu.memory_space<semaphore_mem>>) src(%dma_wait3A_171 : memref<10240x64xf32, #tpu.memory_space<hbm>>) dst(%arg9 : memref<512x64xf32, #tpu.memory_space<vmem>>)
    %dma_start3A_172 = arith.constant 5 : i32
    %dma_start3A_173 = arith.constant 0 : i32
    %dma_start3A_174 = tpu.memref_slice %arg7[%dma_start3A_172, %dma_start3A_173] : memref<20x512xi32, #tpu.memory_space<vmem>> -> memref<1x512xi32, #tpu.memory_space<vmem>>
    %dma_start3A_175 = tpu.memref_squeeze %dma_start3A_174 : memref<1x512xi32, #tpu.memory_space<vmem>> -> memref<512xi32, #tpu.memory_space<vmem>>
    %dma_start3A_176 = arith.constant 0 : i32
    %dma_start3A_177 = arith.constant 0 : i32
    %dma_start3A_178 = tpu.memref_slice %arg10[%dma_start3A_176, %dma_start3A_177] : memref<10240x64xf32, #tpu.memory_space<vmem_shared>> -> memref<10240x64xf32, #tpu.memory_space<vmem_shared>>
    tpu.enqueue_indirect_dma source(%arg9 : memref<512x64xf32, #tpu.memory_space<vmem>>) target(%dma_start3A_178 : memref<10240x64xf32, #tpu.memory_space<vmem_shared>>) offsets(%dma_start3A_175 : memref<512xi32, #tpu.memory_space<vmem>>) semaphore(%arg14 : memref<!tpu.dma_semaphore, #tpu.memory_space<semaphore_mem>>) {add = true}
    %dma_wait3A_179 = arith.constant 4 : i32
    %dma_wait3A_180 = arith.constant 0 : i32
    %dma_wait3A_181 = tpu.memref_slice %arg7[%dma_wait3A_179, %dma_wait3A_180] : memref<20x512xi32, #tpu.memory_space<vmem>> -> memref<1x512xi32, #tpu.memory_space<vmem>>
    %dma_wait3A_182 = tpu.memref_squeeze %dma_wait3A_181 : memref<1x512xi32, #tpu.memory_space<vmem>> -> memref<512xi32, #tpu.memory_space<vmem>>
    %dma_wait3A_183 = arith.constant 0 : i32
    %dma_wait3A_184 = arith.constant 0 : i32
    %dma_wait3A_185 = tpu.memref_slice %arg10[%dma_wait3A_183, %dma_wait3A_184] : memref<10240x64xf32, #tpu.memory_space<vmem_shared>> -> memref<10240x64xf32, #tpu.memory_space<vmem_shared>>
    tpu.wait_indirect_dma semaphore(%arg13 : memref<!tpu.dma_semaphore, #tpu.memory_space<semaphore_mem>>) src(%arg8 : memref<512x64xf32, #tpu.memory_space<vmem>>) dst(%dma_wait3A_185 : memref<10240x64xf32, #tpu.memory_space<vmem_shared>>)
    %dma_start3A_186 = arith.constant 6 : i32
    %dma_start3A_187 = arith.constant 0 : i32
    %dma_start3A_188 = tpu.memref_slice %arg6[%dma_start3A_186, %dma_start3A_187] : memref<20x512xi32, #tpu.memory_space<vmem>> -> memref<1x512xi32, #tpu.memory_space<vmem>>
    %dma_start3A_189 = tpu.memref_squeeze %dma_start3A_188 : memref<1x512xi32, #tpu.memory_space<vmem>> -> memref<512xi32, #tpu.memory_space<vmem>>
    %dma_start3A_190 = arith.constant 0 : i32
    %dma_start3A_191 = arith.constant 0 : i32
    %dma_start3A_192 = tpu.memref_slice %arg2[%dma_start3A_190, %dma_start3A_191] : memref<10240x64xf32, #tpu.memory_space<hbm>> -> memref<10240x64xf32, #tpu.memory_space<hbm>>
    tpu.enqueue_indirect_dma source(%dma_start3A_192 : memref<10240x64xf32, #tpu.memory_space<hbm>>) target(%arg8 : memref<512x64xf32, #tpu.memory_space<vmem>>) offsets(%dma_start3A_189 : memref<512xi32, #tpu.memory_space<vmem>>) semaphore(%arg11 : memref<!tpu.dma_semaphore, #tpu.memory_space<semaphore_mem>>)
    %dma_wait3A_193 = arith.constant 6 : i32
    %dma_wait3A_194 = arith.constant 0 : i32
    %dma_wait3A_195 = tpu.memref_slice %arg6[%dma_wait3A_193, %dma_wait3A_194] : memref<20x512xi32, #tpu.memory_space<vmem>> -> memref<1x512xi32, #tpu.memory_space<vmem>>
    %dma_wait3A_196 = tpu.memref_squeeze %dma_wait3A_195 : memref<1x512xi32, #tpu.memory_space<vmem>> -> memref<512xi32, #tpu.memory_space<vmem>>
    %dma_wait3A_197 = arith.constant 0 : i32
    %dma_wait3A_198 = arith.constant 0 : i32
    %dma_wait3A_199 = tpu.memref_slice %arg2[%dma_wait3A_197, %dma_wait3A_198] : memref<10240x64xf32, #tpu.memory_space<hbm>> -> memref<10240x64xf32, #tpu.memory_space<hbm>>
    tpu.wait_indirect_dma semaphore(%arg11 : memref<!tpu.dma_semaphore, #tpu.memory_space<semaphore_mem>>) src(%dma_wait3A_199 : memref<10240x64xf32, #tpu.memory_space<hbm>>) dst(%arg8 : memref<512x64xf32, #tpu.memory_space<vmem>>)
    %dma_start3A_200 = arith.constant 6 : i32
    %dma_start3A_201 = arith.constant 0 : i32
    %dma_start3A_202 = tpu.memref_slice %arg7[%dma_start3A_200, %dma_start3A_201] : memref<20x512xi32, #tpu.memory_space<vmem>> -> memref<1x512xi32, #tpu.memory_space<vmem>>
    %dma_start3A_203 = tpu.memref_squeeze %dma_start3A_202 : memref<1x512xi32, #tpu.memory_space<vmem>> -> memref<512xi32, #tpu.memory_space<vmem>>
    %dma_start3A_204 = arith.constant 0 : i32
    %dma_start3A_205 = arith.constant 0 : i32
    %dma_start3A_206 = tpu.memref_slice %arg10[%dma_start3A_204, %dma_start3A_205] : memref<10240x64xf32, #tpu.memory_space<vmem_shared>> -> memref<10240x64xf32, #tpu.memory_space<vmem_shared>>
    tpu.enqueue_indirect_dma source(%arg8 : memref<512x64xf32, #tpu.memory_space<vmem>>) target(%dma_start3A_206 : memref<10240x64xf32, #tpu.memory_space<vmem_shared>>) offsets(%dma_start3A_203 : memref<512xi32, #tpu.memory_space<vmem>>) semaphore(%arg13 : memref<!tpu.dma_semaphore, #tpu.memory_space<semaphore_mem>>) {add = true}
    %dma_wait3A_207 = arith.constant 5 : i32
    %dma_wait3A_208 = arith.constant 0 : i32
    %dma_wait3A_209 = tpu.memref_slice %arg7[%dma_wait3A_207, %dma_wait3A_208] : memref<20x512xi32, #tpu.memory_space<vmem>> -> memref<1x512xi32, #tpu.memory_space<vmem>>
    %dma_wait3A_210 = tpu.memref_squeeze %dma_wait3A_209 : memref<1x512xi32, #tpu.memory_space<vmem>> -> memref<512xi32, #tpu.memory_space<vmem>>
    %dma_wait3A_211 = arith.constant 0 : i32
    %dma_wait3A_212 = arith.constant 0 : i32
    %dma_wait3A_213 = tpu.memref_slice %arg10[%dma_wait3A_211, %dma_wait3A_212] : memref<10240x64xf32, #tpu.memory_space<vmem_shared>> -> memref<10240x64xf32, #tpu.memory_space<vmem_shared>>
    tpu.wait_indirect_dma semaphore(%arg14 : memref<!tpu.dma_semaphore, #tpu.memory_space<semaphore_mem>>) src(%arg9 : memref<512x64xf32, #tpu.memory_space<vmem>>) dst(%dma_wait3A_213 : memref<10240x64xf32, #tpu.memory_space<vmem_shared>>)
    %dma_start3A_214 = arith.constant 7 : i32
    %dma_start3A_215 = arith.constant 0 : i32
    %dma_start3A_216 = tpu.memref_slice %arg6[%dma_start3A_214, %dma_start3A_215] : memref<20x512xi32, #tpu.memory_space<vmem>> -> memref<1x512xi32, #tpu.memory_space<vmem>>
    %dma_start3A_217 = tpu.memref_squeeze %dma_start3A_216 : memref<1x512xi32, #tpu.memory_space<vmem>> -> memref<512xi32, #tpu.memory_space<vmem>>
    %dma_start3A_218 = arith.constant 0 : i32
    %dma_start3A_219 = arith.constant 0 : i32
    %dma_start3A_220 = tpu.memref_slice %arg2[%dma_start3A_218, %dma_start3A_219] : memref<10240x64xf32, #tpu.memory_space<hbm>> -> memref<10240x64xf32, #tpu.memory_space<hbm>>
    tpu.enqueue_indirect_dma source(%dma_start3A_220 : memref<10240x64xf32, #tpu.memory_space<hbm>>) target(%arg9 : memref<512x64xf32, #tpu.memory_space<vmem>>) offsets(%dma_start3A_217 : memref<512xi32, #tpu.memory_space<vmem>>) semaphore(%arg12 : memref<!tpu.dma_semaphore, #tpu.memory_space<semaphore_mem>>)
    %dma_wait3A_221 = arith.constant 7 : i32
    %dma_wait3A_222 = arith.constant 0 : i32
    %dma_wait3A_223 = tpu.memref_slice %arg6[%dma_wait3A_221, %dma_wait3A_222] : memref<20x512xi32, #tpu.memory_space<vmem>> -> memref<1x512xi32, #tpu.memory_space<vmem>>
    %dma_wait3A_224 = tpu.memref_squeeze %dma_wait3A_223 : memref<1x512xi32, #tpu.memory_space<vmem>> -> memref<512xi32, #tpu.memory_space<vmem>>
    %dma_wait3A_225 = arith.constant 0 : i32
    %dma_wait3A_226 = arith.constant 0 : i32
    %dma_wait3A_227 = tpu.memref_slice %arg2[%dma_wait3A_225, %dma_wait3A_226] : memref<10240x64xf32, #tpu.memory_space<hbm>> -> memref<10240x64xf32, #tpu.memory_space<hbm>>
    tpu.wait_indirect_dma semaphore(%arg12 : memref<!tpu.dma_semaphore, #tpu.memory_space<semaphore_mem>>) src(%dma_wait3A_227 : memref<10240x64xf32, #tpu.memory_space<hbm>>) dst(%arg9 : memref<512x64xf32, #tpu.memory_space<vmem>>)
    %dma_start3A_228 = arith.constant 7 : i32
    %dma_start3A_229 = arith.constant 0 : i32
    %dma_start3A_230 = tpu.memref_slice %arg7[%dma_start3A_228, %dma_start3A_229] : memref<20x512xi32, #tpu.memory_space<vmem>> -> memref<1x512xi32, #tpu.memory_space<vmem>>
    %dma_start3A_231 = tpu.memref_squeeze %dma_start3A_230 : memref<1x512xi32, #tpu.memory_space<vmem>> -> memref<512xi32, #tpu.memory_space<vmem>>
    %dma_start3A_232 = arith.constant 0 : i32
    %dma_start3A_233 = arith.constant 0 : i32
    %dma_start3A_234 = tpu.memref_slice %arg10[%dma_start3A_232, %dma_start3A_233] : memref<10240x64xf32, #tpu.memory_space<vmem_shared>> -> memref<10240x64xf32, #tpu.memory_space<vmem_shared>>
    tpu.enqueue_indirect_dma source(%arg9 : memref<512x64xf32, #tpu.memory_space<vmem>>) target(%dma_start3A_234 : memref<10240x64xf32, #tpu.memory_space<vmem_shared>>) offsets(%dma_start3A_231 : memref<512xi32, #tpu.memory_space<vmem>>) semaphore(%arg14 : memref<!tpu.dma_semaphore, #tpu.memory_space<semaphore_mem>>) {add = true}
    %dma_wait3A_235 = arith.constant 6 : i32
    %dma_wait3A_236 = arith.constant 0 : i32
    %dma_wait3A_237 = tpu.memref_slice %arg7[%dma_wait3A_235, %dma_wait3A_236] : memref<20x512xi32, #tpu.memory_space<vmem>> -> memref<1x512xi32, #tpu.memory_space<vmem>>
    %dma_wait3A_238 = tpu.memref_squeeze %dma_wait3A_237 : memref<1x512xi32, #tpu.memory_space<vmem>> -> memref<512xi32, #tpu.memory_space<vmem>>
    %dma_wait3A_239 = arith.constant 0 : i32
    %dma_wait3A_240 = arith.constant 0 : i32
    %dma_wait3A_241 = tpu.memref_slice %arg10[%dma_wait3A_239, %dma_wait3A_240] : memref<10240x64xf32, #tpu.memory_space<vmem_shared>> -> memref<10240x64xf32, #tpu.memory_space<vmem_shared>>
    tpu.wait_indirect_dma semaphore(%arg13 : memref<!tpu.dma_semaphore, #tpu.memory_space<semaphore_mem>>) src(%arg8 : memref<512x64xf32, #tpu.memory_space<vmem>>) dst(%dma_wait3A_241 : memref<10240x64xf32, #tpu.memory_space<vmem_shared>>)
    %dma_start3A_242 = arith.constant 8 : i32
    %dma_start3A_243 = arith.constant 0 : i32
    %dma_start3A_244 = tpu.memref_slice %arg6[%dma_start3A_242, %dma_start3A_243] : memref<20x512xi32, #tpu.memory_space<vmem>> -> memref<1x512xi32, #tpu.memory_space<vmem>>
    %dma_start3A_245 = tpu.memref_squeeze %dma_start3A_244 : memref<1x512xi32, #tpu.memory_space<vmem>> -> memref<512xi32, #tpu.memory_space<vmem>>
    %dma_start3A_246 = arith.constant 0 : i32
    %dma_start3A_247 = arith.constant 0 : i32
    %dma_start3A_248 = tpu.memref_slice %arg2[%dma_start3A_246, %dma_start3A_247] : memref<10240x64xf32, #tpu.memory_space<hbm>> -> memref<10240x64xf32, #tpu.memory_space<hbm>>
    tpu.enqueue_indirect_dma source(%dma_start3A_248 : memref<10240x64xf32, #tpu.memory_space<hbm>>) target(%arg8 : memref<512x64xf32, #tpu.memory_space<vmem>>) offsets(%dma_start3A_245 : memref<512xi32, #tpu.memory_space<vmem>>) semaphore(%arg11 : memref<!tpu.dma_semaphore, #tpu.memory_space<semaphore_mem>>)
    %dma_wait3A_249 = arith.constant 8 : i32
    %dma_wait3A_250 = arith.constant 0 : i32
    %dma_wait3A_251 = tpu.memref_slice %arg6[%dma_wait3A_249, %dma_wait3A_250] : memref<20x512xi32, #tpu.memory_space<vmem>> -> memref<1x512xi32, #tpu.memory_space<vmem>>
    %dma_wait3A_252 = tpu.memref_squeeze %dma_wait3A_251 : memref<1x512xi32, #tpu.memory_space<vmem>> -> memref<512xi32, #tpu.memory_space<vmem>>
    %dma_wait3A_253 = arith.constant 0 : i32
    %dma_wait3A_254 = arith.constant 0 : i32
    %dma_wait3A_255 = tpu.memref_slice %arg2[%dma_wait3A_253, %dma_wait3A_254] : memref<10240x64xf32, #tpu.memory_space<hbm>> -> memref<10240x64xf32, #tpu.memory_space<hbm>>
    tpu.wait_indirect_dma semaphore(%arg11 : memref<!tpu.dma_semaphore, #tpu.memory_space<semaphore_mem>>) src(%dma_wait3A_255 : memref<10240x64xf32, #tpu.memory_space<hbm>>) dst(%arg8 : memref<512x64xf32, #tpu.memory_space<vmem>>)
    %dma_start3A_256 = arith.constant 8 : i32
    %dma_start3A_257 = arith.constant 0 : i32
    %dma_start3A_258 = tpu.memref_slice %arg7[%dma_start3A_256, %dma_start3A_257] : memref<20x512xi32, #tpu.memory_space<vmem>> -> memref<1x512xi32, #tpu.memory_space<vmem>>
    %dma_start3A_259 = tpu.memref_squeeze %dma_start3A_258 : memref<1x512xi32, #tpu.memory_space<vmem>> -> memref<512xi32, #tpu.memory_space<vmem>>
    %dma_start3A_260 = arith.constant 0 : i32
    %dma_start3A_261 = arith.constant 0 : i32
    %dma_start3A_262 = tpu.memref_slice %arg10[%dma_start3A_260, %dma_start3A_261] : memref<10240x64xf32, #tpu.memory_space<vmem_shared>> -> memref<10240x64xf32, #tpu.memory_space<vmem_shared>>
    tpu.enqueue_indirect_dma source(%arg8 : memref<512x64xf32, #tpu.memory_space<vmem>>) target(%dma_start3A_262 : memref<10240x64xf32, #tpu.memory_space<vmem_shared>>) offsets(%dma_start3A_259 : memref<512xi32, #tpu.memory_space<vmem>>) semaphore(%arg13 : memref<!tpu.dma_semaphore, #tpu.memory_space<semaphore_mem>>) {add = true}
    %dma_wait3A_263 = arith.constant 7 : i32
    %dma_wait3A_264 = arith.constant 0 : i32
    %dma_wait3A_265 = tpu.memref_slice %arg7[%dma_wait3A_263, %dma_wait3A_264] : memref<20x512xi32, #tpu.memory_space<vmem>> -> memref<1x512xi32, #tpu.memory_space<vmem>>
    %dma_wait3A_266 = tpu.memref_squeeze %dma_wait3A_265 : memref<1x512xi32, #tpu.memory_space<vmem>> -> memref<512xi32, #tpu.memory_space<vmem>>
    %dma_wait3A_267 = arith.constant 0 : i32
    %dma_wait3A_268 = arith.constant 0 : i32
    %dma_wait3A_269 = tpu.memref_slice %arg10[%dma_wait3A_267, %dma_wait3A_268] : memref<10240x64xf32, #tpu.memory_space<vmem_shared>> -> memref<10240x64xf32, #tpu.memory_space<vmem_shared>>
    tpu.wait_indirect_dma semaphore(%arg14 : memref<!tpu.dma_semaphore, #tpu.memory_space<semaphore_mem>>) src(%arg9 : memref<512x64xf32, #tpu.memory_space<vmem>>) dst(%dma_wait3A_269 : memref<10240x64xf32, #tpu.memory_space<vmem_shared>>)
    %dma_start3A_270 = arith.constant 9 : i32
    %dma_start3A_271 = arith.constant 0 : i32
    %dma_start3A_272 = tpu.memref_slice %arg6[%dma_start3A_270, %dma_start3A_271] : memref<20x512xi32, #tpu.memory_space<vmem>> -> memref<1x512xi32, #tpu.memory_space<vmem>>
    %dma_start3A_273 = tpu.memref_squeeze %dma_start3A_272 : memref<1x512xi32, #tpu.memory_space<vmem>> -> memref<512xi32, #tpu.memory_space<vmem>>
    %dma_start3A_274 = arith.constant 0 : i32
    %dma_start3A_275 = arith.constant 0 : i32
    %dma_start3A_276 = tpu.memref_slice %arg2[%dma_start3A_274, %dma_start3A_275] : memref<10240x64xf32, #tpu.memory_space<hbm>> -> memref<10240x64xf32, #tpu.memory_space<hbm>>
    tpu.enqueue_indirect_dma source(%dma_start3A_276 : memref<10240x64xf32, #tpu.memory_space<hbm>>) target(%arg9 : memref<512x64xf32, #tpu.memory_space<vmem>>) offsets(%dma_start3A_273 : memref<512xi32, #tpu.memory_space<vmem>>) semaphore(%arg12 : memref<!tpu.dma_semaphore, #tpu.memory_space<semaphore_mem>>)
    %dma_wait3A_277 = arith.constant 9 : i32
    %dma_wait3A_278 = arith.constant 0 : i32
    %dma_wait3A_279 = tpu.memref_slice %arg6[%dma_wait3A_277, %dma_wait3A_278] : memref<20x512xi32, #tpu.memory_space<vmem>> -> memref<1x512xi32, #tpu.memory_space<vmem>>
    %dma_wait3A_280 = tpu.memref_squeeze %dma_wait3A_279 : memref<1x512xi32, #tpu.memory_space<vmem>> -> memref<512xi32, #tpu.memory_space<vmem>>
    %dma_wait3A_281 = arith.constant 0 : i32
    %dma_wait3A_282 = arith.constant 0 : i32
    %dma_wait3A_283 = tpu.memref_slice %arg2[%dma_wait3A_281, %dma_wait3A_282] : memref<10240x64xf32, #tpu.memory_space<hbm>> -> memref<10240x64xf32, #tpu.memory_space<hbm>>
    tpu.wait_indirect_dma semaphore(%arg12 : memref<!tpu.dma_semaphore, #tpu.memory_space<semaphore_mem>>) src(%dma_wait3A_283 : memref<10240x64xf32, #tpu.memory_space<hbm>>) dst(%arg9 : memref<512x64xf32, #tpu.memory_space<vmem>>)
    %dma_start3A_284 = arith.constant 9 : i32
    %dma_start3A_285 = arith.constant 0 : i32
    %dma_start3A_286 = tpu.memref_slice %arg7[%dma_start3A_284, %dma_start3A_285] : memref<20x512xi32, #tpu.memory_space<vmem>> -> memref<1x512xi32, #tpu.memory_space<vmem>>
    %dma_start3A_287 = tpu.memref_squeeze %dma_start3A_286 : memref<1x512xi32, #tpu.memory_space<vmem>> -> memref<512xi32, #tpu.memory_space<vmem>>
    %dma_start3A_288 = arith.constant 0 : i32
    %dma_start3A_289 = arith.constant 0 : i32
    %dma_start3A_290 = tpu.memref_slice %arg10[%dma_start3A_288, %dma_start3A_289] : memref<10240x64xf32, #tpu.memory_space<vmem_shared>> -> memref<10240x64xf32, #tpu.memory_space<vmem_shared>>
    tpu.enqueue_indirect_dma source(%arg9 : memref<512x64xf32, #tpu.memory_space<vmem>>) target(%dma_start3A_290 : memref<10240x64xf32, #tpu.memory_space<vmem_shared>>) offsets(%dma_start3A_287 : memref<512xi32, #tpu.memory_space<vmem>>) semaphore(%arg14 : memref<!tpu.dma_semaphore, #tpu.memory_space<semaphore_mem>>) {add = true}
    %dma_wait3A_291 = arith.constant 8 : i32
    %dma_wait3A_292 = arith.constant 0 : i32
    %dma_wait3A_293 = tpu.memref_slice %arg7[%dma_wait3A_291, %dma_wait3A_292] : memref<20x512xi32, #tpu.memory_space<vmem>> -> memref<1x512xi32, #tpu.memory_space<vmem>>
    %dma_wait3A_294 = tpu.memref_squeeze %dma_wait3A_293 : memref<1x512xi32, #tpu.memory_space<vmem>> -> memref<512xi32, #tpu.memory_space<vmem>>
    %dma_wait3A_295 = arith.constant 0 : i32
    %dma_wait3A_296 = arith.constant 0 : i32
    %dma_wait3A_297 = tpu.memref_slice %arg10[%dma_wait3A_295, %dma_wait3A_296] : memref<10240x64xf32, #tpu.memory_space<vmem_shared>> -> memref<10240x64xf32, #tpu.memory_space<vmem_shared>>
    tpu.wait_indirect_dma semaphore(%arg13 : memref<!tpu.dma_semaphore, #tpu.memory_space<semaphore_mem>>) src(%arg8 : memref<512x64xf32, #tpu.memory_space<vmem>>) dst(%dma_wait3A_297 : memref<10240x64xf32, #tpu.memory_space<vmem_shared>>)
    %dma_start3A_298 = arith.constant 10 : i32
    %dma_start3A_299 = arith.constant 0 : i32
    %dma_start3A_300 = tpu.memref_slice %arg6[%dma_start3A_298, %dma_start3A_299] : memref<20x512xi32, #tpu.memory_space<vmem>> -> memref<1x512xi32, #tpu.memory_space<vmem>>
    %dma_start3A_301 = tpu.memref_squeeze %dma_start3A_300 : memref<1x512xi32, #tpu.memory_space<vmem>> -> memref<512xi32, #tpu.memory_space<vmem>>
    %dma_start3A_302 = arith.constant 0 : i32
    %dma_start3A_303 = arith.constant 0 : i32
    %dma_start3A_304 = tpu.memref_slice %arg2[%dma_start3A_302, %dma_start3A_303] : memref<10240x64xf32, #tpu.memory_space<hbm>> -> memref<10240x64xf32, #tpu.memory_space<hbm>>
    tpu.enqueue_indirect_dma source(%dma_start3A_304 : memref<10240x64xf32, #tpu.memory_space<hbm>>) target(%arg8 : memref<512x64xf32, #tpu.memory_space<vmem>>) offsets(%dma_start3A_301 : memref<512xi32, #tpu.memory_space<vmem>>) semaphore(%arg11 : memref<!tpu.dma_semaphore, #tpu.memory_space<semaphore_mem>>)
    %dma_wait3A_305 = arith.constant 10 : i32
    %dma_wait3A_306 = arith.constant 0 : i32
    %dma_wait3A_307 = tpu.memref_slice %arg6[%dma_wait3A_305, %dma_wait3A_306] : memref<20x512xi32, #tpu.memory_space<vmem>> -> memref<1x512xi32, #tpu.memory_space<vmem>>
    %dma_wait3A_308 = tpu.memref_squeeze %dma_wait3A_307 : memref<1x512xi32, #tpu.memory_space<vmem>> -> memref<512xi32, #tpu.memory_space<vmem>>
    %dma_wait3A_309 = arith.constant 0 : i32
    %dma_wait3A_310 = arith.constant 0 : i32
    %dma_wait3A_311 = tpu.memref_slice %arg2[%dma_wait3A_309, %dma_wait3A_310] : memref<10240x64xf32, #tpu.memory_space<hbm>> -> memref<10240x64xf32, #tpu.memory_space<hbm>>
    tpu.wait_indirect_dma semaphore(%arg11 : memref<!tpu.dma_semaphore, #tpu.memory_space<semaphore_mem>>) src(%dma_wait3A_311 : memref<10240x64xf32, #tpu.memory_space<hbm>>) dst(%arg8 : memref<512x64xf32, #tpu.memory_space<vmem>>)
    %dma_start3A_312 = arith.constant 10 : i32
    %dma_start3A_313 = arith.constant 0 : i32
    %dma_start3A_314 = tpu.memref_slice %arg7[%dma_start3A_312, %dma_start3A_313] : memref<20x512xi32, #tpu.memory_space<vmem>> -> memref<1x512xi32, #tpu.memory_space<vmem>>
    %dma_start3A_315 = tpu.memref_squeeze %dma_start3A_314 : memref<1x512xi32, #tpu.memory_space<vmem>> -> memref<512xi32, #tpu.memory_space<vmem>>
    %dma_start3A_316 = arith.constant 0 : i32
    %dma_start3A_317 = arith.constant 0 : i32
    %dma_start3A_318 = tpu.memref_slice %arg10[%dma_start3A_316, %dma_start3A_317] : memref<10240x64xf32, #tpu.memory_space<vmem_shared>> -> memref<10240x64xf32, #tpu.memory_space<vmem_shared>>
    tpu.enqueue_indirect_dma source(%arg8 : memref<512x64xf32, #tpu.memory_space<vmem>>) target(%dma_start3A_318 : memref<10240x64xf32, #tpu.memory_space<vmem_shared>>) offsets(%dma_start3A_315 : memref<512xi32, #tpu.memory_space<vmem>>) semaphore(%arg13 : memref<!tpu.dma_semaphore, #tpu.memory_space<semaphore_mem>>) {add = true}
    %dma_wait3A_319 = arith.constant 9 : i32
    %dma_wait3A_320 = arith.constant 0 : i32
    %dma_wait3A_321 = tpu.memref_slice %arg7[%dma_wait3A_319, %dma_wait3A_320] : memref<20x512xi32, #tpu.memory_space<vmem>> -> memref<1x512xi32, #tpu.memory_space<vmem>>
    %dma_wait3A_322 = tpu.memref_squeeze %dma_wait3A_321 : memref<1x512xi32, #tpu.memory_space<vmem>> -> memref<512xi32, #tpu.memory_space<vmem>>
    %dma_wait3A_323 = arith.constant 0 : i32
    %dma_wait3A_324 = arith.constant 0 : i32
    %dma_wait3A_325 = tpu.memref_slice %arg10[%dma_wait3A_323, %dma_wait3A_324] : memref<10240x64xf32, #tpu.memory_space<vmem_shared>> -> memref<10240x64xf32, #tpu.memory_space<vmem_shared>>
    tpu.wait_indirect_dma semaphore(%arg14 : memref<!tpu.dma_semaphore, #tpu.memory_space<semaphore_mem>>) src(%arg9 : memref<512x64xf32, #tpu.memory_space<vmem>>) dst(%dma_wait3A_325 : memref<10240x64xf32, #tpu.memory_space<vmem_shared>>)
    %dma_start3A_326 = arith.constant 11 : i32
    %dma_start3A_327 = arith.constant 0 : i32
    %dma_start3A_328 = tpu.memref_slice %arg6[%dma_start3A_326, %dma_start3A_327] : memref<20x512xi32, #tpu.memory_space<vmem>> -> memref<1x512xi32, #tpu.memory_space<vmem>>
    %dma_start3A_329 = tpu.memref_squeeze %dma_start3A_328 : memref<1x512xi32, #tpu.memory_space<vmem>> -> memref<512xi32, #tpu.memory_space<vmem>>
    %dma_start3A_330 = arith.constant 0 : i32
    %dma_start3A_331 = arith.constant 0 : i32
    %dma_start3A_332 = tpu.memref_slice %arg2[%dma_start3A_330, %dma_start3A_331] : memref<10240x64xf32, #tpu.memory_space<hbm>> -> memref<10240x64xf32, #tpu.memory_space<hbm>>
    tpu.enqueue_indirect_dma source(%dma_start3A_332 : memref<10240x64xf32, #tpu.memory_space<hbm>>) target(%arg9 : memref<512x64xf32, #tpu.memory_space<vmem>>) offsets(%dma_start3A_329 : memref<512xi32, #tpu.memory_space<vmem>>) semaphore(%arg12 : memref<!tpu.dma_semaphore, #tpu.memory_space<semaphore_mem>>)
    %dma_wait3A_333 = arith.constant 11 : i32
    %dma_wait3A_334 = arith.constant 0 : i32
    %dma_wait3A_335 = tpu.memref_slice %arg6[%dma_wait3A_333, %dma_wait3A_334] : memref<20x512xi32, #tpu.memory_space<vmem>> -> memref<1x512xi32, #tpu.memory_space<vmem>>
    %dma_wait3A_336 = tpu.memref_squeeze %dma_wait3A_335 : memref<1x512xi32, #tpu.memory_space<vmem>> -> memref<512xi32, #tpu.memory_space<vmem>>
    %dma_wait3A_337 = arith.constant 0 : i32
    %dma_wait3A_338 = arith.constant 0 : i32
    %dma_wait3A_339 = tpu.memref_slice %arg2[%dma_wait3A_337, %dma_wait3A_338] : memref<10240x64xf32, #tpu.memory_space<hbm>> -> memref<10240x64xf32, #tpu.memory_space<hbm>>
    tpu.wait_indirect_dma semaphore(%arg12 : memref<!tpu.dma_semaphore, #tpu.memory_space<semaphore_mem>>) src(%dma_wait3A_339 : memref<10240x64xf32, #tpu.memory_space<hbm>>) dst(%arg9 : memref<512x64xf32, #tpu.memory_space<vmem>>)
    %dma_start3A_340 = arith.constant 11 : i32
    %dma_start3A_341 = arith.constant 0 : i32
    %dma_start3A_342 = tpu.memref_slice %arg7[%dma_start3A_340, %dma_start3A_341] : memref<20x512xi32, #tpu.memory_space<vmem>> -> memref<1x512xi32, #tpu.memory_space<vmem>>
    %dma_start3A_343 = tpu.memref_squeeze %dma_start3A_342 : memref<1x512xi32, #tpu.memory_space<vmem>> -> memref<512xi32, #tpu.memory_space<vmem>>
    %dma_start3A_344 = arith.constant 0 : i32
    %dma_start3A_345 = arith.constant 0 : i32
    %dma_start3A_346 = tpu.memref_slice %arg10[%dma_start3A_344, %dma_start3A_345] : memref<10240x64xf32, #tpu.memory_space<vmem_shared>> -> memref<10240x64xf32, #tpu.memory_space<vmem_shared>>
    tpu.enqueue_indirect_dma source(%arg9 : memref<512x64xf32, #tpu.memory_space<vmem>>) target(%dma_start3A_346 : memref<10240x64xf32, #tpu.memory_space<vmem_shared>>) offsets(%dma_start3A_343 : memref<512xi32, #tpu.memory_space<vmem>>) semaphore(%arg14 : memref<!tpu.dma_semaphore, #tpu.memory_space<semaphore_mem>>) {add = true}
    %dma_wait3A_347 = arith.constant 10 : i32
    %dma_wait3A_348 = arith.constant 0 : i32
    %dma_wait3A_349 = tpu.memref_slice %arg7[%dma_wait3A_347, %dma_wait3A_348] : memref<20x512xi32, #tpu.memory_space<vmem>> -> memref<1x512xi32, #tpu.memory_space<vmem>>
    %dma_wait3A_350 = tpu.memref_squeeze %dma_wait3A_349 : memref<1x512xi32, #tpu.memory_space<vmem>> -> memref<512xi32, #tpu.memory_space<vmem>>
    %dma_wait3A_351 = arith.constant 0 : i32
    %dma_wait3A_352 = arith.constant 0 : i32
    %dma_wait3A_353 = tpu.memref_slice %arg10[%dma_wait3A_351, %dma_wait3A_352] : memref<10240x64xf32, #tpu.memory_space<vmem_shared>> -> memref<10240x64xf32, #tpu.memory_space<vmem_shared>>
    tpu.wait_indirect_dma semaphore(%arg13 : memref<!tpu.dma_semaphore, #tpu.memory_space<semaphore_mem>>) src(%arg8 : memref<512x64xf32, #tpu.memory_space<vmem>>) dst(%dma_wait3A_353 : memref<10240x64xf32, #tpu.memory_space<vmem_shared>>)
    %dma_start3A_354 = arith.constant 12 : i32
    %dma_start3A_355 = arith.constant 0 : i32
    %dma_start3A_356 = tpu.memref_slice %arg6[%dma_start3A_354, %dma_start3A_355] : memref<20x512xi32, #tpu.memory_space<vmem>> -> memref<1x512xi32, #tpu.memory_space<vmem>>
    %dma_start3A_357 = tpu.memref_squeeze %dma_start3A_356 : memref<1x512xi32, #tpu.memory_space<vmem>> -> memref<512xi32, #tpu.memory_space<vmem>>
    %dma_start3A_358 = arith.constant 0 : i32
    %dma_start3A_359 = arith.constant 0 : i32
    %dma_start3A_360 = tpu.memref_slice %arg2[%dma_start3A_358, %dma_start3A_359] : memref<10240x64xf32, #tpu.memory_space<hbm>> -> memref<10240x64xf32, #tpu.memory_space<hbm>>
    tpu.enqueue_indirect_dma source(%dma_start3A_360 : memref<10240x64xf32, #tpu.memory_space<hbm>>) target(%arg8 : memref<512x64xf32, #tpu.memory_space<vmem>>) offsets(%dma_start3A_357 : memref<512xi32, #tpu.memory_space<vmem>>) semaphore(%arg11 : memref<!tpu.dma_semaphore, #tpu.memory_space<semaphore_mem>>)
    %dma_wait3A_361 = arith.constant 12 : i32
    %dma_wait3A_362 = arith.constant 0 : i32
    %dma_wait3A_363 = tpu.memref_slice %arg6[%dma_wait3A_361, %dma_wait3A_362] : memref<20x512xi32, #tpu.memory_space<vmem>> -> memref<1x512xi32, #tpu.memory_space<vmem>>
    %dma_wait3A_364 = tpu.memref_squeeze %dma_wait3A_363 : memref<1x512xi32, #tpu.memory_space<vmem>> -> memref<512xi32, #tpu.memory_space<vmem>>
    %dma_wait3A_365 = arith.constant 0 : i32
    %dma_wait3A_366 = arith.constant 0 : i32
    %dma_wait3A_367 = tpu.memref_slice %arg2[%dma_wait3A_365, %dma_wait3A_366] : memref<10240x64xf32, #tpu.memory_space<hbm>> -> memref<10240x64xf32, #tpu.memory_space<hbm>>
    tpu.wait_indirect_dma semaphore(%arg11 : memref<!tpu.dma_semaphore, #tpu.memory_space<semaphore_mem>>) src(%dma_wait3A_367 : memref<10240x64xf32, #tpu.memory_space<hbm>>) dst(%arg8 : memref<512x64xf32, #tpu.memory_space<vmem>>)
    %dma_start3A_368 = arith.constant 12 : i32
    %dma_start3A_369 = arith.constant 0 : i32
    %dma_start3A_370 = tpu.memref_slice %arg7[%dma_start3A_368, %dma_start3A_369] : memref<20x512xi32, #tpu.memory_space<vmem>> -> memref<1x512xi32, #tpu.memory_space<vmem>>
    %dma_start3A_371 = tpu.memref_squeeze %dma_start3A_370 : memref<1x512xi32, #tpu.memory_space<vmem>> -> memref<512xi32, #tpu.memory_space<vmem>>
    %dma_start3A_372 = arith.constant 0 : i32
    %dma_start3A_373 = arith.constant 0 : i32
    %dma_start3A_374 = tpu.memref_slice %arg10[%dma_start3A_372, %dma_start3A_373] : memref<10240x64xf32, #tpu.memory_space<vmem_shared>> -> memref<10240x64xf32, #tpu.memory_space<vmem_shared>>
    tpu.enqueue_indirect_dma source(%arg8 : memref<512x64xf32, #tpu.memory_space<vmem>>) target(%dma_start3A_374 : memref<10240x64xf32, #tpu.memory_space<vmem_shared>>) offsets(%dma_start3A_371 : memref<512xi32, #tpu.memory_space<vmem>>) semaphore(%arg13 : memref<!tpu.dma_semaphore, #tpu.memory_space<semaphore_mem>>) {add = true}
    %dma_wait3A_375 = arith.constant 11 : i32
    %dma_wait3A_376 = arith.constant 0 : i32
    %dma_wait3A_377 = tpu.memref_slice %arg7[%dma_wait3A_375, %dma_wait3A_376] : memref<20x512xi32, #tpu.memory_space<vmem>> -> memref<1x512xi32, #tpu.memory_space<vmem>>
    %dma_wait3A_378 = tpu.memref_squeeze %dma_wait3A_377 : memref<1x512xi32, #tpu.memory_space<vmem>> -> memref<512xi32, #tpu.memory_space<vmem>>
    %dma_wait3A_379 = arith.constant 0 : i32
    %dma_wait3A_380 = arith.constant 0 : i32
    %dma_wait3A_381 = tpu.memref_slice %arg10[%dma_wait3A_379, %dma_wait3A_380] : memref<10240x64xf32, #tpu.memory_space<vmem_shared>> -> memref<10240x64xf32, #tpu.memory_space<vmem_shared>>
    tpu.wait_indirect_dma semaphore(%arg14 : memref<!tpu.dma_semaphore, #tpu.memory_space<semaphore_mem>>) src(%arg9 : memref<512x64xf32, #tpu.memory_space<vmem>>) dst(%dma_wait3A_381 : memref<10240x64xf32, #tpu.memory_space<vmem_shared>>)
    %dma_start3A_382 = arith.constant 13 : i32
    %dma_start3A_383 = arith.constant 0 : i32
    %dma_start3A_384 = tpu.memref_slice %arg6[%dma_start3A_382, %dma_start3A_383] : memref<20x512xi32, #tpu.memory_space<vmem>> -> memref<1x512xi32, #tpu.memory_space<vmem>>
    %dma_start3A_385 = tpu.memref_squeeze %dma_start3A_384 : memref<1x512xi32, #tpu.memory_space<vmem>> -> memref<512xi32, #tpu.memory_space<vmem>>
    %dma_start3A_386 = arith.constant 0 : i32
    %dma_start3A_387 = arith.constant 0 : i32
    %dma_start3A_388 = tpu.memref_slice %arg2[%dma_start3A_386, %dma_start3A_387] : memref<10240x64xf32, #tpu.memory_space<hbm>> -> memref<10240x64xf32, #tpu.memory_space<hbm>>
    tpu.enqueue_indirect_dma source(%dma_start3A_388 : memref<10240x64xf32, #tpu.memory_space<hbm>>) target(%arg9 : memref<512x64xf32, #tpu.memory_space<vmem>>) offsets(%dma_start3A_385 : memref<512xi32, #tpu.memory_space<vmem>>) semaphore(%arg12 : memref<!tpu.dma_semaphore, #tpu.memory_space<semaphore_mem>>)
    %dma_wait3A_389 = arith.constant 13 : i32
    %dma_wait3A_390 = arith.constant 0 : i32
    %dma_wait3A_391 = tpu.memref_slice %arg6[%dma_wait3A_389, %dma_wait3A_390] : memref<20x512xi32, #tpu.memory_space<vmem>> -> memref<1x512xi32, #tpu.memory_space<vmem>>
    %dma_wait3A_392 = tpu.memref_squeeze %dma_wait3A_391 : memref<1x512xi32, #tpu.memory_space<vmem>> -> memref<512xi32, #tpu.memory_space<vmem>>
    %dma_wait3A_393 = arith.constant 0 : i32
    %dma_wait3A_394 = arith.constant 0 : i32
    %dma_wait3A_395 = tpu.memref_slice %arg2[%dma_wait3A_393, %dma_wait3A_394] : memref<10240x64xf32, #tpu.memory_space<hbm>> -> memref<10240x64xf32, #tpu.memory_space<hbm>>
    tpu.wait_indirect_dma semaphore(%arg12 : memref<!tpu.dma_semaphore, #tpu.memory_space<semaphore_mem>>) src(%dma_wait3A_395 : memref<10240x64xf32, #tpu.memory_space<hbm>>) dst(%arg9 : memref<512x64xf32, #tpu.memory_space<vmem>>)
    %dma_start3A_396 = arith.constant 13 : i32
    %dma_start3A_397 = arith.constant 0 : i32
    %dma_start3A_398 = tpu.memref_slice %arg7[%dma_start3A_396, %dma_start3A_397] : memref<20x512xi32, #tpu.memory_space<vmem>> -> memref<1x512xi32, #tpu.memory_space<vmem>>
    %dma_start3A_399 = tpu.memref_squeeze %dma_start3A_398 : memref<1x512xi32, #tpu.memory_space<vmem>> -> memref<512xi32, #tpu.memory_space<vmem>>
    %dma_start3A_400 = arith.constant 0 : i32
    %dma_start3A_401 = arith.constant 0 : i32
    %dma_start3A_402 = tpu.memref_slice %arg10[%dma_start3A_400, %dma_start3A_401] : memref<10240x64xf32, #tpu.memory_space<vmem_shared>> -> memref<10240x64xf32, #tpu.memory_space<vmem_shared>>
    tpu.enqueue_indirect_dma source(%arg9 : memref<512x64xf32, #tpu.memory_space<vmem>>) target(%dma_start3A_402 : memref<10240x64xf32, #tpu.memory_space<vmem_shared>>) offsets(%dma_start3A_399 : memref<512xi32, #tpu.memory_space<vmem>>) semaphore(%arg14 : memref<!tpu.dma_semaphore, #tpu.memory_space<semaphore_mem>>) {add = true}
    %dma_wait3A_403 = arith.constant 12 : i32
    %dma_wait3A_404 = arith.constant 0 : i32
    %dma_wait3A_405 = tpu.memref_slice %arg7[%dma_wait3A_403, %dma_wait3A_404] : memref<20x512xi32, #tpu.memory_space<vmem>> -> memref<1x512xi32, #tpu.memory_space<vmem>>
    %dma_wait3A_406 = tpu.memref_squeeze %dma_wait3A_405 : memref<1x512xi32, #tpu.memory_space<vmem>> -> memref<512xi32, #tpu.memory_space<vmem>>
    %dma_wait3A_407 = arith.constant 0 : i32
    %dma_wait3A_408 = arith.constant 0 : i32
    %dma_wait3A_409 = tpu.memref_slice %arg10[%dma_wait3A_407, %dma_wait3A_408] : memref<10240x64xf32, #tpu.memory_space<vmem_shared>> -> memref<10240x64xf32, #tpu.memory_space<vmem_shared>>
    tpu.wait_indirect_dma semaphore(%arg13 : memref<!tpu.dma_semaphore, #tpu.memory_space<semaphore_mem>>) src(%arg8 : memref<512x64xf32, #tpu.memory_space<vmem>>) dst(%dma_wait3A_409 : memref<10240x64xf32, #tpu.memory_space<vmem_shared>>)
    %dma_start3A_410 = arith.constant 14 : i32
    %dma_start3A_411 = arith.constant 0 : i32
    %dma_start3A_412 = tpu.memref_slice %arg6[%dma_start3A_410, %dma_start3A_411] : memref<20x512xi32, #tpu.memory_space<vmem>> -> memref<1x512xi32, #tpu.memory_space<vmem>>
    %dma_start3A_413 = tpu.memref_squeeze %dma_start3A_412 : memref<1x512xi32, #tpu.memory_space<vmem>> -> memref<512xi32, #tpu.memory_space<vmem>>
    %dma_start3A_414 = arith.constant 0 : i32
    %dma_start3A_415 = arith.constant 0 : i32
    %dma_start3A_416 = tpu.memref_slice %arg2[%dma_start3A_414, %dma_start3A_415] : memref<10240x64xf32, #tpu.memory_space<hbm>> -> memref<10240x64xf32, #tpu.memory_space<hbm>>
    tpu.enqueue_indirect_dma source(%dma_start3A_416 : memref<10240x64xf32, #tpu.memory_space<hbm>>) target(%arg8 : memref<512x64xf32, #tpu.memory_space<vmem>>) offsets(%dma_start3A_413 : memref<512xi32, #tpu.memory_space<vmem>>) semaphore(%arg11 : memref<!tpu.dma_semaphore, #tpu.memory_space<semaphore_mem>>)
    %dma_wait3A_417 = arith.constant 14 : i32
    %dma_wait3A_418 = arith.constant 0 : i32
    %dma_wait3A_419 = tpu.memref_slice %arg6[%dma_wait3A_417, %dma_wait3A_418] : memref<20x512xi32, #tpu.memory_space<vmem>> -> memref<1x512xi32, #tpu.memory_space<vmem>>
    %dma_wait3A_420 = tpu.memref_squeeze %dma_wait3A_419 : memref<1x512xi32, #tpu.memory_space<vmem>> -> memref<512xi32, #tpu.memory_space<vmem>>
    %dma_wait3A_421 = arith.constant 0 : i32
    %dma_wait3A_422 = arith.constant 0 : i32
    %dma_wait3A_423 = tpu.memref_slice %arg2[%dma_wait3A_421, %dma_wait3A_422] : memref<10240x64xf32, #tpu.memory_space<hbm>> -> memref<10240x64xf32, #tpu.memory_space<hbm>>
    tpu.wait_indirect_dma semaphore(%arg11 : memref<!tpu.dma_semaphore, #tpu.memory_space<semaphore_mem>>) src(%dma_wait3A_423 : memref<10240x64xf32, #tpu.memory_space<hbm>>) dst(%arg8 : memref<512x64xf32, #tpu.memory_space<vmem>>)
    %dma_start3A_424 = arith.constant 14 : i32
    %dma_start3A_425 = arith.constant 0 : i32
    %dma_start3A_426 = tpu.memref_slice %arg7[%dma_start3A_424, %dma_start3A_425] : memref<20x512xi32, #tpu.memory_space<vmem>> -> memref<1x512xi32, #tpu.memory_space<vmem>>
    %dma_start3A_427 = tpu.memref_squeeze %dma_start3A_426 : memref<1x512xi32, #tpu.memory_space<vmem>> -> memref<512xi32, #tpu.memory_space<vmem>>
    %dma_start3A_428 = arith.constant 0 : i32
    %dma_start3A_429 = arith.constant 0 : i32
    %dma_start3A_430 = tpu.memref_slice %arg10[%dma_start3A_428, %dma_start3A_429] : memref<10240x64xf32, #tpu.memory_space<vmem_shared>> -> memref<10240x64xf32, #tpu.memory_space<vmem_shared>>
    tpu.enqueue_indirect_dma source(%arg8 : memref<512x64xf32, #tpu.memory_space<vmem>>) target(%dma_start3A_430 : memref<10240x64xf32, #tpu.memory_space<vmem_shared>>) offsets(%dma_start3A_427 : memref<512xi32, #tpu.memory_space<vmem>>) semaphore(%arg13 : memref<!tpu.dma_semaphore, #tpu.memory_space<semaphore_mem>>) {add = true}
    %dma_wait3A_431 = arith.constant 13 : i32
    %dma_wait3A_432 = arith.constant 0 : i32
    %dma_wait3A_433 = tpu.memref_slice %arg7[%dma_wait3A_431, %dma_wait3A_432] : memref<20x512xi32, #tpu.memory_space<vmem>> -> memref<1x512xi32, #tpu.memory_space<vmem>>
    %dma_wait3A_434 = tpu.memref_squeeze %dma_wait3A_433 : memref<1x512xi32, #tpu.memory_space<vmem>> -> memref<512xi32, #tpu.memory_space<vmem>>
    %dma_wait3A_435 = arith.constant 0 : i32
    %dma_wait3A_436 = arith.constant 0 : i32
    %dma_wait3A_437 = tpu.memref_slice %arg10[%dma_wait3A_435, %dma_wait3A_436] : memref<10240x64xf32, #tpu.memory_space<vmem_shared>> -> memref<10240x64xf32, #tpu.memory_space<vmem_shared>>
    tpu.wait_indirect_dma semaphore(%arg14 : memref<!tpu.dma_semaphore, #tpu.memory_space<semaphore_mem>>) src(%arg9 : memref<512x64xf32, #tpu.memory_space<vmem>>) dst(%dma_wait3A_437 : memref<10240x64xf32, #tpu.memory_space<vmem_shared>>)
    %dma_start3A_438 = arith.constant 15 : i32
    %dma_start3A_439 = arith.constant 0 : i32
    %dma_start3A_440 = tpu.memref_slice %arg6[%dma_start3A_438, %dma_start3A_439] : memref<20x512xi32, #tpu.memory_space<vmem>> -> memref<1x512xi32, #tpu.memory_space<vmem>>
    %dma_start3A_441 = tpu.memref_squeeze %dma_start3A_440 : memref<1x512xi32, #tpu.memory_space<vmem>> -> memref<512xi32, #tpu.memory_space<vmem>>
    %dma_start3A_442 = arith.constant 0 : i32
    %dma_start3A_443 = arith.constant 0 : i32
    %dma_start3A_444 = tpu.memref_slice %arg2[%dma_start3A_442, %dma_start3A_443] : memref<10240x64xf32, #tpu.memory_space<hbm>> -> memref<10240x64xf32, #tpu.memory_space<hbm>>
    tpu.enqueue_indirect_dma source(%dma_start3A_444 : memref<10240x64xf32, #tpu.memory_space<hbm>>) target(%arg9 : memref<512x64xf32, #tpu.memory_space<vmem>>) offsets(%dma_start3A_441 : memref<512xi32, #tpu.memory_space<vmem>>) semaphore(%arg12 : memref<!tpu.dma_semaphore, #tpu.memory_space<semaphore_mem>>)
    %dma_wait3A_445 = arith.constant 15 : i32
    %dma_wait3A_446 = arith.constant 0 : i32
    %dma_wait3A_447 = tpu.memref_slice %arg6[%dma_wait3A_445, %dma_wait3A_446] : memref<20x512xi32, #tpu.memory_space<vmem>> -> memref<1x512xi32, #tpu.memory_space<vmem>>
    %dma_wait3A_448 = tpu.memref_squeeze %dma_wait3A_447 : memref<1x512xi32, #tpu.memory_space<vmem>> -> memref<512xi32, #tpu.memory_space<vmem>>
    %dma_wait3A_449 = arith.constant 0 : i32
    %dma_wait3A_450 = arith.constant 0 : i32
    %dma_wait3A_451 = tpu.memref_slice %arg2[%dma_wait3A_449, %dma_wait3A_450] : memref<10240x64xf32, #tpu.memory_space<hbm>> -> memref<10240x64xf32, #tpu.memory_space<hbm>>
    tpu.wait_indirect_dma semaphore(%arg12 : memref<!tpu.dma_semaphore, #tpu.memory_space<semaphore_mem>>) src(%dma_wait3A_451 : memref<10240x64xf32, #tpu.memory_space<hbm>>) dst(%arg9 : memref<512x64xf32, #tpu.memory_space<vmem>>)
    %dma_start3A_452 = arith.constant 15 : i32
    %dma_start3A_453 = arith.constant 0 : i32
    %dma_start3A_454 = tpu.memref_slice %arg7[%dma_start3A_452, %dma_start3A_453] : memref<20x512xi32, #tpu.memory_space<vmem>> -> memref<1x512xi32, #tpu.memory_space<vmem>>
    %dma_start3A_455 = tpu.memref_squeeze %dma_start3A_454 : memref<1x512xi32, #tpu.memory_space<vmem>> -> memref<512xi32, #tpu.memory_space<vmem>>
    %dma_start3A_456 = arith.constant 0 : i32
    %dma_start3A_457 = arith.constant 0 : i32
    %dma_start3A_458 = tpu.memref_slice %arg10[%dma_start3A_456, %dma_start3A_457] : memref<10240x64xf32, #tpu.memory_space<vmem_shared>> -> memref<10240x64xf32, #tpu.memory_space<vmem_shared>>
    tpu.enqueue_indirect_dma source(%arg9 : memref<512x64xf32, #tpu.memory_space<vmem>>) target(%dma_start3A_458 : memref<10240x64xf32, #tpu.memory_space<vmem_shared>>) offsets(%dma_start3A_455 : memref<512xi32, #tpu.memory_space<vmem>>) semaphore(%arg14 : memref<!tpu.dma_semaphore, #tpu.memory_space<semaphore_mem>>) {add = true}
    %dma_wait3A_459 = arith.constant 14 : i32
    %dma_wait3A_460 = arith.constant 0 : i32
    %dma_wait3A_461 = tpu.memref_slice %arg7[%dma_wait3A_459, %dma_wait3A_460] : memref<20x512xi32, #tpu.memory_space<vmem>> -> memref<1x512xi32, #tpu.memory_space<vmem>>
    %dma_wait3A_462 = tpu.memref_squeeze %dma_wait3A_461 : memref<1x512xi32, #tpu.memory_space<vmem>> -> memref<512xi32, #tpu.memory_space<vmem>>
    %dma_wait3A_463 = arith.constant 0 : i32
    %dma_wait3A_464 = arith.constant 0 : i32
    %dma_wait3A_465 = tpu.memref_slice %arg10[%dma_wait3A_463, %dma_wait3A_464] : memref<10240x64xf32, #tpu.memory_space<vmem_shared>> -> memref<10240x64xf32, #tpu.memory_space<vmem_shared>>
    tpu.wait_indirect_dma semaphore(%arg13 : memref<!tpu.dma_semaphore, #tpu.memory_space<semaphore_mem>>) src(%arg8 : memref<512x64xf32, #tpu.memory_space<vmem>>) dst(%dma_wait3A_465 : memref<10240x64xf32, #tpu.memory_space<vmem_shared>>)
    %dma_start3A_466 = arith.constant 16 : i32
    %dma_start3A_467 = arith.constant 0 : i32
    %dma_start3A_468 = tpu.memref_slice %arg6[%dma_start3A_466, %dma_start3A_467] : memref<20x512xi32, #tpu.memory_space<vmem>> -> memref<1x512xi32, #tpu.memory_space<vmem>>
    %dma_start3A_469 = tpu.memref_squeeze %dma_start3A_468 : memref<1x512xi32, #tpu.memory_space<vmem>> -> memref<512xi32, #tpu.memory_space<vmem>>
    %dma_start3A_470 = arith.constant 0 : i32
    %dma_start3A_471 = arith.constant 0 : i32
    %dma_start3A_472 = tpu.memref_slice %arg2[%dma_start3A_470, %dma_start3A_471] : memref<10240x64xf32, #tpu.memory_space<hbm>> -> memref<10240x64xf32, #tpu.memory_space<hbm>>
    tpu.enqueue_indirect_dma source(%dma_start3A_472 : memref<10240x64xf32, #tpu.memory_space<hbm>>) target(%arg8 : memref<512x64xf32, #tpu.memory_space<vmem>>) offsets(%dma_start3A_469 : memref<512xi32, #tpu.memory_space<vmem>>) semaphore(%arg11 : memref<!tpu.dma_semaphore, #tpu.memory_space<semaphore_mem>>)
    %dma_wait3A_473 = arith.constant 16 : i32
    %dma_wait3A_474 = arith.constant 0 : i32
    %dma_wait3A_475 = tpu.memref_slice %arg6[%dma_wait3A_473, %dma_wait3A_474] : memref<20x512xi32, #tpu.memory_space<vmem>> -> memref<1x512xi32, #tpu.memory_space<vmem>>
    %dma_wait3A_476 = tpu.memref_squeeze %dma_wait3A_475 : memref<1x512xi32, #tpu.memory_space<vmem>> -> memref<512xi32, #tpu.memory_space<vmem>>
    %dma_wait3A_477 = arith.constant 0 : i32
    %dma_wait3A_478 = arith.constant 0 : i32
    %dma_wait3A_479 = tpu.memref_slice %arg2[%dma_wait3A_477, %dma_wait3A_478] : memref<10240x64xf32, #tpu.memory_space<hbm>> -> memref<10240x64xf32, #tpu.memory_space<hbm>>
    tpu.wait_indirect_dma semaphore(%arg11 : memref<!tpu.dma_semaphore, #tpu.memory_space<semaphore_mem>>) src(%dma_wait3A_479 : memref<10240x64xf32, #tpu.memory_space<hbm>>) dst(%arg8 : memref<512x64xf32, #tpu.memory_space<vmem>>)
    %dma_start3A_480 = arith.constant 16 : i32
    %dma_start3A_481 = arith.constant 0 : i32
    %dma_start3A_482 = tpu.memref_slice %arg7[%dma_start3A_480, %dma_start3A_481] : memref<20x512xi32, #tpu.memory_space<vmem>> -> memref<1x512xi32, #tpu.memory_space<vmem>>
    %dma_start3A_483 = tpu.memref_squeeze %dma_start3A_482 : memref<1x512xi32, #tpu.memory_space<vmem>> -> memref<512xi32, #tpu.memory_space<vmem>>
    %dma_start3A_484 = arith.constant 0 : i32
    %dma_start3A_485 = arith.constant 0 : i32
    %dma_start3A_486 = tpu.memref_slice %arg10[%dma_start3A_484, %dma_start3A_485] : memref<10240x64xf32, #tpu.memory_space<vmem_shared>> -> memref<10240x64xf32, #tpu.memory_space<vmem_shared>>
    tpu.enqueue_indirect_dma source(%arg8 : memref<512x64xf32, #tpu.memory_space<vmem>>) target(%dma_start3A_486 : memref<10240x64xf32, #tpu.memory_space<vmem_shared>>) offsets(%dma_start3A_483 : memref<512xi32, #tpu.memory_space<vmem>>) semaphore(%arg13 : memref<!tpu.dma_semaphore, #tpu.memory_space<semaphore_mem>>) {add = true}
    %dma_wait3A_487 = arith.constant 15 : i32
    %dma_wait3A_488 = arith.constant 0 : i32
    %dma_wait3A_489 = tpu.memref_slice %arg7[%dma_wait3A_487, %dma_wait3A_488] : memref<20x512xi32, #tpu.memory_space<vmem>> -> memref<1x512xi32, #tpu.memory_space<vmem>>
    %dma_wait3A_490 = tpu.memref_squeeze %dma_wait3A_489 : memref<1x512xi32, #tpu.memory_space<vmem>> -> memref<512xi32, #tpu.memory_space<vmem>>
    %dma_wait3A_491 = arith.constant 0 : i32
    %dma_wait3A_492 = arith.constant 0 : i32
    %dma_wait3A_493 = tpu.memref_slice %arg10[%dma_wait3A_491, %dma_wait3A_492] : memref<10240x64xf32, #tpu.memory_space<vmem_shared>> -> memref<10240x64xf32, #tpu.memory_space<vmem_shared>>
    tpu.wait_indirect_dma semaphore(%arg14 : memref<!tpu.dma_semaphore, #tpu.memory_space<semaphore_mem>>) src(%arg9 : memref<512x64xf32, #tpu.memory_space<vmem>>) dst(%dma_wait3A_493 : memref<10240x64xf32, #tpu.memory_space<vmem_shared>>)
    %dma_start3A_494 = arith.constant 17 : i32
    %dma_start3A_495 = arith.constant 0 : i32
    %dma_start3A_496 = tpu.memref_slice %arg6[%dma_start3A_494, %dma_start3A_495] : memref<20x512xi32, #tpu.memory_space<vmem>> -> memref<1x512xi32, #tpu.memory_space<vmem>>
    %dma_start3A_497 = tpu.memref_squeeze %dma_start3A_496 : memref<1x512xi32, #tpu.memory_space<vmem>> -> memref<512xi32, #tpu.memory_space<vmem>>
    %dma_start3A_498 = arith.constant 0 : i32
    %dma_start3A_499 = arith.constant 0 : i32
    %dma_start3A_500 = tpu.memref_slice %arg2[%dma_start3A_498, %dma_start3A_499] : memref<10240x64xf32, #tpu.memory_space<hbm>> -> memref<10240x64xf32, #tpu.memory_space<hbm>>
    tpu.enqueue_indirect_dma source(%dma_start3A_500 : memref<10240x64xf32, #tpu.memory_space<hbm>>) target(%arg9 : memref<512x64xf32, #tpu.memory_space<vmem>>) offsets(%dma_start3A_497 : memref<512xi32, #tpu.memory_space<vmem>>) semaphore(%arg12 : memref<!tpu.dma_semaphore, #tpu.memory_space<semaphore_mem>>)
    %dma_wait3A_501 = arith.constant 17 : i32
    %dma_wait3A_502 = arith.constant 0 : i32
    %dma_wait3A_503 = tpu.memref_slice %arg6[%dma_wait3A_501, %dma_wait3A_502] : memref<20x512xi32, #tpu.memory_space<vmem>> -> memref<1x512xi32, #tpu.memory_space<vmem>>
    %dma_wait3A_504 = tpu.memref_squeeze %dma_wait3A_503 : memref<1x512xi32, #tpu.memory_space<vmem>> -> memref<512xi32, #tpu.memory_space<vmem>>
    %dma_wait3A_505 = arith.constant 0 : i32
    %dma_wait3A_506 = arith.constant 0 : i32
    %dma_wait3A_507 = tpu.memref_slice %arg2[%dma_wait3A_505, %dma_wait3A_506] : memref<10240x64xf32, #tpu.memory_space<hbm>> -> memref<10240x64xf32, #tpu.memory_space<hbm>>
    tpu.wait_indirect_dma semaphore(%arg12 : memref<!tpu.dma_semaphore, #tpu.memory_space<semaphore_mem>>) src(%dma_wait3A_507 : memref<10240x64xf32, #tpu.memory_space<hbm>>) dst(%arg9 : memref<512x64xf32, #tpu.memory_space<vmem>>)
    %dma_start3A_508 = arith.constant 17 : i32
    %dma_start3A_509 = arith.constant 0 : i32
    %dma_start3A_510 = tpu.memref_slice %arg7[%dma_start3A_508, %dma_start3A_509] : memref<20x512xi32, #tpu.memory_space<vmem>> -> memref<1x512xi32, #tpu.memory_space<vmem>>
    %dma_start3A_511 = tpu.memref_squeeze %dma_start3A_510 : memref<1x512xi32, #tpu.memory_space<vmem>> -> memref<512xi32, #tpu.memory_space<vmem>>
    %dma_start3A_512 = arith.constant 0 : i32
    %dma_start3A_513 = arith.constant 0 : i32
    %dma_start3A_514 = tpu.memref_slice %arg10[%dma_start3A_512, %dma_start3A_513] : memref<10240x64xf32, #tpu.memory_space<vmem_shared>> -> memref<10240x64xf32, #tpu.memory_space<vmem_shared>>
    tpu.enqueue_indirect_dma source(%arg9 : memref<512x64xf32, #tpu.memory_space<vmem>>) target(%dma_start3A_514 : memref<10240x64xf32, #tpu.memory_space<vmem_shared>>) offsets(%dma_start3A_511 : memref<512xi32, #tpu.memory_space<vmem>>) semaphore(%arg14 : memref<!tpu.dma_semaphore, #tpu.memory_space<semaphore_mem>>) {add = true}
    %dma_wait3A_515 = arith.constant 16 : i32
    %dma_wait3A_516 = arith.constant 0 : i32
    %dma_wait3A_517 = tpu.memref_slice %arg7[%dma_wait3A_515, %dma_wait3A_516] : memref<20x512xi32, #tpu.memory_space<vmem>> -> memref<1x512xi32, #tpu.memory_space<vmem>>
    %dma_wait3A_518 = tpu.memref_squeeze %dma_wait3A_517 : memref<1x512xi32, #tpu.memory_space<vmem>> -> memref<512xi32, #tpu.memory_space<vmem>>
    %dma_wait3A_519 = arith.constant 0 : i32
    %dma_wait3A_520 = arith.constant 0 : i32
    %dma_wait3A_521 = tpu.memref_slice %arg10[%dma_wait3A_519, %dma_wait3A_520] : memref<10240x64xf32, #tpu.memory_space<vmem_shared>> -> memref<10240x64xf32, #tpu.memory_space<vmem_shared>>
    tpu.wait_indirect_dma semaphore(%arg13 : memref<!tpu.dma_semaphore, #tpu.memory_space<semaphore_mem>>) src(%arg8 : memref<512x64xf32, #tpu.memory_space<vmem>>) dst(%dma_wait3A_521 : memref<10240x64xf32, #tpu.memory_space<vmem_shared>>)
    %dma_start3A_522 = arith.constant 18 : i32
    %dma_start3A_523 = arith.constant 0 : i32
    %dma_start3A_524 = tpu.memref_slice %arg6[%dma_start3A_522, %dma_start3A_523] : memref<20x512xi32, #tpu.memory_space<vmem>> -> memref<1x512xi32, #tpu.memory_space<vmem>>
    %dma_start3A_525 = tpu.memref_squeeze %dma_start3A_524 : memref<1x512xi32, #tpu.memory_space<vmem>> -> memref<512xi32, #tpu.memory_space<vmem>>
    %dma_start3A_526 = arith.constant 0 : i32
    %dma_start3A_527 = arith.constant 0 : i32
    %dma_start3A_528 = tpu.memref_slice %arg2[%dma_start3A_526, %dma_start3A_527] : memref<10240x64xf32, #tpu.memory_space<hbm>> -> memref<10240x64xf32, #tpu.memory_space<hbm>>
    tpu.enqueue_indirect_dma source(%dma_start3A_528 : memref<10240x64xf32, #tpu.memory_space<hbm>>) target(%arg8 : memref<512x64xf32, #tpu.memory_space<vmem>>) offsets(%dma_start3A_525 : memref<512xi32, #tpu.memory_space<vmem>>) semaphore(%arg11 : memref<!tpu.dma_semaphore, #tpu.memory_space<semaphore_mem>>)
    %dma_wait3A_529 = arith.constant 18 : i32
    %dma_wait3A_530 = arith.constant 0 : i32
    %dma_wait3A_531 = tpu.memref_slice %arg6[%dma_wait3A_529, %dma_wait3A_530] : memref<20x512xi32, #tpu.memory_space<vmem>> -> memref<1x512xi32, #tpu.memory_space<vmem>>
    %dma_wait3A_532 = tpu.memref_squeeze %dma_wait3A_531 : memref<1x512xi32, #tpu.memory_space<vmem>> -> memref<512xi32, #tpu.memory_space<vmem>>
    %dma_wait3A_533 = arith.constant 0 : i32
    %dma_wait3A_534 = arith.constant 0 : i32
    %dma_wait3A_535 = tpu.memref_slice %arg2[%dma_wait3A_533, %dma_wait3A_534] : memref<10240x64xf32, #tpu.memory_space<hbm>> -> memref<10240x64xf32, #tpu.memory_space<hbm>>
    tpu.wait_indirect_dma semaphore(%arg11 : memref<!tpu.dma_semaphore, #tpu.memory_space<semaphore_mem>>) src(%dma_wait3A_535 : memref<10240x64xf32, #tpu.memory_space<hbm>>) dst(%arg8 : memref<512x64xf32, #tpu.memory_space<vmem>>)
    %dma_start3A_536 = arith.constant 18 : i32
    %dma_start3A_537 = arith.constant 0 : i32
    %dma_start3A_538 = tpu.memref_slice %arg7[%dma_start3A_536, %dma_start3A_537] : memref<20x512xi32, #tpu.memory_space<vmem>> -> memref<1x512xi32, #tpu.memory_space<vmem>>
    %dma_start3A_539 = tpu.memref_squeeze %dma_start3A_538 : memref<1x512xi32, #tpu.memory_space<vmem>> -> memref<512xi32, #tpu.memory_space<vmem>>
    %dma_start3A_540 = arith.constant 0 : i32
    %dma_start3A_541 = arith.constant 0 : i32
    %dma_start3A_542 = tpu.memref_slice %arg10[%dma_start3A_540, %dma_start3A_541] : memref<10240x64xf32, #tpu.memory_space<vmem_shared>> -> memref<10240x64xf32, #tpu.memory_space<vmem_shared>>
    tpu.enqueue_indirect_dma source(%arg8 : memref<512x64xf32, #tpu.memory_space<vmem>>) target(%dma_start3A_542 : memref<10240x64xf32, #tpu.memory_space<vmem_shared>>) offsets(%dma_start3A_539 : memref<512xi32, #tpu.memory_space<vmem>>) semaphore(%arg13 : memref<!tpu.dma_semaphore, #tpu.memory_space<semaphore_mem>>) {add = true}
    %dma_wait3A_543 = arith.constant 17 : i32
    %dma_wait3A_544 = arith.constant 0 : i32
    %dma_wait3A_545 = tpu.memref_slice %arg7[%dma_wait3A_543, %dma_wait3A_544] : memref<20x512xi32, #tpu.memory_space<vmem>> -> memref<1x512xi32, #tpu.memory_space<vmem>>
    %dma_wait3A_546 = tpu.memref_squeeze %dma_wait3A_545 : memref<1x512xi32, #tpu.memory_space<vmem>> -> memref<512xi32, #tpu.memory_space<vmem>>
    %dma_wait3A_547 = arith.constant 0 : i32
    %dma_wait3A_548 = arith.constant 0 : i32
    %dma_wait3A_549 = tpu.memref_slice %arg10[%dma_wait3A_547, %dma_wait3A_548] : memref<10240x64xf32, #tpu.memory_space<vmem_shared>> -> memref<10240x64xf32, #tpu.memory_space<vmem_shared>>
    tpu.wait_indirect_dma semaphore(%arg14 : memref<!tpu.dma_semaphore, #tpu.memory_space<semaphore_mem>>) src(%arg9 : memref<512x64xf32, #tpu.memory_space<vmem>>) dst(%dma_wait3A_549 : memref<10240x64xf32, #tpu.memory_space<vmem_shared>>)
    %dma_start3A_550 = arith.constant 19 : i32
    %dma_start3A_551 = arith.constant 0 : i32
    %dma_start3A_552 = tpu.memref_slice %arg6[%dma_start3A_550, %dma_start3A_551] : memref<20x512xi32, #tpu.memory_space<vmem>> -> memref<1x512xi32, #tpu.memory_space<vmem>>
    %dma_start3A_553 = tpu.memref_squeeze %dma_start3A_552 : memref<1x512xi32, #tpu.memory_space<vmem>> -> memref<512xi32, #tpu.memory_space<vmem>>
    %dma_start3A_554 = arith.constant 0 : i32
    %dma_start3A_555 = arith.constant 0 : i32
    %dma_start3A_556 = tpu.memref_slice %arg2[%dma_start3A_554, %dma_start3A_555] : memref<10240x64xf32, #tpu.memory_space<hbm>> -> memref<10240x64xf32, #tpu.memory_space<hbm>>
    tpu.enqueue_indirect_dma source(%dma_start3A_556 : memref<10240x64xf32, #tpu.memory_space<hbm>>) target(%arg9 : memref<512x64xf32, #tpu.memory_space<vmem>>) offsets(%dma_start3A_553 : memref<512xi32, #tpu.memory_space<vmem>>) semaphore(%arg12 : memref<!tpu.dma_semaphore, #tpu.memory_space<semaphore_mem>>)
    %dma_wait3A_557 = arith.constant 19 : i32
    %dma_wait3A_558 = arith.constant 0 : i32
    %dma_wait3A_559 = tpu.memref_slice %arg6[%dma_wait3A_557, %dma_wait3A_558] : memref<20x512xi32, #tpu.memory_space<vmem>> -> memref<1x512xi32, #tpu.memory_space<vmem>>
    %dma_wait3A_560 = tpu.memref_squeeze %dma_wait3A_559 : memref<1x512xi32, #tpu.memory_space<vmem>> -> memref<512xi32, #tpu.memory_space<vmem>>
    %dma_wait3A_561 = arith.constant 0 : i32
    %dma_wait3A_562 = arith.constant 0 : i32
    %dma_wait3A_563 = tpu.memref_slice %arg2[%dma_wait3A_561, %dma_wait3A_562] : memref<10240x64xf32, #tpu.memory_space<hbm>> -> memref<10240x64xf32, #tpu.memory_space<hbm>>
    tpu.wait_indirect_dma semaphore(%arg12 : memref<!tpu.dma_semaphore, #tpu.memory_space<semaphore_mem>>) src(%dma_wait3A_563 : memref<10240x64xf32, #tpu.memory_space<hbm>>) dst(%arg9 : memref<512x64xf32, #tpu.memory_space<vmem>>)
    %dma_start3A_564 = arith.constant 19 : i32
    %dma_start3A_565 = arith.constant 0 : i32
    %dma_start3A_566 = tpu.memref_slice %arg7[%dma_start3A_564, %dma_start3A_565] : memref<20x512xi32, #tpu.memory_space<vmem>> -> memref<1x512xi32, #tpu.memory_space<vmem>>
    %dma_start3A_567 = tpu.memref_squeeze %dma_start3A_566 : memref<1x512xi32, #tpu.memory_space<vmem>> -> memref<512xi32, #tpu.memory_space<vmem>>
    %dma_start3A_568 = arith.constant 0 : i32
    %dma_start3A_569 = arith.constant 0 : i32
    %dma_start3A_570 = tpu.memref_slice %arg10[%dma_start3A_568, %dma_start3A_569] : memref<10240x64xf32, #tpu.memory_space<vmem_shared>> -> memref<10240x64xf32, #tpu.memory_space<vmem_shared>>
    tpu.enqueue_indirect_dma source(%arg9 : memref<512x64xf32, #tpu.memory_space<vmem>>) target(%dma_start3A_570 : memref<10240x64xf32, #tpu.memory_space<vmem_shared>>) offsets(%dma_start3A_567 : memref<512xi32, #tpu.memory_space<vmem>>) semaphore(%arg14 : memref<!tpu.dma_semaphore, #tpu.memory_space<semaphore_mem>>) {add = true}
    %dma_wait3A_571 = arith.constant 18 : i32
    %dma_wait3A_572 = arith.constant 0 : i32
    %dma_wait3A_573 = tpu.memref_slice %arg7[%dma_wait3A_571, %dma_wait3A_572] : memref<20x512xi32, #tpu.memory_space<vmem>> -> memref<1x512xi32, #tpu.memory_space<vmem>>
    %dma_wait3A_574 = tpu.memref_squeeze %dma_wait3A_573 : memref<1x512xi32, #tpu.memory_space<vmem>> -> memref<512xi32, #tpu.memory_space<vmem>>
    %dma_wait3A_575 = arith.constant 0 : i32
    %dma_wait3A_576 = arith.constant 0 : i32
    %dma_wait3A_577 = tpu.memref_slice %arg10[%dma_wait3A_575, %dma_wait3A_576] : memref<10240x64xf32, #tpu.memory_space<vmem_shared>> -> memref<10240x64xf32, #tpu.memory_space<vmem_shared>>
    tpu.wait_indirect_dma semaphore(%arg13 : memref<!tpu.dma_semaphore, #tpu.memory_space<semaphore_mem>>) src(%arg8 : memref<512x64xf32, #tpu.memory_space<vmem>>) dst(%dma_wait3A_577 : memref<10240x64xf32, #tpu.memory_space<vmem_shared>>)
    %dma_wait3A_578 = arith.constant 19 : i32
    %dma_wait3A_579 = arith.constant 0 : i32
    %dma_wait3A_580 = tpu.memref_slice %arg7[%dma_wait3A_578, %dma_wait3A_579] : memref<20x512xi32, #tpu.memory_space<vmem>> -> memref<1x512xi32, #tpu.memory_space<vmem>>
    %dma_wait3A_581 = tpu.memref_squeeze %dma_wait3A_580 : memref<1x512xi32, #tpu.memory_space<vmem>> -> memref<512xi32, #tpu.memory_space<vmem>>
    %dma_wait3A_582 = arith.constant 0 : i32
    %dma_wait3A_583 = arith.constant 0 : i32
    %dma_wait3A_584 = tpu.memref_slice %arg10[%dma_wait3A_582, %dma_wait3A_583] : memref<10240x64xf32, #tpu.memory_space<vmem_shared>> -> memref<10240x64xf32, #tpu.memory_space<vmem_shared>>
    tpu.wait_indirect_dma semaphore(%arg14 : memref<!tpu.dma_semaphore, #tpu.memory_space<semaphore_mem>>) src(%arg9 : memref<512x64xf32, #tpu.memory_space<vmem>>) dst(%dma_wait3A_584 : memref<10240x64xf32, #tpu.memory_space<vmem_shared>>)
    %barrier3A_585 = arith.constant 0 : index
    tpu.barrier barrier_id(%barrier3A_585)
    %mul3A_586 = arith.constant 640 : i32
    %mul3A_587 = arith.muli %arg1, %mul3A_586 : i32
    %mul3A_588 = arith.constant 640 : i32
    %mul3A_589 = arith.muli %arg1, %mul3A_588 : i32
    "tpu.region"() ({
      %run_scoped3A = tpu.sem_alloc : memref<!tpu.dma_semaphore, #tpu.memory_space<semaphore_mem>>
      %dma_start3A_590 = arith.constant 0 : i32
      %dma_start3A_591 = arith.constant 0 : i32
      %dma_start3A_592 = tpu.memref_slice %arg5[%arg0, %dma_start3A_590, %dma_start3A_591] : memref<2x10240x64xf32, #tpu.memory_space<hbm>> -> memref<1x10240x64xf32, #tpu.memory_space<hbm>>
      %dma_start3A_593 = tpu.memref_squeeze %dma_start3A_592 : memref<1x10240x64xf32, #tpu.memory_space<hbm>> -> memref<10240x64xf32, #tpu.memory_space<hbm>>
      %dma_start3A_594 = arith.constant 0 : i32
      %dma_start3A_595 = tpu.memref_slice %dma_start3A_593[%mul3A_589, %dma_start3A_594] : memref<10240x64xf32, #tpu.memory_space<hbm>> -> memref<640x64xf32, #tpu.memory_space<hbm>>
      %dma_start3A_596 = arith.constant 0 : i32
      %dma_start3A_597 = tpu.memref_slice %arg10[%mul3A_587, %dma_start3A_596] : memref<10240x64xf32, #tpu.memory_space<vmem_shared>> -> memref<640x64xf32, #tpu.memory_space<vmem_shared>>
      tpu.enqueue_dma source(%dma_start3A_597 : memref<640x64xf32, #tpu.memory_space<vmem_shared>>) target(%dma_start3A_595 : memref<640x64xf32, #tpu.memory_space<hbm>>) target_semaphore(%run_scoped3A : memref<!tpu.dma_semaphore, #tpu.memory_space<semaphore_mem>>)
      %dma_wait3A_598 = arith.constant 0 : i32
      %dma_wait3A_599 = arith.constant 0 : i32
      %dma_wait3A_600 = tpu.memref_slice %arg5[%arg0, %dma_wait3A_598, %dma_wait3A_599] : memref<2x10240x64xf32, #tpu.memory_space<hbm>> -> memref<1x10240x64xf32, #tpu.memory_space<hbm>>
      %dma_wait3A_601 = tpu.memref_squeeze %dma_wait3A_600 : memref<1x10240x64xf32, #tpu.memory_space<hbm>> -> memref<10240x64xf32, #tpu.memory_space<hbm>>
      %dma_wait3A_602 = arith.constant 0 : i32
      %dma_wait3A_603 = tpu.memref_slice %dma_wait3A_601[%mul3A_589, %dma_wait3A_602] : memref<10240x64xf32, #tpu.memory_space<hbm>> -> memref<640x64xf32, #tpu.memory_space<hbm>>
      %dma_wait3A_604 = arith.constant 0 : i32
      %dma_wait3A_605 = tpu.memref_slice %arg10[%mul3A_587, %dma_wait3A_604] : memref<10240x64xf32, #tpu.memory_space<vmem_shared>> -> memref<640x64xf32, #tpu.memory_space<vmem_shared>>
      tpu.wait_dma2 semaphore(%run_scoped3A : memref<!tpu.dma_semaphore, #tpu.memory_space<semaphore_mem>>) src(%dma_wait3A_605 : memref<640x64xf32, #tpu.memory_space<vmem_shared>>) dst(%dma_wait3A_603 : memref<640x64xf32, #tpu.memory_space<hbm>>)
      tpu.yield
    }) : () -> ()
    return
  }
}

#map = affine_map<(d0, d1) -> (0, 0)>
#map1 = affine_map<(d0, d1) -> (0, 0, 0)>
module attributes {stable_mosaic.version = 14 : i64} {
  func.func @_sc_agg_body(%arg0: i32, %arg1: i32, %arg2: memref<10240x64xf32, #tpu.memory_space<hbm>>, %arg3: memref<640x512xi32, #tpu.memory_space<hbm>>, %arg4: memref<640x512xi32, #tpu.memory_space<hbm>>, %arg5: memref<2x10240x64xf32, #tpu.memory_space<hbm>>, %arg6: memref<20x512xi32, #tpu.memory_space<vmem>>, %arg7: memref<20x512xi32, #tpu.memory_space<vmem>>, %arg8: memref<512x64xf32, #tpu.memory_space<vmem>>, %arg9: memref<512x64xf32, #tpu.memory_space<vmem>>, %arg10: memref<10240x64xf32, #tpu.memory_space<vmem_shared>>, %arg11: memref<!tpu.dma_semaphore, #tpu.memory_space<semaphore_mem>>, %arg12: memref<!tpu.dma_semaphore, #tpu.memory_space<semaphore_mem>>, %arg13: memref<!tpu.dma_semaphore, #tpu.memory_space<semaphore_mem>>, %arg14: memref<!tpu.dma_semaphore, #tpu.memory_space<semaphore_mem>>) attributes {dimension_semantics = [#tpu.dimension_semantics<core_parallel>, #tpu.dimension_semantics<subcore_parallel>], iteration_bounds = array<i64: 2, 16>, scalar_prefetch = 0 : i64, scratch_operands = 9 : i64, tpu.core_type = #tpu.core_type<sc_vector_subcore>, window_params = [{transform_indices = #map}, {transform_indices = #map}, {transform_indices = #map}, {transform_indices = #map1}]} {
    %scan3A = arith.constant 0 : i32
    %scan3A_0 = arith.constant 128 : i32
    %scan3A_1 = arith.addi %scan3A, %scan3A_0 : i32
    %scan3A_2 = arith.constant 1 : i32
    scf.for %scan3A_590 = %scan3A to %scan3A_1 step %scan3A_2  : i32 {
      %broadcast_in_dim3A = arith.constant 0.000000e+00 : f32
      %broadcast_in_dim3A_591 = vector.broadcast %broadcast_in_dim3A : f32 to vector<16xf32>
      %swap3A = arith.index_cast %scan3A_590 : i32 to index
      %swap3A_592 = arith.constant 0 : index
      %swap3A_593 = tpu.vector_load %arg8[%swap3A, %swap3A_592] {strides = array<i32>} : memref<512x64xf32, #tpu.memory_space<vmem>>, vector<1x16xf32>,
      %swap3A_594 = vector.shape_cast %swap3A_593 : vector<1x16xf32> to vector<16xf32>
      %swap3A_595 = vector.shape_cast %broadcast_in_dim3A_591 : vector<16xf32> to vector<1x16xf32>
      tpu.vector_store %arg8[%swap3A, %swap3A_592], %swap3A_595 {strides = array<i32>} : memref<512x64xf32, #tpu.memory_space<vmem>>, vector<1x16xf32>,
      %swap3A_596 = arith.index_cast %scan3A_590 : i32 to index
      %swap3A_597 = arith.constant 16 : index
      %swap3A_598 = tpu.vector_load %arg8[%swap3A_596, %swap3A_597] {strides = array<i32>} : memref<512x64xf32, #tpu.memory_space<vmem>>, vector<1x16xf32>,
      %swap3A_599 = vector.shape_cast %swap3A_598 : vector<1x16xf32> to vector<16xf32>
      %swap3A_600 = vector.shape_cast %broadcast_in_dim3A_591 : vector<16xf32> to vector<1x16xf32>
      tpu.vector_store %arg8[%swap3A_596, %swap3A_597], %swap3A_600 {strides = array<i32>} : memref<512x64xf32, #tpu.memory_space<vmem>>, vector<1x16xf32>,
      %swap3A_601 = arith.index_cast %scan3A_590 : i32 to index
      %swap3A_602 = arith.constant 32 : index
      %swap3A_603 = tpu.vector_load %arg8[%swap3A_601, %swap3A_602] {strides = array<i32>} : memref<512x64xf32, #tpu.memory_space<vmem>>, vector<1x16xf32>,
      %swap3A_604 = vector.shape_cast %swap3A_603 : vector<1x16xf32> to vector<16xf32>
      %swap3A_605 = vector.shape_cast %broadcast_in_dim3A_591 : vector<16xf32> to vector<1x16xf32>
      tpu.vector_store %arg8[%swap3A_601, %swap3A_602], %swap3A_605 {strides = array<i32>} : memref<512x64xf32, #tpu.memory_space<vmem>>, vector<1x16xf32>,
      %swap3A_606 = arith.index_cast %scan3A_590 : i32 to index
      %swap3A_607 = arith.constant 48 : index
      %swap3A_608 = tpu.vector_load %arg8[%swap3A_606, %swap3A_607] {strides = array<i32>} : memref<512x64xf32, #tpu.memory_space<vmem>>, vector<1x16xf32>,
      %swap3A_609 = vector.shape_cast %swap3A_608 : vector<1x16xf32> to vector<16xf32>
      %swap3A_610 = vector.shape_cast %broadcast_in_dim3A_591 : vector<16xf32> to vector<1x16xf32>
      tpu.vector_store %arg8[%swap3A_606, %swap3A_607], %swap3A_610 {strides = array<i32>} : memref<512x64xf32, #tpu.memory_space<vmem>>, vector<1x16xf32>,
    }
    %scan3A_3 = arith.constant 128 : i32
    %mul3A = arith.constant 640 : i32
    %mul3A_4 = arith.muli %arg1, %mul3A : i32
    %add3A = arith.constant 0 : i32
    %add3A_5 = arith.addi %mul3A_4, %add3A : i32
    "tpu.region"() ({
      %run_scoped3A = tpu.sem_alloc : memref<!tpu.dma_semaphore, #tpu.memory_space<semaphore_mem>>
      %dma_start3A_590 = arith.constant 0 : i32
      %dma_start3A_591 = arith.constant 0 : i32
      %dma_start3A_592 = tpu.memref_slice %arg8[%dma_start3A_590, %dma_start3A_591] : memref<512x64xf32, #tpu.memory_space<vmem>> -> memref<128x64xf32, #tpu.memory_space<vmem>>
      %dma_start3A_593 = arith.constant 0 : i32
      %dma_start3A_594 = tpu.memref_slice %arg10[%add3A_5, %dma_start3A_593] : memref<10240x64xf32, #tpu.memory_space<vmem_shared>> -> memref<128x64xf32, #tpu.memory_space<vmem_shared>>
      %dma_start3A_595 = arith.constant 0 : i32
      %dma_start3A_596 = tpu.memref_slice %arg10[%add3A_5, %dma_start3A_595] : memref<10240x64xf32, #tpu.memory_space<vmem_shared>> -> memref<128x64xf32, #tpu.memory_space<vmem_shared>>
      %dma_start3A_597 = arith.constant 0 : i32
      %dma_start3A_598 = arith.constant 0 : i32
      %dma_start3A_599 = tpu.memref_slice %arg8[%dma_start3A_597, %dma_start3A_598] : memref<512x64xf32, #tpu.memory_space<vmem>> -> memref<128x64xf32, #tpu.memory_space<vmem>>
      tpu.enqueue_dma source(%dma_start3A_599 : memref<128x64xf32, #tpu.memory_space<vmem>>) target(%dma_start3A_596 : memref<128x64xf32, #tpu.memory_space<vmem_shared>>) target_semaphore(%run_scoped3A : memref<!tpu.dma_semaphore, #tpu.memory_space<semaphore_mem>>)
      %dma_wait3A_600 = arith.constant 0 : i32
      %dma_wait3A_601 = arith.constant 0 : i32
      %dma_wait3A_602 = tpu.memref_slice %arg8[%dma_wait3A_600, %dma_wait3A_601] : memref<512x64xf32, #tpu.memory_space<vmem>> -> memref<128x64xf32, #tpu.memory_space<vmem>>
      %dma_wait3A_603 = arith.constant 0 : i32
      %dma_wait3A_604 = tpu.memref_slice %arg10[%add3A_5, %dma_wait3A_603] : memref<10240x64xf32, #tpu.memory_space<vmem_shared>> -> memref<128x64xf32, #tpu.memory_space<vmem_shared>>
      %dma_wait3A_605 = arith.constant 0 : i32
      %dma_wait3A_606 = tpu.memref_slice %arg10[%add3A_5, %dma_wait3A_605] : memref<10240x64xf32, #tpu.memory_space<vmem_shared>> -> memref<128x64xf32, #tpu.memory_space<vmem_shared>>
      %dma_wait3A_607 = arith.constant 0 : i32
      %dma_wait3A_608 = arith.constant 0 : i32
      %dma_wait3A_609 = tpu.memref_slice %arg8[%dma_wait3A_607, %dma_wait3A_608] : memref<512x64xf32, #tpu.memory_space<vmem>> -> memref<128x64xf32, #tpu.memory_space<vmem>>
      tpu.wait_dma2 semaphore(%run_scoped3A : memref<!tpu.dma_semaphore, #tpu.memory_space<semaphore_mem>>) src(%dma_wait3A_609 : memref<128x64xf32, #tpu.memory_space<vmem>>) dst(%dma_wait3A_606 : memref<128x64xf32, #tpu.memory_space<vmem_shared>>)
      tpu.yield
    }) : () -> ()
    %mul3A_6 = arith.constant 640 : i32
    %mul3A_7 = arith.muli %arg1, %mul3A_6 : i32
    %add3A_8 = arith.constant 128 : i32
    %add3A_9 = arith.addi %mul3A_7, %add3A_8 : i32
    "tpu.region"() ({
      %run_scoped3A = tpu.sem_alloc : memref<!tpu.dma_semaphore, #tpu.memory_space<semaphore_mem>>
      %dma_start3A_590 = arith.constant 0 : i32
      %dma_start3A_591 = arith.constant 0 : i32
      %dma_start3A_592 = tpu.memref_slice %arg8[%dma_start3A_590, %dma_start3A_591] : memref<512x64xf32, #tpu.memory_space<vmem>> -> memref<128x64xf32, #tpu.memory_space<vmem>>
      %dma_start3A_593 = arith.constant 0 : i32
      %dma_start3A_594 = tpu.memref_slice %arg10[%add3A_9, %dma_start3A_593] : memref<10240x64xf32, #tpu.memory_space<vmem_shared>> -> memref<128x64xf32, #tpu.memory_space<vmem_shared>>
      %dma_start3A_595 = arith.constant 0 : i32
      %dma_start3A_596 = tpu.memref_slice %arg10[%add3A_9, %dma_start3A_595] : memref<10240x64xf32, #tpu.memory_space<vmem_shared>> -> memref<128x64xf32, #tpu.memory_space<vmem_shared>>
      %dma_start3A_597 = arith.constant 0 : i32
      %dma_start3A_598 = arith.constant 0 : i32
      %dma_start3A_599 = tpu.memref_slice %arg8[%dma_start3A_597, %dma_start3A_598] : memref<512x64xf32, #tpu.memory_space<vmem>> -> memref<128x64xf32, #tpu.memory_space<vmem>>
      tpu.enqueue_dma source(%dma_start3A_599 : memref<128x64xf32, #tpu.memory_space<vmem>>) target(%dma_start3A_596 : memref<128x64xf32, #tpu.memory_space<vmem_shared>>) target_semaphore(%run_scoped3A : memref<!tpu.dma_semaphore, #tpu.memory_space<semaphore_mem>>)
      %dma_wait3A_600 = arith.constant 0 : i32
      %dma_wait3A_601 = arith.constant 0 : i32
      %dma_wait3A_602 = tpu.memref_slice %arg8[%dma_wait3A_600, %dma_wait3A_601] : memref<512x64xf32, #tpu.memory_space<vmem>> -> memref<128x64xf32, #tpu.memory_space<vmem>>
      %dma_wait3A_603 = arith.constant 0 : i32
      %dma_wait3A_604 = tpu.memref_slice %arg10[%add3A_9, %dma_wait3A_603] : memref<10240x64xf32, #tpu.memory_space<vmem_shared>> -> memref<128x64xf32, #tpu.memory_space<vmem_shared>>
      %dma_wait3A_605 = arith.constant 0 : i32
      %dma_wait3A_606 = tpu.memref_slice %arg10[%add3A_9, %dma_wait3A_605] : memref<10240x64xf32, #tpu.memory_space<vmem_shared>> -> memref<128x64xf32, #tpu.memory_space<vmem_shared>>
      %dma_wait3A_607 = arith.constant 0 : i32
      %dma_wait3A_608 = arith.constant 0 : i32
      %dma_wait3A_609 = tpu.memref_slice %arg8[%dma_wait3A_607, %dma_wait3A_608] : memref<512x64xf32, #tpu.memory_space<vmem>> -> memref<128x64xf32, #tpu.memory_space<vmem>>
      tpu.wait_dma2 semaphore(%run_scoped3A : memref<!tpu.dma_semaphore, #tpu.memory_space<semaphore_mem>>) src(%dma_wait3A_609 : memref<128x64xf32, #tpu.memory_space<vmem>>) dst(%dma_wait3A_606 : memref<128x64xf32, #tpu.memory_space<vmem_shared>>)
      tpu.yield
    }) : () -> ()
    %mul3A_10 = arith.constant 640 : i32
    %mul3A_11 = arith.muli %arg1, %mul3A_10 : i32
    %add3A_12 = arith.constant 256 : i32
    %add3A_13 = arith.addi %mul3A_11, %add3A_12 : i32
    "tpu.region"() ({
      %run_scoped3A = tpu.sem_alloc : memref<!tpu.dma_semaphore, #tpu.memory_space<semaphore_mem>>
      %dma_start3A_590 = arith.constant 0 : i32
      %dma_start3A_591 = arith.constant 0 : i32
      %dma_start3A_592 = tpu.memref_slice %arg8[%dma_start3A_590, %dma_start3A_591] : memref<512x64xf32, #tpu.memory_space<vmem>> -> memref<128x64xf32, #tpu.memory_space<vmem>>
      %dma_start3A_593 = arith.constant 0 : i32
      %dma_start3A_594 = tpu.memref_slice %arg10[%add3A_13, %dma_start3A_593] : memref<10240x64xf32, #tpu.memory_space<vmem_shared>> -> memref<128x64xf32, #tpu.memory_space<vmem_shared>>
      %dma_start3A_595 = arith.constant 0 : i32
      %dma_start3A_596 = tpu.memref_slice %arg10[%add3A_13, %dma_start3A_595] : memref<10240x64xf32, #tpu.memory_space<vmem_shared>> -> memref<128x64xf32, #tpu.memory_space<vmem_shared>>
      %dma_start3A_597 = arith.constant 0 : i32
      %dma_start3A_598 = arith.constant 0 : i32
      %dma_start3A_599 = tpu.memref_slice %arg8[%dma_start3A_597, %dma_start3A_598] : memref<512x64xf32, #tpu.memory_space<vmem>> -> memref<128x64xf32, #tpu.memory_space<vmem>>
      tpu.enqueue_dma source(%dma_start3A_599 : memref<128x64xf32, #tpu.memory_space<vmem>>) target(%dma_start3A_596 : memref<128x64xf32, #tpu.memory_space<vmem_shared>>) target_semaphore(%run_scoped3A : memref<!tpu.dma_semaphore, #tpu.memory_space<semaphore_mem>>)
      %dma_wait3A_600 = arith.constant 0 : i32
      %dma_wait3A_601 = arith.constant 0 : i32
      %dma_wait3A_602 = tpu.memref_slice %arg8[%dma_wait3A_600, %dma_wait3A_601] : memref<512x64xf32, #tpu.memory_space<vmem>> -> memref<128x64xf32, #tpu.memory_space<vmem>>
      %dma_wait3A_603 = arith.constant 0 : i32
      %dma_wait3A_604 = tpu.memref_slice %arg10[%add3A_13, %dma_wait3A_603] : memref<10240x64xf32, #tpu.memory_space<vmem_shared>> -> memref<128x64xf32, #tpu.memory_space<vmem_shared>>
      %dma_wait3A_605 = arith.constant 0 : i32
      %dma_wait3A_606 = tpu.memref_slice %arg10[%add3A_13, %dma_wait3A_605] : memref<10240x64xf32, #tpu.memory_space<vmem_shared>> -> memref<128x64xf32, #tpu.memory_space<vmem_shared>>
      %dma_wait3A_607 = arith.constant 0 : i32
      %dma_wait3A_608 = arith.constant 0 : i32
      %dma_wait3A_609 = tpu.memref_slice %arg8[%dma_wait3A_607, %dma_wait3A_608] : memref<512x64xf32, #tpu.memory_space<vmem>> -> memref<128x64xf32, #tpu.memory_space<vmem>>
      tpu.wait_dma2 semaphore(%run_scoped3A : memref<!tpu.dma_semaphore, #tpu.memory_space<semaphore_mem>>) src(%dma_wait3A_609 : memref<128x64xf32, #tpu.memory_space<vmem>>) dst(%dma_wait3A_606 : memref<128x64xf32, #tpu.memory_space<vmem_shared>>)
      tpu.yield
    }) : () -> ()
    %mul3A_14 = arith.constant 640 : i32
    %mul3A_15 = arith.muli %arg1, %mul3A_14 : i32
    %add3A_16 = arith.constant 384 : i32
    %add3A_17 = arith.addi %mul3A_15, %add3A_16 : i32
    "tpu.region"() ({
      %run_scoped3A = tpu.sem_alloc : memref<!tpu.dma_semaphore, #tpu.memory_space<semaphore_mem>>
      %dma_start3A_590 = arith.constant 0 : i32
      %dma_start3A_591 = arith.constant 0 : i32
      %dma_start3A_592 = tpu.memref_slice %arg8[%dma_start3A_590, %dma_start3A_591] : memref<512x64xf32, #tpu.memory_space<vmem>> -> memref<128x64xf32, #tpu.memory_space<vmem>>
      %dma_start3A_593 = arith.constant 0 : i32
      %dma_start3A_594 = tpu.memref_slice %arg10[%add3A_17, %dma_start3A_593] : memref<10240x64xf32, #tpu.memory_space<vmem_shared>> -> memref<128x64xf32, #tpu.memory_space<vmem_shared>>
      %dma_start3A_595 = arith.constant 0 : i32
      %dma_start3A_596 = tpu.memref_slice %arg10[%add3A_17, %dma_start3A_595] : memref<10240x64xf32, #tpu.memory_space<vmem_shared>> -> memref<128x64xf32, #tpu.memory_space<vmem_shared>>
      %dma_start3A_597 = arith.constant 0 : i32
      %dma_start3A_598 = arith.constant 0 : i32
      %dma_start3A_599 = tpu.memref_slice %arg8[%dma_start3A_597, %dma_start3A_598] : memref<512x64xf32, #tpu.memory_space<vmem>> -> memref<128x64xf32, #tpu.memory_space<vmem>>
      tpu.enqueue_dma source(%dma_start3A_599 : memref<128x64xf32, #tpu.memory_space<vmem>>) target(%dma_start3A_596 : memref<128x64xf32, #tpu.memory_space<vmem_shared>>) target_semaphore(%run_scoped3A : memref<!tpu.dma_semaphore, #tpu.memory_space<semaphore_mem>>)
      %dma_wait3A_600 = arith.constant 0 : i32
      %dma_wait3A_601 = arith.constant 0 : i32
      %dma_wait3A_602 = tpu.memref_slice %arg8[%dma_wait3A_600, %dma_wait3A_601] : memref<512x64xf32, #tpu.memory_space<vmem>> -> memref<128x64xf32, #tpu.memory_space<vmem>>
      %dma_wait3A_603 = arith.constant 0 : i32
      %dma_wait3A_604 = tpu.memref_slice %arg10[%add3A_17, %dma_wait3A_603] : memref<10240x64xf32, #tpu.memory_space<vmem_shared>> -> memref<128x64xf32, #tpu.memory_space<vmem_shared>>
      %dma_wait3A_605 = arith.constant 0 : i32
      %dma_wait3A_606 = tpu.memref_slice %arg10[%add3A_17, %dma_wait3A_605] : memref<10240x64xf32, #tpu.memory_space<vmem_shared>> -> memref<128x64xf32, #tpu.memory_space<vmem_shared>>
      %dma_wait3A_607 = arith.constant 0 : i32
      %dma_wait3A_608 = arith.constant 0 : i32
      %dma_wait3A_609 = tpu.memref_slice %arg8[%dma_wait3A_607, %dma_wait3A_608] : memref<512x64xf32, #tpu.memory_space<vmem>> -> memref<128x64xf32, #tpu.memory_space<vmem>>
      tpu.wait_dma2 semaphore(%run_scoped3A : memref<!tpu.dma_semaphore, #tpu.memory_space<semaphore_mem>>) src(%dma_wait3A_609 : memref<128x64xf32, #tpu.memory_space<vmem>>) dst(%dma_wait3A_606 : memref<128x64xf32, #tpu.memory_space<vmem_shared>>)
      tpu.yield
    }) : () -> ()
    %mul3A_18 = arith.constant 640 : i32
    %mul3A_19 = arith.muli %arg1, %mul3A_18 : i32
    %add3A_20 = arith.constant 512 : i32
    %add3A_21 = arith.addi %mul3A_19, %add3A_20 : i32
    "tpu.region"() ({
      %run_scoped3A = tpu.sem_alloc : memref<!tpu.dma_semaphore, #tpu.memory_space<semaphore_mem>>
      %dma_start3A_590 = arith.constant 0 : i32
      %dma_start3A_591 = arith.constant 0 : i32
      %dma_start3A_592 = tpu.memref_slice %arg8[%dma_start3A_590, %dma_start3A_591] : memref<512x64xf32, #tpu.memory_space<vmem>> -> memref<128x64xf32, #tpu.memory_space<vmem>>
      %dma_start3A_593 = arith.constant 0 : i32
      %dma_start3A_594 = tpu.memref_slice %arg10[%add3A_21, %dma_start3A_593] : memref<10240x64xf32, #tpu.memory_space<vmem_shared>> -> memref<128x64xf32, #tpu.memory_space<vmem_shared>>
      %dma_start3A_595 = arith.constant 0 : i32
      %dma_start3A_596 = tpu.memref_slice %arg10[%add3A_21, %dma_start3A_595] : memref<10240x64xf32, #tpu.memory_space<vmem_shared>> -> memref<128x64xf32, #tpu.memory_space<vmem_shared>>
      %dma_start3A_597 = arith.constant 0 : i32
      %dma_start3A_598 = arith.constant 0 : i32
      %dma_start3A_599 = tpu.memref_slice %arg8[%dma_start3A_597, %dma_start3A_598] : memref<512x64xf32, #tpu.memory_space<vmem>> -> memref<128x64xf32, #tpu.memory_space<vmem>>
      tpu.enqueue_dma source(%dma_start3A_599 : memref<128x64xf32, #tpu.memory_space<vmem>>) target(%dma_start3A_596 : memref<128x64xf32, #tpu.memory_space<vmem_shared>>) target_semaphore(%run_scoped3A : memref<!tpu.dma_semaphore, #tpu.memory_space<semaphore_mem>>)
      %dma_wait3A_600 = arith.constant 0 : i32
      %dma_wait3A_601 = arith.constant 0 : i32
      %dma_wait3A_602 = tpu.memref_slice %arg8[%dma_wait3A_600, %dma_wait3A_601] : memref<512x64xf32, #tpu.memory_space<vmem>> -> memref<128x64xf32, #tpu.memory_space<vmem>>
      %dma_wait3A_603 = arith.constant 0 : i32
      %dma_wait3A_604 = tpu.memref_slice %arg10[%add3A_21, %dma_wait3A_603] : memref<10240x64xf32, #tpu.memory_space<vmem_shared>> -> memref<128x64xf32, #tpu.memory_space<vmem_shared>>
      %dma_wait3A_605 = arith.constant 0 : i32
      %dma_wait3A_606 = tpu.memref_slice %arg10[%add3A_21, %dma_wait3A_605] : memref<10240x64xf32, #tpu.memory_space<vmem_shared>> -> memref<128x64xf32, #tpu.memory_space<vmem_shared>>
      %dma_wait3A_607 = arith.constant 0 : i32
      %dma_wait3A_608 = arith.constant 0 : i32
      %dma_wait3A_609 = tpu.memref_slice %arg8[%dma_wait3A_607, %dma_wait3A_608] : memref<512x64xf32, #tpu.memory_space<vmem>> -> memref<128x64xf32, #tpu.memory_space<vmem>>
      tpu.wait_dma2 semaphore(%run_scoped3A : memref<!tpu.dma_semaphore, #tpu.memory_space<semaphore_mem>>) src(%dma_wait3A_609 : memref<128x64xf32, #tpu.memory_space<vmem>>) dst(%dma_wait3A_606 : memref<128x64xf32, #tpu.memory_space<vmem_shared>>)
      tpu.yield
    }) : () -> ()
    %barrier3A = arith.constant 0 : index
    tpu.barrier barrier_id(%barrier3A)
    %mul3A_22 = arith.constant 16 : i32
    %mul3A_23 = arith.muli %arg0, %mul3A_22 : i32
    %add3A_24 = arith.addi %mul3A_23, %arg1 : i32
    %mul3A_25 = arith.constant 20 : i32
    %mul3A_26 = arith.muli %add3A_24, %mul3A_25 : i32
    "tpu.region"() ({
      %run_scoped3A = tpu.sem_alloc : memref<!tpu.dma_semaphore, #tpu.memory_space<semaphore_mem>>
      %dma_start3A_590 = arith.constant 0 : i32
      %dma_start3A_591 = tpu.memref_slice %arg3[%mul3A_26, %dma_start3A_590] : memref<640x512xi32, #tpu.memory_space<hbm>> -> memref<20x512xi32, #tpu.memory_space<hbm>>
      %dma_start3A_592 = arith.constant 0 : i32
      %dma_start3A_593 = tpu.memref_slice %arg3[%mul3A_26, %dma_start3A_592] : memref<640x512xi32, #tpu.memory_space<hbm>> -> memref<20x512xi32, #tpu.memory_space<hbm>>
      tpu.enqueue_dma source(%dma_start3A_593 : memref<20x512xi32, #tpu.memory_space<hbm>>) target(%arg6 : memref<20x512xi32, #tpu.memory_space<vmem>>) target_semaphore(%run_scoped3A : memref<!tpu.dma_semaphore, #tpu.memory_space<semaphore_mem>>)
      %dma_wait3A_594 = arith.constant 0 : i32
      %dma_wait3A_595 = tpu.memref_slice %arg3[%mul3A_26, %dma_wait3A_594] : memref<640x512xi32, #tpu.memory_space<hbm>> -> memref<20x512xi32, #tpu.memory_space<hbm>>
      %dma_wait3A_596 = arith.constant 0 : i32
      %dma_wait3A_597 = tpu.memref_slice %arg3[%mul3A_26, %dma_wait3A_596] : memref<640x512xi32, #tpu.memory_space<hbm>> -> memref<20x512xi32, #tpu.memory_space<hbm>>
      tpu.wait_dma2 semaphore(%run_scoped3A : memref<!tpu.dma_semaphore, #tpu.memory_space<semaphore_mem>>) src(%dma_wait3A_597 : memref<20x512xi32, #tpu.memory_space<hbm>>) dst(%arg6 : memref<20x512xi32, #tpu.memory_space<vmem>>)
      tpu.yield
    }) : () -> ()
    "tpu.region"() ({
      %run_scoped3A = tpu.sem_alloc : memref<!tpu.dma_semaphore, #tpu.memory_space<semaphore_mem>>
      %dma_start3A_590 = arith.constant 0 : i32
      %dma_start3A_591 = tpu.memref_slice %arg4[%mul3A_26, %dma_start3A_590] : memref<640x512xi32, #tpu.memory_space<hbm>> -> memref<20x512xi32, #tpu.memory_space<hbm>>
      %dma_start3A_592 = arith.constant 0 : i32
      %dma_start3A_593 = tpu.memref_slice %arg4[%mul3A_26, %dma_start3A_592] : memref<640x512xi32, #tpu.memory_space<hbm>> -> memref<20x512xi32, #tpu.memory_space<hbm>>
      tpu.enqueue_dma source(%dma_start3A_593 : memref<20x512xi32, #tpu.memory_space<hbm>>) target(%arg7 : memref<20x512xi32, #tpu.memory_space<vmem>>) target_semaphore(%run_scoped3A : memref<!tpu.dma_semaphore, #tpu.memory_space<semaphore_mem>>)
      %dma_wait3A_594 = arith.constant 0 : i32
      %dma_wait3A_595 = tpu.memref_slice %arg4[%mul3A_26, %dma_wait3A_594] : memref<640x512xi32, #tpu.memory_space<hbm>> -> memref<20x512xi32, #tpu.memory_space<hbm>>
      %dma_wait3A_596 = arith.constant 0 : i32
      %dma_wait3A_597 = tpu.memref_slice %arg4[%mul3A_26, %dma_wait3A_596] : memref<640x512xi32, #tpu.memory_space<hbm>> -> memref<20x512xi32, #tpu.memory_space<hbm>>
      tpu.wait_dma2 semaphore(%run_scoped3A : memref<!tpu.dma_semaphore, #tpu.memory_space<semaphore_mem>>) src(%dma_wait3A_597 : memref<20x512xi32, #tpu.memory_space<hbm>>) dst(%arg7 : memref<20x512xi32, #tpu.memory_space<vmem>>)
      tpu.yield
    }) : () -> ()
    %dma_start3A = arith.constant 0 : i32
    %dma_start3A_27 = arith.constant 0 : i32
    %dma_start3A_28 = tpu.memref_slice %arg6[%dma_start3A, %dma_start3A_27] : memref<20x512xi32, #tpu.memory_space<vmem>> -> memref<1x512xi32, #tpu.memory_space<vmem>>
    %dma_start3A_29 = tpu.memref_squeeze %dma_start3A_28 : memref<1x512xi32, #tpu.memory_space<vmem>> -> memref<512xi32, #tpu.memory_space<vmem>>
    %dma_start3A_30 = arith.constant 0 : i32
    %dma_start3A_31 = arith.constant 0 : i32
    %dma_start3A_32 = tpu.memref_slice %arg2[%dma_start3A_30, %dma_start3A_31] : memref<10240x64xf32, #tpu.memory_space<hbm>> -> memref<10240x64xf32, #tpu.memory_space<hbm>>
    tpu.enqueue_indirect_dma source(%dma_start3A_32 : memref<10240x64xf32, #tpu.memory_space<hbm>>) target(%arg8 : memref<512x64xf32, #tpu.memory_space<vmem>>) offsets(%dma_start3A_29 : memref<512xi32, #tpu.memory_space<vmem>>) semaphore(%arg11 : memref<!tpu.dma_semaphore, #tpu.memory_space<semaphore_mem>>)
    %dma_wait3A = arith.constant 0 : i32
    %dma_wait3A_33 = arith.constant 0 : i32
    %dma_wait3A_34 = tpu.memref_slice %arg6[%dma_wait3A, %dma_wait3A_33] : memref<20x512xi32, #tpu.memory_space<vmem>> -> memref<1x512xi32, #tpu.memory_space<vmem>>
    %dma_wait3A_35 = tpu.memref_squeeze %dma_wait3A_34 : memref<1x512xi32, #tpu.memory_space<vmem>> -> memref<512xi32, #tpu.memory_space<vmem>>
    %dma_wait3A_36 = arith.constant 0 : i32
    %dma_wait3A_37 = arith.constant 0 : i32
    %dma_wait3A_38 = tpu.memref_slice %arg2[%dma_wait3A_36, %dma_wait3A_37] : memref<10240x64xf32, #tpu.memory_space<hbm>> -> memref<10240x64xf32, #tpu.memory_space<hbm>>
    tpu.wait_indirect_dma semaphore(%arg11 : memref<!tpu.dma_semaphore, #tpu.memory_space<semaphore_mem>>) src(%dma_wait3A_38 : memref<10240x64xf32, #tpu.memory_space<hbm>>) dst(%arg8 : memref<512x64xf32, #tpu.memory_space<vmem>>)
    %dma_start3A_39 = arith.constant 0 : i32
    %dma_start3A_40 = arith.constant 0 : i32
    %dma_start3A_41 = tpu.memref_slice %arg7[%dma_start3A_39, %dma_start3A_40] : memref<20x512xi32, #tpu.memory_space<vmem>> -> memref<1x512xi32, #tpu.memory_space<vmem>>
    %dma_start3A_42 = tpu.memref_squeeze %dma_start3A_41 : memref<1x512xi32, #tpu.memory_space<vmem>> -> memref<512xi32, #tpu.memory_space<vmem>>
    %dma_start3A_43 = arith.constant 0 : i32
    %dma_start3A_44 = arith.constant 0 : i32
    %dma_start3A_45 = tpu.memref_slice %arg10[%dma_start3A_43, %dma_start3A_44] : memref<10240x64xf32, #tpu.memory_space<vmem_shared>> -> memref<10240x64xf32, #tpu.memory_space<vmem_shared>>
    tpu.enqueue_indirect_dma source(%arg8 : memref<512x64xf32, #tpu.memory_space<vmem>>) target(%dma_start3A_45 : memref<10240x64xf32, #tpu.memory_space<vmem_shared>>) offsets(%dma_start3A_42 : memref<512xi32, #tpu.memory_space<vmem>>) semaphore(%arg13 : memref<!tpu.dma_semaphore, #tpu.memory_space<semaphore_mem>>) {add = true}
    %dma_start3A_46 = arith.constant 1 : i32
    %dma_start3A_47 = arith.constant 0 : i32
    %dma_start3A_48 = tpu.memref_slice %arg6[%dma_start3A_46, %dma_start3A_47] : memref<20x512xi32, #tpu.memory_space<vmem>> -> memref<1x512xi32, #tpu.memory_space<vmem>>
    %dma_start3A_49 = tpu.memref_squeeze %dma_start3A_48 : memref<1x512xi32, #tpu.memory_space<vmem>> -> memref<512xi32, #tpu.memory_space<vmem>>
    %dma_start3A_50 = arith.constant 0 : i32
    %dma_start3A_51 = arith.constant 0 : i32
    %dma_start3A_52 = tpu.memref_slice %arg2[%dma_start3A_50, %dma_start3A_51] : memref<10240x64xf32, #tpu.memory_space<hbm>> -> memref<10240x64xf32, #tpu.memory_space<hbm>>
    tpu.enqueue_indirect_dma source(%dma_start3A_52 : memref<10240x64xf32, #tpu.memory_space<hbm>>) target(%arg9 : memref<512x64xf32, #tpu.memory_space<vmem>>) offsets(%dma_start3A_49 : memref<512xi32, #tpu.memory_space<vmem>>) semaphore(%arg12 : memref<!tpu.dma_semaphore, #tpu.memory_space<semaphore_mem>>)
    %dma_wait3A_53 = arith.constant 1 : i32
    %dma_wait3A_54 = arith.constant 0 : i32
    %dma_wait3A_55 = tpu.memref_slice %arg6[%dma_wait3A_53, %dma_wait3A_54] : memref<20x512xi32, #tpu.memory_space<vmem>> -> memref<1x512xi32, #tpu.memory_space<vmem>>
    %dma_wait3A_56 = tpu.memref_squeeze %dma_wait3A_55 : memref<1x512xi32, #tpu.memory_space<vmem>> -> memref<512xi32, #tpu.memory_space<vmem>>
    %dma_wait3A_57 = arith.constant 0 : i32
    %dma_wait3A_58 = arith.constant 0 : i32
    %dma_wait3A_59 = tpu.memref_slice %arg2[%dma_wait3A_57, %dma_wait3A_58] : memref<10240x64xf32, #tpu.memory_space<hbm>> -> memref<10240x64xf32, #tpu.memory_space<hbm>>
    tpu.wait_indirect_dma semaphore(%arg12 : memref<!tpu.dma_semaphore, #tpu.memory_space<semaphore_mem>>) src(%dma_wait3A_59 : memref<10240x64xf32, #tpu.memory_space<hbm>>) dst(%arg9 : memref<512x64xf32, #tpu.memory_space<vmem>>)
    %dma_start3A_60 = arith.constant 1 : i32
    %dma_start3A_61 = arith.constant 0 : i32
    %dma_start3A_62 = tpu.memref_slice %arg7[%dma_start3A_60, %dma_start3A_61] : memref<20x512xi32, #tpu.memory_space<vmem>> -> memref<1x512xi32, #tpu.memory_space<vmem>>
    %dma_start3A_63 = tpu.memref_squeeze %dma_start3A_62 : memref<1x512xi32, #tpu.memory_space<vmem>> -> memref<512xi32, #tpu.memory_space<vmem>>
    %dma_start3A_64 = arith.constant 0 : i32
    %dma_start3A_65 = arith.constant 0 : i32
    %dma_start3A_66 = tpu.memref_slice %arg10[%dma_start3A_64, %dma_start3A_65] : memref<10240x64xf32, #tpu.memory_space<vmem_shared>> -> memref<10240x64xf32, #tpu.memory_space<vmem_shared>>
    tpu.enqueue_indirect_dma source(%arg9 : memref<512x64xf32, #tpu.memory_space<vmem>>) target(%dma_start3A_66 : memref<10240x64xf32, #tpu.memory_space<vmem_shared>>) offsets(%dma_start3A_63 : memref<512xi32, #tpu.memory_space<vmem>>) semaphore(%arg14 : memref<!tpu.dma_semaphore, #tpu.memory_space<semaphore_mem>>) {add = true}
    %dma_wait3A_67 = arith.constant 0 : i32
    %dma_wait3A_68 = arith.constant 0 : i32
    %dma_wait3A_69 = tpu.memref_slice %arg7[%dma_wait3A_67, %dma_wait3A_68] : memref<20x512xi32, #tpu.memory_space<vmem>> -> memref<1x512xi32, #tpu.memory_space<vmem>>
    %dma_wait3A_70 = tpu.memref_squeeze %dma_wait3A_69 : memref<1x512xi32, #tpu.memory_space<vmem>> -> memref<512xi32, #tpu.memory_space<vmem>>
    %dma_wait3A_71 = arith.constant 0 : i32
    %dma_wait3A_72 = arith.constant 0 : i32
    %dma_wait3A_73 = tpu.memref_slice %arg10[%dma_wait3A_71, %dma_wait3A_72] : memref<10240x64xf32, #tpu.memory_space<vmem_shared>> -> memref<10240x64xf32, #tpu.memory_space<vmem_shared>>
    tpu.wait_indirect_dma semaphore(%arg13 : memref<!tpu.dma_semaphore, #tpu.memory_space<semaphore_mem>>) src(%arg8 : memref<512x64xf32, #tpu.memory_space<vmem>>) dst(%dma_wait3A_73 : memref<10240x64xf32, #tpu.memory_space<vmem_shared>>)
    %dma_start3A_74 = arith.constant 2 : i32
    %dma_start3A_75 = arith.constant 0 : i32
    %dma_start3A_76 = tpu.memref_slice %arg6[%dma_start3A_74, %dma_start3A_75] : memref<20x512xi32, #tpu.memory_space<vmem>> -> memref<1x512xi32, #tpu.memory_space<vmem>>
    %dma_start3A_77 = tpu.memref_squeeze %dma_start3A_76 : memref<1x512xi32, #tpu.memory_space<vmem>> -> memref<512xi32, #tpu.memory_space<vmem>>
    %dma_start3A_78 = arith.constant 0 : i32
    %dma_start3A_79 = arith.constant 0 : i32
    %dma_start3A_80 = tpu.memref_slice %arg2[%dma_start3A_78, %dma_start3A_79] : memref<10240x64xf32, #tpu.memory_space<hbm>> -> memref<10240x64xf32, #tpu.memory_space<hbm>>
    tpu.enqueue_indirect_dma source(%dma_start3A_80 : memref<10240x64xf32, #tpu.memory_space<hbm>>) target(%arg8 : memref<512x64xf32, #tpu.memory_space<vmem>>) offsets(%dma_start3A_77 : memref<512xi32, #tpu.memory_space<vmem>>) semaphore(%arg11 : memref<!tpu.dma_semaphore, #tpu.memory_space<semaphore_mem>>)
    %dma_wait3A_81 = arith.constant 2 : i32
    %dma_wait3A_82 = arith.constant 0 : i32
    %dma_wait3A_83 = tpu.memref_slice %arg6[%dma_wait3A_81, %dma_wait3A_82] : memref<20x512xi32, #tpu.memory_space<vmem>> -> memref<1x512xi32, #tpu.memory_space<vmem>>
    %dma_wait3A_84 = tpu.memref_squeeze %dma_wait3A_83 : memref<1x512xi32, #tpu.memory_space<vmem>> -> memref<512xi32, #tpu.memory_space<vmem>>
    %dma_wait3A_85 = arith.constant 0 : i32
    %dma_wait3A_86 = arith.constant 0 : i32
    %dma_wait3A_87 = tpu.memref_slice %arg2[%dma_wait3A_85, %dma_wait3A_86] : memref<10240x64xf32, #tpu.memory_space<hbm>> -> memref<10240x64xf32, #tpu.memory_space<hbm>>
    tpu.wait_indirect_dma semaphore(%arg11 : memref<!tpu.dma_semaphore, #tpu.memory_space<semaphore_mem>>) src(%dma_wait3A_87 : memref<10240x64xf32, #tpu.memory_space<hbm>>) dst(%arg8 : memref<512x64xf32, #tpu.memory_space<vmem>>)
    %dma_start3A_88 = arith.constant 2 : i32
    %dma_start3A_89 = arith.constant 0 : i32
    %dma_start3A_90 = tpu.memref_slice %arg7[%dma_start3A_88, %dma_start3A_89] : memref<20x512xi32, #tpu.memory_space<vmem>> -> memref<1x512xi32, #tpu.memory_space<vmem>>
    %dma_start3A_91 = tpu.memref_squeeze %dma_start3A_90 : memref<1x512xi32, #tpu.memory_space<vmem>> -> memref<512xi32, #tpu.memory_space<vmem>>
    %dma_start3A_92 = arith.constant 0 : i32
    %dma_start3A_93 = arith.constant 0 : i32
    %dma_start3A_94 = tpu.memref_slice %arg10[%dma_start3A_92, %dma_start3A_93] : memref<10240x64xf32, #tpu.memory_space<vmem_shared>> -> memref<10240x64xf32, #tpu.memory_space<vmem_shared>>
    tpu.enqueue_indirect_dma source(%arg8 : memref<512x64xf32, #tpu.memory_space<vmem>>) target(%dma_start3A_94 : memref<10240x64xf32, #tpu.memory_space<vmem_shared>>) offsets(%dma_start3A_91 : memref<512xi32, #tpu.memory_space<vmem>>) semaphore(%arg13 : memref<!tpu.dma_semaphore, #tpu.memory_space<semaphore_mem>>) {add = true}
    %dma_wait3A_95 = arith.constant 1 : i32
    %dma_wait3A_96 = arith.constant 0 : i32
    %dma_wait3A_97 = tpu.memref_slice %arg7[%dma_wait3A_95, %dma_wait3A_96] : memref<20x512xi32, #tpu.memory_space<vmem>> -> memref<1x512xi32, #tpu.memory_space<vmem>>
    %dma_wait3A_98 = tpu.memref_squeeze %dma_wait3A_97 : memref<1x512xi32, #tpu.memory_space<vmem>> -> memref<512xi32, #tpu.memory_space<vmem>>
    %dma_wait3A_99 = arith.constant 0 : i32
    %dma_wait3A_100 = arith.constant 0 : i32
    %dma_wait3A_101 = tpu.memref_slice %arg10[%dma_wait3A_99, %dma_wait3A_100] : memref<10240x64xf32, #tpu.memory_space<vmem_shared>> -> memref<10240x64xf32, #tpu.memory_space<vmem_shared>>
    tpu.wait_indirect_dma semaphore(%arg14 : memref<!tpu.dma_semaphore, #tpu.memory_space<semaphore_mem>>) src(%arg9 : memref<512x64xf32, #tpu.memory_space<vmem>>) dst(%dma_wait3A_101 : memref<10240x64xf32, #tpu.memory_space<vmem_shared>>)
    %dma_start3A_102 = arith.constant 3 : i32
    %dma_start3A_103 = arith.constant 0 : i32
    %dma_start3A_104 = tpu.memref_slice %arg6[%dma_start3A_102, %dma_start3A_103] : memref<20x512xi32, #tpu.memory_space<vmem>> -> memref<1x512xi32, #tpu.memory_space<vmem>>
    %dma_start3A_105 = tpu.memref_squeeze %dma_start3A_104 : memref<1x512xi32, #tpu.memory_space<vmem>> -> memref<512xi32, #tpu.memory_space<vmem>>
    %dma_start3A_106 = arith.constant 0 : i32
    %dma_start3A_107 = arith.constant 0 : i32
    %dma_start3A_108 = tpu.memref_slice %arg2[%dma_start3A_106, %dma_start3A_107] : memref<10240x64xf32, #tpu.memory_space<hbm>> -> memref<10240x64xf32, #tpu.memory_space<hbm>>
    tpu.enqueue_indirect_dma source(%dma_start3A_108 : memref<10240x64xf32, #tpu.memory_space<hbm>>) target(%arg9 : memref<512x64xf32, #tpu.memory_space<vmem>>) offsets(%dma_start3A_105 : memref<512xi32, #tpu.memory_space<vmem>>) semaphore(%arg12 : memref<!tpu.dma_semaphore, #tpu.memory_space<semaphore_mem>>)
    %dma_wait3A_109 = arith.constant 3 : i32
    %dma_wait3A_110 = arith.constant 0 : i32
    %dma_wait3A_111 = tpu.memref_slice %arg6[%dma_wait3A_109, %dma_wait3A_110] : memref<20x512xi32, #tpu.memory_space<vmem>> -> memref<1x512xi32, #tpu.memory_space<vmem>>
    %dma_wait3A_112 = tpu.memref_squeeze %dma_wait3A_111 : memref<1x512xi32, #tpu.memory_space<vmem>> -> memref<512xi32, #tpu.memory_space<vmem>>
    %dma_wait3A_113 = arith.constant 0 : i32
    %dma_wait3A_114 = arith.constant 0 : i32
    %dma_wait3A_115 = tpu.memref_slice %arg2[%dma_wait3A_113, %dma_wait3A_114] : memref<10240x64xf32, #tpu.memory_space<hbm>> -> memref<10240x64xf32, #tpu.memory_space<hbm>>
    tpu.wait_indirect_dma semaphore(%arg12 : memref<!tpu.dma_semaphore, #tpu.memory_space<semaphore_mem>>) src(%dma_wait3A_115 : memref<10240x64xf32, #tpu.memory_space<hbm>>) dst(%arg9 : memref<512x64xf32, #tpu.memory_space<vmem>>)
    %dma_start3A_116 = arith.constant 3 : i32
    %dma_start3A_117 = arith.constant 0 : i32
    %dma_start3A_118 = tpu.memref_slice %arg7[%dma_start3A_116, %dma_start3A_117] : memref<20x512xi32, #tpu.memory_space<vmem>> -> memref<1x512xi32, #tpu.memory_space<vmem>>
    %dma_start3A_119 = tpu.memref_squeeze %dma_start3A_118 : memref<1x512xi32, #tpu.memory_space<vmem>> -> memref<512xi32, #tpu.memory_space<vmem>>
    %dma_start3A_120 = arith.constant 0 : i32
    %dma_start3A_121 = arith.constant 0 : i32
    %dma_start3A_122 = tpu.memref_slice %arg10[%dma_start3A_120, %dma_start3A_121] : memref<10240x64xf32, #tpu.memory_space<vmem_shared>> -> memref<10240x64xf32, #tpu.memory_space<vmem_shared>>
    tpu.enqueue_indirect_dma source(%arg9 : memref<512x64xf32, #tpu.memory_space<vmem>>) target(%dma_start3A_122 : memref<10240x64xf32, #tpu.memory_space<vmem_shared>>) offsets(%dma_start3A_119 : memref<512xi32, #tpu.memory_space<vmem>>) semaphore(%arg14 : memref<!tpu.dma_semaphore, #tpu.memory_space<semaphore_mem>>) {add = true}
    %dma_wait3A_123 = arith.constant 2 : i32
    %dma_wait3A_124 = arith.constant 0 : i32
    %dma_wait3A_125 = tpu.memref_slice %arg7[%dma_wait3A_123, %dma_wait3A_124] : memref<20x512xi32, #tpu.memory_space<vmem>> -> memref<1x512xi32, #tpu.memory_space<vmem>>
    %dma_wait3A_126 = tpu.memref_squeeze %dma_wait3A_125 : memref<1x512xi32, #tpu.memory_space<vmem>> -> memref<512xi32, #tpu.memory_space<vmem>>
    %dma_wait3A_127 = arith.constant 0 : i32
    %dma_wait3A_128 = arith.constant 0 : i32
    %dma_wait3A_129 = tpu.memref_slice %arg10[%dma_wait3A_127, %dma_wait3A_128] : memref<10240x64xf32, #tpu.memory_space<vmem_shared>> -> memref<10240x64xf32, #tpu.memory_space<vmem_shared>>
    tpu.wait_indirect_dma semaphore(%arg13 : memref<!tpu.dma_semaphore, #tpu.memory_space<semaphore_mem>>) src(%arg8 : memref<512x64xf32, #tpu.memory_space<vmem>>) dst(%dma_wait3A_129 : memref<10240x64xf32, #tpu.memory_space<vmem_shared>>)
    %dma_start3A_130 = arith.constant 4 : i32
    %dma_start3A_131 = arith.constant 0 : i32
    %dma_start3A_132 = tpu.memref_slice %arg6[%dma_start3A_130, %dma_start3A_131] : memref<20x512xi32, #tpu.memory_space<vmem>> -> memref<1x512xi32, #tpu.memory_space<vmem>>
    %dma_start3A_133 = tpu.memref_squeeze %dma_start3A_132 : memref<1x512xi32, #tpu.memory_space<vmem>> -> memref<512xi32, #tpu.memory_space<vmem>>
    %dma_start3A_134 = arith.constant 0 : i32
    %dma_start3A_135 = arith.constant 0 : i32
    %dma_start3A_136 = tpu.memref_slice %arg2[%dma_start3A_134, %dma_start3A_135] : memref<10240x64xf32, #tpu.memory_space<hbm>> -> memref<10240x64xf32, #tpu.memory_space<hbm>>
    tpu.enqueue_indirect_dma source(%dma_start3A_136 : memref<10240x64xf32, #tpu.memory_space<hbm>>) target(%arg8 : memref<512x64xf32, #tpu.memory_space<vmem>>) offsets(%dma_start3A_133 : memref<512xi32, #tpu.memory_space<vmem>>) semaphore(%arg11 : memref<!tpu.dma_semaphore, #tpu.memory_space<semaphore_mem>>)
    %dma_wait3A_137 = arith.constant 4 : i32
    %dma_wait3A_138 = arith.constant 0 : i32
    %dma_wait3A_139 = tpu.memref_slice %arg6[%dma_wait3A_137, %dma_wait3A_138] : memref<20x512xi32, #tpu.memory_space<vmem>> -> memref<1x512xi32, #tpu.memory_space<vmem>>
    %dma_wait3A_140 = tpu.memref_squeeze %dma_wait3A_139 : memref<1x512xi32, #tpu.memory_space<vmem>> -> memref<512xi32, #tpu.memory_space<vmem>>
    %dma_wait3A_141 = arith.constant 0 : i32
    %dma_wait3A_142 = arith.constant 0 : i32
    %dma_wait3A_143 = tpu.memref_slice %arg2[%dma_wait3A_141, %dma_wait3A_142] : memref<10240x64xf32, #tpu.memory_space<hbm>> -> memref<10240x64xf32, #tpu.memory_space<hbm>>
    tpu.wait_indirect_dma semaphore(%arg11 : memref<!tpu.dma_semaphore, #tpu.memory_space<semaphore_mem>>) src(%dma_wait3A_143 : memref<10240x64xf32, #tpu.memory_space<hbm>>) dst(%arg8 : memref<512x64xf32, #tpu.memory_space<vmem>>)
    %dma_start3A_144 = arith.constant 4 : i32
    %dma_start3A_145 = arith.constant 0 : i32
    %dma_start3A_146 = tpu.memref_slice %arg7[%dma_start3A_144, %dma_start3A_145] : memref<20x512xi32, #tpu.memory_space<vmem>> -> memref<1x512xi32, #tpu.memory_space<vmem>>
    %dma_start3A_147 = tpu.memref_squeeze %dma_start3A_146 : memref<1x512xi32, #tpu.memory_space<vmem>> -> memref<512xi32, #tpu.memory_space<vmem>>
    %dma_start3A_148 = arith.constant 0 : i32
    %dma_start3A_149 = arith.constant 0 : i32
    %dma_start3A_150 = tpu.memref_slice %arg10[%dma_start3A_148, %dma_start3A_149] : memref<10240x64xf32, #tpu.memory_space<vmem_shared>> -> memref<10240x64xf32, #tpu.memory_space<vmem_shared>>
    tpu.enqueue_indirect_dma source(%arg8 : memref<512x64xf32, #tpu.memory_space<vmem>>) target(%dma_start3A_150 : memref<10240x64xf32, #tpu.memory_space<vmem_shared>>) offsets(%dma_start3A_147 : memref<512xi32, #tpu.memory_space<vmem>>) semaphore(%arg13 : memref<!tpu.dma_semaphore, #tpu.memory_space<semaphore_mem>>) {add = true}
    %dma_wait3A_151 = arith.constant 3 : i32
    %dma_wait3A_152 = arith.constant 0 : i32
    %dma_wait3A_153 = tpu.memref_slice %arg7[%dma_wait3A_151, %dma_wait3A_152] : memref<20x512xi32, #tpu.memory_space<vmem>> -> memref<1x512xi32, #tpu.memory_space<vmem>>
    %dma_wait3A_154 = tpu.memref_squeeze %dma_wait3A_153 : memref<1x512xi32, #tpu.memory_space<vmem>> -> memref<512xi32, #tpu.memory_space<vmem>>
    %dma_wait3A_155 = arith.constant 0 : i32
    %dma_wait3A_156 = arith.constant 0 : i32
    %dma_wait3A_157 = tpu.memref_slice %arg10[%dma_wait3A_155, %dma_wait3A_156] : memref<10240x64xf32, #tpu.memory_space<vmem_shared>> -> memref<10240x64xf32, #tpu.memory_space<vmem_shared>>
    tpu.wait_indirect_dma semaphore(%arg14 : memref<!tpu.dma_semaphore, #tpu.memory_space<semaphore_mem>>) src(%arg9 : memref<512x64xf32, #tpu.memory_space<vmem>>) dst(%dma_wait3A_157 : memref<10240x64xf32, #tpu.memory_space<vmem_shared>>)
    %dma_start3A_158 = arith.constant 5 : i32
    %dma_start3A_159 = arith.constant 0 : i32
    %dma_start3A_160 = tpu.memref_slice %arg6[%dma_start3A_158, %dma_start3A_159] : memref<20x512xi32, #tpu.memory_space<vmem>> -> memref<1x512xi32, #tpu.memory_space<vmem>>
    %dma_start3A_161 = tpu.memref_squeeze %dma_start3A_160 : memref<1x512xi32, #tpu.memory_space<vmem>> -> memref<512xi32, #tpu.memory_space<vmem>>
    %dma_start3A_162 = arith.constant 0 : i32
    %dma_start3A_163 = arith.constant 0 : i32
    %dma_start3A_164 = tpu.memref_slice %arg2[%dma_start3A_162, %dma_start3A_163] : memref<10240x64xf32, #tpu.memory_space<hbm>> -> memref<10240x64xf32, #tpu.memory_space<hbm>>
    tpu.enqueue_indirect_dma source(%dma_start3A_164 : memref<10240x64xf32, #tpu.memory_space<hbm>>) target(%arg9 : memref<512x64xf32, #tpu.memory_space<vmem>>) offsets(%dma_start3A_161 : memref<512xi32, #tpu.memory_space<vmem>>) semaphore(%arg12 : memref<!tpu.dma_semaphore, #tpu.memory_space<semaphore_mem>>)
    %dma_wait3A_165 = arith.constant 5 : i32
    %dma_wait3A_166 = arith.constant 0 : i32
    %dma_wait3A_167 = tpu.memref_slice %arg6[%dma_wait3A_165, %dma_wait3A_166] : memref<20x512xi32, #tpu.memory_space<vmem>> -> memref<1x512xi32, #tpu.memory_space<vmem>>
    %dma_wait3A_168 = tpu.memref_squeeze %dma_wait3A_167 : memref<1x512xi32, #tpu.memory_space<vmem>> -> memref<512xi32, #tpu.memory_space<vmem>>
    %dma_wait3A_169 = arith.constant 0 : i32
    %dma_wait3A_170 = arith.constant 0 : i32
    %dma_wait3A_171 = tpu.memref_slice %arg2[%dma_wait3A_169, %dma_wait3A_170] : memref<10240x64xf32, #tpu.memory_space<hbm>> -> memref<10240x64xf32, #tpu.memory_space<hbm>>
    tpu.wait_indirect_dma semaphore(%arg12 : memref<!tpu.dma_semaphore, #tpu.memory_space<semaphore_mem>>) src(%dma_wait3A_171 : memref<10240x64xf32, #tpu.memory_space<hbm>>) dst(%arg9 : memref<512x64xf32, #tpu.memory_space<vmem>>)
    %dma_start3A_172 = arith.constant 5 : i32
    %dma_start3A_173 = arith.constant 0 : i32
    %dma_start3A_174 = tpu.memref_slice %arg7[%dma_start3A_172, %dma_start3A_173] : memref<20x512xi32, #tpu.memory_space<vmem>> -> memref<1x512xi32, #tpu.memory_space<vmem>>
    %dma_start3A_175 = tpu.memref_squeeze %dma_start3A_174 : memref<1x512xi32, #tpu.memory_space<vmem>> -> memref<512xi32, #tpu.memory_space<vmem>>
    %dma_start3A_176 = arith.constant 0 : i32
    %dma_start3A_177 = arith.constant 0 : i32
    %dma_start3A_178 = tpu.memref_slice %arg10[%dma_start3A_176, %dma_start3A_177] : memref<10240x64xf32, #tpu.memory_space<vmem_shared>> -> memref<10240x64xf32, #tpu.memory_space<vmem_shared>>
    tpu.enqueue_indirect_dma source(%arg9 : memref<512x64xf32, #tpu.memory_space<vmem>>) target(%dma_start3A_178 : memref<10240x64xf32, #tpu.memory_space<vmem_shared>>) offsets(%dma_start3A_175 : memref<512xi32, #tpu.memory_space<vmem>>) semaphore(%arg14 : memref<!tpu.dma_semaphore, #tpu.memory_space<semaphore_mem>>) {add = true}
    %dma_wait3A_179 = arith.constant 4 : i32
    %dma_wait3A_180 = arith.constant 0 : i32
    %dma_wait3A_181 = tpu.memref_slice %arg7[%dma_wait3A_179, %dma_wait3A_180] : memref<20x512xi32, #tpu.memory_space<vmem>> -> memref<1x512xi32, #tpu.memory_space<vmem>>
    %dma_wait3A_182 = tpu.memref_squeeze %dma_wait3A_181 : memref<1x512xi32, #tpu.memory_space<vmem>> -> memref<512xi32, #tpu.memory_space<vmem>>
    %dma_wait3A_183 = arith.constant 0 : i32
    %dma_wait3A_184 = arith.constant 0 : i32
    %dma_wait3A_185 = tpu.memref_slice %arg10[%dma_wait3A_183, %dma_wait3A_184] : memref<10240x64xf32, #tpu.memory_space<vmem_shared>> -> memref<10240x64xf32, #tpu.memory_space<vmem_shared>>
    tpu.wait_indirect_dma semaphore(%arg13 : memref<!tpu.dma_semaphore, #tpu.memory_space<semaphore_mem>>) src(%arg8 : memref<512x64xf32, #tpu.memory_space<vmem>>) dst(%dma_wait3A_185 : memref<10240x64xf32, #tpu.memory_space<vmem_shared>>)
    %dma_start3A_186 = arith.constant 6 : i32
    %dma_start3A_187 = arith.constant 0 : i32
    %dma_start3A_188 = tpu.memref_slice %arg6[%dma_start3A_186, %dma_start3A_187] : memref<20x512xi32, #tpu.memory_space<vmem>> -> memref<1x512xi32, #tpu.memory_space<vmem>>
    %dma_start3A_189 = tpu.memref_squeeze %dma_start3A_188 : memref<1x512xi32, #tpu.memory_space<vmem>> -> memref<512xi32, #tpu.memory_space<vmem>>
    %dma_start3A_190 = arith.constant 0 : i32
    %dma_start3A_191 = arith.constant 0 : i32
    %dma_start3A_192 = tpu.memref_slice %arg2[%dma_start3A_190, %dma_start3A_191] : memref<10240x64xf32, #tpu.memory_space<hbm>> -> memref<10240x64xf32, #tpu.memory_space<hbm>>
    tpu.enqueue_indirect_dma source(%dma_start3A_192 : memref<10240x64xf32, #tpu.memory_space<hbm>>) target(%arg8 : memref<512x64xf32, #tpu.memory_space<vmem>>) offsets(%dma_start3A_189 : memref<512xi32, #tpu.memory_space<vmem>>) semaphore(%arg11 : memref<!tpu.dma_semaphore, #tpu.memory_space<semaphore_mem>>)
    %dma_wait3A_193 = arith.constant 6 : i32
    %dma_wait3A_194 = arith.constant 0 : i32
    %dma_wait3A_195 = tpu.memref_slice %arg6[%dma_wait3A_193, %dma_wait3A_194] : memref<20x512xi32, #tpu.memory_space<vmem>> -> memref<1x512xi32, #tpu.memory_space<vmem>>
    %dma_wait3A_196 = tpu.memref_squeeze %dma_wait3A_195 : memref<1x512xi32, #tpu.memory_space<vmem>> -> memref<512xi32, #tpu.memory_space<vmem>>
    %dma_wait3A_197 = arith.constant 0 : i32
    %dma_wait3A_198 = arith.constant 0 : i32
    %dma_wait3A_199 = tpu.memref_slice %arg2[%dma_wait3A_197, %dma_wait3A_198] : memref<10240x64xf32, #tpu.memory_space<hbm>> -> memref<10240x64xf32, #tpu.memory_space<hbm>>
    tpu.wait_indirect_dma semaphore(%arg11 : memref<!tpu.dma_semaphore, #tpu.memory_space<semaphore_mem>>) src(%dma_wait3A_199 : memref<10240x64xf32, #tpu.memory_space<hbm>>) dst(%arg8 : memref<512x64xf32, #tpu.memory_space<vmem>>)
    %dma_start3A_200 = arith.constant 6 : i32
    %dma_start3A_201 = arith.constant 0 : i32
    %dma_start3A_202 = tpu.memref_slice %arg7[%dma_start3A_200, %dma_start3A_201] : memref<20x512xi32, #tpu.memory_space<vmem>> -> memref<1x512xi32, #tpu.memory_space<vmem>>
    %dma_start3A_203 = tpu.memref_squeeze %dma_start3A_202 : memref<1x512xi32, #tpu.memory_space<vmem>> -> memref<512xi32, #tpu.memory_space<vmem>>
    %dma_start3A_204 = arith.constant 0 : i32
    %dma_start3A_205 = arith.constant 0 : i32
    %dma_start3A_206 = tpu.memref_slice %arg10[%dma_start3A_204, %dma_start3A_205] : memref<10240x64xf32, #tpu.memory_space<vmem_shared>> -> memref<10240x64xf32, #tpu.memory_space<vmem_shared>>
    tpu.enqueue_indirect_dma source(%arg8 : memref<512x64xf32, #tpu.memory_space<vmem>>) target(%dma_start3A_206 : memref<10240x64xf32, #tpu.memory_space<vmem_shared>>) offsets(%dma_start3A_203 : memref<512xi32, #tpu.memory_space<vmem>>) semaphore(%arg13 : memref<!tpu.dma_semaphore, #tpu.memory_space<semaphore_mem>>) {add = true}
    %dma_wait3A_207 = arith.constant 5 : i32
    %dma_wait3A_208 = arith.constant 0 : i32
    %dma_wait3A_209 = tpu.memref_slice %arg7[%dma_wait3A_207, %dma_wait3A_208] : memref<20x512xi32, #tpu.memory_space<vmem>> -> memref<1x512xi32, #tpu.memory_space<vmem>>
    %dma_wait3A_210 = tpu.memref_squeeze %dma_wait3A_209 : memref<1x512xi32, #tpu.memory_space<vmem>> -> memref<512xi32, #tpu.memory_space<vmem>>
    %dma_wait3A_211 = arith.constant 0 : i32
    %dma_wait3A_212 = arith.constant 0 : i32
    %dma_wait3A_213 = tpu.memref_slice %arg10[%dma_wait3A_211, %dma_wait3A_212] : memref<10240x64xf32, #tpu.memory_space<vmem_shared>> -> memref<10240x64xf32, #tpu.memory_space<vmem_shared>>
    tpu.wait_indirect_dma semaphore(%arg14 : memref<!tpu.dma_semaphore, #tpu.memory_space<semaphore_mem>>) src(%arg9 : memref<512x64xf32, #tpu.memory_space<vmem>>) dst(%dma_wait3A_213 : memref<10240x64xf32, #tpu.memory_space<vmem_shared>>)
    %dma_start3A_214 = arith.constant 7 : i32
    %dma_start3A_215 = arith.constant 0 : i32
    %dma_start3A_216 = tpu.memref_slice %arg6[%dma_start3A_214, %dma_start3A_215] : memref<20x512xi32, #tpu.memory_space<vmem>> -> memref<1x512xi32, #tpu.memory_space<vmem>>
    %dma_start3A_217 = tpu.memref_squeeze %dma_start3A_216 : memref<1x512xi32, #tpu.memory_space<vmem>> -> memref<512xi32, #tpu.memory_space<vmem>>
    %dma_start3A_218 = arith.constant 0 : i32
    %dma_start3A_219 = arith.constant 0 : i32
    %dma_start3A_220 = tpu.memref_slice %arg2[%dma_start3A_218, %dma_start3A_219] : memref<10240x64xf32, #tpu.memory_space<hbm>> -> memref<10240x64xf32, #tpu.memory_space<hbm>>
    tpu.enqueue_indirect_dma source(%dma_start3A_220 : memref<10240x64xf32, #tpu.memory_space<hbm>>) target(%arg9 : memref<512x64xf32, #tpu.memory_space<vmem>>) offsets(%dma_start3A_217 : memref<512xi32, #tpu.memory_space<vmem>>) semaphore(%arg12 : memref<!tpu.dma_semaphore, #tpu.memory_space<semaphore_mem>>)
    %dma_wait3A_221 = arith.constant 7 : i32
    %dma_wait3A_222 = arith.constant 0 : i32
    %dma_wait3A_223 = tpu.memref_slice %arg6[%dma_wait3A_221, %dma_wait3A_222] : memref<20x512xi32, #tpu.memory_space<vmem>> -> memref<1x512xi32, #tpu.memory_space<vmem>>
    %dma_wait3A_224 = tpu.memref_squeeze %dma_wait3A_223 : memref<1x512xi32, #tpu.memory_space<vmem>> -> memref<512xi32, #tpu.memory_space<vmem>>
    %dma_wait3A_225 = arith.constant 0 : i32
    %dma_wait3A_226 = arith.constant 0 : i32
    %dma_wait3A_227 = tpu.memref_slice %arg2[%dma_wait3A_225, %dma_wait3A_226] : memref<10240x64xf32, #tpu.memory_space<hbm>> -> memref<10240x64xf32, #tpu.memory_space<hbm>>
    tpu.wait_indirect_dma semaphore(%arg12 : memref<!tpu.dma_semaphore, #tpu.memory_space<semaphore_mem>>) src(%dma_wait3A_227 : memref<10240x64xf32, #tpu.memory_space<hbm>>) dst(%arg9 : memref<512x64xf32, #tpu.memory_space<vmem>>)
    %dma_start3A_228 = arith.constant 7 : i32
    %dma_start3A_229 = arith.constant 0 : i32
    %dma_start3A_230 = tpu.memref_slice %arg7[%dma_start3A_228, %dma_start3A_229] : memref<20x512xi32, #tpu.memory_space<vmem>> -> memref<1x512xi32, #tpu.memory_space<vmem>>
    %dma_start3A_231 = tpu.memref_squeeze %dma_start3A_230 : memref<1x512xi32, #tpu.memory_space<vmem>> -> memref<512xi32, #tpu.memory_space<vmem>>
    %dma_start3A_232 = arith.constant 0 : i32
    %dma_start3A_233 = arith.constant 0 : i32
    %dma_start3A_234 = tpu.memref_slice %arg10[%dma_start3A_232, %dma_start3A_233] : memref<10240x64xf32, #tpu.memory_space<vmem_shared>> -> memref<10240x64xf32, #tpu.memory_space<vmem_shared>>
    tpu.enqueue_indirect_dma source(%arg9 : memref<512x64xf32, #tpu.memory_space<vmem>>) target(%dma_start3A_234 : memref<10240x64xf32, #tpu.memory_space<vmem_shared>>) offsets(%dma_start3A_231 : memref<512xi32, #tpu.memory_space<vmem>>) semaphore(%arg14 : memref<!tpu.dma_semaphore, #tpu.memory_space<semaphore_mem>>) {add = true}
    %dma_wait3A_235 = arith.constant 6 : i32
    %dma_wait3A_236 = arith.constant 0 : i32
    %dma_wait3A_237 = tpu.memref_slice %arg7[%dma_wait3A_235, %dma_wait3A_236] : memref<20x512xi32, #tpu.memory_space<vmem>> -> memref<1x512xi32, #tpu.memory_space<vmem>>
    %dma_wait3A_238 = tpu.memref_squeeze %dma_wait3A_237 : memref<1x512xi32, #tpu.memory_space<vmem>> -> memref<512xi32, #tpu.memory_space<vmem>>
    %dma_wait3A_239 = arith.constant 0 : i32
    %dma_wait3A_240 = arith.constant 0 : i32
    %dma_wait3A_241 = tpu.memref_slice %arg10[%dma_wait3A_239, %dma_wait3A_240] : memref<10240x64xf32, #tpu.memory_space<vmem_shared>> -> memref<10240x64xf32, #tpu.memory_space<vmem_shared>>
    tpu.wait_indirect_dma semaphore(%arg13 : memref<!tpu.dma_semaphore, #tpu.memory_space<semaphore_mem>>) src(%arg8 : memref<512x64xf32, #tpu.memory_space<vmem>>) dst(%dma_wait3A_241 : memref<10240x64xf32, #tpu.memory_space<vmem_shared>>)
    %dma_start3A_242 = arith.constant 8 : i32
    %dma_start3A_243 = arith.constant 0 : i32
    %dma_start3A_244 = tpu.memref_slice %arg6[%dma_start3A_242, %dma_start3A_243] : memref<20x512xi32, #tpu.memory_space<vmem>> -> memref<1x512xi32, #tpu.memory_space<vmem>>
    %dma_start3A_245 = tpu.memref_squeeze %dma_start3A_244 : memref<1x512xi32, #tpu.memory_space<vmem>> -> memref<512xi32, #tpu.memory_space<vmem>>
    %dma_start3A_246 = arith.constant 0 : i32
    %dma_start3A_247 = arith.constant 0 : i32
    %dma_start3A_248 = tpu.memref_slice %arg2[%dma_start3A_246, %dma_start3A_247] : memref<10240x64xf32, #tpu.memory_space<hbm>> -> memref<10240x64xf32, #tpu.memory_space<hbm>>
    tpu.enqueue_indirect_dma source(%dma_start3A_248 : memref<10240x64xf32, #tpu.memory_space<hbm>>) target(%arg8 : memref<512x64xf32, #tpu.memory_space<vmem>>) offsets(%dma_start3A_245 : memref<512xi32, #tpu.memory_space<vmem>>) semaphore(%arg11 : memref<!tpu.dma_semaphore, #tpu.memory_space<semaphore_mem>>)
    %dma_wait3A_249 = arith.constant 8 : i32
    %dma_wait3A_250 = arith.constant 0 : i32
    %dma_wait3A_251 = tpu.memref_slice %arg6[%dma_wait3A_249, %dma_wait3A_250] : memref<20x512xi32, #tpu.memory_space<vmem>> -> memref<1x512xi32, #tpu.memory_space<vmem>>
    %dma_wait3A_252 = tpu.memref_squeeze %dma_wait3A_251 : memref<1x512xi32, #tpu.memory_space<vmem>> -> memref<512xi32, #tpu.memory_space<vmem>>
    %dma_wait3A_253 = arith.constant 0 : i32
    %dma_wait3A_254 = arith.constant 0 : i32
    %dma_wait3A_255 = tpu.memref_slice %arg2[%dma_wait3A_253, %dma_wait3A_254] : memref<10240x64xf32, #tpu.memory_space<hbm>> -> memref<10240x64xf32, #tpu.memory_space<hbm>>
    tpu.wait_indirect_dma semaphore(%arg11 : memref<!tpu.dma_semaphore, #tpu.memory_space<semaphore_mem>>) src(%dma_wait3A_255 : memref<10240x64xf32, #tpu.memory_space<hbm>>) dst(%arg8 : memref<512x64xf32, #tpu.memory_space<vmem>>)
    %dma_start3A_256 = arith.constant 8 : i32
    %dma_start3A_257 = arith.constant 0 : i32
    %dma_start3A_258 = tpu.memref_slice %arg7[%dma_start3A_256, %dma_start3A_257] : memref<20x512xi32, #tpu.memory_space<vmem>> -> memref<1x512xi32, #tpu.memory_space<vmem>>
    %dma_start3A_259 = tpu.memref_squeeze %dma_start3A_258 : memref<1x512xi32, #tpu.memory_space<vmem>> -> memref<512xi32, #tpu.memory_space<vmem>>
    %dma_start3A_260 = arith.constant 0 : i32
    %dma_start3A_261 = arith.constant 0 : i32
    %dma_start3A_262 = tpu.memref_slice %arg10[%dma_start3A_260, %dma_start3A_261] : memref<10240x64xf32, #tpu.memory_space<vmem_shared>> -> memref<10240x64xf32, #tpu.memory_space<vmem_shared>>
    tpu.enqueue_indirect_dma source(%arg8 : memref<512x64xf32, #tpu.memory_space<vmem>>) target(%dma_start3A_262 : memref<10240x64xf32, #tpu.memory_space<vmem_shared>>) offsets(%dma_start3A_259 : memref<512xi32, #tpu.memory_space<vmem>>) semaphore(%arg13 : memref<!tpu.dma_semaphore, #tpu.memory_space<semaphore_mem>>) {add = true}
    %dma_wait3A_263 = arith.constant 7 : i32
    %dma_wait3A_264 = arith.constant 0 : i32
    %dma_wait3A_265 = tpu.memref_slice %arg7[%dma_wait3A_263, %dma_wait3A_264] : memref<20x512xi32, #tpu.memory_space<vmem>> -> memref<1x512xi32, #tpu.memory_space<vmem>>
    %dma_wait3A_266 = tpu.memref_squeeze %dma_wait3A_265 : memref<1x512xi32, #tpu.memory_space<vmem>> -> memref<512xi32, #tpu.memory_space<vmem>>
    %dma_wait3A_267 = arith.constant 0 : i32
    %dma_wait3A_268 = arith.constant 0 : i32
    %dma_wait3A_269 = tpu.memref_slice %arg10[%dma_wait3A_267, %dma_wait3A_268] : memref<10240x64xf32, #tpu.memory_space<vmem_shared>> -> memref<10240x64xf32, #tpu.memory_space<vmem_shared>>
    tpu.wait_indirect_dma semaphore(%arg14 : memref<!tpu.dma_semaphore, #tpu.memory_space<semaphore_mem>>) src(%arg9 : memref<512x64xf32, #tpu.memory_space<vmem>>) dst(%dma_wait3A_269 : memref<10240x64xf32, #tpu.memory_space<vmem_shared>>)
    %dma_start3A_270 = arith.constant 9 : i32
    %dma_start3A_271 = arith.constant 0 : i32
    %dma_start3A_272 = tpu.memref_slice %arg6[%dma_start3A_270, %dma_start3A_271] : memref<20x512xi32, #tpu.memory_space<vmem>> -> memref<1x512xi32, #tpu.memory_space<vmem>>
    %dma_start3A_273 = tpu.memref_squeeze %dma_start3A_272 : memref<1x512xi32, #tpu.memory_space<vmem>> -> memref<512xi32, #tpu.memory_space<vmem>>
    %dma_start3A_274 = arith.constant 0 : i32
    %dma_start3A_275 = arith.constant 0 : i32
    %dma_start3A_276 = tpu.memref_slice %arg2[%dma_start3A_274, %dma_start3A_275] : memref<10240x64xf32, #tpu.memory_space<hbm>> -> memref<10240x64xf32, #tpu.memory_space<hbm>>
    tpu.enqueue_indirect_dma source(%dma_start3A_276 : memref<10240x64xf32, #tpu.memory_space<hbm>>) target(%arg9 : memref<512x64xf32, #tpu.memory_space<vmem>>) offsets(%dma_start3A_273 : memref<512xi32, #tpu.memory_space<vmem>>) semaphore(%arg12 : memref<!tpu.dma_semaphore, #tpu.memory_space<semaphore_mem>>)
    %dma_wait3A_277 = arith.constant 9 : i32
    %dma_wait3A_278 = arith.constant 0 : i32
    %dma_wait3A_279 = tpu.memref_slice %arg6[%dma_wait3A_277, %dma_wait3A_278] : memref<20x512xi32, #tpu.memory_space<vmem>> -> memref<1x512xi32, #tpu.memory_space<vmem>>
    %dma_wait3A_280 = tpu.memref_squeeze %dma_wait3A_279 : memref<1x512xi32, #tpu.memory_space<vmem>> -> memref<512xi32, #tpu.memory_space<vmem>>
    %dma_wait3A_281 = arith.constant 0 : i32
    %dma_wait3A_282 = arith.constant 0 : i32
    %dma_wait3A_283 = tpu.memref_slice %arg2[%dma_wait3A_281, %dma_wait3A_282] : memref<10240x64xf32, #tpu.memory_space<hbm>> -> memref<10240x64xf32, #tpu.memory_space<hbm>>
    tpu.wait_indirect_dma semaphore(%arg12 : memref<!tpu.dma_semaphore, #tpu.memory_space<semaphore_mem>>) src(%dma_wait3A_283 : memref<10240x64xf32, #tpu.memory_space<hbm>>) dst(%arg9 : memref<512x64xf32, #tpu.memory_space<vmem>>)
    %dma_start3A_284 = arith.constant 9 : i32
    %dma_start3A_285 = arith.constant 0 : i32
    %dma_start3A_286 = tpu.memref_slice %arg7[%dma_start3A_284, %dma_start3A_285] : memref<20x512xi32, #tpu.memory_space<vmem>> -> memref<1x512xi32, #tpu.memory_space<vmem>>
    %dma_start3A_287 = tpu.memref_squeeze %dma_start3A_286 : memref<1x512xi32, #tpu.memory_space<vmem>> -> memref<512xi32, #tpu.memory_space<vmem>>
    %dma_start3A_288 = arith.constant 0 : i32
    %dma_start3A_289 = arith.constant 0 : i32
    %dma_start3A_290 = tpu.memref_slice %arg10[%dma_start3A_288, %dma_start3A_289] : memref<10240x64xf32, #tpu.memory_space<vmem_shared>> -> memref<10240x64xf32, #tpu.memory_space<vmem_shared>>
    tpu.enqueue_indirect_dma source(%arg9 : memref<512x64xf32, #tpu.memory_space<vmem>>) target(%dma_start3A_290 : memref<10240x64xf32, #tpu.memory_space<vmem_shared>>) offsets(%dma_start3A_287 : memref<512xi32, #tpu.memory_space<vmem>>) semaphore(%arg14 : memref<!tpu.dma_semaphore, #tpu.memory_space<semaphore_mem>>) {add = true}
    %dma_wait3A_291 = arith.constant 8 : i32
    %dma_wait3A_292 = arith.constant 0 : i32
    %dma_wait3A_293 = tpu.memref_slice %arg7[%dma_wait3A_291, %dma_wait3A_292] : memref<20x512xi32, #tpu.memory_space<vmem>> -> memref<1x512xi32, #tpu.memory_space<vmem>>
    %dma_wait3A_294 = tpu.memref_squeeze %dma_wait3A_293 : memref<1x512xi32, #tpu.memory_space<vmem>> -> memref<512xi32, #tpu.memory_space<vmem>>
    %dma_wait3A_295 = arith.constant 0 : i32
    %dma_wait3A_296 = arith.constant 0 : i32
    %dma_wait3A_297 = tpu.memref_slice %arg10[%dma_wait3A_295, %dma_wait3A_296] : memref<10240x64xf32, #tpu.memory_space<vmem_shared>> -> memref<10240x64xf32, #tpu.memory_space<vmem_shared>>
    tpu.wait_indirect_dma semaphore(%arg13 : memref<!tpu.dma_semaphore, #tpu.memory_space<semaphore_mem>>) src(%arg8 : memref<512x64xf32, #tpu.memory_space<vmem>>) dst(%dma_wait3A_297 : memref<10240x64xf32, #tpu.memory_space<vmem_shared>>)
    %dma_start3A_298 = arith.constant 10 : i32
    %dma_start3A_299 = arith.constant 0 : i32
    %dma_start3A_300 = tpu.memref_slice %arg6[%dma_start3A_298, %dma_start3A_299] : memref<20x512xi32, #tpu.memory_space<vmem>> -> memref<1x512xi32, #tpu.memory_space<vmem>>
    %dma_start3A_301 = tpu.memref_squeeze %dma_start3A_300 : memref<1x512xi32, #tpu.memory_space<vmem>> -> memref<512xi32, #tpu.memory_space<vmem>>
    %dma_start3A_302 = arith.constant 0 : i32
    %dma_start3A_303 = arith.constant 0 : i32
    %dma_start3A_304 = tpu.memref_slice %arg2[%dma_start3A_302, %dma_start3A_303] : memref<10240x64xf32, #tpu.memory_space<hbm>> -> memref<10240x64xf32, #tpu.memory_space<hbm>>
    tpu.enqueue_indirect_dma source(%dma_start3A_304 : memref<10240x64xf32, #tpu.memory_space<hbm>>) target(%arg8 : memref<512x64xf32, #tpu.memory_space<vmem>>) offsets(%dma_start3A_301 : memref<512xi32, #tpu.memory_space<vmem>>) semaphore(%arg11 : memref<!tpu.dma_semaphore, #tpu.memory_space<semaphore_mem>>)
    %dma_wait3A_305 = arith.constant 10 : i32
    %dma_wait3A_306 = arith.constant 0 : i32
    %dma_wait3A_307 = tpu.memref_slice %arg6[%dma_wait3A_305, %dma_wait3A_306] : memref<20x512xi32, #tpu.memory_space<vmem>> -> memref<1x512xi32, #tpu.memory_space<vmem>>
    %dma_wait3A_308 = tpu.memref_squeeze %dma_wait3A_307 : memref<1x512xi32, #tpu.memory_space<vmem>> -> memref<512xi32, #tpu.memory_space<vmem>>
    %dma_wait3A_309 = arith.constant 0 : i32
    %dma_wait3A_310 = arith.constant 0 : i32
    %dma_wait3A_311 = tpu.memref_slice %arg2[%dma_wait3A_309, %dma_wait3A_310] : memref<10240x64xf32, #tpu.memory_space<hbm>> -> memref<10240x64xf32, #tpu.memory_space<hbm>>
    tpu.wait_indirect_dma semaphore(%arg11 : memref<!tpu.dma_semaphore, #tpu.memory_space<semaphore_mem>>) src(%dma_wait3A_311 : memref<10240x64xf32, #tpu.memory_space<hbm>>) dst(%arg8 : memref<512x64xf32, #tpu.memory_space<vmem>>)
    %dma_start3A_312 = arith.constant 10 : i32
    %dma_start3A_313 = arith.constant 0 : i32
    %dma_start3A_314 = tpu.memref_slice %arg7[%dma_start3A_312, %dma_start3A_313] : memref<20x512xi32, #tpu.memory_space<vmem>> -> memref<1x512xi32, #tpu.memory_space<vmem>>
    %dma_start3A_315 = tpu.memref_squeeze %dma_start3A_314 : memref<1x512xi32, #tpu.memory_space<vmem>> -> memref<512xi32, #tpu.memory_space<vmem>>
    %dma_start3A_316 = arith.constant 0 : i32
    %dma_start3A_317 = arith.constant 0 : i32
    %dma_start3A_318 = tpu.memref_slice %arg10[%dma_start3A_316, %dma_start3A_317] : memref<10240x64xf32, #tpu.memory_space<vmem_shared>> -> memref<10240x64xf32, #tpu.memory_space<vmem_shared>>
    tpu.enqueue_indirect_dma source(%arg8 : memref<512x64xf32, #tpu.memory_space<vmem>>) target(%dma_start3A_318 : memref<10240x64xf32, #tpu.memory_space<vmem_shared>>) offsets(%dma_start3A_315 : memref<512xi32, #tpu.memory_space<vmem>>) semaphore(%arg13 : memref<!tpu.dma_semaphore, #tpu.memory_space<semaphore_mem>>) {add = true}
    %dma_wait3A_319 = arith.constant 9 : i32
    %dma_wait3A_320 = arith.constant 0 : i32
    %dma_wait3A_321 = tpu.memref_slice %arg7[%dma_wait3A_319, %dma_wait3A_320] : memref<20x512xi32, #tpu.memory_space<vmem>> -> memref<1x512xi32, #tpu.memory_space<vmem>>
    %dma_wait3A_322 = tpu.memref_squeeze %dma_wait3A_321 : memref<1x512xi32, #tpu.memory_space<vmem>> -> memref<512xi32, #tpu.memory_space<vmem>>
    %dma_wait3A_323 = arith.constant 0 : i32
    %dma_wait3A_324 = arith.constant 0 : i32
    %dma_wait3A_325 = tpu.memref_slice %arg10[%dma_wait3A_323, %dma_wait3A_324] : memref<10240x64xf32, #tpu.memory_space<vmem_shared>> -> memref<10240x64xf32, #tpu.memory_space<vmem_shared>>
    tpu.wait_indirect_dma semaphore(%arg14 : memref<!tpu.dma_semaphore, #tpu.memory_space<semaphore_mem>>) src(%arg9 : memref<512x64xf32, #tpu.memory_space<vmem>>) dst(%dma_wait3A_325 : memref<10240x64xf32, #tpu.memory_space<vmem_shared>>)
    %dma_start3A_326 = arith.constant 11 : i32
    %dma_start3A_327 = arith.constant 0 : i32
    %dma_start3A_328 = tpu.memref_slice %arg6[%dma_start3A_326, %dma_start3A_327] : memref<20x512xi32, #tpu.memory_space<vmem>> -> memref<1x512xi32, #tpu.memory_space<vmem>>
    %dma_start3A_329 = tpu.memref_squeeze %dma_start3A_328 : memref<1x512xi32, #tpu.memory_space<vmem>> -> memref<512xi32, #tpu.memory_space<vmem>>
    %dma_start3A_330 = arith.constant 0 : i32
    %dma_start3A_331 = arith.constant 0 : i32
    %dma_start3A_332 = tpu.memref_slice %arg2[%dma_start3A_330, %dma_start3A_331] : memref<10240x64xf32, #tpu.memory_space<hbm>> -> memref<10240x64xf32, #tpu.memory_space<hbm>>
    tpu.enqueue_indirect_dma source(%dma_start3A_332 : memref<10240x64xf32, #tpu.memory_space<hbm>>) target(%arg9 : memref<512x64xf32, #tpu.memory_space<vmem>>) offsets(%dma_start3A_329 : memref<512xi32, #tpu.memory_space<vmem>>) semaphore(%arg12 : memref<!tpu.dma_semaphore, #tpu.memory_space<semaphore_mem>>)
    %dma_wait3A_333 = arith.constant 11 : i32
    %dma_wait3A_334 = arith.constant 0 : i32
    %dma_wait3A_335 = tpu.memref_slice %arg6[%dma_wait3A_333, %dma_wait3A_334] : memref<20x512xi32, #tpu.memory_space<vmem>> -> memref<1x512xi32, #tpu.memory_space<vmem>>
    %dma_wait3A_336 = tpu.memref_squeeze %dma_wait3A_335 : memref<1x512xi32, #tpu.memory_space<vmem>> -> memref<512xi32, #tpu.memory_space<vmem>>
    %dma_wait3A_337 = arith.constant 0 : i32
    %dma_wait3A_338 = arith.constant 0 : i32
    %dma_wait3A_339 = tpu.memref_slice %arg2[%dma_wait3A_337, %dma_wait3A_338] : memref<10240x64xf32, #tpu.memory_space<hbm>> -> memref<10240x64xf32, #tpu.memory_space<hbm>>
    tpu.wait_indirect_dma semaphore(%arg12 : memref<!tpu.dma_semaphore, #tpu.memory_space<semaphore_mem>>) src(%dma_wait3A_339 : memref<10240x64xf32, #tpu.memory_space<hbm>>) dst(%arg9 : memref<512x64xf32, #tpu.memory_space<vmem>>)
    %dma_start3A_340 = arith.constant 11 : i32
    %dma_start3A_341 = arith.constant 0 : i32
    %dma_start3A_342 = tpu.memref_slice %arg7[%dma_start3A_340, %dma_start3A_341] : memref<20x512xi32, #tpu.memory_space<vmem>> -> memref<1x512xi32, #tpu.memory_space<vmem>>
    %dma_start3A_343 = tpu.memref_squeeze %dma_start3A_342 : memref<1x512xi32, #tpu.memory_space<vmem>> -> memref<512xi32, #tpu.memory_space<vmem>>
    %dma_start3A_344 = arith.constant 0 : i32
    %dma_start3A_345 = arith.constant 0 : i32
    %dma_start3A_346 = tpu.memref_slice %arg10[%dma_start3A_344, %dma_start3A_345] : memref<10240x64xf32, #tpu.memory_space<vmem_shared>> -> memref<10240x64xf32, #tpu.memory_space<vmem_shared>>
    tpu.enqueue_indirect_dma source(%arg9 : memref<512x64xf32, #tpu.memory_space<vmem>>) target(%dma_start3A_346 : memref<10240x64xf32, #tpu.memory_space<vmem_shared>>) offsets(%dma_start3A_343 : memref<512xi32, #tpu.memory_space<vmem>>) semaphore(%arg14 : memref<!tpu.dma_semaphore, #tpu.memory_space<semaphore_mem>>) {add = true}
    %dma_wait3A_347 = arith.constant 10 : i32
    %dma_wait3A_348 = arith.constant 0 : i32
    %dma_wait3A_349 = tpu.memref_slice %arg7[%dma_wait3A_347, %dma_wait3A_348] : memref<20x512xi32, #tpu.memory_space<vmem>> -> memref<1x512xi32, #tpu.memory_space<vmem>>
    %dma_wait3A_350 = tpu.memref_squeeze %dma_wait3A_349 : memref<1x512xi32, #tpu.memory_space<vmem>> -> memref<512xi32, #tpu.memory_space<vmem>>
    %dma_wait3A_351 = arith.constant 0 : i32
    %dma_wait3A_352 = arith.constant 0 : i32
    %dma_wait3A_353 = tpu.memref_slice %arg10[%dma_wait3A_351, %dma_wait3A_352] : memref<10240x64xf32, #tpu.memory_space<vmem_shared>> -> memref<10240x64xf32, #tpu.memory_space<vmem_shared>>
    tpu.wait_indirect_dma semaphore(%arg13 : memref<!tpu.dma_semaphore, #tpu.memory_space<semaphore_mem>>) src(%arg8 : memref<512x64xf32, #tpu.memory_space<vmem>>) dst(%dma_wait3A_353 : memref<10240x64xf32, #tpu.memory_space<vmem_shared>>)
    %dma_start3A_354 = arith.constant 12 : i32
    %dma_start3A_355 = arith.constant 0 : i32
    %dma_start3A_356 = tpu.memref_slice %arg6[%dma_start3A_354, %dma_start3A_355] : memref<20x512xi32, #tpu.memory_space<vmem>> -> memref<1x512xi32, #tpu.memory_space<vmem>>
    %dma_start3A_357 = tpu.memref_squeeze %dma_start3A_356 : memref<1x512xi32, #tpu.memory_space<vmem>> -> memref<512xi32, #tpu.memory_space<vmem>>
    %dma_start3A_358 = arith.constant 0 : i32
    %dma_start3A_359 = arith.constant 0 : i32
    %dma_start3A_360 = tpu.memref_slice %arg2[%dma_start3A_358, %dma_start3A_359] : memref<10240x64xf32, #tpu.memory_space<hbm>> -> memref<10240x64xf32, #tpu.memory_space<hbm>>
    tpu.enqueue_indirect_dma source(%dma_start3A_360 : memref<10240x64xf32, #tpu.memory_space<hbm>>) target(%arg8 : memref<512x64xf32, #tpu.memory_space<vmem>>) offsets(%dma_start3A_357 : memref<512xi32, #tpu.memory_space<vmem>>) semaphore(%arg11 : memref<!tpu.dma_semaphore, #tpu.memory_space<semaphore_mem>>)
    %dma_wait3A_361 = arith.constant 12 : i32
    %dma_wait3A_362 = arith.constant 0 : i32
    %dma_wait3A_363 = tpu.memref_slice %arg6[%dma_wait3A_361, %dma_wait3A_362] : memref<20x512xi32, #tpu.memory_space<vmem>> -> memref<1x512xi32, #tpu.memory_space<vmem>>
    %dma_wait3A_364 = tpu.memref_squeeze %dma_wait3A_363 : memref<1x512xi32, #tpu.memory_space<vmem>> -> memref<512xi32, #tpu.memory_space<vmem>>
    %dma_wait3A_365 = arith.constant 0 : i32
    %dma_wait3A_366 = arith.constant 0 : i32
    %dma_wait3A_367 = tpu.memref_slice %arg2[%dma_wait3A_365, %dma_wait3A_366] : memref<10240x64xf32, #tpu.memory_space<hbm>> -> memref<10240x64xf32, #tpu.memory_space<hbm>>
    tpu.wait_indirect_dma semaphore(%arg11 : memref<!tpu.dma_semaphore, #tpu.memory_space<semaphore_mem>>) src(%dma_wait3A_367 : memref<10240x64xf32, #tpu.memory_space<hbm>>) dst(%arg8 : memref<512x64xf32, #tpu.memory_space<vmem>>)
    %dma_start3A_368 = arith.constant 12 : i32
    %dma_start3A_369 = arith.constant 0 : i32
    %dma_start3A_370 = tpu.memref_slice %arg7[%dma_start3A_368, %dma_start3A_369] : memref<20x512xi32, #tpu.memory_space<vmem>> -> memref<1x512xi32, #tpu.memory_space<vmem>>
    %dma_start3A_371 = tpu.memref_squeeze %dma_start3A_370 : memref<1x512xi32, #tpu.memory_space<vmem>> -> memref<512xi32, #tpu.memory_space<vmem>>
    %dma_start3A_372 = arith.constant 0 : i32
    %dma_start3A_373 = arith.constant 0 : i32
    %dma_start3A_374 = tpu.memref_slice %arg10[%dma_start3A_372, %dma_start3A_373] : memref<10240x64xf32, #tpu.memory_space<vmem_shared>> -> memref<10240x64xf32, #tpu.memory_space<vmem_shared>>
    tpu.enqueue_indirect_dma source(%arg8 : memref<512x64xf32, #tpu.memory_space<vmem>>) target(%dma_start3A_374 : memref<10240x64xf32, #tpu.memory_space<vmem_shared>>) offsets(%dma_start3A_371 : memref<512xi32, #tpu.memory_space<vmem>>) semaphore(%arg13 : memref<!tpu.dma_semaphore, #tpu.memory_space<semaphore_mem>>) {add = true}
    %dma_wait3A_375 = arith.constant 11 : i32
    %dma_wait3A_376 = arith.constant 0 : i32
    %dma_wait3A_377 = tpu.memref_slice %arg7[%dma_wait3A_375, %dma_wait3A_376] : memref<20x512xi32, #tpu.memory_space<vmem>> -> memref<1x512xi32, #tpu.memory_space<vmem>>
    %dma_wait3A_378 = tpu.memref_squeeze %dma_wait3A_377 : memref<1x512xi32, #tpu.memory_space<vmem>> -> memref<512xi32, #tpu.memory_space<vmem>>
    %dma_wait3A_379 = arith.constant 0 : i32
    %dma_wait3A_380 = arith.constant 0 : i32
    %dma_wait3A_381 = tpu.memref_slice %arg10[%dma_wait3A_379, %dma_wait3A_380] : memref<10240x64xf32, #tpu.memory_space<vmem_shared>> -> memref<10240x64xf32, #tpu.memory_space<vmem_shared>>
    tpu.wait_indirect_dma semaphore(%arg14 : memref<!tpu.dma_semaphore, #tpu.memory_space<semaphore_mem>>) src(%arg9 : memref<512x64xf32, #tpu.memory_space<vmem>>) dst(%dma_wait3A_381 : memref<10240x64xf32, #tpu.memory_space<vmem_shared>>)
    %dma_start3A_382 = arith.constant 13 : i32
    %dma_start3A_383 = arith.constant 0 : i32
    %dma_start3A_384 = tpu.memref_slice %arg6[%dma_start3A_382, %dma_start3A_383] : memref<20x512xi32, #tpu.memory_space<vmem>> -> memref<1x512xi32, #tpu.memory_space<vmem>>
    %dma_start3A_385 = tpu.memref_squeeze %dma_start3A_384 : memref<1x512xi32, #tpu.memory_space<vmem>> -> memref<512xi32, #tpu.memory_space<vmem>>
    %dma_start3A_386 = arith.constant 0 : i32
    %dma_start3A_387 = arith.constant 0 : i32
    %dma_start3A_388 = tpu.memref_slice %arg2[%dma_start3A_386, %dma_start3A_387] : memref<10240x64xf32, #tpu.memory_space<hbm>> -> memref<10240x64xf32, #tpu.memory_space<hbm>>
    tpu.enqueue_indirect_dma source(%dma_start3A_388 : memref<10240x64xf32, #tpu.memory_space<hbm>>) target(%arg9 : memref<512x64xf32, #tpu.memory_space<vmem>>) offsets(%dma_start3A_385 : memref<512xi32, #tpu.memory_space<vmem>>) semaphore(%arg12 : memref<!tpu.dma_semaphore, #tpu.memory_space<semaphore_mem>>)
    %dma_wait3A_389 = arith.constant 13 : i32
    %dma_wait3A_390 = arith.constant 0 : i32
    %dma_wait3A_391 = tpu.memref_slice %arg6[%dma_wait3A_389, %dma_wait3A_390] : memref<20x512xi32, #tpu.memory_space<vmem>> -> memref<1x512xi32, #tpu.memory_space<vmem>>
    %dma_wait3A_392 = tpu.memref_squeeze %dma_wait3A_391 : memref<1x512xi32, #tpu.memory_space<vmem>> -> memref<512xi32, #tpu.memory_space<vmem>>
    %dma_wait3A_393 = arith.constant 0 : i32
    %dma_wait3A_394 = arith.constant 0 : i32
    %dma_wait3A_395 = tpu.memref_slice %arg2[%dma_wait3A_393, %dma_wait3A_394] : memref<10240x64xf32, #tpu.memory_space<hbm>> -> memref<10240x64xf32, #tpu.memory_space<hbm>>
    tpu.wait_indirect_dma semaphore(%arg12 : memref<!tpu.dma_semaphore, #tpu.memory_space<semaphore_mem>>) src(%dma_wait3A_395 : memref<10240x64xf32, #tpu.memory_space<hbm>>) dst(%arg9 : memref<512x64xf32, #tpu.memory_space<vmem>>)
    %dma_start3A_396 = arith.constant 13 : i32
    %dma_start3A_397 = arith.constant 0 : i32
    %dma_start3A_398 = tpu.memref_slice %arg7[%dma_start3A_396, %dma_start3A_397] : memref<20x512xi32, #tpu.memory_space<vmem>> -> memref<1x512xi32, #tpu.memory_space<vmem>>
    %dma_start3A_399 = tpu.memref_squeeze %dma_start3A_398 : memref<1x512xi32, #tpu.memory_space<vmem>> -> memref<512xi32, #tpu.memory_space<vmem>>
    %dma_start3A_400 = arith.constant 0 : i32
    %dma_start3A_401 = arith.constant 0 : i32
    %dma_start3A_402 = tpu.memref_slice %arg10[%dma_start3A_400, %dma_start3A_401] : memref<10240x64xf32, #tpu.memory_space<vmem_shared>> -> memref<10240x64xf32, #tpu.memory_space<vmem_shared>>
    tpu.enqueue_indirect_dma source(%arg9 : memref<512x64xf32, #tpu.memory_space<vmem>>) target(%dma_start3A_402 : memref<10240x64xf32, #tpu.memory_space<vmem_shared>>) offsets(%dma_start3A_399 : memref<512xi32, #tpu.memory_space<vmem>>) semaphore(%arg14 : memref<!tpu.dma_semaphore, #tpu.memory_space<semaphore_mem>>) {add = true}
    %dma_wait3A_403 = arith.constant 12 : i32
    %dma_wait3A_404 = arith.constant 0 : i32
    %dma_wait3A_405 = tpu.memref_slice %arg7[%dma_wait3A_403, %dma_wait3A_404] : memref<20x512xi32, #tpu.memory_space<vmem>> -> memref<1x512xi32, #tpu.memory_space<vmem>>
    %dma_wait3A_406 = tpu.memref_squeeze %dma_wait3A_405 : memref<1x512xi32, #tpu.memory_space<vmem>> -> memref<512xi32, #tpu.memory_space<vmem>>
    %dma_wait3A_407 = arith.constant 0 : i32
    %dma_wait3A_408 = arith.constant 0 : i32
    %dma_wait3A_409 = tpu.memref_slice %arg10[%dma_wait3A_407, %dma_wait3A_408] : memref<10240x64xf32, #tpu.memory_space<vmem_shared>> -> memref<10240x64xf32, #tpu.memory_space<vmem_shared>>
    tpu.wait_indirect_dma semaphore(%arg13 : memref<!tpu.dma_semaphore, #tpu.memory_space<semaphore_mem>>) src(%arg8 : memref<512x64xf32, #tpu.memory_space<vmem>>) dst(%dma_wait3A_409 : memref<10240x64xf32, #tpu.memory_space<vmem_shared>>)
    %dma_start3A_410 = arith.constant 14 : i32
    %dma_start3A_411 = arith.constant 0 : i32
    %dma_start3A_412 = tpu.memref_slice %arg6[%dma_start3A_410, %dma_start3A_411] : memref<20x512xi32, #tpu.memory_space<vmem>> -> memref<1x512xi32, #tpu.memory_space<vmem>>
    %dma_start3A_413 = tpu.memref_squeeze %dma_start3A_412 : memref<1x512xi32, #tpu.memory_space<vmem>> -> memref<512xi32, #tpu.memory_space<vmem>>
    %dma_start3A_414 = arith.constant 0 : i32
    %dma_start3A_415 = arith.constant 0 : i32
    %dma_start3A_416 = tpu.memref_slice %arg2[%dma_start3A_414, %dma_start3A_415] : memref<10240x64xf32, #tpu.memory_space<hbm>> -> memref<10240x64xf32, #tpu.memory_space<hbm>>
    tpu.enqueue_indirect_dma source(%dma_start3A_416 : memref<10240x64xf32, #tpu.memory_space<hbm>>) target(%arg8 : memref<512x64xf32, #tpu.memory_space<vmem>>) offsets(%dma_start3A_413 : memref<512xi32, #tpu.memory_space<vmem>>) semaphore(%arg11 : memref<!tpu.dma_semaphore, #tpu.memory_space<semaphore_mem>>)
    %dma_wait3A_417 = arith.constant 14 : i32
    %dma_wait3A_418 = arith.constant 0 : i32
    %dma_wait3A_419 = tpu.memref_slice %arg6[%dma_wait3A_417, %dma_wait3A_418] : memref<20x512xi32, #tpu.memory_space<vmem>> -> memref<1x512xi32, #tpu.memory_space<vmem>>
    %dma_wait3A_420 = tpu.memref_squeeze %dma_wait3A_419 : memref<1x512xi32, #tpu.memory_space<vmem>> -> memref<512xi32, #tpu.memory_space<vmem>>
    %dma_wait3A_421 = arith.constant 0 : i32
    %dma_wait3A_422 = arith.constant 0 : i32
    %dma_wait3A_423 = tpu.memref_slice %arg2[%dma_wait3A_421, %dma_wait3A_422] : memref<10240x64xf32, #tpu.memory_space<hbm>> -> memref<10240x64xf32, #tpu.memory_space<hbm>>
    tpu.wait_indirect_dma semaphore(%arg11 : memref<!tpu.dma_semaphore, #tpu.memory_space<semaphore_mem>>) src(%dma_wait3A_423 : memref<10240x64xf32, #tpu.memory_space<hbm>>) dst(%arg8 : memref<512x64xf32, #tpu.memory_space<vmem>>)
    %dma_start3A_424 = arith.constant 14 : i32
    %dma_start3A_425 = arith.constant 0 : i32
    %dma_start3A_426 = tpu.memref_slice %arg7[%dma_start3A_424, %dma_start3A_425] : memref<20x512xi32, #tpu.memory_space<vmem>> -> memref<1x512xi32, #tpu.memory_space<vmem>>
    %dma_start3A_427 = tpu.memref_squeeze %dma_start3A_426 : memref<1x512xi32, #tpu.memory_space<vmem>> -> memref<512xi32, #tpu.memory_space<vmem>>
    %dma_start3A_428 = arith.constant 0 : i32
    %dma_start3A_429 = arith.constant 0 : i32
    %dma_start3A_430 = tpu.memref_slice %arg10[%dma_start3A_428, %dma_start3A_429] : memref<10240x64xf32, #tpu.memory_space<vmem_shared>> -> memref<10240x64xf32, #tpu.memory_space<vmem_shared>>
    tpu.enqueue_indirect_dma source(%arg8 : memref<512x64xf32, #tpu.memory_space<vmem>>) target(%dma_start3A_430 : memref<10240x64xf32, #tpu.memory_space<vmem_shared>>) offsets(%dma_start3A_427 : memref<512xi32, #tpu.memory_space<vmem>>) semaphore(%arg13 : memref<!tpu.dma_semaphore, #tpu.memory_space<semaphore_mem>>) {add = true}
    %dma_wait3A_431 = arith.constant 13 : i32
    %dma_wait3A_432 = arith.constant 0 : i32
    %dma_wait3A_433 = tpu.memref_slice %arg7[%dma_wait3A_431, %dma_wait3A_432] : memref<20x512xi32, #tpu.memory_space<vmem>> -> memref<1x512xi32, #tpu.memory_space<vmem>>
    %dma_wait3A_434 = tpu.memref_squeeze %dma_wait3A_433 : memref<1x512xi32, #tpu.memory_space<vmem>> -> memref<512xi32, #tpu.memory_space<vmem>>
    %dma_wait3A_435 = arith.constant 0 : i32
    %dma_wait3A_436 = arith.constant 0 : i32
    %dma_wait3A_437 = tpu.memref_slice %arg10[%dma_wait3A_435, %dma_wait3A_436] : memref<10240x64xf32, #tpu.memory_space<vmem_shared>> -> memref<10240x64xf32, #tpu.memory_space<vmem_shared>>
    tpu.wait_indirect_dma semaphore(%arg14 : memref<!tpu.dma_semaphore, #tpu.memory_space<semaphore_mem>>) src(%arg9 : memref<512x64xf32, #tpu.memory_space<vmem>>) dst(%dma_wait3A_437 : memref<10240x64xf32, #tpu.memory_space<vmem_shared>>)
    %dma_start3A_438 = arith.constant 15 : i32
    %dma_start3A_439 = arith.constant 0 : i32
    %dma_start3A_440 = tpu.memref_slice %arg6[%dma_start3A_438, %dma_start3A_439] : memref<20x512xi32, #tpu.memory_space<vmem>> -> memref<1x512xi32, #tpu.memory_space<vmem>>
    %dma_start3A_441 = tpu.memref_squeeze %dma_start3A_440 : memref<1x512xi32, #tpu.memory_space<vmem>> -> memref<512xi32, #tpu.memory_space<vmem>>
    %dma_start3A_442 = arith.constant 0 : i32
    %dma_start3A_443 = arith.constant 0 : i32
    %dma_start3A_444 = tpu.memref_slice %arg2[%dma_start3A_442, %dma_start3A_443] : memref<10240x64xf32, #tpu.memory_space<hbm>> -> memref<10240x64xf32, #tpu.memory_space<hbm>>
    tpu.enqueue_indirect_dma source(%dma_start3A_444 : memref<10240x64xf32, #tpu.memory_space<hbm>>) target(%arg9 : memref<512x64xf32, #tpu.memory_space<vmem>>) offsets(%dma_start3A_441 : memref<512xi32, #tpu.memory_space<vmem>>) semaphore(%arg12 : memref<!tpu.dma_semaphore, #tpu.memory_space<semaphore_mem>>)
    %dma_wait3A_445 = arith.constant 15 : i32
    %dma_wait3A_446 = arith.constant 0 : i32
    %dma_wait3A_447 = tpu.memref_slice %arg6[%dma_wait3A_445, %dma_wait3A_446] : memref<20x512xi32, #tpu.memory_space<vmem>> -> memref<1x512xi32, #tpu.memory_space<vmem>>
    %dma_wait3A_448 = tpu.memref_squeeze %dma_wait3A_447 : memref<1x512xi32, #tpu.memory_space<vmem>> -> memref<512xi32, #tpu.memory_space<vmem>>
    %dma_wait3A_449 = arith.constant 0 : i32
    %dma_wait3A_450 = arith.constant 0 : i32
    %dma_wait3A_451 = tpu.memref_slice %arg2[%dma_wait3A_449, %dma_wait3A_450] : memref<10240x64xf32, #tpu.memory_space<hbm>> -> memref<10240x64xf32, #tpu.memory_space<hbm>>
    tpu.wait_indirect_dma semaphore(%arg12 : memref<!tpu.dma_semaphore, #tpu.memory_space<semaphore_mem>>) src(%dma_wait3A_451 : memref<10240x64xf32, #tpu.memory_space<hbm>>) dst(%arg9 : memref<512x64xf32, #tpu.memory_space<vmem>>)
    %dma_start3A_452 = arith.constant 15 : i32
    %dma_start3A_453 = arith.constant 0 : i32
    %dma_start3A_454 = tpu.memref_slice %arg7[%dma_start3A_452, %dma_start3A_453] : memref<20x512xi32, #tpu.memory_space<vmem>> -> memref<1x512xi32, #tpu.memory_space<vmem>>
    %dma_start3A_455 = tpu.memref_squeeze %dma_start3A_454 : memref<1x512xi32, #tpu.memory_space<vmem>> -> memref<512xi32, #tpu.memory_space<vmem>>
    %dma_start3A_456 = arith.constant 0 : i32
    %dma_start3A_457 = arith.constant 0 : i32
    %dma_start3A_458 = tpu.memref_slice %arg10[%dma_start3A_456, %dma_start3A_457] : memref<10240x64xf32, #tpu.memory_space<vmem_shared>> -> memref<10240x64xf32, #tpu.memory_space<vmem_shared>>
    tpu.enqueue_indirect_dma source(%arg9 : memref<512x64xf32, #tpu.memory_space<vmem>>) target(%dma_start3A_458 : memref<10240x64xf32, #tpu.memory_space<vmem_shared>>) offsets(%dma_start3A_455 : memref<512xi32, #tpu.memory_space<vmem>>) semaphore(%arg14 : memref<!tpu.dma_semaphore, #tpu.memory_space<semaphore_mem>>) {add = true}
    %dma_wait3A_459 = arith.constant 14 : i32
    %dma_wait3A_460 = arith.constant 0 : i32
    %dma_wait3A_461 = tpu.memref_slice %arg7[%dma_wait3A_459, %dma_wait3A_460] : memref<20x512xi32, #tpu.memory_space<vmem>> -> memref<1x512xi32, #tpu.memory_space<vmem>>
    %dma_wait3A_462 = tpu.memref_squeeze %dma_wait3A_461 : memref<1x512xi32, #tpu.memory_space<vmem>> -> memref<512xi32, #tpu.memory_space<vmem>>
    %dma_wait3A_463 = arith.constant 0 : i32
    %dma_wait3A_464 = arith.constant 0 : i32
    %dma_wait3A_465 = tpu.memref_slice %arg10[%dma_wait3A_463, %dma_wait3A_464] : memref<10240x64xf32, #tpu.memory_space<vmem_shared>> -> memref<10240x64xf32, #tpu.memory_space<vmem_shared>>
    tpu.wait_indirect_dma semaphore(%arg13 : memref<!tpu.dma_semaphore, #tpu.memory_space<semaphore_mem>>) src(%arg8 : memref<512x64xf32, #tpu.memory_space<vmem>>) dst(%dma_wait3A_465 : memref<10240x64xf32, #tpu.memory_space<vmem_shared>>)
    %dma_start3A_466 = arith.constant 16 : i32
    %dma_start3A_467 = arith.constant 0 : i32
    %dma_start3A_468 = tpu.memref_slice %arg6[%dma_start3A_466, %dma_start3A_467] : memref<20x512xi32, #tpu.memory_space<vmem>> -> memref<1x512xi32, #tpu.memory_space<vmem>>
    %dma_start3A_469 = tpu.memref_squeeze %dma_start3A_468 : memref<1x512xi32, #tpu.memory_space<vmem>> -> memref<512xi32, #tpu.memory_space<vmem>>
    %dma_start3A_470 = arith.constant 0 : i32
    %dma_start3A_471 = arith.constant 0 : i32
    %dma_start3A_472 = tpu.memref_slice %arg2[%dma_start3A_470, %dma_start3A_471] : memref<10240x64xf32, #tpu.memory_space<hbm>> -> memref<10240x64xf32, #tpu.memory_space<hbm>>
    tpu.enqueue_indirect_dma source(%dma_start3A_472 : memref<10240x64xf32, #tpu.memory_space<hbm>>) target(%arg8 : memref<512x64xf32, #tpu.memory_space<vmem>>) offsets(%dma_start3A_469 : memref<512xi32, #tpu.memory_space<vmem>>) semaphore(%arg11 : memref<!tpu.dma_semaphore, #tpu.memory_space<semaphore_mem>>)
    %dma_wait3A_473 = arith.constant 16 : i32
    %dma_wait3A_474 = arith.constant 0 : i32
    %dma_wait3A_475 = tpu.memref_slice %arg6[%dma_wait3A_473, %dma_wait3A_474] : memref<20x512xi32, #tpu.memory_space<vmem>> -> memref<1x512xi32, #tpu.memory_space<vmem>>
    %dma_wait3A_476 = tpu.memref_squeeze %dma_wait3A_475 : memref<1x512xi32, #tpu.memory_space<vmem>> -> memref<512xi32, #tpu.memory_space<vmem>>
    %dma_wait3A_477 = arith.constant 0 : i32
    %dma_wait3A_478 = arith.constant 0 : i32
    %dma_wait3A_479 = tpu.memref_slice %arg2[%dma_wait3A_477, %dma_wait3A_478] : memref<10240x64xf32, #tpu.memory_space<hbm>> -> memref<10240x64xf32, #tpu.memory_space<hbm>>
    tpu.wait_indirect_dma semaphore(%arg11 : memref<!tpu.dma_semaphore, #tpu.memory_space<semaphore_mem>>) src(%dma_wait3A_479 : memref<10240x64xf32, #tpu.memory_space<hbm>>) dst(%arg8 : memref<512x64xf32, #tpu.memory_space<vmem>>)
    %dma_start3A_480 = arith.constant 16 : i32
    %dma_start3A_481 = arith.constant 0 : i32
    %dma_start3A_482 = tpu.memref_slice %arg7[%dma_start3A_480, %dma_start3A_481] : memref<20x512xi32, #tpu.memory_space<vmem>> -> memref<1x512xi32, #tpu.memory_space<vmem>>
    %dma_start3A_483 = tpu.memref_squeeze %dma_start3A_482 : memref<1x512xi32, #tpu.memory_space<vmem>> -> memref<512xi32, #tpu.memory_space<vmem>>
    %dma_start3A_484 = arith.constant 0 : i32
    %dma_start3A_485 = arith.constant 0 : i32
    %dma_start3A_486 = tpu.memref_slice %arg10[%dma_start3A_484, %dma_start3A_485] : memref<10240x64xf32, #tpu.memory_space<vmem_shared>> -> memref<10240x64xf32, #tpu.memory_space<vmem_shared>>
    tpu.enqueue_indirect_dma source(%arg8 : memref<512x64xf32, #tpu.memory_space<vmem>>) target(%dma_start3A_486 : memref<10240x64xf32, #tpu.memory_space<vmem_shared>>) offsets(%dma_start3A_483 : memref<512xi32, #tpu.memory_space<vmem>>) semaphore(%arg13 : memref<!tpu.dma_semaphore, #tpu.memory_space<semaphore_mem>>) {add = true}
    %dma_wait3A_487 = arith.constant 15 : i32
    %dma_wait3A_488 = arith.constant 0 : i32
    %dma_wait3A_489 = tpu.memref_slice %arg7[%dma_wait3A_487, %dma_wait3A_488] : memref<20x512xi32, #tpu.memory_space<vmem>> -> memref<1x512xi32, #tpu.memory_space<vmem>>
    %dma_wait3A_490 = tpu.memref_squeeze %dma_wait3A_489 : memref<1x512xi32, #tpu.memory_space<vmem>> -> memref<512xi32, #tpu.memory_space<vmem>>
    %dma_wait3A_491 = arith.constant 0 : i32
    %dma_wait3A_492 = arith.constant 0 : i32
    %dma_wait3A_493 = tpu.memref_slice %arg10[%dma_wait3A_491, %dma_wait3A_492] : memref<10240x64xf32, #tpu.memory_space<vmem_shared>> -> memref<10240x64xf32, #tpu.memory_space<vmem_shared>>
    tpu.wait_indirect_dma semaphore(%arg14 : memref<!tpu.dma_semaphore, #tpu.memory_space<semaphore_mem>>) src(%arg9 : memref<512x64xf32, #tpu.memory_space<vmem>>) dst(%dma_wait3A_493 : memref<10240x64xf32, #tpu.memory_space<vmem_shared>>)
    %dma_start3A_494 = arith.constant 17 : i32
    %dma_start3A_495 = arith.constant 0 : i32
    %dma_start3A_496 = tpu.memref_slice %arg6[%dma_start3A_494, %dma_start3A_495] : memref<20x512xi32, #tpu.memory_space<vmem>> -> memref<1x512xi32, #tpu.memory_space<vmem>>
    %dma_start3A_497 = tpu.memref_squeeze %dma_start3A_496 : memref<1x512xi32, #tpu.memory_space<vmem>> -> memref<512xi32, #tpu.memory_space<vmem>>
    %dma_start3A_498 = arith.constant 0 : i32
    %dma_start3A_499 = arith.constant 0 : i32
    %dma_start3A_500 = tpu.memref_slice %arg2[%dma_start3A_498, %dma_start3A_499] : memref<10240x64xf32, #tpu.memory_space<hbm>> -> memref<10240x64xf32, #tpu.memory_space<hbm>>
    tpu.enqueue_indirect_dma source(%dma_start3A_500 : memref<10240x64xf32, #tpu.memory_space<hbm>>) target(%arg9 : memref<512x64xf32, #tpu.memory_space<vmem>>) offsets(%dma_start3A_497 : memref<512xi32, #tpu.memory_space<vmem>>) semaphore(%arg12 : memref<!tpu.dma_semaphore, #tpu.memory_space<semaphore_mem>>)
    %dma_wait3A_501 = arith.constant 17 : i32
    %dma_wait3A_502 = arith.constant 0 : i32
    %dma_wait3A_503 = tpu.memref_slice %arg6[%dma_wait3A_501, %dma_wait3A_502] : memref<20x512xi32, #tpu.memory_space<vmem>> -> memref<1x512xi32, #tpu.memory_space<vmem>>
    %dma_wait3A_504 = tpu.memref_squeeze %dma_wait3A_503 : memref<1x512xi32, #tpu.memory_space<vmem>> -> memref<512xi32, #tpu.memory_space<vmem>>
    %dma_wait3A_505 = arith.constant 0 : i32
    %dma_wait3A_506 = arith.constant 0 : i32
    %dma_wait3A_507 = tpu.memref_slice %arg2[%dma_wait3A_505, %dma_wait3A_506] : memref<10240x64xf32, #tpu.memory_space<hbm>> -> memref<10240x64xf32, #tpu.memory_space<hbm>>
    tpu.wait_indirect_dma semaphore(%arg12 : memref<!tpu.dma_semaphore, #tpu.memory_space<semaphore_mem>>) src(%dma_wait3A_507 : memref<10240x64xf32, #tpu.memory_space<hbm>>) dst(%arg9 : memref<512x64xf32, #tpu.memory_space<vmem>>)
    %dma_start3A_508 = arith.constant 17 : i32
    %dma_start3A_509 = arith.constant 0 : i32
    %dma_start3A_510 = tpu.memref_slice %arg7[%dma_start3A_508, %dma_start3A_509] : memref<20x512xi32, #tpu.memory_space<vmem>> -> memref<1x512xi32, #tpu.memory_space<vmem>>
    %dma_start3A_511 = tpu.memref_squeeze %dma_start3A_510 : memref<1x512xi32, #tpu.memory_space<vmem>> -> memref<512xi32, #tpu.memory_space<vmem>>
    %dma_start3A_512 = arith.constant 0 : i32
    %dma_start3A_513 = arith.constant 0 : i32
    %dma_start3A_514 = tpu.memref_slice %arg10[%dma_start3A_512, %dma_start3A_513] : memref<10240x64xf32, #tpu.memory_space<vmem_shared>> -> memref<10240x64xf32, #tpu.memory_space<vmem_shared>>
    tpu.enqueue_indirect_dma source(%arg9 : memref<512x64xf32, #tpu.memory_space<vmem>>) target(%dma_start3A_514 : memref<10240x64xf32, #tpu.memory_space<vmem_shared>>) offsets(%dma_start3A_511 : memref<512xi32, #tpu.memory_space<vmem>>) semaphore(%arg14 : memref<!tpu.dma_semaphore, #tpu.memory_space<semaphore_mem>>) {add = true}
    %dma_wait3A_515 = arith.constant 16 : i32
    %dma_wait3A_516 = arith.constant 0 : i32
    %dma_wait3A_517 = tpu.memref_slice %arg7[%dma_wait3A_515, %dma_wait3A_516] : memref<20x512xi32, #tpu.memory_space<vmem>> -> memref<1x512xi32, #tpu.memory_space<vmem>>
    %dma_wait3A_518 = tpu.memref_squeeze %dma_wait3A_517 : memref<1x512xi32, #tpu.memory_space<vmem>> -> memref<512xi32, #tpu.memory_space<vmem>>
    %dma_wait3A_519 = arith.constant 0 : i32
    %dma_wait3A_520 = arith.constant 0 : i32
    %dma_wait3A_521 = tpu.memref_slice %arg10[%dma_wait3A_519, %dma_wait3A_520] : memref<10240x64xf32, #tpu.memory_space<vmem_shared>> -> memref<10240x64xf32, #tpu.memory_space<vmem_shared>>
    tpu.wait_indirect_dma semaphore(%arg13 : memref<!tpu.dma_semaphore, #tpu.memory_space<semaphore_mem>>) src(%arg8 : memref<512x64xf32, #tpu.memory_space<vmem>>) dst(%dma_wait3A_521 : memref<10240x64xf32, #tpu.memory_space<vmem_shared>>)
    %dma_start3A_522 = arith.constant 18 : i32
    %dma_start3A_523 = arith.constant 0 : i32
    %dma_start3A_524 = tpu.memref_slice %arg6[%dma_start3A_522, %dma_start3A_523] : memref<20x512xi32, #tpu.memory_space<vmem>> -> memref<1x512xi32, #tpu.memory_space<vmem>>
    %dma_start3A_525 = tpu.memref_squeeze %dma_start3A_524 : memref<1x512xi32, #tpu.memory_space<vmem>> -> memref<512xi32, #tpu.memory_space<vmem>>
    %dma_start3A_526 = arith.constant 0 : i32
    %dma_start3A_527 = arith.constant 0 : i32
    %dma_start3A_528 = tpu.memref_slice %arg2[%dma_start3A_526, %dma_start3A_527] : memref<10240x64xf32, #tpu.memory_space<hbm>> -> memref<10240x64xf32, #tpu.memory_space<hbm>>
    tpu.enqueue_indirect_dma source(%dma_start3A_528 : memref<10240x64xf32, #tpu.memory_space<hbm>>) target(%arg8 : memref<512x64xf32, #tpu.memory_space<vmem>>) offsets(%dma_start3A_525 : memref<512xi32, #tpu.memory_space<vmem>>) semaphore(%arg11 : memref<!tpu.dma_semaphore, #tpu.memory_space<semaphore_mem>>)
    %dma_wait3A_529 = arith.constant 18 : i32
    %dma_wait3A_530 = arith.constant 0 : i32
    %dma_wait3A_531 = tpu.memref_slice %arg6[%dma_wait3A_529, %dma_wait3A_530] : memref<20x512xi32, #tpu.memory_space<vmem>> -> memref<1x512xi32, #tpu.memory_space<vmem>>
    %dma_wait3A_532 = tpu.memref_squeeze %dma_wait3A_531 : memref<1x512xi32, #tpu.memory_space<vmem>> -> memref<512xi32, #tpu.memory_space<vmem>>
    %dma_wait3A_533 = arith.constant 0 : i32
    %dma_wait3A_534 = arith.constant 0 : i32
    %dma_wait3A_535 = tpu.memref_slice %arg2[%dma_wait3A_533, %dma_wait3A_534] : memref<10240x64xf32, #tpu.memory_space<hbm>> -> memref<10240x64xf32, #tpu.memory_space<hbm>>
    tpu.wait_indirect_dma semaphore(%arg11 : memref<!tpu.dma_semaphore, #tpu.memory_space<semaphore_mem>>) src(%dma_wait3A_535 : memref<10240x64xf32, #tpu.memory_space<hbm>>) dst(%arg8 : memref<512x64xf32, #tpu.memory_space<vmem>>)
    %dma_start3A_536 = arith.constant 18 : i32
    %dma_start3A_537 = arith.constant 0 : i32
    %dma_start3A_538 = tpu.memref_slice %arg7[%dma_start3A_536, %dma_start3A_537] : memref<20x512xi32, #tpu.memory_space<vmem>> -> memref<1x512xi32, #tpu.memory_space<vmem>>
    %dma_start3A_539 = tpu.memref_squeeze %dma_start3A_538 : memref<1x512xi32, #tpu.memory_space<vmem>> -> memref<512xi32, #tpu.memory_space<vmem>>
    %dma_start3A_540 = arith.constant 0 : i32
    %dma_start3A_541 = arith.constant 0 : i32
    %dma_start3A_542 = tpu.memref_slice %arg10[%dma_start3A_540, %dma_start3A_541] : memref<10240x64xf32, #tpu.memory_space<vmem_shared>> -> memref<10240x64xf32, #tpu.memory_space<vmem_shared>>
    tpu.enqueue_indirect_dma source(%arg8 : memref<512x64xf32, #tpu.memory_space<vmem>>) target(%dma_start3A_542 : memref<10240x64xf32, #tpu.memory_space<vmem_shared>>) offsets(%dma_start3A_539 : memref<512xi32, #tpu.memory_space<vmem>>) semaphore(%arg13 : memref<!tpu.dma_semaphore, #tpu.memory_space<semaphore_mem>>) {add = true}
    %dma_wait3A_543 = arith.constant 17 : i32
    %dma_wait3A_544 = arith.constant 0 : i32
    %dma_wait3A_545 = tpu.memref_slice %arg7[%dma_wait3A_543, %dma_wait3A_544] : memref<20x512xi32, #tpu.memory_space<vmem>> -> memref<1x512xi32, #tpu.memory_space<vmem>>
    %dma_wait3A_546 = tpu.memref_squeeze %dma_wait3A_545 : memref<1x512xi32, #tpu.memory_space<vmem>> -> memref<512xi32, #tpu.memory_space<vmem>>
    %dma_wait3A_547 = arith.constant 0 : i32
    %dma_wait3A_548 = arith.constant 0 : i32
    %dma_wait3A_549 = tpu.memref_slice %arg10[%dma_wait3A_547, %dma_wait3A_548] : memref<10240x64xf32, #tpu.memory_space<vmem_shared>> -> memref<10240x64xf32, #tpu.memory_space<vmem_shared>>
    tpu.wait_indirect_dma semaphore(%arg14 : memref<!tpu.dma_semaphore, #tpu.memory_space<semaphore_mem>>) src(%arg9 : memref<512x64xf32, #tpu.memory_space<vmem>>) dst(%dma_wait3A_549 : memref<10240x64xf32, #tpu.memory_space<vmem_shared>>)
    %dma_start3A_550 = arith.constant 19 : i32
    %dma_start3A_551 = arith.constant 0 : i32
    %dma_start3A_552 = tpu.memref_slice %arg6[%dma_start3A_550, %dma_start3A_551] : memref<20x512xi32, #tpu.memory_space<vmem>> -> memref<1x512xi32, #tpu.memory_space<vmem>>
    %dma_start3A_553 = tpu.memref_squeeze %dma_start3A_552 : memref<1x512xi32, #tpu.memory_space<vmem>> -> memref<512xi32, #tpu.memory_space<vmem>>
    %dma_start3A_554 = arith.constant 0 : i32
    %dma_start3A_555 = arith.constant 0 : i32
    %dma_start3A_556 = tpu.memref_slice %arg2[%dma_start3A_554, %dma_start3A_555] : memref<10240x64xf32, #tpu.memory_space<hbm>> -> memref<10240x64xf32, #tpu.memory_space<hbm>>
    tpu.enqueue_indirect_dma source(%dma_start3A_556 : memref<10240x64xf32, #tpu.memory_space<hbm>>) target(%arg9 : memref<512x64xf32, #tpu.memory_space<vmem>>) offsets(%dma_start3A_553 : memref<512xi32, #tpu.memory_space<vmem>>) semaphore(%arg12 : memref<!tpu.dma_semaphore, #tpu.memory_space<semaphore_mem>>)
    %dma_wait3A_557 = arith.constant 19 : i32
    %dma_wait3A_558 = arith.constant 0 : i32
    %dma_wait3A_559 = tpu.memref_slice %arg6[%dma_wait3A_557, %dma_wait3A_558] : memref<20x512xi32, #tpu.memory_space<vmem>> -> memref<1x512xi32, #tpu.memory_space<vmem>>
    %dma_wait3A_560 = tpu.memref_squeeze %dma_wait3A_559 : memref<1x512xi32, #tpu.memory_space<vmem>> -> memref<512xi32, #tpu.memory_space<vmem>>
    %dma_wait3A_561 = arith.constant 0 : i32
    %dma_wait3A_562 = arith.constant 0 : i32
    %dma_wait3A_563 = tpu.memref_slice %arg2[%dma_wait3A_561, %dma_wait3A_562] : memref<10240x64xf32, #tpu.memory_space<hbm>> -> memref<10240x64xf32, #tpu.memory_space<hbm>>
    tpu.wait_indirect_dma semaphore(%arg12 : memref<!tpu.dma_semaphore, #tpu.memory_space<semaphore_mem>>) src(%dma_wait3A_563 : memref<10240x64xf32, #tpu.memory_space<hbm>>) dst(%arg9 : memref<512x64xf32, #tpu.memory_space<vmem>>)
    %dma_start3A_564 = arith.constant 19 : i32
    %dma_start3A_565 = arith.constant 0 : i32
    %dma_start3A_566 = tpu.memref_slice %arg7[%dma_start3A_564, %dma_start3A_565] : memref<20x512xi32, #tpu.memory_space<vmem>> -> memref<1x512xi32, #tpu.memory_space<vmem>>
    %dma_start3A_567 = tpu.memref_squeeze %dma_start3A_566 : memref<1x512xi32, #tpu.memory_space<vmem>> -> memref<512xi32, #tpu.memory_space<vmem>>
    %dma_start3A_568 = arith.constant 0 : i32
    %dma_start3A_569 = arith.constant 0 : i32
    %dma_start3A_570 = tpu.memref_slice %arg10[%dma_start3A_568, %dma_start3A_569] : memref<10240x64xf32, #tpu.memory_space<vmem_shared>> -> memref<10240x64xf32, #tpu.memory_space<vmem_shared>>
    tpu.enqueue_indirect_dma source(%arg9 : memref<512x64xf32, #tpu.memory_space<vmem>>) target(%dma_start3A_570 : memref<10240x64xf32, #tpu.memory_space<vmem_shared>>) offsets(%dma_start3A_567 : memref<512xi32, #tpu.memory_space<vmem>>) semaphore(%arg14 : memref<!tpu.dma_semaphore, #tpu.memory_space<semaphore_mem>>) {add = true}
    %dma_wait3A_571 = arith.constant 18 : i32
    %dma_wait3A_572 = arith.constant 0 : i32
    %dma_wait3A_573 = tpu.memref_slice %arg7[%dma_wait3A_571, %dma_wait3A_572] : memref<20x512xi32, #tpu.memory_space<vmem>> -> memref<1x512xi32, #tpu.memory_space<vmem>>
    %dma_wait3A_574 = tpu.memref_squeeze %dma_wait3A_573 : memref<1x512xi32, #tpu.memory_space<vmem>> -> memref<512xi32, #tpu.memory_space<vmem>>
    %dma_wait3A_575 = arith.constant 0 : i32
    %dma_wait3A_576 = arith.constant 0 : i32
    %dma_wait3A_577 = tpu.memref_slice %arg10[%dma_wait3A_575, %dma_wait3A_576] : memref<10240x64xf32, #tpu.memory_space<vmem_shared>> -> memref<10240x64xf32, #tpu.memory_space<vmem_shared>>
    tpu.wait_indirect_dma semaphore(%arg13 : memref<!tpu.dma_semaphore, #tpu.memory_space<semaphore_mem>>) src(%arg8 : memref<512x64xf32, #tpu.memory_space<vmem>>) dst(%dma_wait3A_577 : memref<10240x64xf32, #tpu.memory_space<vmem_shared>>)
    %dma_wait3A_578 = arith.constant 19 : i32
    %dma_wait3A_579 = arith.constant 0 : i32
    %dma_wait3A_580 = tpu.memref_slice %arg7[%dma_wait3A_578, %dma_wait3A_579] : memref<20x512xi32, #tpu.memory_space<vmem>> -> memref<1x512xi32, #tpu.memory_space<vmem>>
    %dma_wait3A_581 = tpu.memref_squeeze %dma_wait3A_580 : memref<1x512xi32, #tpu.memory_space<vmem>> -> memref<512xi32, #tpu.memory_space<vmem>>
    %dma_wait3A_582 = arith.constant 0 : i32
    %dma_wait3A_583 = arith.constant 0 : i32
    %dma_wait3A_584 = tpu.memref_slice %arg10[%dma_wait3A_582, %dma_wait3A_583] : memref<10240x64xf32, #tpu.memory_space<vmem_shared>> -> memref<10240x64xf32, #tpu.memory_space<vmem_shared>>
    tpu.wait_indirect_dma semaphore(%arg14 : memref<!tpu.dma_semaphore, #tpu.memory_space<semaphore_mem>>) src(%arg9 : memref<512x64xf32, #tpu.memory_space<vmem>>) dst(%dma_wait3A_584 : memref<10240x64xf32, #tpu.memory_space<vmem_shared>>)
    %barrier3A_585 = arith.constant 0 : index
    tpu.barrier barrier_id(%barrier3A_585)
    %mul3A_586 = arith.constant 640 : i32
    %mul3A_587 = arith.muli %arg1, %mul3A_586 : i32
    %mul3A_588 = arith.constant 640 : i32
    %mul3A_589 = arith.muli %arg1, %mul3A_588 : i32
    "tpu.region"() ({
      %run_scoped3A = tpu.sem_alloc : memref<!tpu.dma_semaphore, #tpu.memory_space<semaphore_mem>>
      %dma_start3A_590 = arith.constant 0 : i32
      %dma_start3A_591 = arith.constant 0 : i32
      %dma_start3A_592 = tpu.memref_slice %arg5[%arg0, %dma_start3A_590, %dma_start3A_591] : memref<2x10240x64xf32, #tpu.memory_space<hbm>> -> memref<1x10240x64xf32, #tpu.memory_space<hbm>>
      %dma_start3A_593 = tpu.memref_squeeze %dma_start3A_592 : memref<1x10240x64xf32, #tpu.memory_space<hbm>> -> memref<10240x64xf32, #tpu.memory_space<hbm>>
      %dma_start3A_594 = arith.constant 0 : i32
      %dma_start3A_595 = tpu.memref_slice %dma_start3A_593[%mul3A_589, %dma_start3A_594] : memref<10240x64xf32, #tpu.memory_space<hbm>> -> memref<640x64xf32, #tpu.memory_space<hbm>>
      %dma_start3A_596 = arith.constant 0 : i32
      %dma_start3A_597 = tpu.memref_slice %arg10[%mul3A_587, %dma_start3A_596] : memref<10240x64xf32, #tpu.memory_space<vmem_shared>> -> memref<640x64xf32, #tpu.memory_space<vmem_shared>>
      tpu.enqueue_dma source(%dma_start3A_597 : memref<640x64xf32, #tpu.memory_space<vmem_shared>>) target(%dma_start3A_595 : memref<640x64xf32, #tpu.memory_space<hbm>>) target_semaphore(%run_scoped3A : memref<!tpu.dma_semaphore, #tpu.memory_space<semaphore_mem>>)
      %dma_wait3A_598 = arith.constant 0 : i32
      %dma_wait3A_599 = arith.constant 0 : i32
      %dma_wait3A_600 = tpu.memref_slice %arg5[%arg0, %dma_wait3A_598, %dma_wait3A_599] : memref<2x10240x64xf32, #tpu.memory_space<hbm>> -> memref<1x10240x64xf32, #tpu.memory_space<hbm>>
      %dma_wait3A_601 = tpu.memref_squeeze %dma_wait3A_600 : memref<1x10240x64xf32, #tpu.memory_space<hbm>> -> memref<10240x64xf32, #tpu.memory_space<hbm>>
      %dma_wait3A_602 = arith.constant 0 : i32
      %dma_wait3A_603 = tpu.memref_slice %dma_wait3A_601[%mul3A_589, %dma_wait3A_602] : memref<10240x64xf32, #tpu.memory_space<hbm>> -> memref<640x64xf32, #tpu.memory_space<hbm>>
      %dma_wait3A_604 = arith.constant 0 : i32
      %dma_wait3A_605 = tpu.memref_slice %arg10[%mul3A_587, %dma_wait3A_604] : memref<10240x64xf32, #tpu.memory_space<vmem_shared>> -> memref<640x64xf32, #tpu.memory_space<vmem_shared>>
      tpu.wait_dma2 semaphore(%run_scoped3A : memref<!tpu.dma_semaphore, #tpu.memory_space<semaphore_mem>>) src(%dma_wait3A_605 : memref<640x64xf32, #tpu.memory_space<vmem_shared>>) dst(%dma_wait3A_603 : memref<640x64xf32, #tpu.memory_space<hbm>>)
      tpu.yield
    }) : () -> ()
    return
  }
}

module attributes {stable_mosaic.version = 14 : i64} {
  func.func @_enc_body(%arg0: i32, %arg1: memref<1024x128xf32, #tpu.memory_space<vmem>>, %arg2: memref<128x64xf32, #tpu.memory_space<vmem>>, %arg3: memref<512x128xf32, #tpu.memory_space<vmem>>) attributes {dimension_semantics = [#tpu.dimension_semantics<arbitrary>], iteration_bounds = array<i64: 10>, scalar_prefetch = 0 : i64, scratch_operands = 0 : i64, tpu.core_type = #tpu.core_type<tc>, window_params = [{transform_indices = @transform_0, window_bounds = array<i64: 1024, 128>}, {pipeline_mode = #tpu.pipeline_mode<synchronous>, transform_indices = @transform_1, window_bounds = array<i64: 128, 64>}, {transform_indices = @transform_2, window_bounds = array<i64: 512, 128>}]} {
    %get3A = arith.constant 0 : index
    %get3A_0 = arith.constant 0 : index
    %get3A_1 = vector.load %arg1[%get3A, %get3A_0] : memref<1024x128xf32, #tpu.memory_space<vmem>>, vector<1024x128xf32>
    %reshape3A = vector.shape_cast %get3A_1 : vector<1024x128xf32> to vector<512x2x128xf32>
    %slice3A = vector.extract_strided_slice %reshape3A {offsets = [0, 0, 0], sizes = [512, 1, 128], strides = [1, 1, 1]} : vector<512x2x128xf32> to vector<512x1x128xf32>
    %squeeze3A = vector.shape_cast %slice3A : vector<512x1x128xf32> to vector<512x128xf32>
    %get3A_2 = arith.constant 0 : index
    %get3A_3 = arith.constant 0 : index
    %get3A_4 = vector.load %arg2[%get3A_2, %get3A_3] : memref<128x64xf32, #tpu.memory_space<vmem>>, vector<128x64xf32>
    %dot_general3A = arith.constant dense<0.000000e+00> : vector<512x64xf32>
    %dot_general3A_5 = tpu.matmul %squeeze3A, %get3A_4, %dot_general3A {dimension_numbers = #tpu.dot_dimension_numbers<[1], [0], [0], [1], [0, 0, 1, 1], [], []>, transpose_lhs_hint = false} : vector<512x128xf32>, vector<128x64xf32>, vector<512x64xf32> -> vector<512x64xf32>
    %slice3A_6 = vector.extract_strided_slice %reshape3A {offsets = [0, 1, 0], sizes = [512, 1, 128], strides = [1, 1, 1]} : vector<512x2x128xf32> to vector<512x1x128xf32>
    %squeeze3A_7 = vector.shape_cast %slice3A_6 : vector<512x1x128xf32> to vector<512x128xf32>
    %get3A_8 = arith.constant 0 : index
    %get3A_9 = arith.constant 0 : index
    %get3A_10 = vector.load %arg2[%get3A_8, %get3A_9] : memref<128x64xf32, #tpu.memory_space<vmem>>, vector<128x64xf32>
    %dot_general3A_11 = arith.constant dense<0.000000e+00> : vector<512x64xf32>
    %dot_general3A_12 = tpu.matmul %squeeze3A_7, %get3A_10, %dot_general3A_11 {dimension_numbers = #tpu.dot_dimension_numbers<[1], [0], [0], [1], [0, 0, 1, 1], [], []>, transpose_lhs_hint = false} : vector<512x128xf32>, vector<128x64xf32>, vector<512x64xf32> -> vector<512x64xf32>
    %concatenate3A = tpu.concatenate %dot_general3A_5, %dot_general3A_12 in 1 : vector<512x64xf32>, vector<512x64xf32> -> vector<512x128xf32>
    %iota3A = tpu.iota {dimensions = array<i32: 1>} : vector<512x128xi32>
    %and3A = arith.constant 63 : i32
    %and3A_13 = vector.broadcast %and3A : i32 to vector<512x128xi32>
    %and3A_14 = arith.andi %iota3A, %and3A_13 : vector<512x128xi32>
    %eq3A = arith.constant 33 : i32
    %eq3A_15 = vector.broadcast %eq3A : i32 to vector<512x128xi32>
    %eq3A_16 = arith.cmpi eq, %and3A_14, %eq3A_15 : vector<512x128xi32>
    %jit3A = arith.constant 1.000000e+00 : f32
    %broadcast_in_dim3A = vector.broadcast %jit3A : f32 to vector<512x128xf32>
    %select_n3A = arith.select %eq3A_16, %broadcast_in_dim3A, %concatenate3A : vector<512x128xi1>, vector<512x128xf32>
    %swap3A = arith.constant 0 : index
    %swap3A_17 = arith.constant 0 : index
    %swap3A_18 = vector.load %arg3[%swap3A, %swap3A_17] : memref<512x128xf32, #tpu.memory_space<vmem>>, vector<512x128xf32>
    tpu.vector_store %arg3[%swap3A, %swap3A_17], %select_n3A {strides = array<i32>} : memref<512x128xf32, #tpu.memory_space<vmem>>, vector<512x128xf32>,
    return
  }
  func.func @transform_0(%arg0: i32) -> (i32, i32) {
    %c0_i32 = arith.constant 0 : i32
    %c0_i32_0 = arith.constant 0 : i32
    return %arg0, %c0_i32 : i32, i32
  }
  func.func @transform_1(%arg0: i32) -> (i32, i32) {
    %c0_i32 = arith.constant 0 : i32
    %c0_i32_0 = arith.constant 0 : i32
    %c0_i32_1 = arith.constant 0 : i32
    return %c0_i32, %c0_i32_0 : i32, i32
  }
  func.func @transform_2(%arg0: i32) -> (i32, i32) {
    %c0_i32 = arith.constant 0 : i32
    %c0_i32_0 = arith.constant 0 : i32
    return %arg0, %c0_i32 : i32, i32
  }
}

module attributes {stable_mosaic.version = 14 : i64} {
  func.func @_step_body(%arg0: i32, %arg1: memref<2x512x128xf32, #tpu.memory_space<vmem>>, %arg2: memref<512x128xf32, #tpu.memory_space<vmem>>, %arg3: memref<128x128xf32, #tpu.memory_space<vmem>>, %arg4: memref<512x128xf32, #tpu.memory_space<vmem>>, %arg5: memref<512x128xf32, #tpu.memory_space<vmem>>) attributes {dimension_semantics = [#tpu.dimension_semantics<arbitrary>], iteration_bounds = array<i64: 10>, scalar_prefetch = 0 : i64, scratch_operands = 0 : i64, tpu.core_type = #tpu.core_type<tc>, window_params = [{transform_indices = @transform_0, window_bounds = array<i64: 2, 512, 128>}, {transform_indices = @transform_1, window_bounds = array<i64: 512, 128>}, {pipeline_mode = #tpu.pipeline_mode<synchronous>, transform_indices = @transform_2, window_bounds = array<i64: 128, 128>}, {transform_indices = @transform_3, window_bounds = array<i64: 512, 128>}, {transform_indices = @transform_4, window_bounds = array<i64: 512, 128>}]} {
    %get3A = arith.constant 0 : index
    %get3A_0 = arith.constant 0 : index
    %get3A_1 = arith.constant 0 : index
    %get3A_2 = vector.load %arg1[%get3A, %get3A_0, %get3A_1] : memref<2x512x128xf32, #tpu.memory_space<vmem>>, vector<1x512x128xf32>
    %get3A_3 = vector.shape_cast %get3A_2 : vector<1x512x128xf32> to vector<512x128xf32>
    %get3A_4 = arith.constant 1 : index
    %get3A_5 = arith.constant 0 : index
    %get3A_6 = arith.constant 0 : index
    %get3A_7 = vector.load %arg1[%get3A_4, %get3A_5, %get3A_6] : memref<2x512x128xf32, #tpu.memory_space<vmem>>, vector<1x512x128xf32>
    %get3A_8 = vector.shape_cast %get3A_7 : vector<1x512x128xf32> to vector<512x128xf32>
    %add3A = arith.addf %get3A_3, %get3A_8 : vector<512x128xf32>
    %iota3A = tpu.iota {dimensions = array<i32: 1>} : vector<512x128xi32>
    %and3A = arith.constant 63 : i32
    %and3A_9 = vector.broadcast %and3A : i32 to vector<512x128xi32>
    %and3A_10 = arith.andi %iota3A, %and3A_9 : vector<512x128xi32>
    %lt3A = arith.constant 64 : i32
    %lt3A_11 = vector.broadcast %lt3A : i32 to vector<512x128xi32>
    %lt3A_12 = arith.cmpi slt, %iota3A, %lt3A_11 : vector<512x128xi32>
    %slice3A = vector.extract_strided_slice %add3A {offsets = [0, 33], sizes = [512, 1], strides = [1, 1]} : vector<512x128xf32> to vector<512x1xf32>
    %slice3A_13 = vector.extract_strided_slice %add3A {offsets = [0, 97], sizes = [512, 1], strides = [1, 1]} : vector<512x128xf32> to vector<512x1xf32>
    %broadcast_in_dim3A = vector.shape_cast %slice3A : vector<512x1xf32> to vector<512x1xf32>
    %broadcast_in_dim3A_14 = vector.broadcast %broadcast_in_dim3A : vector<512x1xf32> to vector<512x128xf32>
    %broadcast_in_dim3A_15 = vector.shape_cast %slice3A_13 : vector<512x1xf32> to vector<512x1xf32>
    %broadcast_in_dim3A_16 = vector.broadcast %broadcast_in_dim3A_15 : vector<512x1xf32> to vector<512x128xf32>
    %select_n3A = arith.select %lt3A_12, %broadcast_in_dim3A_14, %broadcast_in_dim3A_16 : vector<512x128xi1>, vector<512x128xf32>
    %max3A = arith.constant 1.000000e+00 : f32
    %max3A_17 = vector.broadcast %max3A : f32 to vector<512x128xf32>
    %max3A_18 = arith.maximumf %select_n3A, %max3A_17 : vector<512x128xf32>
    %lt3A_19 = arith.constant 33 : i32
    %lt3A_20 = vector.broadcast %lt3A_19 : i32 to vector<512x128xi32>
    %lt3A_21 = arith.cmpi slt, %and3A_10, %lt3A_20 : vector<512x128xi32>
    %div3A = arith.divf %add3A, %max3A_18 : vector<512x128xf32>
    %jit3A = arith.constant 0.000000e+00 : f32
    %broadcast_in_dim3A_22 = vector.broadcast %jit3A : f32 to vector<512x128xf32>
    %select_n3A_23 = arith.select %lt3A_21, %div3A, %broadcast_in_dim3A_22 : vector<512x128xi1>, vector<512x128xf32>
    %ge3A = arith.constant 1.000000e+00 : f32
    %ge3A_24 = vector.broadcast %ge3A : f32 to vector<512x128xf32>
    %ge3A_25 = arith.cmpf oge, %select_n3A_23, %ge3A_24 : vector<512x128xf32>
    %convert_element_type3A = arith.extui %ge3A_25 : vector<512x128xi1> to vector<512x128xi32>
    %convert_element_type3A_26 = arith.sitofp %convert_element_type3A : vector<512x128xi32> to vector<512x128xf32>
    %sub3A = arith.subf %select_n3A_23, %convert_element_type3A_26 : vector<512x128xf32>
    %add3A_27 = arith.addf %sub3A, %select_n3A_23 : vector<512x128xf32>
    %ge3A_28 = arith.constant 1.000000e+00 : f32
    %ge3A_29 = vector.broadcast %ge3A_28 : f32 to vector<512x128xf32>
    %ge3A_30 = arith.cmpf oge, %add3A_27, %ge3A_29 : vector<512x128xf32>
    %convert_element_type3A_31 = arith.extui %ge3A_30 : vector<512x128xi1> to vector<512x128xi32>
    %convert_element_type3A_32 = arith.sitofp %convert_element_type3A_31 : vector<512x128xi32> to vector<512x128xf32>
    %add3A_33 = arith.addf %convert_element_type3A_26, %convert_element_type3A_32 : vector<512x128xf32>
    %sub3A_34 = arith.subf %add3A_27, %convert_element_type3A_32 : vector<512x128xf32>
    %add3A_35 = arith.addf %sub3A_34, %select_n3A_23 : vector<512x128xf32>
    %ge3A_36 = arith.constant 1.000000e+00 : f32
    %ge3A_37 = vector.broadcast %ge3A_36 : f32 to vector<512x128xf32>
    %ge3A_38 = arith.cmpf oge, %add3A_35, %ge3A_37 : vector<512x128xf32>
    %convert_element_type3A_39 = arith.extui %ge3A_38 : vector<512x128xi1> to vector<512x128xi32>
    %convert_element_type3A_40 = arith.sitofp %convert_element_type3A_39 : vector<512x128xi32> to vector<512x128xf32>
    %add3A_41 = arith.addf %add3A_33, %convert_element_type3A_40 : vector<512x128xf32>
    %sub3A_42 = arith.subf %add3A_35, %convert_element_type3A_40 : vector<512x128xf32>
    %add3A_43 = arith.addf %sub3A_42, %select_n3A_23 : vector<512x128xf32>
    %ge3A_44 = arith.constant 1.000000e+00 : f32
    %ge3A_45 = vector.broadcast %ge3A_44 : f32 to vector<512x128xf32>
    %ge3A_46 = arith.cmpf oge, %add3A_43, %ge3A_45 : vector<512x128xf32>
    %convert_element_type3A_47 = arith.extui %ge3A_46 : vector<512x128xi1> to vector<512x128xi32>
    %convert_element_type3A_48 = arith.sitofp %convert_element_type3A_47 : vector<512x128xi32> to vector<512x128xf32>
    %add3A_49 = arith.addf %add3A_41, %convert_element_type3A_48 : vector<512x128xf32>
    %mul3A = arith.constant 2.500000e-01 : f32
    %mul3A_50 = vector.broadcast %mul3A : f32 to vector<512x128xf32>
    %mul3A_51 = arith.mulf %add3A_49, %mul3A_50 : vector<512x128xf32>
    %get3A_52 = arith.constant 0 : index
    %get3A_53 = arith.constant 0 : index
    %get3A_54 = vector.load %arg2[%get3A_52, %get3A_53] : memref<512x128xf32, #tpu.memory_space<vmem>>, vector<512x128xf32>
    %mul3A_55 = arith.constant 1.000000e-01 : f32
    %mul3A_56 = vector.broadcast %mul3A_55 : f32 to vector<512x128xf32>
    %mul3A_57 = arith.mulf %mul3A_56, %mul3A_51 : vector<512x128xf32>
    %add3A_58 = arith.addf %get3A_54, %mul3A_57 : vector<512x128xf32>
    %ge3A_59 = arith.constant 1 : i32
    %ge3A_60 = vector.broadcast %ge3A_59 : i32 to vector<512x128xi32>
    %ge3A_61 = arith.cmpi sge, %and3A_10, %ge3A_60 : vector<512x128xi32>
    %lt3A_62 = arith.constant 33 : i32
    %lt3A_63 = vector.broadcast %lt3A_62 : i32 to vector<512x128xi32>
    %lt3A_64 = arith.cmpi slt, %and3A_10, %lt3A_63 : vector<512x128xi32>
    %and3A_65 = arith.andi %ge3A_61, %lt3A_64 : vector<512x128xi1>
    %jit3A_66 = arith.constant 0.000000e+00 : f32
    %broadcast_in_dim3A_67 = vector.broadcast %jit3A_66 : f32 to vector<512x128xf32>
    %select_n3A_68 = arith.select %and3A_65, %add3A_58, %broadcast_in_dim3A_67 : vector<512x128xi1>, vector<512x128xf32>
    %mul3A_69 = arith.mulf %select_n3A_68, %select_n3A_68 : vector<512x128xf32>
    %convert_element_type3A_70 = arith.extui %lt3A_12 : vector<512x128xi1> to vector<512x128xi32>
    %convert_element_type3A_71 = arith.sitofp %convert_element_type3A_70 : vector<512x128xi32> to vector<512x128xf32>
    %mul3A_72 = arith.mulf %mul3A_69, %convert_element_type3A_71 : vector<512x128xf32>
    %reduce_sum3A = arith.constant dense<0.000000e+00> : vector<512xf32>
    %reduce_sum3A_73 = vector.multi_reduction <add>, %mul3A_72, %reduce_sum3A [1] : vector<512x128xf32> to vector<512xf32>
    %broadcast_in_dim3A_74 = vector.shape_cast %reduce_sum3A_73 : vector<512xf32> to vector<512x1xf32>
    %sub3A_75 = arith.constant 1.000000e+00 : f32
    %sub3A_76 = vector.broadcast %sub3A_75 : f32 to vector<512x128xf32>
    %sub3A_77 = arith.subf %sub3A_76, %convert_element_type3A_71 : vector<512x128xf32>
    %mul3A_78 = arith.mulf %mul3A_69, %sub3A_77 : vector<512x128xf32>
    %reduce_sum3A_79 = arith.constant dense<0.000000e+00> : vector<512xf32>
    %reduce_sum3A_80 = vector.multi_reduction <add>, %mul3A_78, %reduce_sum3A_79 [1] : vector<512x128xf32> to vector<512xf32>
    %broadcast_in_dim3A_81 = vector.shape_cast %reduce_sum3A_80 : vector<512xf32> to vector<512x1xf32>
    %broadcast_in_dim3A_82 = vector.shape_cast %broadcast_in_dim3A_74 : vector<512x1xf32> to vector<512x1xf32>
    %broadcast_in_dim3A_83 = vector.broadcast %broadcast_in_dim3A_82 : vector<512x1xf32> to vector<512x128xf32>
    %broadcast_in_dim3A_84 = vector.shape_cast %broadcast_in_dim3A_81 : vector<512x1xf32> to vector<512x1xf32>
    %broadcast_in_dim3A_85 = vector.broadcast %broadcast_in_dim3A_84 : vector<512x1xf32> to vector<512x128xf32>
    %select_n3A_86 = arith.select %lt3A_12, %broadcast_in_dim3A_83, %broadcast_in_dim3A_85 : vector<512x128xi1>, vector<512x128xf32>
    %max3A_87 = arith.constant 9.99999996E-13 : f32
    %max3A_88 = vector.broadcast %max3A_87 : f32 to vector<512x128xf32>
    %max3A_89 = arith.maximumf %select_n3A_86, %max3A_88 : vector<512x128xf32>
    %sqrt3A = math.sqrt %max3A_89 : vector<512x128xf32>
    %exp3A = math.exp %sqrt3A : vector<512x128xf32>
    %div3A_90 = arith.constant 1.000000e+00 : f32
    %div3A_91 = vector.broadcast %div3A_90 : f32 to vector<512x128xf32>
    %div3A_92 = arith.divf %div3A_91, %exp3A : vector<512x128xf32>
    %add3A_93 = arith.addf %exp3A, %div3A_92 : vector<512x128xf32>
    %mul3A_94 = arith.constant 5.000000e-01 : f32
    %mul3A_95 = vector.broadcast %mul3A_94 : f32 to vector<512x128xf32>
    %mul3A_96 = arith.mulf %mul3A_95, %add3A_93 : vector<512x128xf32>
    %sub3A_97 = arith.subf %exp3A, %div3A_92 : vector<512x128xf32>
    %mul3A_98 = arith.constant 5.000000e-01 : f32
    %mul3A_99 = vector.broadcast %mul3A_98 : f32 to vector<512x128xf32>
    %mul3A_100 = arith.mulf %mul3A_99, %sub3A_97 : vector<512x128xf32>
    %div3A_101 = arith.divf %mul3A_100, %sqrt3A : vector<512x128xf32>
    %mul3A_102 = arith.mulf %div3A_101, %select_n3A_68 : vector<512x128xf32>
    %max3A_103 = arith.constant 1.00000012 : f32
    %max3A_104 = vector.broadcast %max3A_103 : f32 to vector<512x128xf32>
    %max3A_105 = arith.maximumf %mul3A_96, %max3A_104 : vector<512x128xf32>
    %mul3A_106 = arith.mulf %mul3A_102, %mul3A_102 : vector<512x128xf32>
    %mul3A_107 = arith.mulf %mul3A_106, %convert_element_type3A_71 : vector<512x128xf32>
    %reduce_sum3A_108 = arith.constant dense<0.000000e+00> : vector<512xf32>
    %reduce_sum3A_109 = vector.multi_reduction <add>, %mul3A_107, %reduce_sum3A_108 [1] : vector<512x128xf32> to vector<512xf32>
    %broadcast_in_dim3A_110 = vector.shape_cast %reduce_sum3A_109 : vector<512xf32> to vector<512x1xf32>
    %sub3A_111 = arith.constant 1.000000e+00 : f32
    %sub3A_112 = vector.broadcast %sub3A_111 : f32 to vector<512x128xf32>
    %sub3A_113 = arith.subf %sub3A_112, %convert_element_type3A_71 : vector<512x128xf32>
    %mul3A_114 = arith.mulf %mul3A_106, %sub3A_113 : vector<512x128xf32>
    %reduce_sum3A_115 = arith.constant dense<0.000000e+00> : vector<512xf32>
    %reduce_sum3A_116 = vector.multi_reduction <add>, %mul3A_114, %reduce_sum3A_115 [1] : vector<512x128xf32> to vector<512xf32>
    %broadcast_in_dim3A_117 = vector.shape_cast %reduce_sum3A_116 : vector<512xf32> to vector<512x1xf32>
    %broadcast_in_dim3A_118 = vector.shape_cast %broadcast_in_dim3A_110 : vector<512x1xf32> to vector<512x1xf32>
    %broadcast_in_dim3A_119 = vector.broadcast %broadcast_in_dim3A_118 : vector<512x1xf32> to vector<512x128xf32>
    %broadcast_in_dim3A_120 = vector.shape_cast %broadcast_in_dim3A_117 : vector<512x1xf32> to vector<512x1xf32>
    %broadcast_in_dim3A_121 = vector.broadcast %broadcast_in_dim3A_120 : vector<512x1xf32> to vector<512x128xf32>
    %select_n3A_122 = arith.select %lt3A_12, %broadcast_in_dim3A_119, %broadcast_in_dim3A_121 : vector<512x128xi1>, vector<512x128xf32>
    %max3A_123 = arith.constant 9.99999996E-13 : f32
    %max3A_124 = vector.broadcast %max3A_123 : f32 to vector<512x128xf32>
    %max3A_125 = arith.maximumf %select_n3A_122, %max3A_124 : vector<512x128xf32>
    %sqrt3A_126 = math.sqrt %max3A_125 : vector<512x128xf32>
    %sub3A_127 = arith.constant 1.000000e+00 : f32
    %sub3A_128 = vector.broadcast %sub3A_127 : f32 to vector<512x128xf32>
    %sub3A_129 = arith.subf %max3A_105, %sub3A_128 : vector<512x128xf32>
    %add3A_130 = arith.constant 1.000000e+00 : f32
    %add3A_131 = vector.broadcast %add3A_130 : f32 to vector<512x128xf32>
    %add3A_132 = arith.addf %max3A_105, %add3A_131 : vector<512x128xf32>
    %mul3A_133 = arith.mulf %sub3A_129, %add3A_132 : vector<512x128xf32>
    %sqrt3A_134 = math.sqrt %mul3A_133 : vector<512x128xf32>
    %add3A_135 = arith.addf %max3A_105, %sqrt3A_134 : vector<512x128xf32>
    %log3A = math.log %add3A_135 : vector<512x128xf32>
    %mul3A_136 = arith.mulf %log3A, %mul3A_102 : vector<512x128xf32>
    %div3A_137 = arith.divf %mul3A_136, %sqrt3A_126 : vector<512x128xf32>
    %get3A_138 = arith.constant 0 : index
    %get3A_139 = arith.constant 0 : index
    %get3A_140 = vector.load %arg3[%get3A_138, %get3A_139] : memref<128x128xf32, #tpu.memory_space<vmem>>, vector<128x128xf32>
    %dot_general3A = arith.constant dense<0.000000e+00> : vector<512x128xf32>
    %dot_general3A_141 = tpu.matmul %div3A_137, %get3A_140, %dot_general3A {dimension_numbers = #tpu.dot_dimension_numbers<[1], [0], [0], [1], [0, 0, 1, 1], [], []>, transpose_lhs_hint = false} : vector<512x128xf32>, vector<128x128xf32>, vector<512x128xf32> -> vector<512x128xf32>
    %eq3A = arith.constant 33 : i32
    %eq3A_142 = vector.broadcast %eq3A : i32 to vector<512x128xi32>
    %eq3A_143 = arith.cmpi eq, %and3A_10, %eq3A_142 : vector<512x128xi32>
    %jit3A_144 = arith.constant 1.000000e+00 : f32
    %broadcast_in_dim3A_145 = vector.broadcast %jit3A_144 : f32 to vector<512x128xf32>
    %select_n3A_146 = arith.select %eq3A_143, %broadcast_in_dim3A_145, %dot_general3A_141 : vector<512x128xi1>, vector<512x128xf32>
    %swap3A = arith.constant 0 : index
    %swap3A_147 = arith.constant 0 : index
    %swap3A_148 = vector.load %arg4[%swap3A, %swap3A_147] : memref<512x128xf32, #tpu.memory_space<vmem>>, vector<512x128xf32>
    tpu.vector_store %arg4[%swap3A, %swap3A_147], %select_n3A_146 {strides = array<i32>} : memref<512x128xf32, #tpu.memory_space<vmem>>, vector<512x128xf32>,
    %swap3A_149 = arith.constant 0 : index
    %swap3A_150 = arith.constant 0 : index
    %swap3A_151 = vector.load %arg5[%swap3A_149, %swap3A_150] : memref<512x128xf32, #tpu.memory_space<vmem>>, vector<512x128xf32>
    tpu.vector_store %arg5[%swap3A_149, %swap3A_150], %div3A_137 {strides = array<i32>} : memref<512x128xf32, #tpu.memory_space<vmem>>, vector<512x128xf32>,
    return
  }
  func.func @transform_0(%arg0: i32) -> (i32, i32, i32) {
    %c0_i32 = arith.constant 0 : i32
    %c0_i32_0 = arith.constant 0 : i32
    %c0_i32_1 = arith.constant 0 : i32
    return %c0_i32, %arg0, %c0_i32_0 : i32, i32, i32
  }
  func.func @transform_1(%arg0: i32) -> (i32, i32) {
    %c0_i32 = arith.constant 0 : i32
    %c0_i32_0 = arith.constant 0 : i32
    return %arg0, %c0_i32 : i32, i32
  }
  func.func @transform_2(%arg0: i32) -> (i32, i32) {
    %c0_i32 = arith.constant 0 : i32
    %c0_i32_0 = arith.constant 0 : i32
    %c0_i32_1 = arith.constant 0 : i32
    return %c0_i32, %c0_i32_0 : i32, i32
  }
  func.func @transform_3(%arg0: i32) -> (i32, i32) {
    %c0_i32 = arith.constant 0 : i32
    %c0_i32_0 = arith.constant 0 : i32
    return %arg0, %c0_i32 : i32, i32
  }
  func.func @transform_4(%arg0: i32) -> (i32, i32) {
    %c0_i32 = arith.constant 0 : i32
    %c0_i32_0 = arith.constant 0 : i32
    return %arg0, %c0_i32 : i32, i32
  }
}

module attributes {stable_mosaic.version = 14 : i64} {
  func.func @_step_body(%arg0: i32, %arg1: memref<2x512x128xf32, #tpu.memory_space<vmem>>, %arg2: memref<512x128xf32, #tpu.memory_space<vmem>>, %arg3: memref<128x128xf32, #tpu.memory_space<vmem>>, %arg4: memref<512x128xf32, #tpu.memory_space<vmem>>, %arg5: memref<512x128xf32, #tpu.memory_space<vmem>>) attributes {dimension_semantics = [#tpu.dimension_semantics<arbitrary>], iteration_bounds = array<i64: 10>, scalar_prefetch = 0 : i64, scratch_operands = 0 : i64, tpu.core_type = #tpu.core_type<tc>, window_params = [{transform_indices = @transform_0, window_bounds = array<i64: 2, 512, 128>}, {transform_indices = @transform_1, window_bounds = array<i64: 512, 128>}, {pipeline_mode = #tpu.pipeline_mode<synchronous>, transform_indices = @transform_2, window_bounds = array<i64: 128, 128>}, {transform_indices = @transform_3, window_bounds = array<i64: 512, 128>}, {transform_indices = @transform_4, window_bounds = array<i64: 512, 128>}]} {
    %get3A = arith.constant 0 : index
    %get3A_0 = arith.constant 0 : index
    %get3A_1 = arith.constant 0 : index
    %get3A_2 = vector.load %arg1[%get3A, %get3A_0, %get3A_1] : memref<2x512x128xf32, #tpu.memory_space<vmem>>, vector<1x512x128xf32>
    %get3A_3 = vector.shape_cast %get3A_2 : vector<1x512x128xf32> to vector<512x128xf32>
    %get3A_4 = arith.constant 1 : index
    %get3A_5 = arith.constant 0 : index
    %get3A_6 = arith.constant 0 : index
    %get3A_7 = vector.load %arg1[%get3A_4, %get3A_5, %get3A_6] : memref<2x512x128xf32, #tpu.memory_space<vmem>>, vector<1x512x128xf32>
    %get3A_8 = vector.shape_cast %get3A_7 : vector<1x512x128xf32> to vector<512x128xf32>
    %add3A = arith.addf %get3A_3, %get3A_8 : vector<512x128xf32>
    %iota3A = tpu.iota {dimensions = array<i32: 1>} : vector<512x128xi32>
    %and3A = arith.constant 63 : i32
    %and3A_9 = vector.broadcast %and3A : i32 to vector<512x128xi32>
    %and3A_10 = arith.andi %iota3A, %and3A_9 : vector<512x128xi32>
    %lt3A = arith.constant 64 : i32
    %lt3A_11 = vector.broadcast %lt3A : i32 to vector<512x128xi32>
    %lt3A_12 = arith.cmpi slt, %iota3A, %lt3A_11 : vector<512x128xi32>
    %slice3A = vector.extract_strided_slice %add3A {offsets = [0, 33], sizes = [512, 1], strides = [1, 1]} : vector<512x128xf32> to vector<512x1xf32>
    %slice3A_13 = vector.extract_strided_slice %add3A {offsets = [0, 97], sizes = [512, 1], strides = [1, 1]} : vector<512x128xf32> to vector<512x1xf32>
    %broadcast_in_dim3A = vector.shape_cast %slice3A : vector<512x1xf32> to vector<512x1xf32>
    %broadcast_in_dim3A_14 = vector.broadcast %broadcast_in_dim3A : vector<512x1xf32> to vector<512x128xf32>
    %broadcast_in_dim3A_15 = vector.shape_cast %slice3A_13 : vector<512x1xf32> to vector<512x1xf32>
    %broadcast_in_dim3A_16 = vector.broadcast %broadcast_in_dim3A_15 : vector<512x1xf32> to vector<512x128xf32>
    %select_n3A = arith.select %lt3A_12, %broadcast_in_dim3A_14, %broadcast_in_dim3A_16 : vector<512x128xi1>, vector<512x128xf32>
    %max3A = arith.constant 1.000000e+00 : f32
    %max3A_17 = vector.broadcast %max3A : f32 to vector<512x128xf32>
    %max3A_18 = arith.maximumf %select_n3A, %max3A_17 : vector<512x128xf32>
    %lt3A_19 = arith.constant 33 : i32
    %lt3A_20 = vector.broadcast %lt3A_19 : i32 to vector<512x128xi32>
    %lt3A_21 = arith.cmpi slt, %and3A_10, %lt3A_20 : vector<512x128xi32>
    %div3A = arith.divf %add3A, %max3A_18 : vector<512x128xf32>
    %jit3A = arith.constant 0.000000e+00 : f32
    %broadcast_in_dim3A_22 = vector.broadcast %jit3A : f32 to vector<512x128xf32>
    %select_n3A_23 = arith.select %lt3A_21, %div3A, %broadcast_in_dim3A_22 : vector<512x128xi1>, vector<512x128xf32>
    %ge3A = arith.constant 1.000000e+00 : f32
    %ge3A_24 = vector.broadcast %ge3A : f32 to vector<512x128xf32>
    %ge3A_25 = arith.cmpf oge, %select_n3A_23, %ge3A_24 : vector<512x128xf32>
    %convert_element_type3A = arith.extui %ge3A_25 : vector<512x128xi1> to vector<512x128xi32>
    %convert_element_type3A_26 = arith.sitofp %convert_element_type3A : vector<512x128xi32> to vector<512x128xf32>
    %sub3A = arith.subf %select_n3A_23, %convert_element_type3A_26 : vector<512x128xf32>
    %add3A_27 = arith.addf %sub3A, %select_n3A_23 : vector<512x128xf32>
    %ge3A_28 = arith.constant 1.000000e+00 : f32
    %ge3A_29 = vector.broadcast %ge3A_28 : f32 to vector<512x128xf32>
    %ge3A_30 = arith.cmpf oge, %add3A_27, %ge3A_29 : vector<512x128xf32>
    %convert_element_type3A_31 = arith.extui %ge3A_30 : vector<512x128xi1> to vector<512x128xi32>
    %convert_element_type3A_32 = arith.sitofp %convert_element_type3A_31 : vector<512x128xi32> to vector<512x128xf32>
    %add3A_33 = arith.addf %convert_element_type3A_26, %convert_element_type3A_32 : vector<512x128xf32>
    %sub3A_34 = arith.subf %add3A_27, %convert_element_type3A_32 : vector<512x128xf32>
    %add3A_35 = arith.addf %sub3A_34, %select_n3A_23 : vector<512x128xf32>
    %ge3A_36 = arith.constant 1.000000e+00 : f32
    %ge3A_37 = vector.broadcast %ge3A_36 : f32 to vector<512x128xf32>
    %ge3A_38 = arith.cmpf oge, %add3A_35, %ge3A_37 : vector<512x128xf32>
    %convert_element_type3A_39 = arith.extui %ge3A_38 : vector<512x128xi1> to vector<512x128xi32>
    %convert_element_type3A_40 = arith.sitofp %convert_element_type3A_39 : vector<512x128xi32> to vector<512x128xf32>
    %add3A_41 = arith.addf %add3A_33, %convert_element_type3A_40 : vector<512x128xf32>
    %sub3A_42 = arith.subf %add3A_35, %convert_element_type3A_40 : vector<512x128xf32>
    %add3A_43 = arith.addf %sub3A_42, %select_n3A_23 : vector<512x128xf32>
    %ge3A_44 = arith.constant 1.000000e+00 : f32
    %ge3A_45 = vector.broadcast %ge3A_44 : f32 to vector<512x128xf32>
    %ge3A_46 = arith.cmpf oge, %add3A_43, %ge3A_45 : vector<512x128xf32>
    %convert_element_type3A_47 = arith.extui %ge3A_46 : vector<512x128xi1> to vector<512x128xi32>
    %convert_element_type3A_48 = arith.sitofp %convert_element_type3A_47 : vector<512x128xi32> to vector<512x128xf32>
    %add3A_49 = arith.addf %add3A_41, %convert_element_type3A_48 : vector<512x128xf32>
    %mul3A = arith.constant 2.500000e-01 : f32
    %mul3A_50 = vector.broadcast %mul3A : f32 to vector<512x128xf32>
    %mul3A_51 = arith.mulf %add3A_49, %mul3A_50 : vector<512x128xf32>
    %get3A_52 = arith.constant 0 : index
    %get3A_53 = arith.constant 0 : index
    %get3A_54 = vector.load %arg2[%get3A_52, %get3A_53] : memref<512x128xf32, #tpu.memory_space<vmem>>, vector<512x128xf32>
    %mul3A_55 = arith.constant 1.000000e-01 : f32
    %mul3A_56 = vector.broadcast %mul3A_55 : f32 to vector<512x128xf32>
    %mul3A_57 = arith.mulf %mul3A_56, %mul3A_51 : vector<512x128xf32>
    %add3A_58 = arith.addf %get3A_54, %mul3A_57 : vector<512x128xf32>
    %ge3A_59 = arith.constant 1 : i32
    %ge3A_60 = vector.broadcast %ge3A_59 : i32 to vector<512x128xi32>
    %ge3A_61 = arith.cmpi sge, %and3A_10, %ge3A_60 : vector<512x128xi32>
    %lt3A_62 = arith.constant 33 : i32
    %lt3A_63 = vector.broadcast %lt3A_62 : i32 to vector<512x128xi32>
    %lt3A_64 = arith.cmpi slt, %and3A_10, %lt3A_63 : vector<512x128xi32>
    %and3A_65 = arith.andi %ge3A_61, %lt3A_64 : vector<512x128xi1>
    %jit3A_66 = arith.constant 0.000000e+00 : f32
    %broadcast_in_dim3A_67 = vector.broadcast %jit3A_66 : f32 to vector<512x128xf32>
    %select_n3A_68 = arith.select %and3A_65, %add3A_58, %broadcast_in_dim3A_67 : vector<512x128xi1>, vector<512x128xf32>
    %mul3A_69 = arith.mulf %select_n3A_68, %select_n3A_68 : vector<512x128xf32>
    %convert_element_type3A_70 = arith.extui %lt3A_12 : vector<512x128xi1> to vector<512x128xi32>
    %convert_element_type3A_71 = arith.sitofp %convert_element_type3A_70 : vector<512x128xi32> to vector<512x128xf32>
    %mul3A_72 = arith.mulf %mul3A_69, %convert_element_type3A_71 : vector<512x128xf32>
    %reduce_sum3A = arith.constant dense<0.000000e+00> : vector<512xf32>
    %reduce_sum3A_73 = vector.multi_reduction <add>, %mul3A_72, %reduce_sum3A [1] : vector<512x128xf32> to vector<512xf32>
    %broadcast_in_dim3A_74 = vector.shape_cast %reduce_sum3A_73 : vector<512xf32> to vector<512x1xf32>
    %sub3A_75 = arith.constant 1.000000e+00 : f32
    %sub3A_76 = vector.broadcast %sub3A_75 : f32 to vector<512x128xf32>
    %sub3A_77 = arith.subf %sub3A_76, %convert_element_type3A_71 : vector<512x128xf32>
    %mul3A_78 = arith.mulf %mul3A_69, %sub3A_77 : vector<512x128xf32>
    %reduce_sum3A_79 = arith.constant dense<0.000000e+00> : vector<512xf32>
    %reduce_sum3A_80 = vector.multi_reduction <add>, %mul3A_78, %reduce_sum3A_79 [1] : vector<512x128xf32> to vector<512xf32>
    %broadcast_in_dim3A_81 = vector.shape_cast %reduce_sum3A_80 : vector<512xf32> to vector<512x1xf32>
    %broadcast_in_dim3A_82 = vector.shape_cast %broadcast_in_dim3A_74 : vector<512x1xf32> to vector<512x1xf32>
    %broadcast_in_dim3A_83 = vector.broadcast %broadcast_in_dim3A_82 : vector<512x1xf32> to vector<512x128xf32>
    %broadcast_in_dim3A_84 = vector.shape_cast %broadcast_in_dim3A_81 : vector<512x1xf32> to vector<512x1xf32>
    %broadcast_in_dim3A_85 = vector.broadcast %broadcast_in_dim3A_84 : vector<512x1xf32> to vector<512x128xf32>
    %select_n3A_86 = arith.select %lt3A_12, %broadcast_in_dim3A_83, %broadcast_in_dim3A_85 : vector<512x128xi1>, vector<512x128xf32>
    %max3A_87 = arith.constant 9.99999996E-13 : f32
    %max3A_88 = vector.broadcast %max3A_87 : f32 to vector<512x128xf32>
    %max3A_89 = arith.maximumf %select_n3A_86, %max3A_88 : vector<512x128xf32>
    %sqrt3A = math.sqrt %max3A_89 : vector<512x128xf32>
    %exp3A = math.exp %sqrt3A : vector<512x128xf32>
    %div3A_90 = arith.constant 1.000000e+00 : f32
    %div3A_91 = vector.broadcast %div3A_90 : f32 to vector<512x128xf32>
    %div3A_92 = arith.divf %div3A_91, %exp3A : vector<512x128xf32>
    %add3A_93 = arith.addf %exp3A, %div3A_92 : vector<512x128xf32>
    %mul3A_94 = arith.constant 5.000000e-01 : f32
    %mul3A_95 = vector.broadcast %mul3A_94 : f32 to vector<512x128xf32>
    %mul3A_96 = arith.mulf %mul3A_95, %add3A_93 : vector<512x128xf32>
    %sub3A_97 = arith.subf %exp3A, %div3A_92 : vector<512x128xf32>
    %mul3A_98 = arith.constant 5.000000e-01 : f32
    %mul3A_99 = vector.broadcast %mul3A_98 : f32 to vector<512x128xf32>
    %mul3A_100 = arith.mulf %mul3A_99, %sub3A_97 : vector<512x128xf32>
    %div3A_101 = arith.divf %mul3A_100, %sqrt3A : vector<512x128xf32>
    %mul3A_102 = arith.mulf %div3A_101, %select_n3A_68 : vector<512x128xf32>
    %max3A_103 = arith.constant 1.00000012 : f32
    %max3A_104 = vector.broadcast %max3A_103 : f32 to vector<512x128xf32>
    %max3A_105 = arith.maximumf %mul3A_96, %max3A_104 : vector<512x128xf32>
    %mul3A_106 = arith.mulf %mul3A_102, %mul3A_102 : vector<512x128xf32>
    %mul3A_107 = arith.mulf %mul3A_106, %convert_element_type3A_71 : vector<512x128xf32>
    %reduce_sum3A_108 = arith.constant dense<0.000000e+00> : vector<512xf32>
    %reduce_sum3A_109 = vector.multi_reduction <add>, %mul3A_107, %reduce_sum3A_108 [1] : vector<512x128xf32> to vector<512xf32>
    %broadcast_in_dim3A_110 = vector.shape_cast %reduce_sum3A_109 : vector<512xf32> to vector<512x1xf32>
    %sub3A_111 = arith.constant 1.000000e+00 : f32
    %sub3A_112 = vector.broadcast %sub3A_111 : f32 to vector<512x128xf32>
    %sub3A_113 = arith.subf %sub3A_112, %convert_element_type3A_71 : vector<512x128xf32>
    %mul3A_114 = arith.mulf %mul3A_106, %sub3A_113 : vector<512x128xf32>
    %reduce_sum3A_115 = arith.constant dense<0.000000e+00> : vector<512xf32>
    %reduce_sum3A_116 = vector.multi_reduction <add>, %mul3A_114, %reduce_sum3A_115 [1] : vector<512x128xf32> to vector<512xf32>
    %broadcast_in_dim3A_117 = vector.shape_cast %reduce_sum3A_116 : vector<512xf32> to vector<512x1xf32>
    %broadcast_in_dim3A_118 = vector.shape_cast %broadcast_in_dim3A_110 : vector<512x1xf32> to vector<512x1xf32>
    %broadcast_in_dim3A_119 = vector.broadcast %broadcast_in_dim3A_118 : vector<512x1xf32> to vector<512x128xf32>
    %broadcast_in_dim3A_120 = vector.shape_cast %broadcast_in_dim3A_117 : vector<512x1xf32> to vector<512x1xf32>
    %broadcast_in_dim3A_121 = vector.broadcast %broadcast_in_dim3A_120 : vector<512x1xf32> to vector<512x128xf32>
    %select_n3A_122 = arith.select %lt3A_12, %broadcast_in_dim3A_119, %broadcast_in_dim3A_121 : vector<512x128xi1>, vector<512x128xf32>
    %max3A_123 = arith.constant 9.99999996E-13 : f32
    %max3A_124 = vector.broadcast %max3A_123 : f32 to vector<512x128xf32>
    %max3A_125 = arith.maximumf %select_n3A_122, %max3A_124 : vector<512x128xf32>
    %sqrt3A_126 = math.sqrt %max3A_125 : vector<512x128xf32>
    %sub3A_127 = arith.constant 1.000000e+00 : f32
    %sub3A_128 = vector.broadcast %sub3A_127 : f32 to vector<512x128xf32>
    %sub3A_129 = arith.subf %max3A_105, %sub3A_128 : vector<512x128xf32>
    %add3A_130 = arith.constant 1.000000e+00 : f32
    %add3A_131 = vector.broadcast %add3A_130 : f32 to vector<512x128xf32>
    %add3A_132 = arith.addf %max3A_105, %add3A_131 : vector<512x128xf32>
    %mul3A_133 = arith.mulf %sub3A_129, %add3A_132 : vector<512x128xf32>
    %sqrt3A_134 = math.sqrt %mul3A_133 : vector<512x128xf32>
    %add3A_135 = arith.addf %max3A_105, %sqrt3A_134 : vector<512x128xf32>
    %log3A = math.log %add3A_135 : vector<512x128xf32>
    %mul3A_136 = arith.mulf %log3A, %mul3A_102 : vector<512x128xf32>
    %div3A_137 = arith.divf %mul3A_136, %sqrt3A_126 : vector<512x128xf32>
    %get3A_138 = arith.constant 0 : index
    %get3A_139 = arith.constant 0 : index
    %get3A_140 = vector.load %arg3[%get3A_138, %get3A_139] : memref<128x128xf32, #tpu.memory_space<vmem>>, vector<128x128xf32>
    %dot_general3A = arith.constant dense<0.000000e+00> : vector<512x128xf32>
    %dot_general3A_141 = tpu.matmul %div3A_137, %get3A_140, %dot_general3A {dimension_numbers = #tpu.dot_dimension_numbers<[1], [0], [0], [1], [0, 0, 1, 1], [], []>, transpose_lhs_hint = false} : vector<512x128xf32>, vector<128x128xf32>, vector<512x128xf32> -> vector<512x128xf32>
    %eq3A = arith.constant 33 : i32
    %eq3A_142 = vector.broadcast %eq3A : i32 to vector<512x128xi32>
    %eq3A_143 = arith.cmpi eq, %and3A_10, %eq3A_142 : vector<512x128xi32>
    %jit3A_144 = arith.constant 1.000000e+00 : f32
    %broadcast_in_dim3A_145 = vector.broadcast %jit3A_144 : f32 to vector<512x128xf32>
    %select_n3A_146 = arith.select %eq3A_143, %broadcast_in_dim3A_145, %dot_general3A_141 : vector<512x128xi1>, vector<512x128xf32>
    %swap3A = arith.constant 0 : index
    %swap3A_147 = arith.constant 0 : index
    %swap3A_148 = vector.load %arg4[%swap3A, %swap3A_147] : memref<512x128xf32, #tpu.memory_space<vmem>>, vector<512x128xf32>
    tpu.vector_store %arg4[%swap3A, %swap3A_147], %select_n3A_146 {strides = array<i32>} : memref<512x128xf32, #tpu.memory_space<vmem>>, vector<512x128xf32>,
    %swap3A_149 = arith.constant 0 : index
    %swap3A_150 = arith.constant 0 : index
    %swap3A_151 = vector.load %arg5[%swap3A_149, %swap3A_150] : memref<512x128xf32, #tpu.memory_space<vmem>>, vector<512x128xf32>
    tpu.vector_store %arg5[%swap3A_149, %swap3A_150], %div3A_137 {strides = array<i32>} : memref<512x128xf32, #tpu.memory_space<vmem>>, vector<512x128xf32>,
    return
  }
  func.func @transform_0(%arg0: i32) -> (i32, i32, i32) {
    %c0_i32 = arith.constant 0 : i32
    %c0_i32_0 = arith.constant 0 : i32
    %c0_i32_1 = arith.constant 0 : i32
    return %c0_i32, %arg0, %c0_i32_0 : i32, i32, i32
  }
  func.func @transform_1(%arg0: i32) -> (i32, i32) {
    %c0_i32 = arith.constant 0 : i32
    %c0_i32_0 = arith.constant 0 : i32
    return %arg0, %c0_i32 : i32, i32
  }
  func.func @transform_2(%arg0: i32) -> (i32, i32) {
    %c0_i32 = arith.constant 0 : i32
    %c0_i32_0 = arith.constant 0 : i32
    %c0_i32_1 = arith.constant 0 : i32
    return %c0_i32, %c0_i32_0 : i32, i32
  }
  func.func @transform_3(%arg0: i32) -> (i32, i32) {
    %c0_i32 = arith.constant 0 : i32
    %c0_i32_0 = arith.constant 0 : i32
    return %arg0, %c0_i32 : i32, i32
  }
  func.func @transform_4(%arg0: i32) -> (i32, i32) {
    %c0_i32 = arith.constant 0 : i32
    %c0_i32_0 = arith.constant 0 : i32
    return %arg0, %c0_i32 : i32, i32
  }
}

</mosaic_0001>

<sc_bundles>
// kernel: kernel.12.cloned.1.call-start
scs
__scs_entry_jumppad:
0x0: {  	(pc) =	sbr.rel $0x88, $3  }
0x1: {  	(tag) =	ssettag $0x0;
	lr =	simm.s32 $0x1  }
0x2: {  	[smem:$0x3F9B] =	sst lr;
	_ =	strace $0xD0000000  }
0x3: {  	_ = 	snop  }
0x4: {  	_ = 	snop  }
0x5: {  	_ = 	snop  }
0x6: {  	_ = 	snop  }
0x7: {  	_ = 	snop  }
__scs_overlays_trampoline_lowered:
0x8: {  	[smem:$0x3FAA] =	sst s0  }
0x9: {  	[smem:$0x3FAB] =	sst s1  }
0xa: {  	[smem:$0x3FAC] =	sst s2  }
0xb: {  	[smem:$0x3FAD] =	sst s3  }
0xc: {  	[smem:$0x3FAE] =	sst s4  }
0xd: {  	[smem:$0x3FAF] =	sst s5  }
0xe: {  	[smem:$0x3FB0] =	sst s6  }
0xf: {  	[smem:$0x3FB1] =	sst s7  }
0x10: {  	[smem:$0x3FB2] =	sst s8  }
0x11: {  	[smem:$0x3FB3] =	sst s9;
	s0 =	simm.s32 @!p0 $0x0  }
0x12: {  	s1 =	sld [smem:$0x3F99];
	s0 =	simm.s32 @p0 $0x1  }
0x13: {  	[smem:$0x3FB4] =	sst s0;
	s0 =	simm.s32 @!p1 $0x0  }
0x14: {  	s2 =	sld [smem:$0x3F98];
	s0 =	simm.s32 @p1 $0x1  }
0x15: {  	[smem:$0x3FB5] =	sst s0;
	s0 =	simm.s32 @!p2 $0x0  }
0x16: {  	s3 =	sld [smem:$0x3FDB];
	s0 =	simm.s32 @p2 $0x1  }
0x17: {  	s4 =	simm.s32 $0x1BF5;
	[smem:$0x3FB7] =	sst s0  }
0x18: {  	s0 =	sld [smem:$0x3F9A];
	_ =	swait.ge [sflag:s4], $0x0  }
0x19: {  	s7 =	sld [smem:$0x3F9B]  }
0x1a: {  	s8 =	sadd.s32 $0xFFFFE003, lr  }
0x1b: {  	s9 =	sadd.s32 $0xFFFFFEF7, lr;
	s5 =	simm.s32 $0xFFFFFFFF;
	p2 =	slt.u32 s8, $0xFFFFF086  }
0x1c: {  	p1 =	slt.u32 s9, $0xF7A;
	s5 =	simm.s32 @!p2 $0x0  }
0x1d: {  	s5 =	simm.s32 @p1 $0x1;
	p0 =	seq.s32 s7, s2  }
0x1e: {  	s7 =	smul.u32 @!p0 $0xF7A, s2;
	p2 =	seq.s32 @!p0 s5, $0x0  }
0x1f: {  	s9 =	smul.u32 $0xF7A, s1;
	s8 =	simm.s32 @!p0 $0x1BF5;
	p2 =	por !p2, p0  }
0x20: {  	[sflag:s8] =	ssyncset.s32 @!p0 $0xFFFFF086;
	s6 =	sadd.s32 @!p0 s3, s7;
	s7 =	simm.s32 @!p0 $0x108  }
0x21: {  	s3 =	sadd.s32 s3, s9;
	s6 =	sadd.s32 @!p0 $0x88, s6;
	s7 =	simm.s32 @p2 $0x1082  }
0x22: {  	[simem:s7], [sflag:s8] =	dma.local @!p0 [hbm:s6], $0xF7A  }
0x23: {  	s9 =	sor.u32 $0xD0000000, s2;
	s6 =	simm.s32 $0x108;
	_ =	swait.ge @!p0 [sflag:s8], $0x0  }
0x24: {  	s3 =	sadd.s32 $0x88, s3;
	s6 =	simm.s32 @!p1 $0x1082;
	[sflag:s4] =	ssyncset.s32 $0xFFFFF086  }
0x25: {  	[simem:s6], [sflag:s4] =	dma.local [hbm:s3], $0xF7A  }
0x26: {  	[smem:$0x3F9B] =	sst s1;
	(tag) =	ssettag s2;
	_ =	strace s9  }
0x27: {  	s1 =	sld [smem:$0x3FAB]  }
0x28: {  	s2 =	sld [smem:$0x3FAC]  }
0x29: {  	s4 =	sld [smem:$0x3FAE]  }
0x2a: {  	p0 =	seq.s32 s5, $0x0;
	s5 =	sld [smem:$0x3FAF]  }
0x2b: {  	s6 =	sld [smem:$0x3FB0]  }
0x2c: {  	s7 =	sld [smem:$0x3FB1]  }
0x2d: {  	s3 =	simm.s32 $0x108;
	s8 =	sld [smem:$0x3FB2]  }
0x2e: {  	s3 =	simm.s32 @!p0 $0x1082;
	s9 =	sld [smem:$0x3FB3]  }
0x2f: {  	lr =	sadd.s32 s0, s3;
	s0 =	sld [smem:$0x3FAA]  }
0x30: {  	s3 =	sld [smem:$0x3FAD]  }
0x31: {  	[smem:$0x3FB6] =	sst s10  }
0x32: {  	s10 =	sld [smem:$0x3FB4];
	_ =	sdelay $0x3  }
0x33: {  	p0 =	seq.s32 s10, $0x1;
	s10 =	sld [smem:$0x3FB6];
	_ =	sdelay $0x3  }
0x34: {  	[smem:$0x3FB6] =	sst s10  }
0x35: {  	s10 =	sld [smem:$0x3FB5];
	_ =	sdelay $0x3  }
0x36: {  	p1 =	seq.s32 s10, $0x1;
	s10 =	sld [smem:$0x3FB6];
	_ =	sdelay $0x3  }
0x37: {  	[smem:$0x3FB6] =	sst s10  }
0x38: {  	s10 =	sld [smem:$0x3FB7]  }
0x39: {  	_ = 	snop;
	(pc) =	sbr.ind lr, $3  }
0x3a: {  	_ = 	snop  }
0x3b: {  	_ = 	snop  }
0x3c: {  	p2 =	seq.s32 s10, $0x1;
	s10 =	sld [smem:$0x3FB6]  }
0x3d: {  	_ =	shalt  }
0x3e: {  	_ =	shalt  }
0x3f: {  	_ =	shalt  }
0x40: {  	_ =	shalt  }
0x41: {  	_ =	shalt  }
0x42: {  	_ =	shalt  }
0x43: {  	_ =	shalt  }
0x44: {  	_ =	shalt  }
0x45: {  	_ =	shalt  }
0x46: {  	_ =	shalt  }
0x47: {  	_ =	shalt  }
0x48: {  	_ =	shalt  }
0x49: {  	_ =	shalt  }
0x4a: {  	_ =	shalt  }
0x4b: {  	_ =	shalt  }
0x4c: {  	_ =	shalt  }
0x4d: {  	_ =	shalt  }
0x4e: {  	_ =	shalt  }
0x4f: {  	_ =	shalt  }
0x50: {  	_ =	shalt  }
0x51: {  	_ =	shalt  }
0x52: {  	_ =	shalt  }
0x53: {  	_ =	shalt  }
0x54: {  	_ =	shalt  }
0x55: {  	_ =	shalt  }
0x56: {  	_ =	shalt  }
0x57: {  	_ =	shalt  }
0x58: {  	_ =	shalt  }
0x59: {  	_ =	shalt  }
0x5a: {  	_ =	shalt  }
0x5b: {  	_ =	shalt  }
0x5c: {  	_ =	shalt  }
0x5d: {  	_ =	shalt  }
0x5e: {  	_ =	shalt  }
0x5f: {  	_ =	shalt  }
0x60: {  	_ =	shalt  }
0x61: {  	_ =	shalt  }
0x62: {  	_ =	shalt  }
0x63: {  	_ =	shalt  }
0x64: {  	_ =	shalt  }
0x65: {  	_ =	shalt  }
0x66: {  	_ =	shalt  }
0x67: {  	_ =	shalt  }
0x68: {  	_ =	shalt  }
0x69: {  	_ =	shalt  }
0x6a: {  	_ =	shalt  }
0x6b: {  	_ =	shalt  }
0x6c: {  	_ =	shalt  }
0x6d: {  	_ =	shalt  }
0x6e: {  	_ =	shalt  }
0x6f: {  	_ =	shalt  }
0x70: {  	_ =	shalt  }
0x71: {  	_ =	shalt  }
0x72: {  	_ =	shalt  }
0x73: {  	_ =	shalt  }
0x74: {  	_ =	shalt  }
0x75: {  	_ =	shalt  }
0x76: {  	_ =	shalt  }
0x77: {  	_ =	shalt  }
0x78: {  	_ =	shalt  }
0x79: {  	_ =	shalt  }
0x7a: {  	_ =	shalt  }
0x7b: {  	_ =	shalt  }
0x7c: {  	_ =	shalt  }
0x7d: {  	_ =	shalt  }
0x7e: {  	_ =	shalt  }
0x7f: {  	_ =	shalt  }
0x80: {  	_ =	shalt  }
0x81: {  	_ =	shalt  }
0x82: {  	_ =	shalt  }
0x83: {  	_ =	shalt  }
0x84: {  	_ =	shalt  }
0x85: {  	_ =	shalt  }
0x86: {  	_ =	shalt  }
0x87: {  	_ =	shalt  }
.Lfunc_end0:
.L_simem_size_0:
called_computation.1_lowered:
.L_overlay_start_0:
0x88: {  	s2 =	sld [smem:$0x3FD9]  }
0x89: {  	s3 =	sld [smem:$0x3FFE];
	_ =	sdelay $0x1  }
0x8a: {  	s1 =	srdreg.scid  }
0x8b: {  	s0 =	sand.u32 $0x1, s1  }
0x8c: {  	s16 =	sshll.u32 s0, $0xA;
	s2 =	sadd.s32 s3, s2  }
0x8d: {  	s2 =	sadd.s32 s2, s16  }
0x8e: {  	[smem:$0x3FC2] =	sst s2  }
0x8f: {  	_ = 	snop  }
0x90: {  	(tm) =	ssettm $0x1  }
0x91: {  	s17 =	sld [smem:$0x3FFB];
	_ =	sdelay $0x3  }
0x92: {  	_ =	strace s17  }
0x93: {  	s2 =	sld [smem:$0x3FFC];
	_ =	sdelay $0x3  }
0x94: {  	_ =	strace s2  }
0x95: {  	s2 =	sld [smem:$0x3FFD];
	_ =	sdelay $0x3  }
0x96: {  	_ =	strace s2  }
0x97: {  	_ =	strace $0x8FFFFFFF  }
0x98: {  	s18 =	sld [smem:$0x3FDB];
	_ =	sdelay $0x1  }
0x99: {  	s19 =	simm.s32 $_scs_section_size  }
0x9a: {  	s4 =	simm.s32 $_size__tile_overlayer_lowered;
	s5 =	simm.s32 $_tile_overlayer_lowered  }
0x9b: {  	s22 =	simm.s32 $0x1BFF;
	s21 =	sshll.u32 s5, $0x1;
	s2 =	sadd.s32 s19, s18  }
0x9c: {  	s6 =	simm.s32 $0x0;
	s20 =	sshll.u32 s4, $0x1;
	s4 =	sadd.s32 s21, s2  }
0x9d: {  	[timem:s6], [sflag:s22] =	dma.local [hbm:s4], s20  }
0x9e: {  	_ =	swait.ge [sflag:s22], s20  }
0x9f: {  	s3 =	ssub.s32 $0x0, s20;
	[sflag:s22] =	ssyncset.done $0x0  }
0xa0: {  	[sflag:s22] =	ssyncadd.s32 s3;
	_ =	sdelay $0x1  }
0xa1: {  	s23 =	simm.s32 $0x1B8B  }
0xa2: {  	_ =	swait.ge [sflag:s23], $0x1  }
0xa3: {  	[sflag:s23] =	ssyncset.done $0x0  }
0xa4: {  	s25 =	simm.s32 $0x1B8E;
	s24 =	sld [smem:$0x3FFE];
	[sflag:s23] =	ssyncadd.s32 $0xFFFFFFFF  }
0xa5: {  	s26 =	simm.s32 $execute0_lowered;
	[smem:$0x3FD2] =	sst s25  }
0xa6: {  	s4 =	sshll.u32 s26, $0x1;
	_ =	strace $0x80000049;
	[dreg:$0x1] =	wrdreg $0xFFFFFFFF  }
0xa7: {  	s28 =	simm.s32 $_size_execute0_lowered;
	s2 =	sadd.s32 s2, s4;
	[dreg:$0x0] =	wrdreg $0x0  }
0xa8: {  	s4 =	sshll.u32 s28, $0x1;
	[dreg:$0x2] =	wrdreg s2  }
0xa9: {  	[dreg:$0x3] =	wrdreg s4  }
0xaa: {  	[dreg:$0x4] =	wrdreg $0xC0  }
0xab: {  	_ =	task [dreg:s6], $0x5FFFF  }
0xac: {  	[dreg:$0x1] =	wrdreg $0xFFFFFFFF  }
0xad: {  	[dreg:$0x0] =	wrdreg $0x60  }
0xae: {  	[dreg:$0x2] =	wrdreg s24  }
0xaf: {  	[dreg:$0x3] =	wrdreg $0x150000  }
0xb0: {  	[dreg:$0x4] =	wrdreg $0x9  }
0xb1: {  	_ =	task.clear_ibuf [dreg:s6], $0x5FFFF;
	_ =	strace $0x90000049  }
0xb2: {  	s29 =	simm.s32 $0x9;
	_ =	strace $0x8000004B  }
0xb3: {  	_ =	swait.ge [sflag:s29], $0x1  }
0xb4: {  	[sflag:s29] =	ssyncadd.s32 $0xFFFFFFFF  }
0xb5: {  	_ =	strace $0x9000004B  }
0xb6: {  	_ =	sfence  }
0xb7: {  	s30 =	sld [smem:$0x0];
	_ =	sdelay $0x2  }
0xb8: {  	s31 =	sshll.u32 s1, $0xD;
	s1 =	sshrl.u32 s1, $0x2  }
0xb9: {  	s3 =	sand.u32 $0x4000, s31;
	s1 =	sadd.s32 s1, s30  }
0xba: {  	s0 =	sor.u32 s3, s0;
	s1 =	sshll.u32 s1, $0x11  }
0xbb: {  	s0 =	sor.u32 s1, s0  }
0xbc: {  	s0 =	sadd.s32 $0x8F2B, s0  }
0xbd: {  	[sflag:s0] =	ssyncadd.remote.s32 $0x1  }
0xbe: {  	_ =	sfence.sel $0xFFFF  }
0xbf: {  	[dreg:$0x0] =	wrdreg $0xFFFFFFFF;
	(pc) =	sbr.abs _section_cstart, $3  }
0xc0: {  	[dreg:$0x1] =	wrdreg $0xFFFFFFFF  }
0xc1: {  	_ =	task.clear_ibuf [dreg:s6], $0x2FFFF;
	_ =	strace $0x9FFFFFFF  }
0xc2: {  	(tm) =	ssettm $0x7FFFFFFF  }
0xc3: {  	_ =	shalt  }
tec
execute0_lowered:
.L_overlay_start_1:
0x0: {  	(tag) =	ssettag $0x1  }
0x1: {  	s0 =	srdreg.scid;
	s1 =	rddreg [dreg:$0x0]  }
0x2: {  	s8 =	stileid.u32;
	s2 =	rddreg [dreg:$0x1]  }
0x3: {  	s13 =	simm.s32 $0x5000;
	s14 =	simm.s32 $0x5;
	s15 =	simm.s32 $0x2800  }
0x4: {  	s16 =	simm.s32 $0x200;
	s17 =	simm.s32 $0x1;
	s18 =	simm.s32 $0xD000  }
0x5: {  	s19 =	simm.s32 $0x2;
	s21 =	simm.s32 $0x3;
	s22 =	simm.s32 $0x2200  }
0x6: {  	s23 =	simm.s32 $0x4A00;
	s28 =	simm.s32 $0x4C00;
	s29 =	simm.s32 $0x2600  }
0x7: {  	s30 =	simm.s32 $0x4E00;
	s0 =	sand.u32 $0x1, s0;
	s7 =	smul.u32 $0x28000, s8  }
0x8: {  	s31 =	simm.s32 $0x0;
	s12 =	smul.u32 $0xA000, s8;
	s3 =	sshll.u32 s0, $0x4  }
0x9: {  	s6 =	smul.u32 $0x14000, s0;
	s0 =	ssub.s32 $0x2, s0;
	s4 =	sor.u32 s8, s3  }
0xa: {  	s3 =	simm.s32 $0x0;
	s25 =	sshrl.u32 s0, $0x1;
	s26 =	sshrl.u32 s7, $0x2  }
0xb: {  	s20 =	sshrl.u32 s12, $0x3;
	s5 =	smul.u32 $0x500, s4;
	[smem:$0x7FF] =	sst s3  }
0xc: {  	s4 =	sadd.s32 $0x2000, s1;
	s0 =	ssub.s32 s0, s25;
	s9 =	sadd.s32 s26, s2  }
0xd: {  	s25 =	simm.s32 $0x4;
	s26 =	simm.s32 $0x2400;
	_ =	strace $0x8000004A  }
0xe: {  	s7 =	sadd.s32 $0x4000, s9;
	s8 =	sadd.s32 $0x6000, s9;
	s11 =	sadd.s32 s5, s1  }
0xf: {  	s1 =	sadd.s32 s6, s1;
	s5 =	sadd.s32 s12, s2;
	s6 =	sadd.s32 $0x2000, s9  }
0x10: {  	s9 =	sadd.s32 $0x8000, s9;
	s12 =	smax.u32 s0, $0x1;
	s1 =	sadd.s32 $0x2A000, s1  }
0x11: {  	v0 =	vimm.f32 $0.0e+00;
	s10 =	sadd.s32 $0x16000, s11;
	s11 =	sadd.s32 $0x20000, s11;
	s24 =	sadd.s32 s20, s1  }
.LBB2_1:
0x12: {  	s0 =	simm.s32 $0x100;
	s1 =	simm.s32 $0x0  }
.LBB2_2:
0x13: {  	p0 =	sne.s32 s0, $0x7F00;
	[tilespmem:s1+$0x5030] =	vst v0;
	s20 =	smov.u32 s0;
	s0 =	sadd.s32 $0x100, s0  }
.Ltmp0:
0x14: {  	[tilespmem:s1+$0x5020] =	vst v0;
	(pc) =	sbr.rel @p0 .LBB2_2-.Ltmp0, $3  }
0x15: {  	[tilespmem:s1+$0x5000] =	vst v0  }
0x16: {  	[tilespmem:s1+$0x5010] =	vst v0;
	_ =	sdelay $0x1  }
0x17: {  	s1 =	sshra.s32 s20, $0x2  }
0x18: {  	[tilespmem:s1+$0x5030] =	vst v0  }
0x19: {  	[tilespmem:s1+$0x5020] =	vst v0  }
0x1a: {  	[tilespmem:s1+$0x5000] =	vst v0  }
0x1b: {  	[tilespmem:s1+$0x5010] =	vst v0  }
0x1c: {  	[spmem:s5] =	stream.linear.scatter [tilespmem:s13], [sflag:$0x5], $0x2000, $0x38;
	[tilespmem:$0x1F000] =	vst v63  }
0x1d: {  	_ =	swait.ge [sflag:s14], $0x2000  }
0x1e: {  	[sflag:s14] =	ssyncset.done $0x0  }
0x1f: {  	[sflag:s14] =	ssyncadd.s32 $0xFFFFE000  }
0x20: {  	[spmem:s6] =	stream.linear.scatter [tilespmem:s13], [sflag:$0x5], $0x2000, $0x38;
	[tilespmem:$0x1F000] =	vst v63  }
0x21: {  	_ =	swait.ge [sflag:s14], $0x2000  }
0x22: {  	[sflag:s14] =	ssyncset.done $0x0  }
0x23: {  	[sflag:s14] =	ssyncadd.s32 $0xFFFFE000  }
0x24: {  	[spmem:s7] =	stream.linear.scatter [tilespmem:s13], [sflag:$0x5], $0x2000, $0x38;
	[tilespmem:$0x1F000] =	vst v63  }
0x25: {  	_ =	swait.ge [sflag:s14], $0x2000  }
0x26: {  	[sflag:s14] =	ssyncset.done $0x0  }
0x27: {  	[sflag:s14] =	ssyncadd.s32 $0xFFFFE000  }
0x28: {  	[spmem:s8] =	stream.linear.scatter [tilespmem:s13], [sflag:$0x5], $0x2000, $0x38;
	[tilespmem:$0x1F000] =	vst v63  }
0x29: {  	_ =	swait.ge [sflag:s14], $0x2000  }
0x2a: {  	[sflag:s14] =	ssyncset.done $0x0  }
0x2b: {  	[sflag:s14] =	ssyncadd.s32 $0xFFFFE000  }
0x2c: {  	[spmem:s9] =	stream.linear.scatter [tilespmem:s13], [sflag:$0x5], $0x2000, $0x38;
	[tilespmem:$0x1F000] =	vst v63  }
0x2d: {  	_ =	swait.ge [sflag:s14], $0x2000  }
0x2e: {  	[sflag:s14] =	ssyncset.done $0x0  }
0x2f: {  	[sflag:s14] =	ssyncadd.s32 $0xFFFFE000  }
0x30: {  	[bflag:$0x0] =	sbarrier.arrive $0xFFFF  }
0x31: {  	[tilespmem:s3], [sflag:$0x5] =	stream.linear.gather [hbm4b:s10+s3], $0x2800, $0x38;
	[tilespmem:$0x1F000] =	vst v63  }
0x32: {  	_ =	swait.ge [sflag:s14], $0x2800  }
0x33: {  	[sflag:s14] =	ssyncset.done $0x0  }
0x34: {  	[sflag:s14] =	ssyncadd.s32 $0xFFFFD800  }
0x35: {  	[tilespmem:s15], [sflag:$0x5] =	stream.linear.gather [hbm4b:s11+s3], $0x2800, $0x38;
	[tilespmem:$0x1F000] =	vst v63  }
0x36: {  	_ =	swait.ge [sflag:s14], $0x2800  }
0x37: {  	[sflag:s14] =	ssyncset.done $0x0  }
0x38: {  	[sflag:s14] =	ssyncadd.s32 $0xFFFFD800  }
0x39: {  	[tilespmem:s13], [sflag:$0x1] =	stream.indirect.gather [hbm4b:s4+s16], $0x40, s3, s16, $0xb8;
	[tilespmem:$0x1F000] =	vst v63  }
0x3a: {  	_ =	swait.ge [sflag:s17], $0x8000  }
0x3b: {  	[sflag:s17] =	ssyncset.done $0x0  }
0x3c: {  	[sflag:s17] =	ssyncadd.s32 $0xFFFF8000  }
0x3d: {  	[spmem:s2] =	stream.indirect.scatter.add.f32 [tilespmem:s13], [sflag:$0x3], $0x40, s15, s16, $0xb8;
	[tilespmem:$0x1F000] =	vst v63  }
0x3e: {  	_ = 	snop  }
0x3f: {  	[tilespmem:s18], [sflag:$0x2] =	stream.indirect.gather [hbm4b:s4+s16], $0x40, s16, s16, $0xb8;
	[tilespmem:$0x1F000] =	vst v63  }
0x40: {  	_ =	swait.ge [sflag:s19], $0x8000  }
0x41: {  	[sflag:s19] =	ssyncset.done $0x0  }
0x42: {  	s0 =	simm.s32 $0x2A00;
	[sflag:s19] =	ssyncadd.s32 $0xFFFF8000  }
0x43: {  	[spmem:s2] =	stream.indirect.scatter.add.f32 [tilespmem:s18], [sflag:$0x4], $0x40, s0, s16, $0xb8;
	[tilespmem:$0x1F000] =	vst v63  }
0x44: {  	_ =	swait.ge [sflag:s21], $0x8000  }
0x45: {  	[sflag:s21] =	ssyncset.done $0x0  }
0x46: {  	s1 =	simm.s32 $0x400;
	[sflag:s21] =	ssyncadd.s32 $0xFFFF8000  }
0x47: {  	[tilespmem:s13], [sflag:$0x1] =	stream.indirect.gather [hbm4b:s4+s16], $0x40, s1, s16, $0xb8;
	[tilespmem:$0x1F000] =	vst v63  }
0x48: {  	_ =	swait.ge [sflag:s17], $0x8000  }
0x49: {  	[sflag:s17] =	ssyncset.done $0x0  }
0x4a: {  	s20 =	simm.s32 $0x2C00;
	[sflag:s17] =	ssyncadd.s32 $0xFFFF8000  }
0x4b: {  	[spmem:s2] =	stream.indirect.scatter.add.f32 [tilespmem:s13], [sflag:$0x3], $0x40, s20, s16, $0xb8;
	[tilespmem:$0x1F000] =	vst v63  }
0x4c: {  	_ =	swait.ge [sflag:s25], $0x8000  }
0x4d: {  	[sflag:s25] =	ssyncset.done $0x0  }
0x4e: {  	s1 =	simm.s32 $0x600;
	[sflag:s25] =	ssyncadd.s32 $0xFFFF8000  }
0x4f: {  	[tilespmem:s18], [sflag:$0x2] =	stream.indirect.gather [hbm4b:s4+s16], $0x40, s1, s16, $0xb8;
	[tilespmem:$0x1F000] =	vst v63  }
0x50: {  	_ =	swait.ge [sflag:s19], $0x8000  }
0x51: {  	[sflag:s19] =	ssyncset.done $0x0  }
0x52: {  	s20 =	simm.s32 $0x2E00;
	[sflag:s19] =	ssyncadd.s32 $0xFFFF8000  }
0x53: {  	[spmem:s2] =	stream.indirect.scatter.add.f32 [tilespmem:s18], [sflag:$0x4], $0x40, s20, s16, $0xb8;
	[tilespmem:$0x1F000] =	vst v63  }
0x54: {  	_ =	swait.ge [sflag:s21], $0x8000  }
0x55: {  	[sflag:s21] =	ssyncset.done $0x0  }
0x56: {  	s1 =	simm.s32 $0x800;
	[sflag:s21] =	ssyncadd.s32 $0xFFFF8000  }
0x57: {  	[tilespmem:s13], [sflag:$0x1] =	stream.indirect.gather [hbm4b:s4+s16], $0x40, s1, s16, $0xb8;
	[tilespmem:$0x1F000] =	vst v63  }
0x58: {  	_ =	swait.ge [sflag:s17], $0x8000  }
0x59: {  	[sflag:s17] =	ssyncset.done $0x0  }
0x5a: {  	s20 =	simm.s32 $0x3000;
	[sflag:s17] =	ssyncadd.s32 $0xFFFF8000  }
0x5b: {  	[spmem:s2] =	stream.indirect.scatter.add.f32 [tilespmem:s13], [sflag:$0x3], $0x40, s20, s16, $0xb8;
	[tilespmem:$0x1F000] =	vst v63  }
0x5c: {  	_ =	swait.ge [sflag:s25], $0x8000  }
0x5d: {  	[sflag:s25] =	ssyncset.done $0x0  }
0x5e: {  	s1 =	simm.s32 $0xA00;
	[sflag:s25] =	ssyncadd.s32 $0xFFFF8000  }
0x5f: {  	[tilespmem:s18], [sflag:$0x2] =	stream.indirect.gather [hbm4b:s4+s16], $0x40, s1, s16, $0xb8;
	[tilespmem:$0x1F000] =	vst v63  }
0x60: {  	_ =	swait.ge [sflag:s19], $0x8000  }
0x61: {  	[sflag:s19] =	ssyncset.done $0x0  }
0x62: {  	s20 =	simm.s32 $0x3200;
	[sflag:s19] =	ssyncadd.s32 $0xFFFF8000  }
0x63: {  	[spmem:s2] =	stream.indirect.scatter.add.f32 [tilespmem:s18], [sflag:$0x4], $0x40, s20, s16, $0xb8;
	[tilespmem:$0x1F000] =	vst v63  }
0x64: {  	_ =	swait.ge [sflag:s21], $0x8000  }
0x65: {  	[sflag:s21] =	ssyncset.done $0x0  }
0x66: {  	s1 =	simm.s32 $0xC00;
	[sflag:s21] =	ssyncadd.s32 $0xFFFF8000  }
0x67: {  	[tilespmem:s13], [sflag:$0x1] =	stream.indirect.gather [hbm4b:s4+s16], $0x40, s1, s16, $0xb8;
	[tilespmem:$0x1F000] =	vst v63  }
0x68: {  	_ =	swait.ge [sflag:s17], $0x8000  }
0x69: {  	[sflag:s17] =	ssyncset.done $0x0  }
0x6a: {  	s20 =	simm.s32 $0x3400;
	[sflag:s17] =	ssyncadd.s32 $0xFFFF8000  }
0x6b: {  	[spmem:s2] =	stream.indirect.scatter.add.f32 [tilespmem:s13], [sflag:$0x3], $0x40, s20, s16, $0xb8;
	[tilespmem:$0x1F000] =	vst v63  }
0x6c: {  	_ =	swait.ge [sflag:s25], $0x8000  }
0x6d: {  	[sflag:s25] =	ssyncset.done $0x0  }
0x6e: {  	s1 =	simm.s32 $0xE00;
	[sflag:s25] =	ssyncadd.s32 $0xFFFF8000  }
0x6f: {  	[tilespmem:s18], [sflag:$0x2] =	stream.indirect.gather [hbm4b:s4+s16], $0x40, s1, s16, $0xb8;
	[tilespmem:$0x1F000] =	vst v63  }
0x70: {  	_ =	swait.ge [sflag:s19], $0x8000  }
0x71: {  	[sflag:s19] =	ssyncset.done $0x0  }
0x72: {  	s20 =	simm.s32 $0x3600;
	[sflag:s19] =	ssyncadd.s32 $0xFFFF8000  }
0x73: {  	[spmem:s2] =	stream.indirect.scatter.add.f32 [tilespmem:s18], [sflag:$0x4], $0x40, s20, s16, $0xb8;
	[tilespmem:$0x1F000] =	vst v63  }
0x74: {  	_ =	swait.ge [sflag:s21], $0x8000  }
0x75: {  	[sflag:s21] =	ssyncset.done $0x0  }
0x76: {  	s1 =	simm.s32 $0x1000;
	[sflag:s21] =	ssyncadd.s32 $0xFFFF8000  }
0x77: {  	[tilespmem:s13], [sflag:$0x1] =	stream.indirect.gather [hbm4b:s4+s16], $0x40, s1, s16, $0xb8;
	[tilespmem:$0x1F000] =	vst v63  }
0x78: {  	_ =	swait.ge [sflag:s17], $0x8000  }
0x79: {  	[sflag:s17] =	ssyncset.done $0x0  }
0x7a: {  	s20 =	simm.s32 $0x3800;
	[sflag:s17] =	ssyncadd.s32 $0xFFFF8000  }
0x7b: {  	[spmem:s2] =	stream.indirect.scatter.add.f32 [tilespmem:s13], [sflag:$0x3], $0x40, s20, s16, $0xb8;
	[tilespmem:$0x1F000] =	vst v63  }
0x7c: {  	_ =	swait.ge [sflag:s25], $0x8000  }
0x7d: {  	[sflag:s25] =	ssyncset.done $0x0  }
0x7e: {  	s1 =	simm.s32 $0x1200;
	[sflag:s25] =	ssyncadd.s32 $0xFFFF8000  }
0x7f: {  	[tilespmem:s18], [sflag:$0x2] =	stream.indirect.gather [hbm4b:s4+s16], $0x40, s1, s16, $0xb8;
	[tilespmem:$0x1F000] =	vst v63  }
0x80: {  	_ =	swait.ge [sflag:s19], $0x8000  }
0x81: {  	[sflag:s19] =	ssyncset.done $0x0  }
0x82: {  	s20 =	simm.s32 $0x3A00;
	[sflag:s19] =	ssyncadd.s32 $0xFFFF8000  }
0x83: {  	[spmem:s2] =	stream.indirect.scatter.add.f32 [tilespmem:s18], [sflag:$0x4], $0x40, s20, s16, $0xb8;
	[tilespmem:$0x1F000] =	vst v63  }
0x84: {  	_ =	swait.ge [sflag:s21], $0x8000  }
0x85: {  	[sflag:s21] =	ssyncset.done $0x0  }
0x86: {  	s1 =	simm.s32 $0x1400;
	[sflag:s21] =	ssyncadd.s32 $0xFFFF8000  }
0x87: {  	[tilespmem:s13], [sflag:$0x1] =	stream.indirect.gather [hbm4b:s4+s16], $0x40, s1, s16, $0xb8;
	[tilespmem:$0x1F000] =	vst v63  }
0x88: {  	_ =	swait.ge [sflag:s17], $0x8000  }
0x89: {  	[sflag:s17] =	ssyncset.done $0x0  }
0x8a: {  	s20 =	simm.s32 $0x3C00;
	[sflag:s17] =	ssyncadd.s32 $0xFFFF8000  }
0x8b: {  	[spmem:s2] =	stream.indirect.scatter.add.f32 [tilespmem:s13], [sflag:$0x3], $0x40, s20, s16, $0xb8;
	[tilespmem:$0x1F000] =	vst v63  }
0x8c: {  	_ =	swait.ge [sflag:s25], $0x8000  }
0x8d: {  	[sflag:s25] =	ssyncset.done $0x0  }
0x8e: {  	s1 =	simm.s32 $0x1600;
	[sflag:s25] =	ssyncadd.s32 $0xFFFF8000  }
0x8f: {  	[tilespmem:s18], [sflag:$0x2] =	stream.indirect.gather [hbm4b:s4+s16], $0x40, s1, s16, $0xb8;
	[tilespmem:$0x1F000] =	vst v63  }
0x90: {  	_ =	swait.ge [sflag:s19], $0x8000  }
0x91: {  	[sflag:s19] =	ssyncset.done $0x0  }
0x92: {  	s20 =	simm.s32 $0x3E00;
	[sflag:s19] =	ssyncadd.s32 $0xFFFF8000  }
0x93: {  	[spmem:s2] =	stream.indirect.scatter.add.f32 [tilespmem:s18], [sflag:$0x4], $0x40, s20, s16, $0xb8;
	[tilespmem:$0x1F000] =	vst v63  }
0x94: {  	_ =	swait.ge [sflag:s21], $0x8000  }
0x95: {  	[sflag:s21] =	ssyncset.done $0x0  }
0x96: {  	s1 =	simm.s32 $0x1800;
	[sflag:s21] =	ssyncadd.s32 $0xFFFF8000  }
0x97: {  	[tilespmem:s13], [sflag:$0x1] =	stream.indirect.gather [hbm4b:s4+s16], $0x40, s1, s16, $0xb8;
	[tilespmem:$0x1F000] =	vst v63  }
0x98: {  	_ =	swait.ge [sflag:s17], $0x8000  }
0x99: {  	[sflag:s17] =	ssyncset.done $0x0  }
0x9a: {  	s20 =	simm.s32 $0x4000;
	[sflag:s17] =	ssyncadd.s32 $0xFFFF8000  }
0x9b: {  	[spmem:s2] =	stream.indirect.scatter.add.f32 [tilespmem:s13], [sflag:$0x3], $0x40, s20, s16, $0xb8;
	[tilespmem:$0x1F000] =	vst v63  }
0x9c: {  	_ =	swait.ge [sflag:s25], $0x8000  }
0x9d: {  	[sflag:s25] =	ssyncset.done $0x0  }
0x9e: {  	s1 =	simm.s32 $0x1A00;
	[sflag:s25] =	ssyncadd.s32 $0xFFFF8000  }
0x9f: {  	[tilespmem:s18], [sflag:$0x2] =	stream.indirect.gather [hbm4b:s4+s16], $0x40, s1, s16, $0xb8;
	[tilespmem:$0x1F000] =	vst v63  }
0xa0: {  	_ =	swait.ge [sflag:s19], $0x8000  }
0xa1: {  	[sflag:s19] =	ssyncset.done $0x0  }
0xa2: {  	s20 =	simm.s32 $0x4200;
	[sflag:s19] =	ssyncadd.s32 $0xFFFF8000  }
0xa3: {  	[spmem:s2] =	stream.indirect.scatter.add.f32 [tilespmem:s18], [sflag:$0x4], $0x40, s20, s16, $0xb8;
	[tilespmem:$0x1F000] =	vst v63  }
0xa4: {  	_ =	swait.ge [sflag:s21], $0x8000  }
0xa5: {  	[sflag:s21] =	ssyncset.done $0x0  }
0xa6: {  	s1 =	simm.s32 $0x1C00;
	[sflag:s21] =	ssyncadd.s32 $0xFFFF8000  }
0xa7: {  	[tilespmem:s13], [sflag:$0x1] =	stream.indirect.gather [hbm4b:s4+s16], $0x40, s1, s16, $0xb8;
	[tilespmem:$0x1F000] =	vst v63  }
0xa8: {  	_ =	swait.ge [sflag:s17], $0x8000  }
0xa9: {  	[sflag:s17] =	ssyncset.done $0x0  }
0xaa: {  	s20 =	simm.s32 $0x4400;
	[sflag:s17] =	ssyncadd.s32 $0xFFFF8000  }
0xab: {  	[spmem:s2] =	stream.indirect.scatter.add.f32 [tilespmem:s13], [sflag:$0x3], $0x40, s20, s16, $0xb8;
	[tilespmem:$0x1F000] =	vst v63  }
0xac: {  	_ =	swait.ge [sflag:s25], $0x8000  }
0xad: {  	[sflag:s25] =	ssyncset.done $0x0  }
0xae: {  	s1 =	simm.s32 $0x1E00;
	[sflag:s25] =	ssyncadd.s32 $0xFFFF8000  }
0xaf: {  	[tilespmem:s18], [sflag:$0x2] =	stream.indirect.gather [hbm4b:s4+s16], $0x40, s1, s16, $0xb8;
	[tilespmem:$0x1F000] =	vst v63  }
0xb0: {  	_ =	swait.ge [sflag:s19], $0x8000  }
0xb1: {  	[sflag:s19] =	ssyncset.done $0x0  }
0xb2: {  	s20 =	simm.s32 $0x4600;
	[sflag:s19] =	ssyncadd.s32 $0xFFFF8000  }
0xb3: {  	[spmem:s2] =	stream.indirect.scatter.add.f32 [tilespmem:s18], [sflag:$0x4], $0x40, s20, s16, $0xb8;
	[tilespmem:$0x1F000] =	vst v63  }
0xb4: {  	_ =	swait.ge [sflag:s21], $0x8000  }
0xb5: {  	[sflag:s21] =	ssyncset.done $0x0  }
0xb6: {  	s1 =	simm.s32 $0x2000;
	[sflag:s21] =	ssyncadd.s32 $0xFFFF8000  }
0xb7: {  	[tilespmem:s13], [sflag:$0x1] =	stream.indirect.gather [hbm4b:s4+s16], $0x40, s1, s16, $0xb8;
	[tilespmem:$0x1F000] =	vst v63  }
0xb8: {  	_ =	swait.ge [sflag:s17], $0x8000  }
0xb9: {  	[sflag:s17] =	ssyncset.done $0x0  }
0xba: {  	s20 =	simm.s32 $0x4800;
	[sflag:s17] =	ssyncadd.s32 $0xFFFF8000  }
0xbb: {  	[spmem:s2] =	stream.indirect.scatter.add.f32 [tilespmem:s13], [sflag:$0x3], $0x40, s20, s16, $0xb8;
	[tilespmem:$0x1F000] =	vst v63  }
0xbc: {  	_ =	swait.ge [sflag:s25], $0x8000  }
0xbd: {  	[sflag:s25] =	ssyncset.done $0x0  }
0xbe: {  	[sflag:s25] =	ssyncadd.s32 $0xFFFF8000  }
0xbf: {  	[tilespmem:s18], [sflag:$0x2] =	stream.indirect.gather [hbm4b:s4+s16], $0x40, s22, s16, $0xb8;
	[tilespmem:$0x1F000] =	vst v63  }
0xc0: {  	_ =	swait.ge [sflag:s19], $0x8000  }
0xc1: {  	[sflag:s19] =	ssyncset.done $0x0  }
0xc2: {  	[sflag:s19] =	ssyncadd.s32 $0xFFFF8000  }
0xc3: {  	[spmem:s2] =	stream.indirect.scatter.add.f32 [tilespmem:s18], [sflag:$0x4], $0x40, s23, s16, $0xb8;
	[tilespmem:$0x1F000] =	vst v63  }
0xc4: {  	_ =	swait.ge [sflag:s21], $0x8000  }
0xc5: {  	[sflag:s21] =	ssyncset.done $0x0  }
0xc6: {  	[sflag:s21] =	ssyncadd.s32 $0xFFFF8000  }
0xc7: {  	[tilespmem:s13], [sflag:$0x1] =	stream.indirect.gather [hbm4b:s4+s16], $0x40, s26, s16, $0xb8;
	[tilespmem:$0x1F000] =	vst v63  }
0xc8: {  	_ =	swait.ge [sflag:s17], $0x8000  }
0xc9: {  	[sflag:s17] =	ssyncset.done $0x0  }
0xca: {  	[sflag:s17] =	ssyncadd.s32 $0xFFFF8000  }
0xcb: {  	[spmem:s2] =	stream.indirect.scatter.add.f32 [tilespmem:s13], [sflag:$0x3], $0x40, s28, s16, $0xb8;
	[tilespmem:$0x1F000] =	vst v63  }
0xcc: {  	_ =	swait.ge [sflag:s25], $0x8000  }
0xcd: {  	[sflag:s25] =	ssyncset.done $0x0  }
0xce: {  	[sflag:s25] =	ssyncadd.s32 $0xFFFF8000  }
0xcf: {  	[tilespmem:s18], [sflag:$0x2] =	stream.indirect.gather [hbm4b:s4+s16], $0x40, s29, s16, $0xb8;
	[tilespmem:$0x1F000] =	vst v63  }
0xd0: {  	_ =	swait.ge [sflag:s19], $0x8000  }
0xd1: {  	[sflag:s19] =	ssyncset.done $0x0  }
0xd2: {  	[sflag:s19] =	ssyncadd.s32 $0xFFFF8000  }
0xd3: {  	[spmem:s2] =	stream.indirect.scatter.add.f32 [tilespmem:s18], [sflag:$0x4], $0x40, s30, s16, $0xb8;
	[tilespmem:$0x1F000] =	vst v63  }
0xd4: {  	_ =	swait.ge [sflag:s21], $0x8000  }
0xd5: {  	[sflag:s21] =	ssyncset.done $0x0  }
0xd6: {  	[sflag:s21] =	ssyncadd.s32 $0xFFFF8000  }
0xd7: {  	s1 =	stileid.u32;
	_ =	swait.ge [sflag:s25], $0x8000  }
0xd8: {  	s31 =	sadd.s32 $0x1, s31;
	s0 =	sshll.u32 s1, $0x6;
	[sflag:s25] =	ssyncset.done $0x0  }
0xd9: {  	p0 =	sne.s32 s31, s12;
	s0 =	sor.u32 $0x1C05, s0;
	[sflag:s25] =	ssyncadd.s32 $0xFFFF8000  }
.Ltmp1:
0xda: {  	s20 =	sshrl.u32 s5, $0x3;
	[bflag:$0x0] =	sbarrier.arrive $0xFFFF;
	(pc) =	sbr.rel @p0 .LBB2_1-.Ltmp1, $4  }
0xdb: {  	[hbm:s24], [sflag:s0] =	dma.local [spmem:s20], $0x1400  }
0xdc: {  	_ =	swait.ge [sflag:s14], $0x1400  }
0xdd: {  	[sflag:s14] =	ssyncset.done $0x0  }
0xde: {  	[sflag:s14] =	ssyncadd.s32 $0xFFFFEC00  }
0xdf: {  	_ =	sfence.sel $0x180000  }
0xe0: {  	[bflag:$0x0] =	sbarrier.arrive $0xFFFF  }
0xe1: {  	_ =	strace $0x9000004A  }
0xe2: {  	s0 =	stileid.u32;
	[bflag:$0x2] =	sbarrier.arrive $0xFFFF  }
0xe3: {  	p0 =	sne.s32 s0, $0x0;
	s0 =	rddreg [dreg:$0x2]  }
0xe4: {  	s0 =	sadd.s32 @!p0 $0x100000, s0  }
0xe5: {  	[sflag:s0] =	ssyncadd.tile.s32 @!p0 $0x1;
	_ =	shalt  }
.Lfunc_end2:
_tile_overlayer_lowered:
.L_overlay_start_2:
0xe6: {  	(tag) =	ssettag $0x2  }
0xe7: {  	s0 =	rddreg [dreg:$0x0];
	s2 =	stileid.u32  }
0xe8: {  	s1 =	rddreg [dreg:$0x1];
	p0 =	sne.s32 s2, $0x0  }
0xe9: {  	s3 =	rddreg [dreg:$0x2];
	[bflag:$0x3] =	sbarrier.arrive $0xFFFF;
	s2 =	simm.s32 @!p0 $0x1C05  }
0xea: {  	[timem:s3], [sflag:s2] =	dma.local @!p0 [hbm:s0], s1  }
0xeb: {  	s0 =	simm.s32 @!p0 $0x5  }
0xec: {  	_ =	swait.ge @!p0 [sflag:s0], s1  }
0xed: {  	s1 =	ssub.s32 @!p0 $0x0, s1;
	[sflag:s0] =	ssyncset.done @!p0 $0x0  }
0xee: {  	[sflag:s0] =	ssyncadd.s32 @!p0 s1  }
0xef: {  	[bflag:$0x3] =	sbarrier.arrive $0xFFFF  }
0xf0: {  	_ =	shalt  }

// kernel: kernel.15.cloned.1.call-start
scs
__scs_entry_jumppad:
0x0: {  	(pc) =	sbr.rel $0x88, $3  }
0x1: {  	(tag) =	ssettag $0x0;
	lr =	simm.s32 $0x1  }
0x2: {  	[smem:$0x3F9B] =	sst lr;
	_ =	strace $0xD0000000  }
0x3: {  	_ = 	snop  }
0x4: {  	_ = 	snop  }
0x5: {  	_ = 	snop  }
0x6: {  	_ = 	snop  }
0x7: {  	_ = 	snop  }
__scs_overlays_trampoline_lowered:
0x8: {  	[smem:$0x3FAA] =	sst s0  }
0x9: {  	[smem:$0x3FAB] =	sst s1  }
0xa: {  	[smem:$0x3FAC] =	sst s2  }
0xb: {  	[smem:$0x3FAD] =	sst s3  }
0xc: {  	[smem:$0x3FAE] =	sst s4  }
0xd: {  	[smem:$0x3FAF] =	sst s5  }
0xe: {  	[smem:$0x3FB0] =	sst s6  }
0xf: {  	[smem:$0x3FB1] =	sst s7  }
0x10: {  	[smem:$0x3FB2] =	sst s8  }
0x11: {  	[smem:$0x3FB3] =	sst s9;
	s0 =	simm.s32 @!p0 $0x0  }
0x12: {  	s1 =	sld [smem:$0x3F99];
	s0 =	simm.s32 @p0 $0x1  }
0x13: {  	[smem:$0x3FB4] =	sst s0;
	s0 =	simm.s32 @!p1 $0x0  }
0x14: {  	s2 =	sld [smem:$0x3F98];
	s0 =	simm.s32 @p1 $0x1  }
0x15: {  	[smem:$0x3FB5] =	sst s0;
	s0 =	simm.s32 @!p2 $0x0  }
0x16: {  	s3 =	sld [smem:$0x3FDB];
	s0 =	simm.s32 @p2 $0x1  }
0x17: {  	s4 =	simm.s32 $0x1BF5;
	[smem:$0x3FB7] =	sst s0  }
0x18: {  	s0 =	sld [smem:$0x3F9A];
	_ =	swait.ge [sflag:s4], $0x0  }
0x19: {  	s7 =	sld [smem:$0x3F9B]  }
0x1a: {  	s8 =	sadd.s32 $0xFFFFE003, lr  }
0x1b: {  	s9 =	sadd.s32 $0xFFFFFEF7, lr;
	s5 =	simm.s32 $0xFFFFFFFF;
	p2 =	slt.u32 s8, $0xFFFFF086  }
0x1c: {  	p1 =	slt.u32 s9, $0xF7A;
	s5 =	simm.s32 @!p2 $0x0  }
0x1d: {  	s5 =	simm.s32 @p1 $0x1;
	p0 =	seq.s32 s7, s2  }
0x1e: {  	s7 =	smul.u32 @!p0 $0xF7A, s2;
	p2 =	seq.s32 @!p0 s5, $0x0  }
0x1f: {  	s9 =	smul.u32 $0xF7A, s1;
	s8 =	simm.s32 @!p0 $0x1BF5;
	p2 =	por !p2, p0  }
0x20: {  	[sflag:s8] =	ssyncset.s32 @!p0 $0xFFFFF086;
	s6 =	sadd.s32 @!p0 s3, s7;
	s7 =	simm.s32 @!p0 $0x108  }
0x21: {  	s3 =	sadd.s32 s3, s9;
	s6 =	sadd.s32 @!p0 $0x88, s6;
	s7 =	simm.s32 @p2 $0x1082  }
0x22: {  	[simem:s7], [sflag:s8] =	dma.local @!p0 [hbm:s6], $0xF7A  }
0x23: {  	s9 =	sor.u32 $0xD0000000, s2;
	s6 =	simm.s32 $0x108;
	_ =	swait.ge @!p0 [sflag:s8], $0x0  }
0x24: {  	s3 =	sadd.s32 $0x88, s3;
	s6 =	simm.s32 @!p1 $0x1082;
	[sflag:s4] =	ssyncset.s32 $0xFFFFF086  }
0x25: {  	[simem:s6], [sflag:s4] =	dma.local [hbm:s3], $0xF7A  }
0x26: {  	[smem:$0x3F9B] =	sst s1;
	(tag) =	ssettag s2;
	_ =	strace s9  }
0x27: {  	s1 =	sld [smem:$0x3FAB]  }
0x28: {  	s2 =	sld [smem:$0x3FAC]  }
0x29: {  	s4 =	sld [smem:$0x3FAE]  }
0x2a: {  	p0 =	seq.s32 s5, $0x0;
	s5 =	sld [smem:$0x3FAF]  }
0x2b: {  	s6 =	sld [smem:$0x3FB0]  }
0x2c: {  	s7 =	sld [smem:$0x3FB1]  }
0x2d: {  	s3 =	simm.s32 $0x108;
	s8 =	sld [smem:$0x3FB2]  }
0x2e: {  	s3 =	simm.s32 @!p0 $0x1082;
	s9 =	sld [smem:$0x3FB3]  }
0x2f: {  	lr =	sadd.s32 s0, s3;
	s0 =	sld [smem:$0x3FAA]  }
0x30: {  	s3 =	sld [smem:$0x3FAD]  }
0x31: {  	[smem:$0x3FB6] =	sst s10  }
0x32: {  	s10 =	sld [smem:$0x3FB4];
	_ =	sdelay $0x3  }
0x33: {  	p0 =	seq.s32 s10, $0x1;
	s10 =	sld [smem:$0x3FB6];
	_ =	sdelay $0x3  }
0x34: {  	[smem:$0x3FB6] =	sst s10  }
0x35: {  	s10 =	sld [smem:$0x3FB5];
	_ =	sdelay $0x3  }
0x36: {  	p1 =	seq.s32 s10, $0x1;
	s10 =	sld [smem:$0x3FB6];
	_ =	sdelay $0x3  }
0x37: {  	[smem:$0x3FB6] =	sst s10  }
0x38: {  	s10 =	sld [smem:$0x3FB7]  }
0x39: {  	_ = 	snop;
	(pc) =	sbr.ind lr, $3  }
0x3a: {  	_ = 	snop  }
0x3b: {  	_ = 	snop  }
0x3c: {  	p2 =	seq.s32 s10, $0x1;
	s10 =	sld [smem:$0x3FB6]  }
0x3d: {  	_ =	shalt  }
0x3e: {  	_ =	shalt  }
0x3f: {  	_ =	shalt  }
0x40: {  	_ =	shalt  }
0x41: {  	_ =	shalt  }
0x42: {  	_ =	shalt  }
0x43: {  	_ =	shalt  }
0x44: {  	_ =	shalt  }
0x45: {  	_ =	shalt  }
0x46: {  	_ =	shalt  }
0x47: {  	_ =	shalt  }
0x48: {  	_ =	shalt  }
0x49: {  	_ =	shalt  }
0x4a: {  	_ =	shalt  }
0x4b: {  	_ =	shalt  }
0x4c: {  	_ =	shalt  }
0x4d: {  	_ =	shalt  }
0x4e: {  	_ =	shalt  }
0x4f: {  	_ =	shalt  }
0x50: {  	_ =	shalt  }
0x51: {  	_ =	shalt  }
0x52: {  	_ =	shalt  }
0x53: {  	_ =	shalt  }
0x54: {  	_ =	shalt  }
0x55: {  	_ =	shalt  }
0x56: {  	_ =	shalt  }
0x57: {  	_ =	shalt  }
0x58: {  	_ =	shalt  }
0x59: {  	_ =	shalt  }
0x5a: {  	_ =	shalt  }
0x5b: {  	_ =	shalt  }
0x5c: {  	_ =	shalt  }
0x5d: {  	_ =	shalt  }
0x5e: {  	_ =	shalt  }
0x5f: {  	_ =	shalt  }
0x60: {  	_ =	shalt  }
0x61: {  	_ =	shalt  }
0x62: {  	_ =	shalt  }
0x63: {  	_ =	shalt  }
0x64: {  	_ =	shalt  }
0x65: {  	_ =	shalt  }
0x66: {  	_ =	shalt  }
0x67: {  	_ =	shalt  }
0x68: {  	_ =	shalt  }
0x69: {  	_ =	shalt  }
0x6a: {  	_ =	shalt  }
0x6b: {  	_ =	shalt  }
0x6c: {  	_ =	shalt  }
0x6d: {  	_ =	shalt  }
0x6e: {  	_ =	shalt  }
0x6f: {  	_ =	shalt  }
0x70: {  	_ =	shalt  }
0x71: {  	_ =	shalt  }
0x72: {  	_ =	shalt  }
0x73: {  	_ =	shalt  }
0x74: {  	_ =	shalt  }
0x75: {  	_ =	shalt  }
0x76: {  	_ =	shalt  }
0x77: {  	_ =	shalt  }
0x78: {  	_ =	shalt  }
0x79: {  	_ =	shalt  }
0x7a: {  	_ =	shalt  }
0x7b: {  	_ =	shalt  }
0x7c: {  	_ =	shalt  }
0x7d: {  	_ =	shalt  }
0x7e: {  	_ =	shalt  }
0x7f: {  	_ =	shalt  }
0x80: {  	_ =	shalt  }
0x81: {  	_ =	shalt  }
0x82: {  	_ =	shalt  }
0x83: {  	_ =	shalt  }
0x84: {  	_ =	shalt  }
0x85: {  	_ =	shalt  }
0x86: {  	_ =	shalt  }
0x87: {  	_ =	shalt  }
.Lfunc_end0:
.L_simem_size_0:
called_computation.2_lowered:
.L_overlay_start_0:
0x88: {  	s2 =	sld [smem:$0x3FD9]  }
0x89: {  	s3 =	sld [smem:$0x3FFE];
	_ =	sdelay $0x1  }
0x8a: {  	s1 =	srdreg.scid  }
0x8b: {  	s0 =	sand.u32 $0x1, s1  }
0x8c: {  	s16 =	sshll.u32 s0, $0xA;
	s2 =	sadd.s32 s3, s2  }
0x8d: {  	s2 =	sadd.s32 s2, s16  }
0x8e: {  	[smem:$0x3FC2] =	sst s2  }
0x8f: {  	_ = 	snop  }
0x90: {  	(tm) =	ssettm $0x1  }
0x91: {  	s17 =	sld [smem:$0x3FFB];
	_ =	sdelay $0x3  }
0x92: {  	_ =	strace s17  }
0x93: {  	s2 =	sld [smem:$0x3FFC];
	_ =	sdelay $0x3  }
0x94: {  	_ =	strace s2  }
0x95: {  	s2 =	sld [smem:$0x3FFD];
	_ =	sdelay $0x3  }
0x96: {  	_ =	strace s2  }
0x97: {  	_ =	strace $0x8FFFFFFF  }
0x98: {  	s18 =	sld [smem:$0x3FDB];
	_ =	sdelay $0x1  }
0x99: {  	s19 =	simm.s32 $_scs_section_size  }
0x9a: {  	s4 =	simm.s32 $_size__tile_overlayer_lowered;
	s5 =	simm.s32 $_tile_overlayer_lowered  }
0x9b: {  	s22 =	simm.s32 $0x1BFF;
	s21 =	sshll.u32 s5, $0x1;
	s2 =	sadd.s32 s19, s18  }
0x9c: {  	s6 =	simm.s32 $0x0;
	s20 =	sshll.u32 s4, $0x1;
	s4 =	sadd.s32 s21, s2  }
0x9d: {  	[timem:s6], [sflag:s22] =	dma.local [hbm:s4], s20  }
0x9e: {  	_ =	swait.ge [sflag:s22], s20  }
0x9f: {  	s3 =	ssub.s32 $0x0, s20;
	[sflag:s22] =	ssyncset.done $0x0  }
0xa0: {  	[sflag:s22] =	ssyncadd.s32 s3;
	_ =	sdelay $0x1  }
0xa1: {  	s23 =	simm.s32 $0x1B8B  }
0xa2: {  	_ =	swait.ge [sflag:s23], $0x1  }
0xa3: {  	[sflag:s23] =	ssyncset.done $0x0  }
0xa4: {  	s25 =	simm.s32 $0x1B8E;
	s24 =	sld [smem:$0x3FFE];
	[sflag:s23] =	ssyncadd.s32 $0xFFFFFFFF  }
0xa5: {  	s26 =	simm.s32 $execute0_lowered;
	[smem:$0x3FD2] =	sst s25  }
0xa6: {  	s4 =	sshll.u32 s26, $0x1;
	_ =	strace $0x8000004C;
	[dreg:$0x1] =	wrdreg $0xFFFFFFFF  }
0xa7: {  	s28 =	simm.s32 $_size_execute0_lowered;
	s2 =	sadd.s32 s2, s4;
	[dreg:$0x0] =	wrdreg $0x0  }
0xa8: {  	s4 =	sshll.u32 s28, $0x1;
	[dreg:$0x2] =	wrdreg s2  }
0xa9: {  	[dreg:$0x3] =	wrdreg s4  }
0xaa: {  	[dreg:$0x4] =	wrdreg $0xC0  }
0xab: {  	_ =	task [dreg:s6], $0x5FFFF  }
0xac: {  	[dreg:$0x1] =	wrdreg $0xFFFFFFFF  }
0xad: {  	[dreg:$0x0] =	wrdreg $0x60  }
0xae: {  	[dreg:$0x2] =	wrdreg s24  }
0xaf: {  	[dreg:$0x3] =	wrdreg $0x150000  }
0xb0: {  	[dreg:$0x4] =	wrdreg $0x9  }
0xb1: {  	_ =	task.clear_ibuf [dreg:s6], $0x5FFFF;
	_ =	strace $0x9000004C  }
0xb2: {  	s29 =	simm.s32 $0x9;
	_ =	strace $0x8000004E  }
0xb3: {  	_ =	swait.ge [sflag:s29], $0x1  }
0xb4: {  	[sflag:s29] =	ssyncadd.s32 $0xFFFFFFFF  }
0xb5: {  	_ =	strace $0x9000004E  }
0xb6: {  	_ =	sfence  }
0xb7: {  	s30 =	sld [smem:$0x0];
	_ =	sdelay $0x2  }
0xb8: {  	s31 =	sshll.u32 s1, $0xD;
	s1 =	sshrl.u32 s1, $0x2  }
0xb9: {  	s3 =	sand.u32 $0x4000, s31;
	s1 =	sadd.s32 s1, s30  }
0xba: {  	s0 =	sor.u32 s3, s0;
	s1 =	sshll.u32 s1, $0x11  }
0xbb: {  	s0 =	sor.u32 s1, s0  }
0xbc: {  	s0 =	sadd.s32 $0x8F2B, s0  }
0xbd: {  	[sflag:s0] =	ssyncadd.remote.s32 $0x1  }
0xbe: {  	_ =	sfence.sel $0xFFFF  }
0xbf: {  	[dreg:$0x0] =	wrdreg $0xFFFFFFFF;
	(pc) =	sbr.abs _section_cstart, $3  }
0xc0: {  	[dreg:$0x1] =	wrdreg $0xFFFFFFFF  }
0xc1: {  	_ =	task.clear_ibuf [dreg:s6], $0x2FFFF;
	_ =	strace $0x9FFFFFFF  }
0xc2: {  	(tm) =	ssettm $0x7FFFFFFF  }
0xc3: {  	_ =	shalt  }
tec
execute0_lowered:
.L_overlay_start_1:
0x0: {  	(tag) =	ssettag $0x1  }
0x1: {  	s0 =	srdreg.scid;
	s1 =	rddreg [dreg:$0x0]  }
0x2: {  	s8 =	stileid.u32;
	s2 =	rddreg [dreg:$0x1]  }
0x3: {  	s13 =	simm.s32 $0x5000;
	s14 =	simm.s32 $0x5;
	s15 =	simm.s32 $0x2800  }
0x4: {  	s16 =	simm.s32 $0x200;
	s17 =	simm.s32 $0x1;
	s18 =	simm.s32 $0xD000  }
0x5: {  	s19 =	simm.s32 $0x2;
	s21 =	simm.s32 $0x3;
	s22 =	simm.s32 $0x2200  }
0x6: {  	s23 =	simm.s32 $0x4A00;
	s28 =	simm.s32 $0x4C00;
	s29 =	simm.s32 $0x2600  }
0x7: {  	s30 =	simm.s32 $0x4E00;
	s0 =	sand.u32 $0x1, s0;
	s7 =	smul.u32 $0x28000, s8  }
0x8: {  	s31 =	simm.s32 $0x0;
	s12 =	smul.u32 $0xA000, s8;
	s3 =	sshll.u32 s0, $0x4  }
0x9: {  	s6 =	smul.u32 $0x14000, s0;
	s0 =	ssub.s32 $0x2, s0;
	s4 =	sor.u32 s8, s3  }
0xa: {  	s3 =	simm.s32 $0x0;
	s25 =	sshrl.u32 s0, $0x1;
	s26 =	sshrl.u32 s7, $0x2  }
0xb: {  	s20 =	sshrl.u32 s12, $0x3;
	s5 =	smul.u32 $0x500, s4;
	[smem:$0x7FF] =	sst s3  }
0xc: {  	s4 =	sadd.s32 $0x2000, s1;
	s0 =	ssub.s32 s0, s25;
	s9 =	sadd.s32 s26, s2  }
0xd: {  	s25 =	simm.s32 $0x4;
	s26 =	simm.s32 $0x2400;
	_ =	strace $0x8000004D  }
0xe: {  	s7 =	sadd.s32 $0x4000, s9;
	s8 =	sadd.s32 $0x6000, s9;
	s11 =	sadd.s32 s5, s1  }
0xf: {  	s1 =	sadd.s32 s6, s1;
	s5 =	sadd.s32 s12, s2;
	s6 =	sadd.s32 $0x2000, s9  }
0x10: {  	s9 =	sadd.s32 $0x8000, s9;
	s12 =	smax.u32 s0, $0x1;
	s1 =	sadd.s32 $0x2A000, s1  }
0x11: {  	v0 =	vimm.f32 $0.0e+00;
	s10 =	sadd.s32 $0x16000, s11;
	s11 =	sadd.s32 $0x20000, s11;
	s24 =	sadd.s32 s20, s1  }
.LBB2_1:
0x12: {  	s0 =	simm.s32 $0x100;
	s1 =	simm.s32 $0x0  }
.LBB2_2:
0x13: {  	p0 =	sne.s32 s0, $0x7F00;
	[tilespmem:s1+$0x5030] =	vst v0;
	s20 =	smov.u32 s0;
	s0 =	sadd.s32 $0x100, s0  }
.Ltmp0:
0x14: {  	[tilespmem:s1+$0x5020] =	vst v0;
	(pc) =	sbr.rel @p0 .LBB2_2-.Ltmp0, $3  }
0x15: {  	[tilespmem:s1+$0x5000] =	vst v0  }
0x16: {  	[tilespmem:s1+$0x5010] =	vst v0;
	_ =	sdelay $0x1  }
0x17: {  	s1 =	sshra.s32 s20, $0x2  }
0x18: {  	[tilespmem:s1+$0x5030] =	vst v0  }
0x19: {  	[tilespmem:s1+$0x5020] =	vst v0  }
0x1a: {  	[tilespmem:s1+$0x5000] =	vst v0  }
0x1b: {  	[tilespmem:s1+$0x5010] =	vst v0  }
0x1c: {  	[spmem:s5] =	stream.linear.scatter [tilespmem:s13], [sflag:$0x5], $0x2000, $0x38;
	[tilespmem:$0x1F000] =	vst v63  }
0x1d: {  	_ =	swait.ge [sflag:s14], $0x2000  }
0x1e: {  	[sflag:s14] =	ssyncset.done $0x0  }
0x1f: {  	[sflag:s14] =	ssyncadd.s32 $0xFFFFE000  }
0x20: {  	[spmem:s6] =	stream.linear.scatter [tilespmem:s13], [sflag:$0x5], $0x2000, $0x38;
	[tilespmem:$0x1F000] =	vst v63  }
0x21: {  	_ =	swait.ge [sflag:s14], $0x2000  }
0x22: {  	[sflag:s14] =	ssyncset.done $0x0  }
0x23: {  	[sflag:s14] =	ssyncadd.s32 $0xFFFFE000  }
0x24: {  	[spmem:s7] =	stream.linear.scatter [tilespmem:s13], [sflag:$0x5], $0x2000, $0x38;
	[tilespmem:$0x1F000] =	vst v63  }
0x25: {  	_ =	swait.ge [sflag:s14], $0x2000  }
0x26: {  	[sflag:s14] =	ssyncset.done $0x0  }
0x27: {  	[sflag:s14] =	ssyncadd.s32 $0xFFFFE000  }
0x28: {  	[spmem:s8] =	stream.linear.scatter [tilespmem:s13], [sflag:$0x5], $0x2000, $0x38;
	[tilespmem:$0x1F000] =	vst v63  }
0x29: {  	_ =	swait.ge [sflag:s14], $0x2000  }
0x2a: {  	[sflag:s14] =	ssyncset.done $0x0  }
0x2b: {  	[sflag:s14] =	ssyncadd.s32 $0xFFFFE000  }
0x2c: {  	[spmem:s9] =	stream.linear.scatter [tilespmem:s13], [sflag:$0x5], $0x2000, $0x38;
	[tilespmem:$0x1F000] =	vst v63  }
0x2d: {  	_ =	swait.ge [sflag:s14], $0x2000  }
0x2e: {  	[sflag:s14] =	ssyncset.done $0x0  }
0x2f: {  	[sflag:s14] =	ssyncadd.s32 $0xFFFFE000  }
0x30: {  	[bflag:$0x0] =	sbarrier.arrive $0xFFFF  }
0x31: {  	[tilespmem:s3], [sflag:$0x5] =	stream.linear.gather [hbm4b:s10+s3], $0x2800, $0x38;
	[tilespmem:$0x1F000] =	vst v63  }
0x32: {  	_ =	swait.ge [sflag:s14], $0x2800  }
0x33: {  	[sflag:s14] =	ssyncset.done $0x0  }
0x34: {  	[sflag:s14] =	ssyncadd.s32 $0xFFFFD800  }
0x35: {  	[tilespmem:s15], [sflag:$0x5] =	stream.linear.gather [hbm4b:s11+s3], $0x2800, $0x38;
	[tilespmem:$0x1F000] =	vst v63  }
0x36: {  	_ =	swait.ge [sflag:s14], $0x2800  }
0x37: {  	[sflag:s14] =	ssyncset.done $0x0  }
0x38: {  	[sflag:s14] =	ssyncadd.s32 $0xFFFFD800  }
0x39: {  	[tilespmem:s13], [sflag:$0x1] =	stream.indirect.gather [hbm4b:s4+s16], $0x40, s3, s16, $0xb8;
	[tilespmem:$0x1F000] =	vst v63  }
0x3a: {  	_ =	swait.ge [sflag:s17], $0x8000  }
0x3b: {  	[sflag:s17] =	ssyncset.done $0x0  }
0x3c: {  	[sflag:s17] =	ssyncadd.s32 $0xFFFF8000  }
0x3d: {  	[spmem:s2] =	stream.indirect.scatter.add.f32 [tilespmem:s13], [sflag:$0x3], $0x40, s15, s16, $0xb8;
	[tilespmem:$0x1F000] =	vst v63  }
0x3e: {  	_ = 	snop  }
0x3f: {  	[tilespmem:s18], [sflag:$0x2] =	stream.indirect.gather [hbm4b:s4+s16], $0x40, s16, s16, $0xb8;
	[tilespmem:$0x1F000] =	vst v63  }
0x40: {  	_ =	swait.ge [sflag:s19], $0x8000  }
0x41: {  	[sflag:s19] =	ssyncset.done $0x0  }
0x42: {  	s0 =	simm.s32 $0x2A00;
	[sflag:s19] =	ssyncadd.s32 $0xFFFF8000  }
0x43: {  	[spmem:s2] =	stream.indirect.scatter.add.f32 [tilespmem:s18], [sflag:$0x4], $0x40, s0, s16, $0xb8;
	[tilespmem:$0x1F000] =	vst v63  }
0x44: {  	_ =	swait.ge [sflag:s21], $0x8000  }
0x45: {  	[sflag:s21] =	ssyncset.done $0x0  }
0x46: {  	s1 =	simm.s32 $0x400;
	[sflag:s21] =	ssyncadd.s32 $0xFFFF8000  }
0x47: {  	[tilespmem:s13], [sflag:$0x1] =	stream.indirect.gather [hbm4b:s4+s16], $0x40, s1, s16, $0xb8;
	[tilespmem:$0x1F000] =	vst v63  }
0x48: {  	_ =	swait.ge [sflag:s17], $0x8000  }
0x49: {  	[sflag:s17] =	ssyncset.done $0x0  }
0x4a: {  	s20 =	simm.s32 $0x2C00;
	[sflag:s17] =	ssyncadd.s32 $0xFFFF8000  }
0x4b: {  	[spmem:s2] =	stream.indirect.scatter.add.f32 [tilespmem:s13], [sflag:$0x3], $0x40, s20, s16, $0xb8;
	[tilespmem:$0x1F000] =	vst v63  }
0x4c: {  	_ =	swait.ge [sflag:s25], $0x8000  }
0x4d: {  	[sflag:s25] =	ssyncset.done $0x0  }
0x4e: {  	s1 =	simm.s32 $0x600;
	[sflag:s25] =	ssyncadd.s32 $0xFFFF8000  }
0x4f: {  	[tilespmem:s18], [sflag:$0x2] =	stream.indirect.gather [hbm4b:s4+s16], $0x40, s1, s16, $0xb8;
	[tilespmem:$0x1F000] =	vst v63  }
0x50: {  	_ =	swait.ge [sflag:s19], $0x8000  }
0x51: {  	[sflag:s19] =	ssyncset.done $0x0  }
0x52: {  	s20 =	simm.s32 $0x2E00;
	[sflag:s19] =	ssyncadd.s32 $0xFFFF8000  }
0x53: {  	[spmem:s2] =	stream.indirect.scatter.add.f32 [tilespmem:s18], [sflag:$0x4], $0x40, s20, s16, $0xb8;
	[tilespmem:$0x1F000] =	vst v63  }
0x54: {  	_ =	swait.ge [sflag:s21], $0x8000  }
0x55: {  	[sflag:s21] =	ssyncset.done $0x0  }
0x56: {  	s1 =	simm.s32 $0x800;
	[sflag:s21] =	ssyncadd.s32 $0xFFFF8000  }
0x57: {  	[tilespmem:s13], [sflag:$0x1] =	stream.indirect.gather [hbm4b:s4+s16], $0x40, s1, s16, $0xb8;
	[tilespmem:$0x1F000] =	vst v63  }
0x58: {  	_ =	swait.ge [sflag:s17], $0x8000  }
0x59: {  	[sflag:s17] =	ssyncset.done $0x0  }
0x5a: {  	s20 =	simm.s32 $0x3000;
	[sflag:s17] =	ssyncadd.s32 $0xFFFF8000  }
0x5b: {  	[spmem:s2] =	stream.indirect.scatter.add.f32 [tilespmem:s13], [sflag:$0x3], $0x40, s20, s16, $0xb8;
	[tilespmem:$0x1F000] =	vst v63  }
0x5c: {  	_ =	swait.ge [sflag:s25], $0x8000  }
0x5d: {  	[sflag:s25] =	ssyncset.done $0x0  }
0x5e: {  	s1 =	simm.s32 $0xA00;
	[sflag:s25] =	ssyncadd.s32 $0xFFFF8000  }
0x5f: {  	[tilespmem:s18], [sflag:$0x2] =	stream.indirect.gather [hbm4b:s4+s16], $0x40, s1, s16, $0xb8;
	[tilespmem:$0x1F000] =	vst v63  }
0x60: {  	_ =	swait.ge [sflag:s19], $0x8000  }
0x61: {  	[sflag:s19] =	ssyncset.done $0x0  }
0x62: {  	s20 =	simm.s32 $0x3200;
	[sflag:s19] =	ssyncadd.s32 $0xFFFF8000  }
0x63: {  	[spmem:s2] =	stream.indirect.scatter.add.f32 [tilespmem:s18], [sflag:$0x4], $0x40, s20, s16, $0xb8;
	[tilespmem:$0x1F000] =	vst v63  }
0x64: {  	_ =	swait.ge [sflag:s21], $0x8000  }
0x65: {  	[sflag:s21] =	ssyncset.done $0x0  }
0x66: {  	s1 =	simm.s32 $0xC00;
	[sflag:s21] =	ssyncadd.s32 $0xFFFF8000  }
0x67: {  	[tilespmem:s13], [sflag:$0x1] =	stream.indirect.gather [hbm4b:s4+s16], $0x40, s1, s16, $0xb8;
	[tilespmem:$0x1F000] =	vst v63  }
0x68: {  	_ =	swait.ge [sflag:s17], $0x8000  }
0x69: {  	[sflag:s17] =	ssyncset.done $0x0  }
0x6a: {  	s20 =	simm.s32 $0x3400;
	[sflag:s17] =	ssyncadd.s32 $0xFFFF8000  }
0x6b: {  	[spmem:s2] =	stream.indirect.scatter.add.f32 [tilespmem:s13], [sflag:$0x3], $0x40, s20, s16, $0xb8;
	[tilespmem:$0x1F000] =	vst v63  }
0x6c: {  	_ =	swait.ge [sflag:s25], $0x8000  }
0x6d: {  	[sflag:s25] =	ssyncset.done $0x0  }
0x6e: {  	s1 =	simm.s32 $0xE00;
	[sflag:s25] =	ssyncadd.s32 $0xFFFF8000  }
0x6f: {  	[tilespmem:s18], [sflag:$0x2] =	stream.indirect.gather [hbm4b:s4+s16], $0x40, s1, s16, $0xb8;
	[tilespmem:$0x1F000] =	vst v63  }
0x70: {  	_ =	swait.ge [sflag:s19], $0x8000  }
0x71: {  	[sflag:s19] =	ssyncset.done $0x0  }
0x72: {  	s20 =	simm.s32 $0x3600;
	[sflag:s19] =	ssyncadd.s32 $0xFFFF8000  }
0x73: {  	[spmem:s2] =	stream.indirect.scatter.add.f32 [tilespmem:s18], [sflag:$0x4], $0x40, s20, s16, $0xb8;
	[tilespmem:$0x1F000] =	vst v63  }
0x74: {  	_ =	swait.ge [sflag:s21], $0x8000  }
0x75: {  	[sflag:s21] =	ssyncset.done $0x0  }
0x76: {  	s1 =	simm.s32 $0x1000;
	[sflag:s21] =	ssyncadd.s32 $0xFFFF8000  }
0x77: {  	[tilespmem:s13], [sflag:$0x1] =	stream.indirect.gather [hbm4b:s4+s16], $0x40, s1, s16, $0xb8;
	[tilespmem:$0x1F000] =	vst v63  }
0x78: {  	_ =	swait.ge [sflag:s17], $0x8000  }
0x79: {  	[sflag:s17] =	ssyncset.done $0x0  }
0x7a: {  	s20 =	simm.s32 $0x3800;
	[sflag:s17] =	ssyncadd.s32 $0xFFFF8000  }
0x7b: {  	[spmem:s2] =	stream.indirect.scatter.add.f32 [tilespmem:s13], [sflag:$0x3], $0x40, s20, s16, $0xb8;
	[tilespmem:$0x1F000] =	vst v63  }
0x7c: {  	_ =	swait.ge [sflag:s25], $0x8000  }
0x7d: {  	[sflag:s25] =	ssyncset.done $0x0  }
0x7e: {  	s1 =	simm.s32 $0x1200;
	[sflag:s25] =	ssyncadd.s32 $0xFFFF8000  }
0x7f: {  	[tilespmem:s18], [sflag:$0x2] =	stream.indirect.gather [hbm4b:s4+s16], $0x40, s1, s16, $0xb8;
	[tilespmem:$0x1F000] =	vst v63  }
0x80: {  	_ =	swait.ge [sflag:s19], $0x8000  }
0x81: {  	[sflag:s19] =	ssyncset.done $0x0  }
0x82: {  	s20 =	simm.s32 $0x3A00;
	[sflag:s19] =	ssyncadd.s32 $0xFFFF8000  }
0x83: {  	[spmem:s2] =	stream.indirect.scatter.add.f32 [tilespmem:s18], [sflag:$0x4], $0x40, s20, s16, $0xb8;
	[tilespmem:$0x1F000] =	vst v63  }
0x84: {  	_ =	swait.ge [sflag:s21], $0x8000  }
0x85: {  	[sflag:s21] =	ssyncset.done $0x0  }
0x86: {  	s1 =	simm.s32 $0x1400;
	[sflag:s21] =	ssyncadd.s32 $0xFFFF8000  }
0x87: {  	[tilespmem:s13], [sflag:$0x1] =	stream.indirect.gather [hbm4b:s4+s16], $0x40, s1, s16, $0xb8;
	[tilespmem:$0x1F000] =	vst v63  }
0x88: {  	_ =	swait.ge [sflag:s17], $0x8000  }
0x89: {  	[sflag:s17] =	ssyncset.done $0x0  }
0x8a: {  	s20 =	simm.s32 $0x3C00;
	[sflag:s17] =	ssyncadd.s32 $0xFFFF8000  }
0x8b: {  	[spmem:s2] =	stream.indirect.scatter.add.f32 [tilespmem:s13], [sflag:$0x3], $0x40, s20, s16, $0xb8;
	[tilespmem:$0x1F000] =	vst v63  }
0x8c: {  	_ =	swait.ge [sflag:s25], $0x8000  }
0x8d: {  	[sflag:s25] =	ssyncset.done $0x0  }
0x8e: {  	s1 =	simm.s32 $0x1600;
	[sflag:s25] =	ssyncadd.s32 $0xFFFF8000  }
0x8f: {  	[tilespmem:s18], [sflag:$0x2] =	stream.indirect.gather [hbm4b:s4+s16], $0x40, s1, s16, $0xb8;
	[tilespmem:$0x1F000] =	vst v63  }
0x90: {  	_ =	swait.ge [sflag:s19], $0x8000  }
0x91: {  	[sflag:s19] =	ssyncset.done $0x0  }
0x92: {  	s20 =	simm.s32 $0x3E00;
	[sflag:s19] =	ssyncadd.s32 $0xFFFF8000  }
0x93: {  	[spmem:s2] =	stream.indirect.scatter.add.f32 [tilespmem:s18], [sflag:$0x4], $0x40, s20, s16, $0xb8;
	[tilespmem:$0x1F000] =	vst v63  }
0x94: {  	_ =	swait.ge [sflag:s21], $0x8000  }
0x95: {  	[sflag:s21] =	ssyncset.done $0x0  }
0x96: {  	s1 =	simm.s32 $0x1800;
	[sflag:s21] =	ssyncadd.s32 $0xFFFF8000  }
0x97: {  	[tilespmem:s13], [sflag:$0x1] =	stream.indirect.gather [hbm4b:s4+s16], $0x40, s1, s16, $0xb8;
	[tilespmem:$0x1F000] =	vst v63  }
0x98: {  	_ =	swait.ge [sflag:s17], $0x8000  }
0x99: {  	[sflag:s17] =	ssyncset.done $0x0  }
0x9a: {  	s20 =	simm.s32 $0x4000;
	[sflag:s17] =	ssyncadd.s32 $0xFFFF8000  }
0x9b: {  	[spmem:s2] =	stream.indirect.scatter.add.f32 [tilespmem:s13], [sflag:$0x3], $0x40, s20, s16, $0xb8;
	[tilespmem:$0x1F000] =	vst v63  }
0x9c: {  	_ =	swait.ge [sflag:s25], $0x8000  }
0x9d: {  	[sflag:s25] =	ssyncset.done $0x0  }
0x9e: {  	s1 =	simm.s32 $0x1A00;
	[sflag:s25] =	ssyncadd.s32 $0xFFFF8000  }
0x9f: {  	[tilespmem:s18], [sflag:$0x2] =	stream.indirect.gather [hbm4b:s4+s16], $0x40, s1, s16, $0xb8;
	[tilespmem:$0x1F000] =	vst v63  }
0xa0: {  	_ =	swait.ge [sflag:s19], $0x8000  }
0xa1: {  	[sflag:s19] =	ssyncset.done $0x0  }
0xa2: {  	s20 =	simm.s32 $0x4200;
	[sflag:s19] =	ssyncadd.s32 $0xFFFF8000  }
0xa3: {  	[spmem:s2] =	stream.indirect.scatter.add.f32 [tilespmem:s18], [sflag:$0x4], $0x40, s20, s16, $0xb8;
	[tilespmem:$0x1F000] =	vst v63  }
0xa4: {  	_ =	swait.ge [sflag:s21], $0x8000  }
0xa5: {  	[sflag:s21] =	ssyncset.done $0x0  }
0xa6: {  	s1 =	simm.s32 $0x1C00;
	[sflag:s21] =	ssyncadd.s32 $0xFFFF8000  }
0xa7: {  	[tilespmem:s13], [sflag:$0x1] =	stream.indirect.gather [hbm4b:s4+s16], $0x40, s1, s16, $0xb8;
	[tilespmem:$0x1F000] =	vst v63  }
0xa8: {  	_ =	swait.ge [sflag:s17], $0x8000  }
0xa9: {  	[sflag:s17] =	ssyncset.done $0x0  }
0xaa: {  	s20 =	simm.s32 $0x4400;
	[sflag:s17] =	ssyncadd.s32 $0xFFFF8000  }
0xab: {  	[spmem:s2] =	stream.indirect.scatter.add.f32 [tilespmem:s13], [sflag:$0x3], $0x40, s20, s16, $0xb8;
	[tilespmem:$0x1F000] =	vst v63  }
0xac: {  	_ =	swait.ge [sflag:s25], $0x8000  }
0xad: {  	[sflag:s25] =	ssyncset.done $0x0  }
0xae: {  	s1 =	simm.s32 $0x1E00;
	[sflag:s25] =	ssyncadd.s32 $0xFFFF8000  }
0xaf: {  	[tilespmem:s18], [sflag:$0x2] =	stream.indirect.gather [hbm4b:s4+s16], $0x40, s1, s16, $0xb8;
	[tilespmem:$0x1F000] =	vst v63  }
0xb0: {  	_ =	swait.ge [sflag:s19], $0x8000  }
0xb1: {  	[sflag:s19] =	ssyncset.done $0x0  }
0xb2: {  	s20 =	simm.s32 $0x4600;
	[sflag:s19] =	ssyncadd.s32 $0xFFFF8000  }
0xb3: {  	[spmem:s2] =	stream.indirect.scatter.add.f32 [tilespmem:s18], [sflag:$0x4], $0x40, s20, s16, $0xb8;
	[tilespmem:$0x1F000] =	vst v63  }
0xb4: {  	_ =	swait.ge [sflag:s21], $0x8000  }
0xb5: {  	[sflag:s21] =	ssyncset.done $0x0  }
0xb6: {  	s1 =	simm.s32 $0x2000;
	[sflag:s21] =	ssyncadd.s32 $0xFFFF8000  }
0xb7: {  	[tilespmem:s13], [sflag:$0x1] =	stream.indirect.gather [hbm4b:s4+s16], $0x40, s1, s16, $0xb8;
	[tilespmem:$0x1F000] =	vst v63  }
0xb8: {  	_ =	swait.ge [sflag:s17], $0x8000  }
0xb9: {  	[sflag:s17] =	ssyncset.done $0x0  }
0xba: {  	s20 =	simm.s32 $0x4800;
	[sflag:s17] =	ssyncadd.s32 $0xFFFF8000  }
0xbb: {  	[spmem:s2] =	stream.indirect.scatter.add.f32 [tilespmem:s13], [sflag:$0x3], $0x40, s20, s16, $0xb8;
	[tilespmem:$0x1F000] =	vst v63  }
0xbc: {  	_ =	swait.ge [sflag:s25], $0x8000  }
0xbd: {  	[sflag:s25] =	ssyncset.done $0x0  }
0xbe: {  	[sflag:s25] =	ssyncadd.s32 $0xFFFF8000  }
0xbf: {  	[tilespmem:s18], [sflag:$0x2] =	stream.indirect.gather [hbm4b:s4+s16], $0x40, s22, s16, $0xb8;
	[tilespmem:$0x1F000] =	vst v63  }
0xc0: {  	_ =	swait.ge [sflag:s19], $0x8000  }
0xc1: {  	[sflag:s19] =	ssyncset.done $0x0  }
0xc2: {  	[sflag:s19] =	ssyncadd.s32 $0xFFFF8000  }
0xc3: {  	[spmem:s2] =	stream.indirect.scatter.add.f32 [tilespmem:s18], [sflag:$0x4], $0x40, s23, s16, $0xb8;
	[tilespmem:$0x1F000] =	vst v63  }
0xc4: {  	_ =	swait.ge [sflag:s21], $0x8000  }
0xc5: {  	[sflag:s21] =	ssyncset.done $0x0  }
0xc6: {  	[sflag:s21] =	ssyncadd.s32 $0xFFFF8000  }
0xc7: {  	[tilespmem:s13], [sflag:$0x1] =	stream.indirect.gather [hbm4b:s4+s16], $0x40, s26, s16, $0xb8;
	[tilespmem:$0x1F000] =	vst v63  }
0xc8: {  	_ =	swait.ge [sflag:s17], $0x8000  }
0xc9: {  	[sflag:s17] =	ssyncset.done $0x0  }
0xca: {  	[sflag:s17] =	ssyncadd.s32 $0xFFFF8000  }
0xcb: {  	[spmem:s2] =	stream.indirect.scatter.add.f32 [tilespmem:s13], [sflag:$0x3], $0x40, s28, s16, $0xb8;
	[tilespmem:$0x1F000] =	vst v63  }
0xcc: {  	_ =	swait.ge [sflag:s25], $0x8000  }
0xcd: {  	[sflag:s25] =	ssyncset.done $0x0  }
0xce: {  	[sflag:s25] =	ssyncadd.s32 $0xFFFF8000  }
0xcf: {  	[tilespmem:s18], [sflag:$0x2] =	stream.indirect.gather [hbm4b:s4+s16], $0x40, s29, s16, $0xb8;
	[tilespmem:$0x1F000] =	vst v63  }
0xd0: {  	_ =	swait.ge [sflag:s19], $0x8000  }
0xd1: {  	[sflag:s19] =	ssyncset.done $0x0  }
0xd2: {  	[sflag:s19] =	ssyncadd.s32 $0xFFFF8000  }
0xd3: {  	[spmem:s2] =	stream.indirect.scatter.add.f32 [tilespmem:s18], [sflag:$0x4], $0x40, s30, s16, $0xb8;
	[tilespmem:$0x1F000] =	vst v63  }
0xd4: {  	_ =	swait.ge [sflag:s21], $0x8000  }
0xd5: {  	[sflag:s21] =	ssyncset.done $0x0  }
0xd6: {  	[sflag:s21] =	ssyncadd.s32 $0xFFFF8000  }
0xd7: {  	s1 =	stileid.u32;
	_ =	swait.ge [sflag:s25], $0x8000  }
0xd8: {  	s31 =	sadd.s32 $0x1, s31;
	s0 =	sshll.u32 s1, $0x6;
	[sflag:s25] =	ssyncset.done $0x0  }
0xd9: {  	p0 =	sne.s32 s31, s12;
	s0 =	sor.u32 $0x1C05, s0;
	[sflag:s25] =	ssyncadd.s32 $0xFFFF8000  }
.Ltmp1:
0xda: {  	s20 =	sshrl.u32 s5, $0x3;
	[bflag:$0x0] =	sbarrier.arrive $0xFFFF;
	(pc) =	sbr.rel @p0 .LBB2_1-.Ltmp1, $4  }
0xdb: {  	[hbm:s24], [sflag:s0] =	dma.local [spmem:s20], $0x1400  }
0xdc: {  	_ =	swait.ge [sflag:s14], $0x1400  }
0xdd: {  	[sflag:s14] =	ssyncset.done $0x0  }
0xde: {  	[sflag:s14] =	ssyncadd.s32 $0xFFFFEC00  }
0xdf: {  	_ =	sfence.sel $0x180000  }
0xe0: {  	[bflag:$0x0] =	sbarrier.arrive $0xFFFF  }
0xe1: {  	_ =	strace $0x9000004D  }
0xe2: {  	s0 =	stileid.u32;
	[bflag:$0x2] =	sbarrier.arrive $0xFFFF  }
0xe3: {  	p0 =	sne.s32 s0, $0x0;
	s0 =	rddreg [dreg:$0x2]  }
0xe4: {  	s0 =	sadd.s32 @!p0 $0x100000, s0  }
0xe5: {  	[sflag:s0] =	ssyncadd.tile.s32 @!p0 $0x1;
	_ =	shalt  }
.Lfunc_end2:
_tile_overlayer_lowered:
.L_overlay_start_2:
0xe6: {  	(tag) =	ssettag $0x2  }
0xe7: {  	s0 =	rddreg [dreg:$0x0];
	s2 =	stileid.u32  }
0xe8: {  	s1 =	rddreg [dreg:$0x1];
	p0 =	sne.s32 s2, $0x0  }
0xe9: {  	s3 =	rddreg [dreg:$0x2];
	[bflag:$0x3] =	sbarrier.arrive $0xFFFF;
	s2 =	simm.s32 @!p0 $0x1C05  }
0xea: {  	[timem:s3], [sflag:s2] =	dma.local @!p0 [hbm:s0], s1  }
0xeb: {  	s0 =	simm.s32 @!p0 $0x5  }
0xec: {  	_ =	swait.ge @!p0 [sflag:s0], s1  }
0xed: {  	s1 =	ssub.s32 @!p0 $0x0, s1;
	[sflag:s0] =	ssyncset.done @!p0 $0x0  }
0xee: {  	[sflag:s0] =	ssyncadd.s32 @!p0 s1  }
0xef: {  	[bflag:$0x3] =	sbarrier.arrive $0xFFFF  }
0xf0: {  	_ =	shalt  }

// kernel: kernel.9.cloned.1.call-start
scs
__scs_entry_jumppad:
0x0: {  	(pc) =	sbr.rel $0x88, $3  }
0x1: {  	(tag) =	ssettag $0x0;
	lr =	simm.s32 $0x1  }
0x2: {  	[smem:$0x3F9B] =	sst lr;
	_ =	strace $0xD0000000  }
0x3: {  	_ = 	snop  }
0x4: {  	_ = 	snop  }
0x5: {  	_ = 	snop  }
0x6: {  	_ = 	snop  }
0x7: {  	_ = 	snop  }
__scs_overlays_trampoline_lowered:
0x8: {  	[smem:$0x3FAA] =	sst s0  }
0x9: {  	[smem:$0x3FAB] =	sst s1  }
0xa: {  	[smem:$0x3FAC] =	sst s2  }
0xb: {  	[smem:$0x3FAD] =	sst s3  }
0xc: {  	[smem:$0x3FAE] =	sst s4  }
0xd: {  	[smem:$0x3FAF] =	sst s5  }
0xe: {  	[smem:$0x3FB0] =	sst s6  }
0xf: {  	[smem:$0x3FB1] =	sst s7  }
0x10: {  	[smem:$0x3FB2] =	sst s8  }
0x11: {  	[smem:$0x3FB3] =	sst s9;
	s0 =	simm.s32 @!p0 $0x0  }
0x12: {  	s1 =	sld [smem:$0x3F99];
	s0 =	simm.s32 @p0 $0x1  }
0x13: {  	[smem:$0x3FB4] =	sst s0;
	s0 =	simm.s32 @!p1 $0x0  }
0x14: {  	s2 =	sld [smem:$0x3F98];
	s0 =	simm.s32 @p1 $0x1  }
0x15: {  	[smem:$0x3FB5] =	sst s0;
	s0 =	simm.s32 @!p2 $0x0  }
0x16: {  	s3 =	sld [smem:$0x3FDB];
	s0 =	simm.s32 @p2 $0x1  }
0x17: {  	s4 =	simm.s32 $0x1BF5;
	[smem:$0x3FB7] =	sst s0  }
0x18: {  	s0 =	sld [smem:$0x3F9A];
	_ =	swait.ge [sflag:s4], $0x0  }
0x19: {  	s7 =	sld [smem:$0x3F9B]  }
0x1a: {  	s8 =	sadd.s32 $0xFFFFE003, lr  }
0x1b: {  	s9 =	sadd.s32 $0xFFFFFEF7, lr;
	s5 =	simm.s32 $0xFFFFFFFF;
	p2 =	slt.u32 s8, $0xFFFFF086  }
0x1c: {  	p1 =	slt.u32 s9, $0xF7A;
	s5 =	simm.s32 @!p2 $0x0  }
0x1d: {  	s5 =	simm.s32 @p1 $0x1;
	p0 =	seq.s32 s7, s2  }
0x1e: {  	s7 =	smul.u32 @!p0 $0xF7A, s2;
	p2 =	seq.s32 @!p0 s5, $0x0  }
0x1f: {  	s9 =	smul.u32 $0xF7A, s1;
	s8 =	simm.s32 @!p0 $0x1BF5;
	p2 =	por !p2, p0  }
0x20: {  	[sflag:s8] =	ssyncset.s32 @!p0 $0xFFFFF086;
	s6 =	sadd.s32 @!p0 s3, s7;
	s7 =	simm.s32 @!p0 $0x108  }
0x21: {  	s3 =	sadd.s32 s3, s9;
	s6 =	sadd.s32 @!p0 $0x88, s6;
	s7 =	simm.s32 @p2 $0x1082  }
0x22: {  	[simem:s7], [sflag:s8] =	dma.local @!p0 [hbm:s6], $0xF7A  }
0x23: {  	s9 =	sor.u32 $0xD0000000, s2;
	s6 =	simm.s32 $0x108;
	_ =	swait.ge @!p0 [sflag:s8], $0x0  }
0x24: {  	s3 =	sadd.s32 $0x88, s3;
	s6 =	simm.s32 @!p1 $0x1082;
	[sflag:s4] =	ssyncset.s32 $0xFFFFF086  }
0x25: {  	[simem:s6], [sflag:s4] =	dma.local [hbm:s3], $0xF7A  }
0x26: {  	[smem:$0x3F9B] =	sst s1;
	(tag) =	ssettag s2;
	_ =	strace s9  }
0x27: {  	s1 =	sld [smem:$0x3FAB]  }
0x28: {  	s2 =	sld [smem:$0x3FAC]  }
0x29: {  	s4 =	sld [smem:$0x3FAE]  }
0x2a: {  	p0 =	seq.s32 s5, $0x0;
	s5 =	sld [smem:$0x3FAF]  }
0x2b: {  	s6 =	sld [smem:$0x3FB0]  }
0x2c: {  	s7 =	sld [smem:$0x3FB1]  }
0x2d: {  	s3 =	simm.s32 $0x108;
	s8 =	sld [smem:$0x3FB2]  }
0x2e: {  	s3 =	simm.s32 @!p0 $0x1082;
	s9 =	sld [smem:$0x3FB3]  }
0x2f: {  	lr =	sadd.s32 s0, s3;
	s0 =	sld [smem:$0x3FAA]  }
0x30: {  	s3 =	sld [smem:$0x3FAD]  }
0x31: {  	[smem:$0x3FB6] =	sst s10  }
0x32: {  	s10 =	sld [smem:$0x3FB4];
	_ =	sdelay $0x3  }
0x33: {  	p0 =	seq.s32 s10, $0x1;
	s10 =	sld [smem:$0x3FB6];
	_ =	sdelay $0x3  }
0x34: {  	[smem:$0x3FB6] =	sst s10  }
0x35: {  	s10 =	sld [smem:$0x3FB5];
	_ =	sdelay $0x3  }
0x36: {  	p1 =	seq.s32 s10, $0x1;
	s10 =	sld [smem:$0x3FB6];
	_ =	sdelay $0x3  }
0x37: {  	[smem:$0x3FB6] =	sst s10  }
0x38: {  	s10 =	sld [smem:$0x3FB7]  }
0x39: {  	_ = 	snop;
	(pc) =	sbr.ind lr, $3  }
0x3a: {  	_ = 	snop  }
0x3b: {  	_ = 	snop  }
0x3c: {  	p2 =	seq.s32 s10, $0x1;
	s10 =	sld [smem:$0x3FB6]  }
0x3d: {  	_ =	shalt  }
0x3e: {  	_ =	shalt  }
0x3f: {  	_ =	shalt  }
0x40: {  	_ =	shalt  }
0x41: {  	_ =	shalt  }
0x42: {  	_ =	shalt  }
0x43: {  	_ =	shalt  }
0x44: {  	_ =	shalt  }
0x45: {  	_ =	shalt  }
0x46: {  	_ =	shalt  }
0x47: {  	_ =	shalt  }
0x48: {  	_ =	shalt  }
0x49: {  	_ =	shalt  }
0x4a: {  	_ =	shalt  }
0x4b: {  	_ =	shalt  }
0x4c: {  	_ =	shalt  }
0x4d: {  	_ =	shalt  }
0x4e: {  	_ =	shalt  }
0x4f: {  	_ =	shalt  }
0x50: {  	_ =	shalt  }
0x51: {  	_ =	shalt  }
0x52: {  	_ =	shalt  }
0x53: {  	_ =	shalt  }
0x54: {  	_ =	shalt  }
0x55: {  	_ =	shalt  }
0x56: {  	_ =	shalt  }
0x57: {  	_ =	shalt  }
0x58: {  	_ =	shalt  }
0x59: {  	_ =	shalt  }
0x5a: {  	_ =	shalt  }
0x5b: {  	_ =	shalt  }
0x5c: {  	_ =	shalt  }
0x5d: {  	_ =	shalt  }
0x5e: {  	_ =	shalt  }
0x5f: {  	_ =	shalt  }
0x60: {  	_ =	shalt  }
0x61: {  	_ =	shalt  }
0x62: {  	_ =	shalt  }
0x63: {  	_ =	shalt  }
0x64: {  	_ =	shalt  }
0x65: {  	_ =	shalt  }
0x66: {  	_ =	shalt  }
0x67: {  	_ =	shalt  }
0x68: {  	_ =	shalt  }
0x69: {  	_ =	shalt  }
0x6a: {  	_ =	shalt  }
0x6b: {  	_ =	shalt  }
0x6c: {  	_ =	shalt  }
0x6d: {  	_ =	shalt  }
0x6e: {  	_ =	shalt  }
0x6f: {  	_ =	shalt  }
0x70: {  	_ =	shalt  }
0x71: {  	_ =	shalt  }
0x72: {  	_ =	shalt  }
0x73: {  	_ =	shalt  }
0x74: {  	_ =	shalt  }
0x75: {  	_ =	shalt  }
0x76: {  	_ =	shalt  }
0x77: {  	_ =	shalt  }
0x78: {  	_ =	shalt  }
0x79: {  	_ =	shalt  }
0x7a: {  	_ =	shalt  }
0x7b: {  	_ =	shalt  }
0x7c: {  	_ =	shalt  }
0x7d: {  	_ =	shalt  }
0x7e: {  	_ =	shalt  }
0x7f: {  	_ =	shalt  }
0x80: {  	_ =	shalt  }
0x81: {  	_ =	shalt  }
0x82: {  	_ =	shalt  }
0x83: {  	_ =	shalt  }
0x84: {  	_ =	shalt  }
0x85: {  	_ =	shalt  }
0x86: {  	_ =	shalt  }
0x87: {  	_ =	shalt  }
.Lfunc_end0:
.L_simem_size_0:
called_computation_lowered:
.L_overlay_start_0:
0x88: {  	s2 =	sld [smem:$0x3FD9]  }
0x89: {  	s3 =	sld [smem:$0x3FFE];
	_ =	sdelay $0x1  }
0x8a: {  	s1 =	srdreg.scid  }
0x8b: {  	s0 =	sand.u32 $0x1, s1  }
0x8c: {  	s16 =	sshll.u32 s0, $0xA;
	s2 =	sadd.s32 s3, s2  }
0x8d: {  	s2 =	sadd.s32 s2, s16  }
0x8e: {  	[smem:$0x3FC2] =	sst s2  }
0x8f: {  	_ = 	snop  }
0x90: {  	(tm) =	ssettm $0x1  }
0x91: {  	s17 =	sld [smem:$0x3FFB];
	_ =	sdelay $0x3  }
0x92: {  	_ =	strace s17  }
0x93: {  	s2 =	sld [smem:$0x3FFC];
	_ =	sdelay $0x3  }
0x94: {  	_ =	strace s2  }
0x95: {  	s2 =	sld [smem:$0x3FFD];
	_ =	sdelay $0x3  }
0x96: {  	_ =	strace s2  }
0x97: {  	_ =	strace $0x8FFFFFFF  }
0x98: {  	s18 =	sld [smem:$0x3FDB];
	_ =	sdelay $0x1  }
0x99: {  	s19 =	simm.s32 $_scs_section_size  }
0x9a: {  	s4 =	simm.s32 $_size__tile_overlayer_lowered;
	s5 =	simm.s32 $_tile_overlayer_lowered  }
0x9b: {  	s22 =	simm.s32 $0x1BFF;
	s21 =	sshll.u32 s5, $0x1;
	s2 =	sadd.s32 s19, s18  }
0x9c: {  	s6 =	simm.s32 $0x0;
	s20 =	sshll.u32 s4, $0x1;
	s4 =	sadd.s32 s21, s2  }
0x9d: {  	[timem:s6], [sflag:s22] =	dma.local [hbm:s4], s20  }
0x9e: {  	_ =	swait.ge [sflag:s22], s20  }
0x9f: {  	s3 =	ssub.s32 $0x0, s20;
	[sflag:s22] =	ssyncset.done $0x0  }
0xa0: {  	[sflag:s22] =	ssyncadd.s32 s3;
	_ =	sdelay $0x1  }
0xa1: {  	s23 =	simm.s32 $0x1B8B  }
0xa2: {  	_ =	swait.ge [sflag:s23], $0x1  }
0xa3: {  	[sflag:s23] =	ssyncset.done $0x0  }
0xa4: {  	s25 =	simm.s32 $0x1B8E;
	s24 =	sld [smem:$0x3FFE];
	[sflag:s23] =	ssyncadd.s32 $0xFFFFFFFF  }
0xa5: {  	s26 =	simm.s32 $execute0_lowered;
	[smem:$0x3FD2] =	sst s25  }
0xa6: {  	s4 =	sshll.u32 s26, $0x1;
	_ =	strace $0x80000046;
	[dreg:$0x1] =	wrdreg $0xFFFFFFFF  }
0xa7: {  	s28 =	simm.s32 $_size_execute0_lowered;
	s2 =	sadd.s32 s2, s4;
	[dreg:$0x0] =	wrdreg $0x0  }
0xa8: {  	s4 =	sshll.u32 s28, $0x1;
	[dreg:$0x2] =	wrdreg s2  }
0xa9: {  	[dreg:$0x3] =	wrdreg s4  }
0xaa: {  	[dreg:$0x4] =	wrdreg $0xC0  }
0xab: {  	_ =	task [dreg:s6], $0x5FFFF  }
0xac: {  	[dreg:$0x1] =	wrdreg $0xFFFFFFFF  }
0xad: {  	[dreg:$0x0] =	wrdreg $0x60  }
0xae: {  	[dreg:$0x2] =	wrdreg s24  }
0xaf: {  	[dreg:$0x3] =	wrdreg $0x150000  }
0xb0: {  	[dreg:$0x4] =	wrdreg $0x9  }
0xb1: {  	_ =	task.clear_ibuf [dreg:s6], $0x5FFFF;
	_ =	strace $0x90000046  }
0xb2: {  	s29 =	simm.s32 $0x9;
	_ =	strace $0x80000048  }
0xb3: {  	_ =	swait.ge [sflag:s29], $0x1  }
0xb4: {  	[sflag:s29] =	ssyncadd.s32 $0xFFFFFFFF  }
0xb5: {  	_ =	strace $0x90000048  }
0xb6: {  	_ =	sfence  }
0xb7: {  	s30 =	sld [smem:$0x0];
	_ =	sdelay $0x2  }
0xb8: {  	s31 =	sshll.u32 s1, $0xD;
	s1 =	sshrl.u32 s1, $0x2  }
0xb9: {  	s3 =	sand.u32 $0x4000, s31;
	s1 =	sadd.s32 s1, s30  }
0xba: {  	s0 =	sor.u32 s3, s0;
	s1 =	sshll.u32 s1, $0x11  }
0xbb: {  	s0 =	sor.u32 s1, s0  }
0xbc: {  	s0 =	sadd.s32 $0x8F2B, s0  }
0xbd: {  	[sflag:s0] =	ssyncadd.remote.s32 $0x1  }
0xbe: {  	_ =	sfence.sel $0xFFFF  }
0xbf: {  	[dreg:$0x0] =	wrdreg $0xFFFFFFFF;
	(pc) =	sbr.abs _section_cstart, $3  }
0xc0: {  	[dreg:$0x1] =	wrdreg $0xFFFFFFFF  }
0xc1: {  	_ =	task.clear_ibuf [dreg:s6], $0x2FFFF;
	_ =	strace $0x9FFFFFFF  }
0xc2: {  	(tm) =	ssettm $0x7FFFFFFF  }
0xc3: {  	_ =	shalt  }
tec
execute0_lowered:
.L_overlay_start_1:
0x0: {  	(tag) =	ssettag $0x1  }
0x1: {  	s0 =	srdreg.scid;
	s1 =	rddreg [dreg:$0x0]  }
0x2: {  	s8 =	stileid.u32;
	s2 =	rddreg [dreg:$0x1]  }
0x3: {  	s13 =	simm.s32 $0x5000;
	s14 =	simm.s32 $0x5;
	s15 =	simm.s32 $0x2800  }
0x4: {  	s16 =	simm.s32 $0x200;
	s17 =	simm.s32 $0x1;
	s18 =	simm.s32 $0xD000  }
0x5: {  	s19 =	simm.s32 $0x2;
	s21 =	simm.s32 $0x3;
	s22 =	simm.s32 $0x2200  }
0x6: {  	s23 =	simm.s32 $0x4A00;
	s28 =	simm.s32 $0x4C00;
	s29 =	simm.s32 $0x2600  }
0x7: {  	s30 =	simm.s32 $0x4E00;
	s0 =	sand.u32 $0x1, s0;
	s7 =	smul.u32 $0x28000, s8  }
0x8: {  	s31 =	simm.s32 $0x0;
	s12 =	smul.u32 $0xA000, s8;
	s3 =	sshll.u32 s0, $0x4  }
0x9: {  	s6 =	smul.u32 $0x14000, s0;
	s0 =	ssub.s32 $0x2, s0;
	s4 =	sor.u32 s8, s3  }
0xa: {  	s3 =	simm.s32 $0x0;
	s25 =	sshrl.u32 s0, $0x1;
	s26 =	sshrl.u32 s7, $0x2  }
0xb: {  	s20 =	sshrl.u32 s12, $0x3;
	s5 =	smul.u32 $0x500, s4;
	[smem:$0x7FF] =	sst s3  }
0xc: {  	s4 =	sadd.s32 $0x2000, s1;
	s0 =	ssub.s32 s0, s25;
	s9 =	sadd.s32 s26, s2  }
0xd: {  	s25 =	simm.s32 $0x4;
	s26 =	simm.s32 $0x2400;
	_ =	strace $0x80000047  }
0xe: {  	s7 =	sadd.s32 $0x4000, s9;
	s8 =	sadd.s32 $0x6000, s9;
	s11 =	sadd.s32 s5, s1  }
0xf: {  	s1 =	sadd.s32 s6, s1;
	s5 =	sadd.s32 s12, s2;
	s6 =	sadd.s32 $0x2000, s9  }
0x10: {  	s9 =	sadd.s32 $0x8000, s9;
	s12 =	smax.u32 s0, $0x1;
	s1 =	sadd.s32 $0x2A000, s1  }
0x11: {  	v0 =	vimm.f32 $0.0e+00;
	s10 =	sadd.s32 $0x16000, s11;
	s11 =	sadd.s32 $0x20000, s11;
	s24 =	sadd.s32 s20, s1  }
.LBB2_1:
0x12: {  	s0 =	simm.s32 $0x100;
	s1 =	simm.s32 $0x0  }
.LBB2_2:
0x13: {  	p0 =	sne.s32 s0, $0x7F00;
	[tilespmem:s1+$0x5030] =	vst v0;
	s20 =	smov.u32 s0;
	s0 =	sadd.s32 $0x100, s0  }
.Ltmp0:
0x14: {  	[tilespmem:s1+$0x5020] =	vst v0;
	(pc) =	sbr.rel @p0 .LBB2_2-.Ltmp0, $3  }
0x15: {  	[tilespmem:s1+$0x5000] =	vst v0  }
0x16: {  	[tilespmem:s1+$0x5010] =	vst v0;
	_ =	sdelay $0x1  }
0x17: {  	s1 =	sshra.s32 s20, $0x2  }
0x18: {  	[tilespmem:s1+$0x5030] =	vst v0  }
0x19: {  	[tilespmem:s1+$0x5020] =	vst v0  }
0x1a: {  	[tilespmem:s1+$0x5000] =	vst v0  }
0x1b: {  	[tilespmem:s1+$0x5010] =	vst v0  }
0x1c: {  	[spmem:s5] =	stream.linear.scatter [tilespmem:s13], [sflag:$0x5], $0x2000, $0x38;
	[tilespmem:$0x1F000] =	vst v63  }
0x1d: {  	_ =	swait.ge [sflag:s14], $0x2000  }
0x1e: {  	[sflag:s14] =	ssyncset.done $0x0  }
0x1f: {  	[sflag:s14] =	ssyncadd.s32 $0xFFFFE000  }
0x20: {  	[spmem:s6] =	stream.linear.scatter [tilespmem:s13], [sflag:$0x5], $0x2000, $0x38;
	[tilespmem:$0x1F000] =	vst v63  }
0x21: {  	_ =	swait.ge [sflag:s14], $0x2000  }
0x22: {  	[sflag:s14] =	ssyncset.done $0x0  }
0x23: {  	[sflag:s14] =	ssyncadd.s32 $0xFFFFE000  }
0x24: {  	[spmem:s7] =	stream.linear.scatter [tilespmem:s13], [sflag:$0x5], $0x2000, $0x38;
	[tilespmem:$0x1F000] =	vst v63  }
0x25: {  	_ =	swait.ge [sflag:s14], $0x2000  }
0x26: {  	[sflag:s14] =	ssyncset.done $0x0  }
0x27: {  	[sflag:s14] =	ssyncadd.s32 $0xFFFFE000  }
0x28: {  	[spmem:s8] =	stream.linear.scatter [tilespmem:s13], [sflag:$0x5], $0x2000, $0x38;
	[tilespmem:$0x1F000] =	vst v63  }
0x29: {  	_ =	swait.ge [sflag:s14], $0x2000  }
0x2a: {  	[sflag:s14] =	ssyncset.done $0x0  }
0x2b: {  	[sflag:s14] =	ssyncadd.s32 $0xFFFFE000  }
0x2c: {  	[spmem:s9] =	stream.linear.scatter [tilespmem:s13], [sflag:$0x5], $0x2000, $0x38;
	[tilespmem:$0x1F000] =	vst v63  }
0x2d: {  	_ =	swait.ge [sflag:s14], $0x2000  }
0x2e: {  	[sflag:s14] =	ssyncset.done $0x0  }
0x2f: {  	[sflag:s14] =	ssyncadd.s32 $0xFFFFE000  }
0x30: {  	[bflag:$0x0] =	sbarrier.arrive $0xFFFF  }
0x31: {  	[tilespmem:s3], [sflag:$0x5] =	stream.linear.gather [hbm4b:s10+s3], $0x2800, $0x38;
	[tilespmem:$0x1F000] =	vst v63  }
0x32: {  	_ =	swait.ge [sflag:s14], $0x2800  }
0x33: {  	[sflag:s14] =	ssyncset.done $0x0  }
0x34: {  	[sflag:s14] =	ssyncadd.s32 $0xFFFFD800  }
0x35: {  	[tilespmem:s15], [sflag:$0x5] =	stream.linear.gather [hbm4b:s11+s3], $0x2800, $0x38;
	[tilespmem:$0x1F000] =	vst v63  }
0x36: {  	_ =	swait.ge [sflag:s14], $0x2800  }
0x37: {  	[sflag:s14] =	ssyncset.done $0x0  }
0x38: {  	[sflag:s14] =	ssyncadd.s32 $0xFFFFD800  }
0x39: {  	[tilespmem:s13], [sflag:$0x1] =	stream.indirect.gather [hbm4b:s4+s16], $0x40, s3, s16, $0xb8;
	[tilespmem:$0x1F000] =	vst v63  }
0x3a: {  	_ =	swait.ge [sflag:s17], $0x8000  }
0x3b: {  	[sflag:s17] =	ssyncset.done $0x0  }
0x3c: {  	[sflag:s17] =	ssyncadd.s32 $0xFFFF8000  }
0x3d: {  	[spmem:s2] =	stream.indirect.scatter.add.f32 [tilespmem:s13], [sflag:$0x3], $0x40, s15, s16, $0xb8;
	[tilespmem:$0x1F000] =	vst v63  }
0x3e: {  	_ = 	snop  }
0x3f: {  	[tilespmem:s18], [sflag:$0x2] =	stream.indirect.gather [hbm4b:s4+s16], $0x40, s16, s16, $0xb8;
	[tilespmem:$0x1F000] =	vst v63  }
0x40: {  	_ =	swait.ge [sflag:s19], $0x8000  }
0x41: {  	[sflag:s19] =	ssyncset.done $0x0  }
0x42: {  	s0 =	simm.s32 $0x2A00;
	[sflag:s19] =	ssyncadd.s32 $0xFFFF8000  }
0x43: {  	[spmem:s2] =	stream.indirect.scatter.add.f32 [tilespmem:s18], [sflag:$0x4], $0x40, s0, s16, $0xb8;
	[tilespmem:$0x1F000] =	vst v63  }
0x44: {  	_ =	swait.ge [sflag:s21], $0x8000  }
0x45: {  	[sflag:s21] =	ssyncset.done $0x0  }
0x46: {  	s1 =	simm.s32 $0x400;
	[sflag:s21] =	ssyncadd.s32 $0xFFFF8000  }
0x47: {  	[tilespmem:s13], [sflag:$0x1] =	stream.indirect.gather [hbm4b:s4+s16], $0x40, s1, s16, $0xb8;
	[tilespmem:$0x1F000] =	vst v63  }
0x48: {  	_ =	swait.ge [sflag:s17], $0x8000  }
0x49: {  	[sflag:s17] =	ssyncset.done $0x0  }
0x4a: {  	s20 =	simm.s32 $0x2C00;
	[sflag:s17] =	ssyncadd.s32 $0xFFFF8000  }
0x4b: {  	[spmem:s2] =	stream.indirect.scatter.add.f32 [tilespmem:s13], [sflag:$0x3], $0x40, s20, s16, $0xb8;
	[tilespmem:$0x1F000] =	vst v63  }
0x4c: {  	_ =	swait.ge [sflag:s25], $0x8000  }
0x4d: {  	[sflag:s25] =	ssyncset.done $0x0  }
0x4e: {  	s1 =	simm.s32 $0x600;
	[sflag:s25] =	ssyncadd.s32 $0xFFFF8000  }
0x4f: {  	[tilespmem:s18], [sflag:$0x2] =	stream.indirect.gather [hbm4b:s4+s16], $0x40, s1, s16, $0xb8;
	[tilespmem:$0x1F000] =	vst v63  }
0x50: {  	_ =	swait.ge [sflag:s19], $0x8000  }
0x51: {  	[sflag:s19] =	ssyncset.done $0x0  }
0x52: {  	s20 =	simm.s32 $0x2E00;
	[sflag:s19] =	ssyncadd.s32 $0xFFFF8000  }
0x53: {  	[spmem:s2] =	stream.indirect.scatter.add.f32 [tilespmem:s18], [sflag:$0x4], $0x40, s20, s16, $0xb8;
	[tilespmem:$0x1F000] =	vst v63  }
0x54: {  	_ =	swait.ge [sflag:s21], $0x8000  }
0x55: {  	[sflag:s21] =	ssyncset.done $0x0  }
0x56: {  	s1 =	simm.s32 $0x800;
	[sflag:s21] =	ssyncadd.s32 $0xFFFF8000  }
0x57: {  	[tilespmem:s13], [sflag:$0x1] =	stream.indirect.gather [hbm4b:s4+s16], $0x40, s1, s16, $0xb8;
	[tilespmem:$0x1F000] =	vst v63  }
0x58: {  	_ =	swait.ge [sflag:s17], $0x8000  }
0x59: {  	[sflag:s17] =	ssyncset.done $0x0  }
0x5a: {  	s20 =	simm.s32 $0x3000;
	[sflag:s17] =	ssyncadd.s32 $0xFFFF8000  }
0x5b: {  	[spmem:s2] =	stream.indirect.scatter.add.f32 [tilespmem:s13], [sflag:$0x3], $0x40, s20, s16, $0xb8;
	[tilespmem:$0x1F000] =	vst v63  }
0x5c: {  	_ =	swait.ge [sflag:s25], $0x8000  }
0x5d: {  	[sflag:s25] =	ssyncset.done $0x0  }
0x5e: {  	s1 =	simm.s32 $0xA00;
	[sflag:s25] =	ssyncadd.s32 $0xFFFF8000  }
0x5f: {  	[tilespmem:s18], [sflag:$0x2] =	stream.indirect.gather [hbm4b:s4+s16], $0x40, s1, s16, $0xb8;
	[tilespmem:$0x1F000] =	vst v63  }
0x60: {  	_ =	swait.ge [sflag:s19], $0x8000  }
0x61: {  	[sflag:s19] =	ssyncset.done $0x0  }
0x62: {  	s20 =	simm.s32 $0x3200;
	[sflag:s19] =	ssyncadd.s32 $0xFFFF8000  }
0x63: {  	[spmem:s2] =	stream.indirect.scatter.add.f32 [tilespmem:s18], [sflag:$0x4], $0x40, s20, s16, $0xb8;
	[tilespmem:$0x1F000] =	vst v63  }
0x64: {  	_ =	swait.ge [sflag:s21], $0x8000  }
0x65: {  	[sflag:s21] =	ssyncset.done $0x0  }
0x66: {  	s1 =	simm.s32 $0xC00;
	[sflag:s21] =	ssyncadd.s32 $0xFFFF8000  }
0x67: {  	[tilespmem:s13], [sflag:$0x1] =	stream.indirect.gather [hbm4b:s4+s16], $0x40, s1, s16, $0xb8;
	[tilespmem:$0x1F000] =	vst v63  }
0x68: {  	_ =	swait.ge [sflag:s17], $0x8000  }
0x69: {  	[sflag:s17] =	ssyncset.done $0x0  }
0x6a: {  	s20 =	simm.s32 $0x3400;
	[sflag:s17] =	ssyncadd.s32 $0xFFFF8000  }
0x6b: {  	[spmem:s2] =	stream.indirect.scatter.add.f32 [tilespmem:s13], [sflag:$0x3], $0x40, s20, s16, $0xb8;
	[tilespmem:$0x1F000] =	vst v63  }
0x6c: {  	_ =	swait.ge [sflag:s25], $0x8000  }
0x6d: {  	[sflag:s25] =	ssyncset.done $0x0  }
0x6e: {  	s1 =	simm.s32 $0xE00;
	[sflag:s25] =	ssyncadd.s32 $0xFFFF8000  }
0x6f: {  	[tilespmem:s18], [sflag:$0x2] =	stream.indirect.gather [hbm4b:s4+s16], $0x40, s1, s16, $0xb8;
	[tilespmem:$0x1F000] =	vst v63  }
0x70: {  	_ =	swait.ge [sflag:s19], $0x8000  }
0x71: {  	[sflag:s19] =	ssyncset.done $0x0  }
0x72: {  	s20 =	simm.s32 $0x3600;
	[sflag:s19] =	ssyncadd.s32 $0xFFFF8000  }
0x73: {  	[spmem:s2] =	stream.indirect.scatter.add.f32 [tilespmem:s18], [sflag:$0x4], $0x40, s20, s16, $0xb8;
	[tilespmem:$0x1F000] =	vst v63  }
0x74: {  	_ =	swait.ge [sflag:s21], $0x8000  }
0x75: {  	[sflag:s21] =	ssyncset.done $0x0  }
0x76: {  	s1 =	simm.s32 $0x1000;
	[sflag:s21] =	ssyncadd.s32 $0xFFFF8000  }
0x77: {  	[tilespmem:s13], [sflag:$0x1] =	stream.indirect.gather [hbm4b:s4+s16], $0x40, s1, s16, $0xb8;
	[tilespmem:$0x1F000] =	vst v63  }
0x78: {  	_ =	swait.ge [sflag:s17], $0x8000  }
0x79: {  	[sflag:s17] =	ssyncset.done $0x0  }
0x7a: {  	s20 =	simm.s32 $0x3800;
	[sflag:s17] =	ssyncadd.s32 $0xFFFF8000  }
0x7b: {  	[spmem:s2] =	stream.indirect.scatter.add.f32 [tilespmem:s13], [sflag:$0x3], $0x40, s20, s16, $0xb8;
	[tilespmem:$0x1F000] =	vst v63  }
0x7c: {  	_ =	swait.ge [sflag:s25], $0x8000  }
0x7d: {  	[sflag:s25] =	ssyncset.done $0x0  }
0x7e: {  	s1 =	simm.s32 $0x1200;
	[sflag:s25] =	ssyncadd.s32 $0xFFFF8000  }
0x7f: {  	[tilespmem:s18], [sflag:$0x2] =	stream.indirect.gather [hbm4b:s4+s16], $0x40, s1, s16, $0xb8;
	[tilespmem:$0x1F000] =	vst v63  }
0x80: {  	_ =	swait.ge [sflag:s19], $0x8000  }
0x81: {  	[sflag:s19] =	ssyncset.done $0x0  }
0x82: {  	s20 =	simm.s32 $0x3A00;
	[sflag:s19] =	ssyncadd.s32 $0xFFFF8000  }
0x83: {  	[spmem:s2] =	stream.indirect.scatter.add.f32 [tilespmem:s18], [sflag:$0x4], $0x40, s20, s16, $0xb8;
	[tilespmem:$0x1F000] =	vst v63  }
0x84: {  	_ =	swait.ge [sflag:s21], $0x8000  }
0x85: {  	[sflag:s21] =	ssyncset.done $0x0  }
0x86: {  	s1 =	simm.s32 $0x1400;
	[sflag:s21] =	ssyncadd.s32 $0xFFFF8000  }
0x87: {  	[tilespmem:s13], [sflag:$0x1] =	stream.indirect.gather [hbm4b:s4+s16], $0x40, s1, s16, $0xb8;
	[tilespmem:$0x1F000] =	vst v63  }
0x88: {  	_ =	swait.ge [sflag:s17], $0x8000  }
0x89: {  	[sflag:s17] =	ssyncset.done $0x0  }
0x8a: {  	s20 =	simm.s32 $0x3C00;
	[sflag:s17] =	ssyncadd.s32 $0xFFFF8000  }
0x8b: {  	[spmem:s2] =	stream.indirect.scatter.add.f32 [tilespmem:s13], [sflag:$0x3], $0x40, s20, s16, $0xb8;
	[tilespmem:$0x1F000] =	vst v63  }
0x8c: {  	_ =	swait.ge [sflag:s25], $0x8000  }
0x8d: {  	[sflag:s25] =	ssyncset.done $0x0  }
0x8e: {  	s1 =	simm.s32 $0x1600;
	[sflag:s25] =	ssyncadd.s32 $0xFFFF8000  }
0x8f: {  	[tilespmem:s18], [sflag:$0x2] =	stream.indirect.gather [hbm4b:s4+s16], $0x40, s1, s16, $0xb8;
	[tilespmem:$0x1F000] =	vst v63  }
0x90: {  	_ =	swait.ge [sflag:s19], $0x8000  }
0x91: {  	[sflag:s19] =	ssyncset.done $0x0  }
0x92: {  	s20 =	simm.s32 $0x3E00;
	[sflag:s19] =	ssyncadd.s32 $0xFFFF8000  }
0x93: {  	[spmem:s2] =	stream.indirect.scatter.add.f32 [tilespmem:s18], [sflag:$0x4], $0x40, s20, s16, $0xb8;
	[tilespmem:$0x1F000] =	vst v63  }
0x94: {  	_ =	swait.ge [sflag:s21], $0x8000  }
0x95: {  	[sflag:s21] =	ssyncset.done $0x0  }
0x96: {  	s1 =	simm.s32 $0x1800;
	[sflag:s21] =	ssyncadd.s32 $0xFFFF8000  }
0x97: {  	[tilespmem:s13], [sflag:$0x1] =	stream.indirect.gather [hbm4b:s4+s16], $0x40, s1, s16, $0xb8;
	[tilespmem:$0x1F000] =	vst v63  }
0x98: {  	_ =	swait.ge [sflag:s17], $0x8000  }
0x99: {  	[sflag:s17] =	ssyncset.done $0x0  }
0x9a: {  	s20 =	simm.s32 $0x4000;
	[sflag:s17] =	ssyncadd.s32 $0xFFFF8000  }
0x9b: {  	[spmem:s2] =	stream.indirect.scatter.add.f32 [tilespmem:s13], [sflag:$0x3], $0x40, s20, s16, $0xb8;
	[tilespmem:$0x1F000] =	vst v63  }
0x9c: {  	_ =	swait.ge [sflag:s25], $0x8000  }
0x9d: {  	[sflag:s25] =	ssyncset.done $0x0  }
0x9e: {  	s1 =	simm.s32 $0x1A00;
	[sflag:s25] =	ssyncadd.s32 $0xFFFF8000  }
0x9f: {  	[tilespmem:s18], [sflag:$0x2] =	stream.indirect.gather [hbm4b:s4+s16], $0x40, s1, s16, $0xb8;
	[tilespmem:$0x1F000] =	vst v63  }
0xa0: {  	_ =	swait.ge [sflag:s19], $0x8000  }
0xa1: {  	[sflag:s19] =	ssyncset.done $0x0  }
0xa2: {  	s20 =	simm.s32 $0x4200;
	[sflag:s19] =	ssyncadd.s32 $0xFFFF8000  }
0xa3: {  	[spmem:s2] =	stream.indirect.scatter.add.f32 [tilespmem:s18], [sflag:$0x4], $0x40, s20, s16, $0xb8;
	[tilespmem:$0x1F000] =	vst v63  }
0xa4: {  	_ =	swait.ge [sflag:s21], $0x8000  }
0xa5: {  	[sflag:s21] =	ssyncset.done $0x0  }
0xa6: {  	s1 =	simm.s32 $0x1C00;
	[sflag:s21] =	ssyncadd.s32 $0xFFFF8000  }
0xa7: {  	[tilespmem:s13], [sflag:$0x1] =	stream.indirect.gather [hbm4b:s4+s16], $0x40, s1, s16, $0xb8;
	[tilespmem:$0x1F000] =	vst v63  }
0xa8: {  	_ =	swait.ge [sflag:s17], $0x8000  }
0xa9: {  	[sflag:s17] =	ssyncset.done $0x0  }
0xaa: {  	s20 =	simm.s32 $0x4400;
	[sflag:s17] =	ssyncadd.s32 $0xFFFF8000  }
0xab: {  	[spmem:s2] =	stream.indirect.scatter.add.f32 [tilespmem:s13], [sflag:$0x3], $0x40, s20, s16, $0xb8;
	[tilespmem:$0x1F000] =	vst v63  }
0xac: {  	_ =	swait.ge [sflag:s25], $0x8000  }
0xad: {  	[sflag:s25] =	ssyncset.done $0x0  }
0xae: {  	s1 =	simm.s32 $0x1E00;
	[sflag:s25] =	ssyncadd.s32 $0xFFFF8000  }
0xaf: {  	[tilespmem:s18], [sflag:$0x2] =	stream.indirect.gather [hbm4b:s4+s16], $0x40, s1, s16, $0xb8;
	[tilespmem:$0x1F000] =	vst v63  }
0xb0: {  	_ =	swait.ge [sflag:s19], $0x8000  }
0xb1: {  	[sflag:s19] =	ssyncset.done $0x0  }
0xb2: {  	s20 =	simm.s32 $0x4600;
	[sflag:s19] =	ssyncadd.s32 $0xFFFF8000  }
0xb3: {  	[spmem:s2] =	stream.indirect.scatter.add.f32 [tilespmem:s18], [sflag:$0x4], $0x40, s20, s16, $0xb8;
	[tilespmem:$0x1F000] =	vst v63  }
0xb4: {  	_ =	swait.ge [sflag:s21], $0x8000  }
0xb5: {  	[sflag:s21] =	ssyncset.done $0x0  }
0xb6: {  	s1 =	simm.s32 $0x2000;
	[sflag:s21] =	ssyncadd.s32 $0xFFFF8000  }
0xb7: {  	[tilespmem:s13], [sflag:$0x1] =	stream.indirect.gather [hbm4b:s4+s16], $0x40, s1, s16, $0xb8;
	[tilespmem:$0x1F000] =	vst v63  }
0xb8: {  	_ =	swait.ge [sflag:s17], $0x8000  }
0xb9: {  	[sflag:s17] =	ssyncset.done $0x0  }
0xba: {  	s20 =	simm.s32 $0x4800;
	[sflag:s17] =	ssyncadd.s32 $0xFFFF8000  }
0xbb: {  	[spmem:s2] =	stream.indirect.scatter.add.f32 [tilespmem:s13], [sflag:$0x3], $0x40, s20, s16, $0xb8;
	[tilespmem:$0x1F000] =	vst v63  }
0xbc: {  	_ =	swait.ge [sflag:s25], $0x8000  }
0xbd: {  	[sflag:s25] =	ssyncset.done $0x0  }
0xbe: {  	[sflag:s25] =	ssyncadd.s32 $0xFFFF8000  }
0xbf: {  	[tilespmem:s18], [sflag:$0x2] =	stream.indirect.gather [hbm4b:s4+s16], $0x40, s22, s16, $0xb8;
	[tilespmem:$0x1F000] =	vst v63  }
0xc0: {  	_ =	swait.ge [sflag:s19], $0x8000  }
0xc1: {  	[sflag:s19] =	ssyncset.done $0x0  }
0xc2: {  	[sflag:s19] =	ssyncadd.s32 $0xFFFF8000  }
0xc3: {  	[spmem:s2] =	stream.indirect.scatter.add.f32 [tilespmem:s18], [sflag:$0x4], $0x40, s23, s16, $0xb8;
	[tilespmem:$0x1F000] =	vst v63  }
0xc4: {  	_ =	swait.ge [sflag:s21], $0x8000  }
0xc5: {  	[sflag:s21] =	ssyncset.done $0x0  }
0xc6: {  	[sflag:s21] =	ssyncadd.s32 $0xFFFF8000  }
0xc7: {  	[tilespmem:s13], [sflag:$0x1] =	stream.indirect.gather [hbm4b:s4+s16], $0x40, s26, s16, $0xb8;
	[tilespmem:$0x1F000] =	vst v63  }
0xc8: {  	_ =	swait.ge [sflag:s17], $0x8000  }
0xc9: {  	[sflag:s17] =	ssyncset.done $0x0  }
0xca: {  	[sflag:s17] =	ssyncadd.s32 $0xFFFF8000  }
0xcb: {  	[spmem:s2] =	stream.indirect.scatter.add.f32 [tilespmem:s13], [sflag:$0x3], $0x40, s28, s16, $0xb8;
	[tilespmem:$0x1F000] =	vst v63  }
0xcc: {  	_ =	swait.ge [sflag:s25], $0x8000  }
0xcd: {  	[sflag:s25] =	ssyncset.done $0x0  }
0xce: {  	[sflag:s25] =	ssyncadd.s32 $0xFFFF8000  }
0xcf: {  	[tilespmem:s18], [sflag:$0x2] =	stream.indirect.gather [hbm4b:s4+s16], $0x40, s29, s16, $0xb8;
	[tilespmem:$0x1F000] =	vst v63  }
0xd0: {  	_ =	swait.ge [sflag:s19], $0x8000  }
0xd1: {  	[sflag:s19] =	ssyncset.done $0x0  }
0xd2: {  	[sflag:s19] =	ssyncadd.s32 $0xFFFF8000  }
0xd3: {  	[spmem:s2] =	stream.indirect.scatter.add.f32 [tilespmem:s18], [sflag:$0x4], $0x40, s30, s16, $0xb8;
	[tilespmem:$0x1F000] =	vst v63  }
0xd4: {  	_ =	swait.ge [sflag:s21], $0x8000  }
0xd5: {  	[sflag:s21] =	ssyncset.done $0x0  }
0xd6: {  	[sflag:s21] =	ssyncadd.s32 $0xFFFF8000  }
0xd7: {  	s1 =	stileid.u32;
	_ =	swait.ge [sflag:s25], $0x8000  }
0xd8: {  	s31 =	sadd.s32 $0x1, s31;
	s0 =	sshll.u32 s1, $0x6;
	[sflag:s25] =	ssyncset.done $0x0  }
0xd9: {  	p0 =	sne.s32 s31, s12;
	s0 =	sor.u32 $0x1C05, s0;
	[sflag:s25] =	ssyncadd.s32 $0xFFFF8000  }
.Ltmp1:
0xda: {  	s20 =	sshrl.u32 s5, $0x3;
	[bflag:$0x0] =	sbarrier.arrive $0xFFFF;
	(pc) =	sbr.rel @p0 .LBB2_1-.Ltmp1, $4  }
0xdb: {  	[hbm:s24], [sflag:s0] =	dma.local [spmem:s20], $0x1400  }
0xdc: {  	_ =	swait.ge [sflag:s14], $0x1400  }
0xdd: {  	[sflag:s14] =	ssyncset.done $0x0  }
0xde: {  	[sflag:s14] =	ssyncadd.s32 $0xFFFFEC00  }
0xdf: {  	_ =	sfence.sel $0x180000  }
0xe0: {  	[bflag:$0x0] =	sbarrier.arrive $0xFFFF  }
0xe1: {  	_ =	strace $0x90000047  }
0xe2: {  	s0 =	stileid.u32;
	[bflag:$0x2] =	sbarrier.arrive $0xFFFF  }
0xe3: {  	p0 =	sne.s32 s0, $0x0;
	s0 =	rddreg [dreg:$0x2]  }
0xe4: {  	s0 =	sadd.s32 @!p0 $0x100000, s0  }
0xe5: {  	[sflag:s0] =	ssyncadd.tile.s32 @!p0 $0x1;
	_ =	shalt  }
.Lfunc_end2:
_tile_overlayer_lowered:
.L_overlay_start_2:
0xe6: {  	(tag) =	ssettag $0x2  }
0xe7: {  	s0 =	rddreg [dreg:$0x0];
	s2 =	stileid.u32  }
0xe8: {  	s1 =	rddreg [dreg:$0x1];
	p0 =	sne.s32 s2, $0x0  }
0xe9: {  	s3 =	rddreg [dreg:$0x2];
	[bflag:$0x3] =	sbarrier.arrive $0xFFFF;
	s2 =	simm.s32 @!p0 $0x1C05  }
0xea: {  	[timem:s3], [sflag:s2] =	dma.local @!p0 [hbm:s0], s1  }
0xeb: {  	s0 =	simm.s32 @!p0 $0x5  }
0xec: {  	_ =	swait.ge @!p0 [sflag:s0], s1  }
0xed: {  	s1 =	ssub.s32 @!p0 $0x0, s1;
	[sflag:s0] =	ssyncset.done @!p0 $0x0  }
0xee: {  	[sflag:s0] =	ssyncadd.s32 @!p0 s1  }
0xef: {  	[bflag:$0x3] =	sbarrier.arrive $0xFFFF  }
0xf0: {  	_ =	shalt  }

</sc_bundles>
